<compile_context>
chip_gen: v7x
topology: tpu7x:2x2x1
jax: 0.10.2.dev20260603
libtpu: 0.0.44.dev20260713+nightly
codegen_flags: <defaults>
</compile_context>

<pallas_src>
import functools

import jax
import jax.numpy as jnp
from jax import lax
from jax.experimental import pallas as pl
from jax.experimental.pallas import tpu as pltpu
from jax.experimental.pallas import tpu_sc as plsc

K = 50
NW = 32
CH = 8


def _make_sc_kernel(T, U, I, B):
    BPW = B // NW
    NCH = BPW // CH
    NG = BPW // 16

    mesh = plsc.VectorSubcoreMesh(core_axis_name="c", subcore_axis_name="s")

    scratch = [
        pltpu.VMEM((BPW,), jnp.int32),
        pltpu.VMEM((BPW,), jnp.int32),
        pltpu.VMEM((BPW,), jnp.int32),
        pltpu.VMEM((BPW,), jnp.int32),
        pltpu.VMEM((BPW,), jnp.int32),
        pltpu.VMEM((BPW,), jnp.int32),
        pltpu.VMEM((32, 128), jnp.float32),
        pltpu.VMEM((BPW,), jnp.float32),
        pltpu.VMEM((BPW,), jnp.float32),
        pltpu.VMEM((BPW,), jnp.float32),
        pltpu.VMEM((T * I,), jnp.float32),
        pltpu.VMEM((T * U,), jnp.float32),
        pltpu.VMEM((16,), jnp.float32),
        pltpu.VMEM((CH, I), jnp.float32),
        pltpu.VMEM((CH, I), jnp.float32),
        pltpu.VMEM((CH, U), jnp.float32),
        pltpu.VMEM((CH, U), jnp.float32),
        pltpu.VMEM((I + 16,), jnp.float32),
        pltpu.VMEM((I + 16,), jnp.float32),
        pltpu.VMEM((1024,), jnp.int32),
        pltpu.VMEM((528,), jnp.float32),
        pltpu.SemaphoreType.DMA,
    ]

    @functools.partial(
        pl.kernel, mesh=mesh,
        out_type=jax.ShapeDtypeStruct((B,), jnp.float32),
        compiler_params=pltpu.CompilerParams(needs_layout_passes=False,
                                             use_tc_tiling_on_sc=True),
        scratch_types=scratch,
    )
    def sc_kernel(qrows_hbm, qcols_hbm, isim_hbm, usim_hbm,
                  tsg_hbm, tcg_hbm,
                  iavg_hbm, uavg_hbm, w_hbm, uid_hbm, iid_hbm, tid_hbm,
                  out_hbm,
                  uid_v, iid_v, tid_v,
                  idx_qrow, idx_qcol, idx_ts,
                  tmp_g, ts_v, tc_v, out_v,
                  iavg_v, uavg_v, w_v,
                  sim_buf, qrow_buf, col_buf, usim_buf,
                  cand_s, cand_w, hist, cand2, sem):
        wid = lax.axis_index("s") * 2 + lax.axis_index("c")
        base = wid * BPW

        pltpu.sync_copy(uid_hbm.at[pl.ds(base, BPW)], uid_v)
        pltpu.sync_copy(iid_hbm.at[pl.ds(base, BPW)], iid_v)
        pltpu.sync_copy(tid_hbm.at[pl.ds(base, BPW)], tid_v)
        pltpu.sync_copy(iavg_hbm, iavg_v)
        pltpu.sync_copy(uavg_hbm, uavg_v)
        pltpu.sync_copy(w_hbm, w_v)

        lane = lax.iota(jnp.int32, 16)

        for g in range(NG):
            sl = pl.ds(g * 16, 16)
            u = uid_v[sl]
            i = iid_v[sl]
            t = tid_v[sl]
            idx_qrow[sl] = t * U + u
            idx_qcol[sl] = t * I + i
            idx_ts[sl] = (u * I + i) // 128

        for tbl, outr in ((tsg_hbm, ts_v), (tcg_hbm, tc_v)):
            for sw in range(BPW // 32):
                pltpu.async_copy(tbl.at[idx_ts.at[pl.ds(sw * 32, 32)]],
                                 tmp_g, sem).wait()
                for g in range(2):
                    sl = pl.ds(sw * 32 + g * 16, 16)
                    u = uid_v[sl]
                    i = iid_v[sl]
                    rows = lane + g * 16
                    outr[sl] = plsc.load_gather(
                        tmp_g, [rows, (u * I + i) % 128])

        w16 = w_v[pl.ds(0, 16)]
        w0 = jnp.sum(jnp.where(lane == 0, w16, 0.0))
        w1 = jnp.sum(jnp.where(lane == 1, w16, 0.0))
        w2 = jnp.sum(jnp.where(lane == 2, w16, 0.0))

        zf = jnp.zeros((16,), jnp.float32)
        zi = jnp.zeros((16,), jnp.int32)

        def branch(load_sim, load_q, load_avg, n):
            def p_a(j, off):
                sim = load_sim(j)
                q = load_q(j)
                av = load_avg(j)
                m = (q > 0.0) & (sim > 0.0)
                plsc.store_compressed(cand_s.at[pl.ds(off, 16)], sim, mask=m)
                plsc.store_compressed(cand_w.at[pl.ds(off, 16)], q - av,
                                      mask=m)
                return off + jnp.sum(m.astype(jnp.int32))

            off = lax.fori_loop(0, n // 16, p_a, jnp.int32(0), unroll=4)
            cand_s[pl.ds(off, 16)] = zf
            cand_w[pl.ds(off, 16)] = zf
            nv = off // 16 + 1

            NBV = 64

            @plsc.parallel_loop(0, NBV, unroll=8)
            def _clear(v):
                hist[pl.ds(v * 16, 16)] = zi

            @plsc.parallel_loop(0, nv, unroll=4)
            def _hist(v):
                bits = plsc.bitcast(cand_s[pl.ds(v * 16, 16)], jnp.int32)
                bkt = lax.shift_right_logical(bits, 20)
                cnts, lastm = plsc.scan_count(bkt)
                plsc.addupdate_scatter(hist, [bkt], cnts, mask=lastm)

            def sv(v, carry):
                run, bv, runa = carry
                vv = NBV - 1 - v
                tv = jnp.sum(hist[pl.ds(vv * 16, 16)])
                found = (run < K) & (run + tv >= K)
                return (run + tv, jnp.where(found, vv, bv),
                        jnp.where(found, run, runa))

            _, bv, runa = plsc.parallel_loop(
                0, NBV, unroll=8,
                carry=(jnp.int32(0), jnp.int32(0), jnp.int32(0)))(sv)

            hv = hist[pl.ds(bv * 16, 16)]
            sincl = lax.rev(plsc.cumsum(lax.rev(hv, (0,))), (0,))
            sexcl = sincl - hv
            cond = ((runa + sexcl) < K) & ((runa + sincl) >= K)
            lstar = jnp.max(jnp.where(cond, lane, 0))
            count_above = jnp.max(jnp.where(cond, runa + sexcl, 0))
            subcnt = jnp.max(jnp.where(cond, hv, 0))
            bstar = bv * 16 + lstar
            kp = K - count_above
            lo0 = lax.shift_left(bstar, 20)
            hi0 = lo0 + (1 << 20)

            def subset_path(_):
                def scp(v, off2):
                    s = cand_s[pl.ds(v * 16, 16)]
                    m2 = lax.shift_right_logical(
                        plsc.bitcast(s, jnp.int32), 20) == bstar
                    plsc.store_compressed(cand2.at[pl.ds(off2, 16)], s,
                                          mask=m2)
                    return off2 + jnp.sum(m2.astype(jnp.int32))

                off2 = lax.fori_loop(0, nv, scp, jnp.int32(0))
                cand2[pl.ds(off2, 16)] = zf
                nv2 = off2 // 16 + 1

                def bs2(it, lohi):
                    lo, hi = lohi
                    mid = (lo + hi + 1) // 2

                    def cb2(v, acc):
                        bits = plsc.bitcast(cand2[pl.ds(v * 16, 16)],
                                            jnp.int32)
                        return acc + jnp.where(bits >= mid, 1, 0)

                    cnt = jnp.sum(plsc.parallel_loop(0, nv2, unroll=2,
                                                     carry=zi)(cb2))
                    ok = cnt >= kp
                    return (jnp.where(ok, mid, lo), jnp.where(ok, hi, mid))

                t, _ = lax.fori_loop(0, 20, bs2, (lo0, hi0))
                return t

            def full_path(_):
                def bs3(it, lohi):
                    lo, hi = lohi
                    mid = (lo + hi + 1) // 2

                    def cb3(v, acc):
                        bits = plsc.bitcast(cand_s[pl.ds(v * 16, 16)],
                                            jnp.int32)
                        return acc + jnp.where(bits >= mid, 1, 0)

                    cnt = jnp.sum(plsc.parallel_loop(0, nv, unroll=8,
                                                     carry=zi)(cb3))
                    ok = cnt >= K
                    return (jnp.where(ok, mid, lo), jnp.where(ok, hi, mid))

                t, _ = lax.fori_loop(0, 20, bs3, (lo0, hi0))
                return t

            tau = lax.cond(subcnt <= 512, subset_path, full_path,
                           jnp.int32(0))

            def p_c(v, carry):
                ssum, wsum = carry
                s = cand_s[pl.ds(v * 16, 16)]
                w = cand_w[pl.ds(v * 16, 16)]
                sel = plsc.bitcast(s, jnp.int32) >= tau
                return (ssum + jnp.where(sel, s, 0.0),
                        wsum + jnp.where(sel, s * w, 0.0))

            ssum, wsum = plsc.parallel_loop(0, nv, unroll=4,
                                            carry=(zf, zf))(p_c)
            return jnp.max((zf + jnp.sum(wsum))
                           / (zf + jnp.sum(ssum) + 1e-8))

        def chunk_body(c, carry):
            cb = c * CH
            h1 = pltpu.async_copy(isim_hbm.at[iid_v.at[pl.ds(cb, CH)]],
                                  sim_buf, sem)
            h2 = pltpu.async_copy(qrows_hbm.at[idx_qrow.at[pl.ds(cb, CH)]],
                                  qrow_buf, sem)
            h3 = pltpu.async_copy(qcols_hbm.at[idx_qcol.at[pl.ds(cb, CH)]],
                                  col_buf, sem)
            h4 = pltpu.async_copy(usim_hbm.at[uid_v.at[pl.ds(cb, CH)]],
                                  usim_buf, sem)
            h1.wait()
            h2.wait()
            h3.wait()
            h4.wait()

            def row_body(r, _rc):
                s_pos = cb + r
                spl = jnp.zeros((16,), jnp.int32) + s_pos
                t_s = jnp.max(plsc.load_gather(tid_v, [spl]))
                u_s = jnp.max(plsc.load_gather(uid_v, [spl]))
                i_s = jnp.max(plsc.load_gather(iid_v, [spl]))
                ib = t_s * I
                ub = t_s * U
                p_i = branch(
                    lambda j: sim_buf[r, pl.ds(j * 16, 16)],
                    lambda j: qrow_buf[r, pl.ds(j * 16, 16)],
                    lambda j: iavg_v[pl.ds(ib + j * 16, 16)], I)
                p_u = branch(
                    lambda j: usim_buf[r, pl.ds(j * 16, 16)],
                    lambda j: col_buf[r, pl.ds(j * 16, 16)],
                    lambda j: uavg_v[pl.ds(ub + j * 16, 16)], U)
                rspl = jnp.zeros((16,), jnp.int32) + r
                curr = jnp.max(plsc.load_gather(qrow_buf,
                                                [rspl, zi + i_s]))
                ts_s = jnp.max(plsc.load_gather(ts_v, [spl]))
                tc_s = jnp.max(plsc.load_gather(tc_v, [spl]))
                nz = jnp.where(curr > 0.0, 1.0, 0.0)
                sum_o = ts_s - curr
                cnt_o = tc_s - nz
                qt = jnp.max((zf + sum_o) / (zf + jnp.maximum(cnt_o, 1.0)))
                p_t = jnp.where(cnt_o > 0.0, qt, 0.0)
                bi_s = jnp.max(plsc.load_gather(iavg_v, [zi + (ib + i_s)]))
                bu_s = jnp.max(plsc.load_gather(uavg_v, [zi + (ub + u_s)]))
                val = w0 * p_t + w1 * (bu_s + p_u) + w2 * (bi_s + p_i)
                plsc.store_scatter(out_v, [spl], zf + val, mask=(lane == 0))
                return _rc

            lax.fori_loop(0, CH, row_body, jnp.int32(0))
            return carry

        lax.fori_loop(0, NCH, chunk_body, jnp.int32(0))
        pltpu.sync_copy(out_v, out_hbm.at[pl.ds(base, BPW)])

    return sc_kernel


def kernel(qos, item_avg, user_avg, item_sim_agg, user_sim_agg,
           total_sum, total_cnt, weights, user_id, item_id, time_id):
    T, U, I = qos.shape
    B = user_id.shape[0]

    qrows = qos.reshape(T * U, I)
    qcols = qos.transpose(0, 2, 1).reshape(T * I, U)
    tsg = total_sum.reshape(U * I // 128, 128)
    tcg = total_cnt.reshape(U * I // 128, 128)
    iavg_flat = item_avg.reshape(T * I)
    uavg_flat = user_avg.reshape(T * U)
    w_pad = jnp.zeros((16,), jnp.float32).at[:3].set(weights)

    sc = _make_sc_kernel(T, U, I, B)
    return sc(qrows, qcols, item_sim_agg, user_sim_agg, tsg, tcg,
              iavg_flat, uavg_flat, w_pad, user_id, item_id, time_id)

# --- scband reference (transcript-rebuilt; emitter-appended) ---
"""Pipeline reference for scband-hybrid-forecast-22136261443919 (READ-ONLY COPY).

The authoritative reference and input builder live on the scoring server;
editing this copy changes nothing except your own understanding.
"""

import jax, jax.numpy as jnp
import numpy as np

T, U, I, B, K = 8, 512, 4096, 4096, 50

def setup_inputs(seed: int = 0):
    key = jax.random.key(seed)
    ks = jax.random.split(key, 8)
    vals = jax.random.uniform(ks[0], (T, U, I), minval=0.1, maxval=5.0, dtype=jnp.float32)
    obs = jax.random.bernoulli(ks[1], 0.5, (T, U, I))
    qos = jnp.where(obs, vals, 0.0)
    item_cnt = jnp.clip((qos > 0).sum(axis=1).astype(jnp.float32), 1.0)
    item_avg = qos.sum(axis=1) / item_cnt
    user_cnt = jnp.clip((qos > 0).sum(axis=2).astype(jnp.float32), 1.0)
    user_avg = qos.sum(axis=2) / user_cnt
    a = jax.random.normal(ks[2], (I, I), dtype=jnp.float32)
    item_sim_agg = jnp.tanh(0.5 * (a + a.T))
    b = jax.random.normal(ks[3], (U, U), dtype=jnp.float32)
    user_sim_agg = jnp.tanh(0.5 * (b + b.T))
    total_sum = qos.sum(axis=0)
    total_cnt = (qos > 0).sum(axis=0).astype(jnp.float32)
    weights = jnp.array([0.3, 0.35, 0.35], dtype=jnp.float32)
    user_id = jax.random.randint(ks[4], (B,), 0, U, dtype=jnp.int32)
    item_id = jax.random.randint(ks[5], (B,), 0, I, dtype=jnp.int32)
    time_id = jax.random.randint(ks[6], (B,), 0, T, dtype=jnp.int32)
    return {"qos": qos, "item_avg": item_avg, "user_avg": user_avg,
            "item_sim_agg": item_sim_agg, "user_sim_agg": user_sim_agg,
            "total_sum": total_sum, "total_cnt": total_cnt, "weights": weights,
            "user_id": user_id, "item_id": item_id, "time_id": time_id}

def _forward(qos, item_avg, user_avg, item_sim_agg, user_sim_agg, total_sum, total_cnt, weights, user_id, item_id, time_id):
    # TemporalForecast
    curr = qos[time_id, user_id, item_id]
    curr_nz = (curr > 0).astype(jnp.float32)
    sum_o = total_sum[user_id, item_id] - curr
    cnt_o = total_cnt[user_id, item_id] - curr_nz
    p_t = jnp.where(cnt_o > 0, sum_o / jnp.maximum(cnt_o, 1.0), 0.0)
    # UserCollaborativeFiltering
    avg_u = user_avg[time_id, user_id]
    sim_u = user_sim_agg[user_id]
    item_rated = qos[time_id[:, None], jnp.arange(U)[None, :], item_id[:, None]] > 0
    sim_u = jnp.where(item_rated, sim_u, jnp.zeros_like(sim_u))
    ts_u, top_user = jax.lax.top_k(sim_u, K)
    ts_u = jnp.nan_to_num(ts_u / (ts_u.sum(axis=1, keepdims=True) + 1e-8))
    r_vs = qos[time_id[:, None], top_user, item_id[:, None]]
    avg_v = user_avg[time_id[:, None], top_user]
    p_u = avg_u + (ts_u * (r_vs - avg_v)).sum(axis=1)
    # ItemCollaborativeFiltering
    avg_i = item_avg[time_id, item_id]
    sim_i = item_sim_agg[item_id]
    user_rated = qos[time_id[:, None], user_id[:, None], jnp.arange(I)[None, :]] > 0
    sim_i = jnp.where(user_rated, sim_i, jnp.zeros_like(sim_i))
    ts_i, top_item = jax.lax.top_k(sim_i, K)
    ts_i = jnp.nan_to_num(ts_i / (ts_i.sum(axis=1, keepdims=True) + 1e-8))
    r_sf = qos[time_id[:, None], user_id[:, None], top_item]
    avg_f = item_avg[time_id[:, None], top_item]
    p_i = avg_i + (ts_i * (r_sf - avg_f)).sum(axis=1)
    return weights[0] * p_t + weights[1] * p_u + weights[2] * p_i

def reference(qos, item_avg, user_avg, item_sim_agg, user_sim_agg, total_sum, total_cnt, weights, user_id, item_id, time_id):
    return _forward(qos, item_avg, user_avg, item_sim_agg, user_sim_agg, total_sum, total_cnt, weights, user_id, item_id, time_id)

if __name__ == "__main__":
    import jax
    _d = setup_inputs()
    print(jax.jit(kernel)(*tuple(_d.values())))

</pallas_src>

<mosaic_0001>
#map = affine_map<(d0, d1) -> (0, 0)>
#map1 = affine_map<(d0, d1) -> (0)>
module attributes {stable_mosaic.version = 14 : i64} {
  func.func @sc_kernel(%arg0: i32, %arg1: i32, %arg2: memref<4096x4096xf32, #tpu.memory_space<hbm>>, %arg3: memref<32768x512xf32, #tpu.memory_space<hbm>>, %arg4: memref<4096x4096xf32, #tpu.memory_space<hbm>>, %arg5: memref<512x512xf32, #tpu.memory_space<hbm>>, %arg6: memref<16384x128xf32, #tpu.memory_space<hbm>>, %arg7: memref<16384x128xf32, #tpu.memory_space<hbm>>, %arg8: memref<32768xf32, #tpu.memory_space<hbm>>, %arg9: memref<4096xf32, #tpu.memory_space<hbm>>, %arg10: memref<16xf32, #tpu.memory_space<hbm>>, %arg11: memref<4096xi32, #tpu.memory_space<hbm>>, %arg12: memref<4096xi32, #tpu.memory_space<hbm>>, %arg13: memref<4096xi32, #tpu.memory_space<hbm>>, %arg14: memref<4096xf32, #tpu.memory_space<hbm>>, %arg15: memref<128xi32, #tpu.memory_space<vmem>>, %arg16: memref<128xi32, #tpu.memory_space<vmem>>, %arg17: memref<128xi32, #tpu.memory_space<vmem>>, %arg18: memref<128xi32, #tpu.memory_space<vmem>>, %arg19: memref<128xi32, #tpu.memory_space<vmem>>, %arg20: memref<128xi32, #tpu.memory_space<vmem>>, %arg21: memref<32x128xf32, #tpu.memory_space<vmem>>, %arg22: memref<128xf32, #tpu.memory_space<vmem>>, %arg23: memref<128xf32, #tpu.memory_space<vmem>>, %arg24: memref<128xf32, #tpu.memory_space<vmem>>, %arg25: memref<32768xf32, #tpu.memory_space<vmem>>, %arg26: memref<4096xf32, #tpu.memory_space<vmem>>, %arg27: memref<16xf32, #tpu.memory_space<vmem>>, %arg28: memref<8x4096xf32, #tpu.memory_space<vmem>>, %arg29: memref<8x4096xf32, #tpu.memory_space<vmem>>, %arg30: memref<8x512xf32, #tpu.memory_space<vmem>>, %arg31: memref<8x512xf32, #tpu.memory_space<vmem>>, %arg32: memref<4112xf32, #tpu.memory_space<vmem>>, %arg33: memref<4112xf32, #tpu.memory_space<vmem>>, %arg34: memref<1024xi32, #tpu.memory_space<vmem>>, %arg35: memref<528xf32, #tpu.memory_space<vmem>>, %arg36: memref<!tpu.dma_semaphore, #tpu.memory_space<semaphore_mem>>) attributes {dimension_semantics = [#tpu.dimension_semantics<core_parallel>, #tpu.dimension_semantics<subcore_parallel>], iteration_bounds = array<i64: 2, 16>, scalar_prefetch = 0 : i64, scratch_operands = 22 : i64, tpu.core_type = #tpu.core_type<sc_vector_subcore>, window_params = [{transform_indices = #map}, {transform_indices = #map}, {transform_indices = #map}, {transform_indices = #map}, {transform_indices = #map}, {transform_indices = #map}, {transform_indices = #map1}, {transform_indices = #map1}, {transform_indices = #map1}, {transform_indices = #map1}, {transform_indices = #map1}, {transform_indices = #map1}, {transform_indices = #map1}]} {
    %mul3A = arith.constant 2 : i32
    %mul3A_0 = arith.muli %arg1, %mul3A : i32
    %add3A = arith.addi %mul3A_0, %arg0 : i32
    %mul3A_1 = arith.constant 128 : i32
    %mul3A_2 = arith.muli %add3A, %mul3A_1 : i32
    "tpu.region"() ({
      %run_scoped3A = tpu.sem_alloc : memref<!tpu.dma_semaphore, #tpu.memory_space<semaphore_mem>>
      %dma_start3A_1123 = tpu.memref_slice %arg11[%mul3A_2] : memref<4096xi32, #tpu.memory_space<hbm>> -> memref<128xi32, #tpu.memory_space<hbm>>
      %dma_start3A_1124 = tpu.memref_slice %arg11[%mul3A_2] : memref<4096xi32, #tpu.memory_space<hbm>> -> memref<128xi32, #tpu.memory_space<hbm>>
      tpu.enqueue_dma source(%dma_start3A_1124 : memref<128xi32, #tpu.memory_space<hbm>>) target(%arg15 : memref<128xi32, #tpu.memory_space<vmem>>) target_semaphore(%run_scoped3A : memref<!tpu.dma_semaphore, #tpu.memory_space<semaphore_mem>>)
      %dma_wait3A_1125 = tpu.memref_slice %arg11[%mul3A_2] : memref<4096xi32, #tpu.memory_space<hbm>> -> memref<128xi32, #tpu.memory_space<hbm>>
      %dma_wait3A_1126 = tpu.memref_slice %arg11[%mul3A_2] : memref<4096xi32, #tpu.memory_space<hbm>> -> memref<128xi32, #tpu.memory_space<hbm>>
      tpu.wait_dma2 semaphore(%run_scoped3A : memref<!tpu.dma_semaphore, #tpu.memory_space<semaphore_mem>>) src(%dma_wait3A_1126 : memref<128xi32, #tpu.memory_space<hbm>>) dst(%arg15 : memref<128xi32, #tpu.memory_space<vmem>>)
      tpu.yield
    }) : () -> ()
    "tpu.region"() ({
      %run_scoped3A = tpu.sem_alloc : memref<!tpu.dma_semaphore, #tpu.memory_space<semaphore_mem>>
      %dma_start3A_1123 = tpu.memref_slice %arg12[%mul3A_2] : memref<4096xi32, #tpu.memory_space<hbm>> -> memref<128xi32, #tpu.memory_space<hbm>>
      %dma_start3A_1124 = tpu.memref_slice %arg12[%mul3A_2] : memref<4096xi32, #tpu.memory_space<hbm>> -> memref<128xi32, #tpu.memory_space<hbm>>
      tpu.enqueue_dma source(%dma_start3A_1124 : memref<128xi32, #tpu.memory_space<hbm>>) target(%arg16 : memref<128xi32, #tpu.memory_space<vmem>>) target_semaphore(%run_scoped3A : memref<!tpu.dma_semaphore, #tpu.memory_space<semaphore_mem>>)
      %dma_wait3A_1125 = tpu.memref_slice %arg12[%mul3A_2] : memref<4096xi32, #tpu.memory_space<hbm>> -> memref<128xi32, #tpu.memory_space<hbm>>
      %dma_wait3A_1126 = tpu.memref_slice %arg12[%mul3A_2] : memref<4096xi32, #tpu.memory_space<hbm>> -> memref<128xi32, #tpu.memory_space<hbm>>
      tpu.wait_dma2 semaphore(%run_scoped3A : memref<!tpu.dma_semaphore, #tpu.memory_space<semaphore_mem>>) src(%dma_wait3A_1126 : memref<128xi32, #tpu.memory_space<hbm>>) dst(%arg16 : memref<128xi32, #tpu.memory_space<vmem>>)
      tpu.yield
    }) : () -> ()
    "tpu.region"() ({
      %run_scoped3A = tpu.sem_alloc : memref<!tpu.dma_semaphore, #tpu.memory_space<semaphore_mem>>
      %dma_start3A_1123 = tpu.memref_slice %arg13[%mul3A_2] : memref<4096xi32, #tpu.memory_space<hbm>> -> memref<128xi32, #tpu.memory_space<hbm>>
      %dma_start3A_1124 = tpu.memref_slice %arg13[%mul3A_2] : memref<4096xi32, #tpu.memory_space<hbm>> -> memref<128xi32, #tpu.memory_space<hbm>>
      tpu.enqueue_dma source(%dma_start3A_1124 : memref<128xi32, #tpu.memory_space<hbm>>) target(%arg17 : memref<128xi32, #tpu.memory_space<vmem>>) target_semaphore(%run_scoped3A : memref<!tpu.dma_semaphore, #tpu.memory_space<semaphore_mem>>)
      %dma_wait3A_1125 = tpu.memref_slice %arg13[%mul3A_2] : memref<4096xi32, #tpu.memory_space<hbm>> -> memref<128xi32, #tpu.memory_space<hbm>>
      %dma_wait3A_1126 = tpu.memref_slice %arg13[%mul3A_2] : memref<4096xi32, #tpu.memory_space<hbm>> -> memref<128xi32, #tpu.memory_space<hbm>>
      tpu.wait_dma2 semaphore(%run_scoped3A : memref<!tpu.dma_semaphore, #tpu.memory_space<semaphore_mem>>) src(%dma_wait3A_1126 : memref<128xi32, #tpu.memory_space<hbm>>) dst(%arg17 : memref<128xi32, #tpu.memory_space<vmem>>)
      tpu.yield
    }) : () -> ()
    "tpu.region"() ({
      %run_scoped3A = tpu.sem_alloc : memref<!tpu.dma_semaphore, #tpu.memory_space<semaphore_mem>>
      tpu.enqueue_dma source(%arg8 : memref<32768xf32, #tpu.memory_space<hbm>>) target(%arg25 : memref<32768xf32, #tpu.memory_space<vmem>>) target_semaphore(%run_scoped3A : memref<!tpu.dma_semaphore, #tpu.memory_space<semaphore_mem>>)
      tpu.wait_dma2 semaphore(%run_scoped3A : memref<!tpu.dma_semaphore, #tpu.memory_space<semaphore_mem>>) src(%arg8 : memref<32768xf32, #tpu.memory_space<hbm>>) dst(%arg25 : memref<32768xf32, #tpu.memory_space<vmem>>)
      tpu.yield
    }) : () -> ()
    "tpu.region"() ({
      %run_scoped3A = tpu.sem_alloc : memref<!tpu.dma_semaphore, #tpu.memory_space<semaphore_mem>>
      tpu.enqueue_dma source(%arg9 : memref<4096xf32, #tpu.memory_space<hbm>>) target(%arg26 : memref<4096xf32, #tpu.memory_space<vmem>>) target_semaphore(%run_scoped3A : memref<!tpu.dma_semaphore, #tpu.memory_space<semaphore_mem>>)
      tpu.wait_dma2 semaphore(%run_scoped3A : memref<!tpu.dma_semaphore, #tpu.memory_space<semaphore_mem>>) src(%arg9 : memref<4096xf32, #tpu.memory_space<hbm>>) dst(%arg26 : memref<4096xf32, #tpu.memory_space<vmem>>)
      tpu.yield
    }) : () -> ()
    "tpu.region"() ({
      %run_scoped3A = tpu.sem_alloc : memref<!tpu.dma_semaphore, #tpu.memory_space<semaphore_mem>>
      tpu.enqueue_dma source(%arg10 : memref<16xf32, #tpu.memory_space<hbm>>) target(%arg27 : memref<16xf32, #tpu.memory_space<vmem>>) target_semaphore(%run_scoped3A : memref<!tpu.dma_semaphore, #tpu.memory_space<semaphore_mem>>)
      tpu.wait_dma2 semaphore(%run_scoped3A : memref<!tpu.dma_semaphore, #tpu.memory_space<semaphore_mem>>) src(%arg10 : memref<16xf32, #tpu.memory_space<hbm>>) dst(%arg27 : memref<16xf32, #tpu.memory_space<vmem>>)
      tpu.yield
    }) : () -> ()
    %iota3A = tpu.iota {dimensions = array<i32: 0>} : vector<16xi32>
    %get3A = arith.constant 0 : index
    %get3A_3 = tpu.vector_load %arg15[%get3A] {strides = array<i32>} : memref<128xi32, #tpu.memory_space<vmem>>, vector<16xi32>,
    %get3A_4 = arith.constant 0 : index
    %get3A_5 = tpu.vector_load %arg16[%get3A_4] {strides = array<i32>} : memref<128xi32, #tpu.memory_space<vmem>>, vector<16xi32>,
    %get3A_6 = arith.constant 0 : index
    %get3A_7 = tpu.vector_load %arg17[%get3A_6] {strides = array<i32>} : memref<128xi32, #tpu.memory_space<vmem>>, vector<16xi32>,
    %mul3A_8 = arith.constant 512 : i32
    %mul3A_9 = vector.broadcast %mul3A_8 : i32 to vector<16xi32>
    %mul3A_10 = arith.muli %get3A_7, %mul3A_9 : vector<16xi32>
    %add3A_11 = arith.addi %mul3A_10, %get3A_3 : vector<16xi32>
    %swap3A = arith.constant 0 : index
    %swap3A_12 = tpu.vector_load %arg18[%swap3A] {strides = array<i32>} : memref<128xi32, #tpu.memory_space<vmem>>, vector<16xi32>,
    tpu.vector_store %arg18[%swap3A], %add3A_11 {strides = array<i32>} : memref<128xi32, #tpu.memory_space<vmem>>, vector<16xi32>,
    %mul3A_13 = arith.constant 4096 : i32
    %mul3A_14 = vector.broadcast %mul3A_13 : i32 to vector<16xi32>
    %mul3A_15 = arith.muli %get3A_7, %mul3A_14 : vector<16xi32>
    %add3A_16 = arith.addi %mul3A_15, %get3A_5 : vector<16xi32>
    %swap3A_17 = arith.constant 0 : index
    %swap3A_18 = tpu.vector_load %arg19[%swap3A_17] {strides = array<i32>} : memref<128xi32, #tpu.memory_space<vmem>>, vector<16xi32>,
    tpu.vector_store %arg19[%swap3A_17], %add3A_16 {strides = array<i32>} : memref<128xi32, #tpu.memory_space<vmem>>, vector<16xi32>,
    %mul3A_19 = arith.constant 4096 : i32
    %mul3A_20 = vector.broadcast %mul3A_19 : i32 to vector<16xi32>
    %mul3A_21 = arith.muli %get3A_3, %mul3A_20 : vector<16xi32>
    %add3A_22 = arith.addi %mul3A_21, %get3A_5 : vector<16xi32>
    %jit3A = arith.constant 128 : i32
    %div3A = vector.broadcast %jit3A : i32 to vector<16xi32>
    %div3A_23 = arith.divsi %add3A_22, %div3A : vector<16xi32>
    %sign3A = arith.constant 0 : i32
    %sign3A_24 = vector.broadcast %sign3A : i32 to vector<16xi32>
    %sign3A_25 = arith.cmpi sgt, %add3A_22, %sign3A_24 : vector<16xi32>
    %sign3A_26 = arith.extui %sign3A_25 : vector<16xi1> to vector<16xi32>
    %sign3A_27 = arith.constant 0 : i32
    %sign3A_28 = vector.broadcast %sign3A_27 : i32 to vector<16xi32>
    %sign3A_29 = arith.cmpi slt, %add3A_22, %sign3A_28 : vector<16xi32>
    %sign3A_30 = arith.extui %sign3A_29 : vector<16xi1> to vector<16xi32>
    %sign3A_31 = arith.subi %sign3A_26, %sign3A_30 : vector<16xi32>
    %sign3A_32 = arith.constant 0 : i32
    %sign3A_33 = arith.cmpi sgt, %jit3A, %sign3A_32 : i32
    %sign3A_34 = arith.extui %sign3A_33 : i1 to i32
    %sign3A_35 = arith.constant 0 : i32
    %sign3A_36 = arith.cmpi slt, %jit3A, %sign3A_35 : i32
    %sign3A_37 = arith.extui %sign3A_36 : i1 to i32
    %sign3A_38 = arith.subi %sign3A_34, %sign3A_37 : i32
    %ne3A = vector.broadcast %sign3A_38 : i32 to vector<16xi32>
    %ne3A_39 = arith.cmpi ne, %sign3A_31, %ne3A : vector<16xi32>
    %rem3A = vector.broadcast %jit3A : i32 to vector<16xi32>
    %rem3A_40 = arith.remsi %add3A_22, %rem3A : vector<16xi32>
    %ne3A_41 = arith.constant 0 : i32
    %ne3A_42 = vector.broadcast %ne3A_41 : i32 to vector<16xi32>
    %ne3A_43 = arith.cmpi ne, %rem3A_40, %ne3A_42 : vector<16xi32>
    %and3A = arith.andi %ne3A_39, %ne3A_43 : vector<16xi1>
    %sub3A = arith.constant 1 : i32
    %sub3A_44 = vector.broadcast %sub3A : i32 to vector<16xi32>
    %sub3A_45 = arith.subi %div3A_23, %sub3A_44 : vector<16xi32>
    %select_n3A = arith.select %and3A, %sub3A_45, %div3A_23 : vector<16xi1>, vector<16xi32>
    %swap3A_46 = arith.constant 0 : index
    %swap3A_47 = tpu.vector_load %arg20[%swap3A_46] {strides = array<i32>} : memref<128xi32, #tpu.memory_space<vmem>>, vector<16xi32>,
    tpu.vector_store %arg20[%swap3A_46], %select_n3A {strides = array<i32>} : memref<128xi32, #tpu.memory_space<vmem>>, vector<16xi32>,
    %get3A_48 = arith.constant 16 : index
    %get3A_49 = tpu.vector_load %arg15[%get3A_48] {strides = array<i32>} : memref<128xi32, #tpu.memory_space<vmem>>, vector<16xi32>,
    %get3A_50 = arith.constant 16 : index
    %get3A_51 = tpu.vector_load %arg16[%get3A_50] {strides = array<i32>} : memref<128xi32, #tpu.memory_space<vmem>>, vector<16xi32>,
    %get3A_52 = arith.constant 16 : index
    %get3A_53 = tpu.vector_load %arg17[%get3A_52] {strides = array<i32>} : memref<128xi32, #tpu.memory_space<vmem>>, vector<16xi32>,
    %mul3A_54 = arith.constant 512 : i32
    %mul3A_55 = vector.broadcast %mul3A_54 : i32 to vector<16xi32>
    %mul3A_56 = arith.muli %get3A_53, %mul3A_55 : vector<16xi32>
    %add3A_57 = arith.addi %mul3A_56, %get3A_49 : vector<16xi32>
    %swap3A_58 = arith.constant 16 : index
    %swap3A_59 = tpu.vector_load %arg18[%swap3A_58] {strides = array<i32>} : memref<128xi32, #tpu.memory_space<vmem>>, vector<16xi32>,
    tpu.vector_store %arg18[%swap3A_58], %add3A_57 {strides = array<i32>} : memref<128xi32, #tpu.memory_space<vmem>>, vector<16xi32>,
    %mul3A_60 = arith.constant 4096 : i32
    %mul3A_61 = vector.broadcast %mul3A_60 : i32 to vector<16xi32>
    %mul3A_62 = arith.muli %get3A_53, %mul3A_61 : vector<16xi32>
    %add3A_63 = arith.addi %mul3A_62, %get3A_51 : vector<16xi32>
    %swap3A_64 = arith.constant 16 : index
    %swap3A_65 = tpu.vector_load %arg19[%swap3A_64] {strides = array<i32>} : memref<128xi32, #tpu.memory_space<vmem>>, vector<16xi32>,
    tpu.vector_store %arg19[%swap3A_64], %add3A_63 {strides = array<i32>} : memref<128xi32, #tpu.memory_space<vmem>>, vector<16xi32>,
    %mul3A_66 = arith.constant 4096 : i32
    %mul3A_67 = vector.broadcast %mul3A_66 : i32 to vector<16xi32>
    %mul3A_68 = arith.muli %get3A_49, %mul3A_67 : vector<16xi32>
    %add3A_69 = arith.addi %mul3A_68, %get3A_51 : vector<16xi32>
    %jit3A_70 = arith.constant 128 : i32
    %div3A_71 = vector.broadcast %jit3A_70 : i32 to vector<16xi32>
    %div3A_72 = arith.divsi %add3A_69, %div3A_71 : vector<16xi32>
    %sign3A_73 = arith.constant 0 : i32
    %sign3A_74 = vector.broadcast %sign3A_73 : i32 to vector<16xi32>
    %sign3A_75 = arith.cmpi sgt, %add3A_69, %sign3A_74 : vector<16xi32>
    %sign3A_76 = arith.extui %sign3A_75 : vector<16xi1> to vector<16xi32>
    %sign3A_77 = arith.constant 0 : i32
    %sign3A_78 = vector.broadcast %sign3A_77 : i32 to vector<16xi32>
    %sign3A_79 = arith.cmpi slt, %add3A_69, %sign3A_78 : vector<16xi32>
    %sign3A_80 = arith.extui %sign3A_79 : vector<16xi1> to vector<16xi32>
    %sign3A_81 = arith.subi %sign3A_76, %sign3A_80 : vector<16xi32>
    %sign3A_82 = arith.constant 0 : i32
    %sign3A_83 = arith.cmpi sgt, %jit3A_70, %sign3A_82 : i32
    %sign3A_84 = arith.extui %sign3A_83 : i1 to i32
    %sign3A_85 = arith.constant 0 : i32
    %sign3A_86 = arith.cmpi slt, %jit3A_70, %sign3A_85 : i32
    %sign3A_87 = arith.extui %sign3A_86 : i1 to i32
    %sign3A_88 = arith.subi %sign3A_84, %sign3A_87 : i32
    %ne3A_89 = vector.broadcast %sign3A_88 : i32 to vector<16xi32>
    %ne3A_90 = arith.cmpi ne, %sign3A_81, %ne3A_89 : vector<16xi32>
    %rem3A_91 = vector.broadcast %jit3A_70 : i32 to vector<16xi32>
    %rem3A_92 = arith.remsi %add3A_69, %rem3A_91 : vector<16xi32>
    %ne3A_93 = arith.constant 0 : i32
    %ne3A_94 = vector.broadcast %ne3A_93 : i32 to vector<16xi32>
    %ne3A_95 = arith.cmpi ne, %rem3A_92, %ne3A_94 : vector<16xi32>
    %and3A_96 = arith.andi %ne3A_90, %ne3A_95 : vector<16xi1>
    %sub3A_97 = arith.constant 1 : i32
    %sub3A_98 = vector.broadcast %sub3A_97 : i32 to vector<16xi32>
    %sub3A_99 = arith.subi %div3A_72, %sub3A_98 : vector<16xi32>
    %select_n3A_100 = arith.select %and3A_96, %sub3A_99, %div3A_72 : vector<16xi1>, vector<16xi32>
    %swap3A_101 = arith.constant 16 : index
    %swap3A_102 = tpu.vector_load %arg20[%swap3A_101] {strides = array<i32>} : memref<128xi32, #tpu.memory_space<vmem>>, vector<16xi32>,
    tpu.vector_store %arg20[%swap3A_101], %select_n3A_100 {strides = array<i32>} : memref<128xi32, #tpu.memory_space<vmem>>, vector<16xi32>,
    %get3A_103 = arith.constant 32 : index
    %get3A_104 = tpu.vector_load %arg15[%get3A_103] {strides = array<i32>} : memref<128xi32, #tpu.memory_space<vmem>>, vector<16xi32>,
    %get3A_105 = arith.constant 32 : index
    %get3A_106 = tpu.vector_load %arg16[%get3A_105] {strides = array<i32>} : memref<128xi32, #tpu.memory_space<vmem>>, vector<16xi32>,
    %get3A_107 = arith.constant 32 : index
    %get3A_108 = tpu.vector_load %arg17[%get3A_107] {strides = array<i32>} : memref<128xi32, #tpu.memory_space<vmem>>, vector<16xi32>,
    %mul3A_109 = arith.constant 512 : i32
    %mul3A_110 = vector.broadcast %mul3A_109 : i32 to vector<16xi32>
    %mul3A_111 = arith.muli %get3A_108, %mul3A_110 : vector<16xi32>
    %add3A_112 = arith.addi %mul3A_111, %get3A_104 : vector<16xi32>
    %swap3A_113 = arith.constant 32 : index
    %swap3A_114 = tpu.vector_load %arg18[%swap3A_113] {strides = array<i32>} : memref<128xi32, #tpu.memory_space<vmem>>, vector<16xi32>,
    tpu.vector_store %arg18[%swap3A_113], %add3A_112 {strides = array<i32>} : memref<128xi32, #tpu.memory_space<vmem>>, vector<16xi32>,
    %mul3A_115 = arith.constant 4096 : i32
    %mul3A_116 = vector.broadcast %mul3A_115 : i32 to vector<16xi32>
    %mul3A_117 = arith.muli %get3A_108, %mul3A_116 : vector<16xi32>
    %add3A_118 = arith.addi %mul3A_117, %get3A_106 : vector<16xi32>
    %swap3A_119 = arith.constant 32 : index
    %swap3A_120 = tpu.vector_load %arg19[%swap3A_119] {strides = array<i32>} : memref<128xi32, #tpu.memory_space<vmem>>, vector<16xi32>,
    tpu.vector_store %arg19[%swap3A_119], %add3A_118 {strides = array<i32>} : memref<128xi32, #tpu.memory_space<vmem>>, vector<16xi32>,
    %mul3A_121 = arith.constant 4096 : i32
    %mul3A_122 = vector.broadcast %mul3A_121 : i32 to vector<16xi32>
    %mul3A_123 = arith.muli %get3A_104, %mul3A_122 : vector<16xi32>
    %add3A_124 = arith.addi %mul3A_123, %get3A_106 : vector<16xi32>
    %jit3A_125 = arith.constant 128 : i32
    %div3A_126 = vector.broadcast %jit3A_125 : i32 to vector<16xi32>
    %div3A_127 = arith.divsi %add3A_124, %div3A_126 : vector<16xi32>
    %sign3A_128 = arith.constant 0 : i32
    %sign3A_129 = vector.broadcast %sign3A_128 : i32 to vector<16xi32>
    %sign3A_130 = arith.cmpi sgt, %add3A_124, %sign3A_129 : vector<16xi32>
    %sign3A_131 = arith.extui %sign3A_130 : vector<16xi1> to vector<16xi32>
    %sign3A_132 = arith.constant 0 : i32
    %sign3A_133 = vector.broadcast %sign3A_132 : i32 to vector<16xi32>
    %sign3A_134 = arith.cmpi slt, %add3A_124, %sign3A_133 : vector<16xi32>
    %sign3A_135 = arith.extui %sign3A_134 : vector<16xi1> to vector<16xi32>
    %sign3A_136 = arith.subi %sign3A_131, %sign3A_135 : vector<16xi32>
    %sign3A_137 = arith.constant 0 : i32
    %sign3A_138 = arith.cmpi sgt, %jit3A_125, %sign3A_137 : i32
    %sign3A_139 = arith.extui %sign3A_138 : i1 to i32
    %sign3A_140 = arith.constant 0 : i32
    %sign3A_141 = arith.cmpi slt, %jit3A_125, %sign3A_140 : i32
    %sign3A_142 = arith.extui %sign3A_141 : i1 to i32
    %sign3A_143 = arith.subi %sign3A_139, %sign3A_142 : i32
    %ne3A_144 = vector.broadcast %sign3A_143 : i32 to vector<16xi32>
    %ne3A_145 = arith.cmpi ne, %sign3A_136, %ne3A_144 : vector<16xi32>
    %rem3A_146 = vector.broadcast %jit3A_125 : i32 to vector<16xi32>
    %rem3A_147 = arith.remsi %add3A_124, %rem3A_146 : vector<16xi32>
    %ne3A_148 = arith.constant 0 : i32
    %ne3A_149 = vector.broadcast %ne3A_148 : i32 to vector<16xi32>
    %ne3A_150 = arith.cmpi ne, %rem3A_147, %ne3A_149 : vector<16xi32>
    %and3A_151 = arith.andi %ne3A_145, %ne3A_150 : vector<16xi1>
    %sub3A_152 = arith.constant 1 : i32
    %sub3A_153 = vector.broadcast %sub3A_152 : i32 to vector<16xi32>
    %sub3A_154 = arith.subi %div3A_127, %sub3A_153 : vector<16xi32>
    %select_n3A_155 = arith.select %and3A_151, %sub3A_154, %div3A_127 : vector<16xi1>, vector<16xi32>
    %swap3A_156 = arith.constant 32 : index
    %swap3A_157 = tpu.vector_load %arg20[%swap3A_156] {strides = array<i32>} : memref<128xi32, #tpu.memory_space<vmem>>, vector<16xi32>,
    tpu.vector_store %arg20[%swap3A_156], %select_n3A_155 {strides = array<i32>} : memref<128xi32, #tpu.memory_space<vmem>>, vector<16xi32>,
    %get3A_158 = arith.constant 48 : index
    %get3A_159 = tpu.vector_load %arg15[%get3A_158] {strides = array<i32>} : memref<128xi32, #tpu.memory_space<vmem>>, vector<16xi32>,
    %get3A_160 = arith.constant 48 : index
    %get3A_161 = tpu.vector_load %arg16[%get3A_160] {strides = array<i32>} : memref<128xi32, #tpu.memory_space<vmem>>, vector<16xi32>,
    %get3A_162 = arith.constant 48 : index
    %get3A_163 = tpu.vector_load %arg17[%get3A_162] {strides = array<i32>} : memref<128xi32, #tpu.memory_space<vmem>>, vector<16xi32>,
    %mul3A_164 = arith.constant 512 : i32
    %mul3A_165 = vector.broadcast %mul3A_164 : i32 to vector<16xi32>
    %mul3A_166 = arith.muli %get3A_163, %mul3A_165 : vector<16xi32>
    %add3A_167 = arith.addi %mul3A_166, %get3A_159 : vector<16xi32>
    %swap3A_168 = arith.constant 48 : index
    %swap3A_169 = tpu.vector_load %arg18[%swap3A_168] {strides = array<i32>} : memref<128xi32, #tpu.memory_space<vmem>>, vector<16xi32>,
    tpu.vector_store %arg18[%swap3A_168], %add3A_167 {strides = array<i32>} : memref<128xi32, #tpu.memory_space<vmem>>, vector<16xi32>,
    %mul3A_170 = arith.constant 4096 : i32
    %mul3A_171 = vector.broadcast %mul3A_170 : i32 to vector<16xi32>
    %mul3A_172 = arith.muli %get3A_163, %mul3A_171 : vector<16xi32>
    %add3A_173 = arith.addi %mul3A_172, %get3A_161 : vector<16xi32>
    %swap3A_174 = arith.constant 48 : index
    %swap3A_175 = tpu.vector_load %arg19[%swap3A_174] {strides = array<i32>} : memref<128xi32, #tpu.memory_space<vmem>>, vector<16xi32>,
    tpu.vector_store %arg19[%swap3A_174], %add3A_173 {strides = array<i32>} : memref<128xi32, #tpu.memory_space<vmem>>, vector<16xi32>,
    %mul3A_176 = arith.constant 4096 : i32
    %mul3A_177 = vector.broadcast %mul3A_176 : i32 to vector<16xi32>
    %mul3A_178 = arith.muli %get3A_159, %mul3A_177 : vector<16xi32>
    %add3A_179 = arith.addi %mul3A_178, %get3A_161 : vector<16xi32>
    %jit3A_180 = arith.constant 128 : i32
    %div3A_181 = vector.broadcast %jit3A_180 : i32 to vector<16xi32>
    %div3A_182 = arith.divsi %add3A_179, %div3A_181 : vector<16xi32>
    %sign3A_183 = arith.constant 0 : i32
    %sign3A_184 = vector.broadcast %sign3A_183 : i32 to vector<16xi32>
    %sign3A_185 = arith.cmpi sgt, %add3A_179, %sign3A_184 : vector<16xi32>
    %sign3A_186 = arith.extui %sign3A_185 : vector<16xi1> to vector<16xi32>
    %sign3A_187 = arith.constant 0 : i32
    %sign3A_188 = vector.broadcast %sign3A_187 : i32 to vector<16xi32>
    %sign3A_189 = arith.cmpi slt, %add3A_179, %sign3A_188 : vector<16xi32>
    %sign3A_190 = arith.extui %sign3A_189 : vector<16xi1> to vector<16xi32>
    %sign3A_191 = arith.subi %sign3A_186, %sign3A_190 : vector<16xi32>
    %sign3A_192 = arith.constant 0 : i32
    %sign3A_193 = arith.cmpi sgt, %jit3A_180, %sign3A_192 : i32
    %sign3A_194 = arith.extui %sign3A_193 : i1 to i32
    %sign3A_195 = arith.constant 0 : i32
    %sign3A_196 = arith.cmpi slt, %jit3A_180, %sign3A_195 : i32
    %sign3A_197 = arith.extui %sign3A_196 : i1 to i32
    %sign3A_198 = arith.subi %sign3A_194, %sign3A_197 : i32
    %ne3A_199 = vector.broadcast %sign3A_198 : i32 to vector<16xi32>
    %ne3A_200 = arith.cmpi ne, %sign3A_191, %ne3A_199 : vector<16xi32>
    %rem3A_201 = vector.broadcast %jit3A_180 : i32 to vector<16xi32>
    %rem3A_202 = arith.remsi %add3A_179, %rem3A_201 : vector<16xi32>
    %ne3A_203 = arith.constant 0 : i32
    %ne3A_204 = vector.broadcast %ne3A_203 : i32 to vector<16xi32>
    %ne3A_205 = arith.cmpi ne, %rem3A_202, %ne3A_204 : vector<16xi32>
    %and3A_206 = arith.andi %ne3A_200, %ne3A_205 : vector<16xi1>
    %sub3A_207 = arith.constant 1 : i32
    %sub3A_208 = vector.broadcast %sub3A_207 : i32 to vector<16xi32>
    %sub3A_209 = arith.subi %div3A_182, %sub3A_208 : vector<16xi32>
    %select_n3A_210 = arith.select %and3A_206, %sub3A_209, %div3A_182 : vector<16xi1>, vector<16xi32>
    %swap3A_211 = arith.constant 48 : index
    %swap3A_212 = tpu.vector_load %arg20[%swap3A_211] {strides = array<i32>} : memref<128xi32, #tpu.memory_space<vmem>>, vector<16xi32>,
    tpu.vector_store %arg20[%swap3A_211], %select_n3A_210 {strides = array<i32>} : memref<128xi32, #tpu.memory_space<vmem>>, vector<16xi32>,
    %get3A_213 = arith.constant 64 : index
    %get3A_214 = tpu.vector_load %arg15[%get3A_213] {strides = array<i32>} : memref<128xi32, #tpu.memory_space<vmem>>, vector<16xi32>,
    %get3A_215 = arith.constant 64 : index
    %get3A_216 = tpu.vector_load %arg16[%get3A_215] {strides = array<i32>} : memref<128xi32, #tpu.memory_space<vmem>>, vector<16xi32>,
    %get3A_217 = arith.constant 64 : index
    %get3A_218 = tpu.vector_load %arg17[%get3A_217] {strides = array<i32>} : memref<128xi32, #tpu.memory_space<vmem>>, vector<16xi32>,
    %mul3A_219 = arith.constant 512 : i32
    %mul3A_220 = vector.broadcast %mul3A_219 : i32 to vector<16xi32>
    %mul3A_221 = arith.muli %get3A_218, %mul3A_220 : vector<16xi32>
    %add3A_222 = arith.addi %mul3A_221, %get3A_214 : vector<16xi32>
    %swap3A_223 = arith.constant 64 : index
    %swap3A_224 = tpu.vector_load %arg18[%swap3A_223] {strides = array<i32>} : memref<128xi32, #tpu.memory_space<vmem>>, vector<16xi32>,
    tpu.vector_store %arg18[%swap3A_223], %add3A_222 {strides = array<i32>} : memref<128xi32, #tpu.memory_space<vmem>>, vector<16xi32>,
    %mul3A_225 = arith.constant 4096 : i32
    %mul3A_226 = vector.broadcast %mul3A_225 : i32 to vector<16xi32>
    %mul3A_227 = arith.muli %get3A_218, %mul3A_226 : vector<16xi32>
    %add3A_228 = arith.addi %mul3A_227, %get3A_216 : vector<16xi32>
    %swap3A_229 = arith.constant 64 : index
    %swap3A_230 = tpu.vector_load %arg19[%swap3A_229] {strides = array<i32>} : memref<128xi32, #tpu.memory_space<vmem>>, vector<16xi32>,
    tpu.vector_store %arg19[%swap3A_229], %add3A_228 {strides = array<i32>} : memref<128xi32, #tpu.memory_space<vmem>>, vector<16xi32>,
    %mul3A_231 = arith.constant 4096 : i32
    %mul3A_232 = vector.broadcast %mul3A_231 : i32 to vector<16xi32>
    %mul3A_233 = arith.muli %get3A_214, %mul3A_232 : vector<16xi32>
    %add3A_234 = arith.addi %mul3A_233, %get3A_216 : vector<16xi32>
    %jit3A_235 = arith.constant 128 : i32
    %div3A_236 = vector.broadcast %jit3A_235 : i32 to vector<16xi32>
    %div3A_237 = arith.divsi %add3A_234, %div3A_236 : vector<16xi32>
    %sign3A_238 = arith.constant 0 : i32
    %sign3A_239 = vector.broadcast %sign3A_238 : i32 to vector<16xi32>
    %sign3A_240 = arith.cmpi sgt, %add3A_234, %sign3A_239 : vector<16xi32>
    %sign3A_241 = arith.extui %sign3A_240 : vector<16xi1> to vector<16xi32>
    %sign3A_242 = arith.constant 0 : i32
    %sign3A_243 = vector.broadcast %sign3A_242 : i32 to vector<16xi32>
    %sign3A_244 = arith.cmpi slt, %add3A_234, %sign3A_243 : vector<16xi32>
    %sign3A_245 = arith.extui %sign3A_244 : vector<16xi1> to vector<16xi32>
    %sign3A_246 = arith.subi %sign3A_241, %sign3A_245 : vector<16xi32>
    %sign3A_247 = arith.constant 0 : i32
    %sign3A_248 = arith.cmpi sgt, %jit3A_235, %sign3A_247 : i32
    %sign3A_249 = arith.extui %sign3A_248 : i1 to i32
    %sign3A_250 = arith.constant 0 : i32
    %sign3A_251 = arith.cmpi slt, %jit3A_235, %sign3A_250 : i32
    %sign3A_252 = arith.extui %sign3A_251 : i1 to i32
    %sign3A_253 = arith.subi %sign3A_249, %sign3A_252 : i32
    %ne3A_254 = vector.broadcast %sign3A_253 : i32 to vector<16xi32>
    %ne3A_255 = arith.cmpi ne, %sign3A_246, %ne3A_254 : vector<16xi32>
    %rem3A_256 = vector.broadcast %jit3A_235 : i32 to vector<16xi32>
    %rem3A_257 = arith.remsi %add3A_234, %rem3A_256 : vector<16xi32>
    %ne3A_258 = arith.constant 0 : i32
    %ne3A_259 = vector.broadcast %ne3A_258 : i32 to vector<16xi32>
    %ne3A_260 = arith.cmpi ne, %rem3A_257, %ne3A_259 : vector<16xi32>
    %and3A_261 = arith.andi %ne3A_255, %ne3A_260 : vector<16xi1>
    %sub3A_262 = arith.constant 1 : i32
    %sub3A_263 = vector.broadcast %sub3A_262 : i32 to vector<16xi32>
    %sub3A_264 = arith.subi %div3A_237, %sub3A_263 : vector<16xi32>
    %select_n3A_265 = arith.select %and3A_261, %sub3A_264, %div3A_237 : vector<16xi1>, vector<16xi32>
    %swap3A_266 = arith.constant 64 : index
    %swap3A_267 = tpu.vector_load %arg20[%swap3A_266] {strides = array<i32>} : memref<128xi32, #tpu.memory_space<vmem>>, vector<16xi32>,
    tpu.vector_store %arg20[%swap3A_266], %select_n3A_265 {strides = array<i32>} : memref<128xi32, #tpu.memory_space<vmem>>, vector<16xi32>,
    %get3A_268 = arith.constant 80 : index
    %get3A_269 = tpu.vector_load %arg15[%get3A_268] {strides = array<i32>} : memref<128xi32, #tpu.memory_space<vmem>>, vector<16xi32>,
    %get3A_270 = arith.constant 80 : index
    %get3A_271 = tpu.vector_load %arg16[%get3A_270] {strides = array<i32>} : memref<128xi32, #tpu.memory_space<vmem>>, vector<16xi32>,
    %get3A_272 = arith.constant 80 : index
    %get3A_273 = tpu.vector_load %arg17[%get3A_272] {strides = array<i32>} : memref<128xi32, #tpu.memory_space<vmem>>, vector<16xi32>,
    %mul3A_274 = arith.constant 512 : i32
    %mul3A_275 = vector.broadcast %mul3A_274 : i32 to vector<16xi32>
    %mul3A_276 = arith.muli %get3A_273, %mul3A_275 : vector<16xi32>
    %add3A_277 = arith.addi %mul3A_276, %get3A_269 : vector<16xi32>
    %swap3A_278 = arith.constant 80 : index
    %swap3A_279 = tpu.vector_load %arg18[%swap3A_278] {strides = array<i32>} : memref<128xi32, #tpu.memory_space<vmem>>, vector<16xi32>,
    tpu.vector_store %arg18[%swap3A_278], %add3A_277 {strides = array<i32>} : memref<128xi32, #tpu.memory_space<vmem>>, vector<16xi32>,
    %mul3A_280 = arith.constant 4096 : i32
    %mul3A_281 = vector.broadcast %mul3A_280 : i32 to vector<16xi32>
    %mul3A_282 = arith.muli %get3A_273, %mul3A_281 : vector<16xi32>
    %add3A_283 = arith.addi %mul3A_282, %get3A_271 : vector<16xi32>
    %swap3A_284 = arith.constant 80 : index
    %swap3A_285 = tpu.vector_load %arg19[%swap3A_284] {strides = array<i32>} : memref<128xi32, #tpu.memory_space<vmem>>, vector<16xi32>,
    tpu.vector_store %arg19[%swap3A_284], %add3A_283 {strides = array<i32>} : memref<128xi32, #tpu.memory_space<vmem>>, vector<16xi32>,
    %mul3A_286 = arith.constant 4096 : i32
    %mul3A_287 = vector.broadcast %mul3A_286 : i32 to vector<16xi32>
    %mul3A_288 = arith.muli %get3A_269, %mul3A_287 : vector<16xi32>
    %add3A_289 = arith.addi %mul3A_288, %get3A_271 : vector<16xi32>
    %jit3A_290 = arith.constant 128 : i32
    %div3A_291 = vector.broadcast %jit3A_290 : i32 to vector<16xi32>
    %div3A_292 = arith.divsi %add3A_289, %div3A_291 : vector<16xi32>
    %sign3A_293 = arith.constant 0 : i32
    %sign3A_294 = vector.broadcast %sign3A_293 : i32 to vector<16xi32>
    %sign3A_295 = arith.cmpi sgt, %add3A_289, %sign3A_294 : vector<16xi32>
    %sign3A_296 = arith.extui %sign3A_295 : vector<16xi1> to vector<16xi32>
    %sign3A_297 = arith.constant 0 : i32
    %sign3A_298 = vector.broadcast %sign3A_297 : i32 to vector<16xi32>
    %sign3A_299 = arith.cmpi slt, %add3A_289, %sign3A_298 : vector<16xi32>
    %sign3A_300 = arith.extui %sign3A_299 : vector<16xi1> to vector<16xi32>
    %sign3A_301 = arith.subi %sign3A_296, %sign3A_300 : vector<16xi32>
    %sign3A_302 = arith.constant 0 : i32
    %sign3A_303 = arith.cmpi sgt, %jit3A_290, %sign3A_302 : i32
    %sign3A_304 = arith.extui %sign3A_303 : i1 to i32
    %sign3A_305 = arith.constant 0 : i32
    %sign3A_306 = arith.cmpi slt, %jit3A_290, %sign3A_305 : i32
    %sign3A_307 = arith.extui %sign3A_306 : i1 to i32
    %sign3A_308 = arith.subi %sign3A_304, %sign3A_307 : i32
    %ne3A_309 = vector.broadcast %sign3A_308 : i32 to vector<16xi32>
    %ne3A_310 = arith.cmpi ne, %sign3A_301, %ne3A_309 : vector<16xi32>
    %rem3A_311 = vector.broadcast %jit3A_290 : i32 to vector<16xi32>
    %rem3A_312 = arith.remsi %add3A_289, %rem3A_311 : vector<16xi32>
    %ne3A_313 = arith.constant 0 : i32
    %ne3A_314 = vector.broadcast %ne3A_313 : i32 to vector<16xi32>
    %ne3A_315 = arith.cmpi ne, %rem3A_312, %ne3A_314 : vector<16xi32>
    %and3A_316 = arith.andi %ne3A_310, %ne3A_315 : vector<16xi1>
    %sub3A_317 = arith.constant 1 : i32
    %sub3A_318 = vector.broadcast %sub3A_317 : i32 to vector<16xi32>
    %sub3A_319 = arith.subi %div3A_292, %sub3A_318 : vector<16xi32>
    %select_n3A_320 = arith.select %and3A_316, %sub3A_319, %div3A_292 : vector<16xi1>, vector<16xi32>
    %swap3A_321 = arith.constant 80 : index
    %swap3A_322 = tpu.vector_load %arg20[%swap3A_321] {strides = array<i32>} : memref<128xi32, #tpu.memory_space<vmem>>, vector<16xi32>,
    tpu.vector_store %arg20[%swap3A_321], %select_n3A_320 {strides = array<i32>} : memref<128xi32, #tpu.memory_space<vmem>>, vector<16xi32>,
    %get3A_323 = arith.constant 96 : index
    %get3A_324 = tpu.vector_load %arg15[%get3A_323] {strides = array<i32>} : memref<128xi32, #tpu.memory_space<vmem>>, vector<16xi32>,
    %get3A_325 = arith.constant 96 : index
    %get3A_326 = tpu.vector_load %arg16[%get3A_325] {strides = array<i32>} : memref<128xi32, #tpu.memory_space<vmem>>, vector<16xi32>,
    %get3A_327 = arith.constant 96 : index
    %get3A_328 = tpu.vector_load %arg17[%get3A_327] {strides = array<i32>} : memref<128xi32, #tpu.memory_space<vmem>>, vector<16xi32>,
    %mul3A_329 = arith.constant 512 : i32
    %mul3A_330 = vector.broadcast %mul3A_329 : i32 to vector<16xi32>
    %mul3A_331 = arith.muli %get3A_328, %mul3A_330 : vector<16xi32>
    %add3A_332 = arith.addi %mul3A_331, %get3A_324 : vector<16xi32>
    %swap3A_333 = arith.constant 96 : index
    %swap3A_334 = tpu.vector_load %arg18[%swap3A_333] {strides = array<i32>} : memref<128xi32, #tpu.memory_space<vmem>>, vector<16xi32>,
    tpu.vector_store %arg18[%swap3A_333], %add3A_332 {strides = array<i32>} : memref<128xi32, #tpu.memory_space<vmem>>, vector<16xi32>,
    %mul3A_335 = arith.constant 4096 : i32
    %mul3A_336 = vector.broadcast %mul3A_335 : i32 to vector<16xi32>
    %mul3A_337 = arith.muli %get3A_328, %mul3A_336 : vector<16xi32>
    %add3A_338 = arith.addi %mul3A_337, %get3A_326 : vector<16xi32>
    %swap3A_339 = arith.constant 96 : index
    %swap3A_340 = tpu.vector_load %arg19[%swap3A_339] {strides = array<i32>} : memref<128xi32, #tpu.memory_space<vmem>>, vector<16xi32>,
    tpu.vector_store %arg19[%swap3A_339], %add3A_338 {strides = array<i32>} : memref<128xi32, #tpu.memory_space<vmem>>, vector<16xi32>,
    %mul3A_341 = arith.constant 4096 : i32
    %mul3A_342 = vector.broadcast %mul3A_341 : i32 to vector<16xi32>
    %mul3A_343 = arith.muli %get3A_324, %mul3A_342 : vector<16xi32>
    %add3A_344 = arith.addi %mul3A_343, %get3A_326 : vector<16xi32>
    %jit3A_345 = arith.constant 128 : i32
    %div3A_346 = vector.broadcast %jit3A_345 : i32 to vector<16xi32>
    %div3A_347 = arith.divsi %add3A_344, %div3A_346 : vector<16xi32>
    %sign3A_348 = arith.constant 0 : i32
    %sign3A_349 = vector.broadcast %sign3A_348 : i32 to vector<16xi32>
    %sign3A_350 = arith.cmpi sgt, %add3A_344, %sign3A_349 : vector<16xi32>
    %sign3A_351 = arith.extui %sign3A_350 : vector<16xi1> to vector<16xi32>
    %sign3A_352 = arith.constant 0 : i32
    %sign3A_353 = vector.broadcast %sign3A_352 : i32 to vector<16xi32>
    %sign3A_354 = arith.cmpi slt, %add3A_344, %sign3A_353 : vector<16xi32>
    %sign3A_355 = arith.extui %sign3A_354 : vector<16xi1> to vector<16xi32>
    %sign3A_356 = arith.subi %sign3A_351, %sign3A_355 : vector<16xi32>
    %sign3A_357 = arith.constant 0 : i32
    %sign3A_358 = arith.cmpi sgt, %jit3A_345, %sign3A_357 : i32
    %sign3A_359 = arith.extui %sign3A_358 : i1 to i32
    %sign3A_360 = arith.constant 0 : i32
    %sign3A_361 = arith.cmpi slt, %jit3A_345, %sign3A_360 : i32
    %sign3A_362 = arith.extui %sign3A_361 : i1 to i32
    %sign3A_363 = arith.subi %sign3A_359, %sign3A_362 : i32
    %ne3A_364 = vector.broadcast %sign3A_363 : i32 to vector<16xi32>
    %ne3A_365 = arith.cmpi ne, %sign3A_356, %ne3A_364 : vector<16xi32>
    %rem3A_366 = vector.broadcast %jit3A_345 : i32 to vector<16xi32>
    %rem3A_367 = arith.remsi %add3A_344, %rem3A_366 : vector<16xi32>
    %ne3A_368 = arith.constant 0 : i32
    %ne3A_369 = vector.broadcast %ne3A_368 : i32 to vector<16xi32>
    %ne3A_370 = arith.cmpi ne, %rem3A_367, %ne3A_369 : vector<16xi32>
    %and3A_371 = arith.andi %ne3A_365, %ne3A_370 : vector<16xi1>
    %sub3A_372 = arith.constant 1 : i32
    %sub3A_373 = vector.broadcast %sub3A_372 : i32 to vector<16xi32>
    %sub3A_374 = arith.subi %div3A_347, %sub3A_373 : vector<16xi32>
    %select_n3A_375 = arith.select %and3A_371, %sub3A_374, %div3A_347 : vector<16xi1>, vector<16xi32>
    %swap3A_376 = arith.constant 96 : index
    %swap3A_377 = tpu.vector_load %arg20[%swap3A_376] {strides = array<i32>} : memref<128xi32, #tpu.memory_space<vmem>>, vector<16xi32>,
    tpu.vector_store %arg20[%swap3A_376], %select_n3A_375 {strides = array<i32>} : memref<128xi32, #tpu.memory_space<vmem>>, vector<16xi32>,
    %get3A_378 = arith.constant 112 : index
    %get3A_379 = tpu.vector_load %arg15[%get3A_378] {strides = array<i32>} : memref<128xi32, #tpu.memory_space<vmem>>, vector<16xi32>,
    %get3A_380 = arith.constant 112 : index
    %get3A_381 = tpu.vector_load %arg16[%get3A_380] {strides = array<i32>} : memref<128xi32, #tpu.memory_space<vmem>>, vector<16xi32>,
    %get3A_382 = arith.constant 112 : index
    %get3A_383 = tpu.vector_load %arg17[%get3A_382] {strides = array<i32>} : memref<128xi32, #tpu.memory_space<vmem>>, vector<16xi32>,
    %mul3A_384 = arith.constant 512 : i32
    %mul3A_385 = vector.broadcast %mul3A_384 : i32 to vector<16xi32>
    %mul3A_386 = arith.muli %get3A_383, %mul3A_385 : vector<16xi32>
    %add3A_387 = arith.addi %mul3A_386, %get3A_379 : vector<16xi32>
    %swap3A_388 = arith.constant 112 : index
    %swap3A_389 = tpu.vector_load %arg18[%swap3A_388] {strides = array<i32>} : memref<128xi32, #tpu.memory_space<vmem>>, vector<16xi32>,
    tpu.vector_store %arg18[%swap3A_388], %add3A_387 {strides = array<i32>} : memref<128xi32, #tpu.memory_space<vmem>>, vector<16xi32>,
    %mul3A_390 = arith.constant 4096 : i32
    %mul3A_391 = vector.broadcast %mul3A_390 : i32 to vector<16xi32>
    %mul3A_392 = arith.muli %get3A_383, %mul3A_391 : vector<16xi32>
    %add3A_393 = arith.addi %mul3A_392, %get3A_381 : vector<16xi32>
    %swap3A_394 = arith.constant 112 : index
    %swap3A_395 = tpu.vector_load %arg19[%swap3A_394] {strides = array<i32>} : memref<128xi32, #tpu.memory_space<vmem>>, vector<16xi32>,
    tpu.vector_store %arg19[%swap3A_394], %add3A_393 {strides = array<i32>} : memref<128xi32, #tpu.memory_space<vmem>>, vector<16xi32>,
    %mul3A_396 = arith.constant 4096 : i32
    %mul3A_397 = vector.broadcast %mul3A_396 : i32 to vector<16xi32>
    %mul3A_398 = arith.muli %get3A_379, %mul3A_397 : vector<16xi32>
    %add3A_399 = arith.addi %mul3A_398, %get3A_381 : vector<16xi32>
    %jit3A_400 = arith.constant 128 : i32
    %div3A_401 = vector.broadcast %jit3A_400 : i32 to vector<16xi32>
    %div3A_402 = arith.divsi %add3A_399, %div3A_401 : vector<16xi32>
    %sign3A_403 = arith.constant 0 : i32
    %sign3A_404 = vector.broadcast %sign3A_403 : i32 to vector<16xi32>
    %sign3A_405 = arith.cmpi sgt, %add3A_399, %sign3A_404 : vector<16xi32>
    %sign3A_406 = arith.extui %sign3A_405 : vector<16xi1> to vector<16xi32>
    %sign3A_407 = arith.constant 0 : i32
    %sign3A_408 = vector.broadcast %sign3A_407 : i32 to vector<16xi32>
    %sign3A_409 = arith.cmpi slt, %add3A_399, %sign3A_408 : vector<16xi32>
    %sign3A_410 = arith.extui %sign3A_409 : vector<16xi1> to vector<16xi32>
    %sign3A_411 = arith.subi %sign3A_406, %sign3A_410 : vector<16xi32>
    %sign3A_412 = arith.constant 0 : i32
    %sign3A_413 = arith.cmpi sgt, %jit3A_400, %sign3A_412 : i32
    %sign3A_414 = arith.extui %sign3A_413 : i1 to i32
    %sign3A_415 = arith.constant 0 : i32
    %sign3A_416 = arith.cmpi slt, %jit3A_400, %sign3A_415 : i32
    %sign3A_417 = arith.extui %sign3A_416 : i1 to i32
    %sign3A_418 = arith.subi %sign3A_414, %sign3A_417 : i32
    %ne3A_419 = vector.broadcast %sign3A_418 : i32 to vector<16xi32>
    %ne3A_420 = arith.cmpi ne, %sign3A_411, %ne3A_419 : vector<16xi32>
    %rem3A_421 = vector.broadcast %jit3A_400 : i32 to vector<16xi32>
    %rem3A_422 = arith.remsi %add3A_399, %rem3A_421 : vector<16xi32>
    %ne3A_423 = arith.constant 0 : i32
    %ne3A_424 = vector.broadcast %ne3A_423 : i32 to vector<16xi32>
    %ne3A_425 = arith.cmpi ne, %rem3A_422, %ne3A_424 : vector<16xi32>
    %and3A_426 = arith.andi %ne3A_420, %ne3A_425 : vector<16xi1>
    %sub3A_427 = arith.constant 1 : i32
    %sub3A_428 = vector.broadcast %sub3A_427 : i32 to vector<16xi32>
    %sub3A_429 = arith.subi %div3A_402, %sub3A_428 : vector<16xi32>
    %select_n3A_430 = arith.select %and3A_426, %sub3A_429, %div3A_402 : vector<16xi1>, vector<16xi32>
    %swap3A_431 = arith.constant 112 : index
    %swap3A_432 = tpu.vector_load %arg20[%swap3A_431] {strides = array<i32>} : memref<128xi32, #tpu.memory_space<vmem>>, vector<16xi32>,
    tpu.vector_store %arg20[%swap3A_431], %select_n3A_430 {strides = array<i32>} : memref<128xi32, #tpu.memory_space<vmem>>, vector<16xi32>,
    %dma_start3A = arith.constant 0 : i32
    %dma_start3A_433 = tpu.memref_slice %arg20[%dma_start3A] : memref<128xi32, #tpu.memory_space<vmem>> -> memref<32xi32, #tpu.memory_space<vmem>>
    %dma_start3A_434 = arith.constant 0 : i32
    %dma_start3A_435 = arith.constant 0 : i32
    %dma_start3A_436 = tpu.memref_slice %arg6[%dma_start3A_434, %dma_start3A_435] : memref<16384x128xf32, #tpu.memory_space<hbm>> -> memref<16384x128xf32, #tpu.memory_space<hbm>>
    tpu.enqueue_indirect_dma source(%dma_start3A_436 : memref<16384x128xf32, #tpu.memory_space<hbm>>) target(%arg21 : memref<32x128xf32, #tpu.memory_space<vmem>>) offsets(%dma_start3A_433 : memref<32xi32, #tpu.memory_space<vmem>>) semaphore(%arg36 : memref<!tpu.dma_semaphore, #tpu.memory_space<semaphore_mem>>)
    %dma_wait3A = arith.constant 0 : i32
    %dma_wait3A_437 = tpu.memref_slice %arg20[%dma_wait3A] : memref<128xi32, #tpu.memory_space<vmem>> -> memref<32xi32, #tpu.memory_space<vmem>>
    %dma_wait3A_438 = arith.constant 0 : i32
    %dma_wait3A_439 = arith.constant 0 : i32
    %dma_wait3A_440 = tpu.memref_slice %arg6[%dma_wait3A_438, %dma_wait3A_439] : memref<16384x128xf32, #tpu.memory_space<hbm>> -> memref<16384x128xf32, #tpu.memory_space<hbm>>
    tpu.wait_indirect_dma semaphore(%arg36 : memref<!tpu.dma_semaphore, #tpu.memory_space<semaphore_mem>>) src(%dma_wait3A_440 : memref<16384x128xf32, #tpu.memory_space<hbm>>) dst(%arg21 : memref<32x128xf32, #tpu.memory_space<vmem>>)
    %get3A_441 = arith.constant 0 : index
    %get3A_442 = tpu.vector_load %arg15[%get3A_441] {strides = array<i32>} : memref<128xi32, #tpu.memory_space<vmem>>, vector<16xi32>,
    %get3A_443 = arith.constant 0 : index
    %get3A_444 = tpu.vector_load %arg16[%get3A_443] {strides = array<i32>} : memref<128xi32, #tpu.memory_space<vmem>>, vector<16xi32>,
    %add3A_445 = arith.constant 0 : i32
    %add3A_446 = vector.broadcast %add3A_445 : i32 to vector<16xi32>
    %add3A_447 = arith.addi %iota3A, %add3A_446 : vector<16xi32>
    %mul3A_448 = arith.constant 4096 : i32
    %mul3A_449 = vector.broadcast %mul3A_448 : i32 to vector<16xi32>
    %mul3A_450 = arith.muli %get3A_442, %mul3A_449 : vector<16xi32>
    %add3A_451 = arith.addi %mul3A_450, %get3A_444 : vector<16xi32>
    %jit3A_452 = arith.constant 128 : i32
    %eq3A = arith.constant 0 : i32
    %eq3A_453 = arith.cmpi eq, %jit3A_452, %eq3A : i32
    %jit3A_454 = arith.constant 1 : i32
    %select_n3A_455 = arith.select %eq3A_453, %jit3A_454, %jit3A_452 : i32
    %rem3A_456 = vector.broadcast %select_n3A_455 : i32 to vector<16xi32>
    %rem3A_457 = arith.remsi %add3A_451, %rem3A_456 : vector<16xi32>
    %ne3A_458 = arith.constant 0 : i32
    %ne3A_459 = vector.broadcast %ne3A_458 : i32 to vector<16xi32>
    %ne3A_460 = arith.cmpi ne, %rem3A_457, %ne3A_459 : vector<16xi32>
    %lt3A = arith.constant 0 : i32
    %lt3A_461 = vector.broadcast %lt3A : i32 to vector<16xi32>
    %lt3A_462 = arith.cmpi slt, %rem3A_457, %lt3A_461 : vector<16xi32>
    %lt3A_463 = arith.constant 0 : i32
    %lt3A_464 = arith.cmpi slt, %select_n3A_455, %lt3A_463 : i32
    %ne3A_465 = vector.broadcast %lt3A_464 : i1 to vector<16xi1>
    %ne3A_466 = vector.broadcast %ne3A_465 : vector<16xi1> to vector<16xi1>
    %ne3A_467 = arith.xori %lt3A_462, %ne3A_466 : vector<16xi1>
    %and3A_468 = arith.andi %ne3A_467, %ne3A_460 : vector<16xi1>
    %add3A_469 = vector.broadcast %select_n3A_455 : i32 to vector<16xi32>
    %add3A_470 = arith.addi %rem3A_457, %add3A_469 : vector<16xi32>
    %select_n3A_471 = arith.select %and3A_468, %add3A_470, %rem3A_457 : vector<16xi1>, vector<16xi32>
    %gather3A = tpu.vector_load_idx %arg21[%add3A_447, %select_n3A_471] : memref<32x128xf32, #tpu.memory_space<vmem>>[vector<16xi32>, vector<16xi32>], vector<16xf32>,
    %swap3A_472 = arith.constant 0 : index
    %swap3A_473 = tpu.vector_load %arg22[%swap3A_472] {strides = array<i32>} : memref<128xf32, #tpu.memory_space<vmem>>, vector<16xf32>,
    tpu.vector_store %arg22[%swap3A_472], %gather3A {strides = array<i32>} : memref<128xf32, #tpu.memory_space<vmem>>, vector<16xf32>,
    %get3A_474 = arith.constant 16 : index
    %get3A_475 = tpu.vector_load %arg15[%get3A_474] {strides = array<i32>} : memref<128xi32, #tpu.memory_space<vmem>>, vector<16xi32>,
    %get3A_476 = arith.constant 16 : index
    %get3A_477 = tpu.vector_load %arg16[%get3A_476] {strides = array<i32>} : memref<128xi32, #tpu.memory_space<vmem>>, vector<16xi32>,
    %add3A_478 = arith.constant 16 : i32
    %add3A_479 = vector.broadcast %add3A_478 : i32 to vector<16xi32>
    %add3A_480 = arith.addi %iota3A, %add3A_479 : vector<16xi32>
    %mul3A_481 = arith.constant 4096 : i32
    %mul3A_482 = vector.broadcast %mul3A_481 : i32 to vector<16xi32>
    %mul3A_483 = arith.muli %get3A_475, %mul3A_482 : vector<16xi32>
    %add3A_484 = arith.addi %mul3A_483, %get3A_477 : vector<16xi32>
    %jit3A_485 = arith.constant 128 : i32
    %eq3A_486 = arith.constant 0 : i32
    %eq3A_487 = arith.cmpi eq, %jit3A_485, %eq3A_486 : i32
    %jit3A_488 = arith.constant 1 : i32
    %select_n3A_489 = arith.select %eq3A_487, %jit3A_488, %jit3A_485 : i32
    %rem3A_490 = vector.broadcast %select_n3A_489 : i32 to vector<16xi32>
    %rem3A_491 = arith.remsi %add3A_484, %rem3A_490 : vector<16xi32>
    %ne3A_492 = arith.constant 0 : i32
    %ne3A_493 = vector.broadcast %ne3A_492 : i32 to vector<16xi32>
    %ne3A_494 = arith.cmpi ne, %rem3A_491, %ne3A_493 : vector<16xi32>
    %lt3A_495 = arith.constant 0 : i32
    %lt3A_496 = vector.broadcast %lt3A_495 : i32 to vector<16xi32>
    %lt3A_497 = arith.cmpi slt, %rem3A_491, %lt3A_496 : vector<16xi32>
    %lt3A_498 = arith.constant 0 : i32
    %lt3A_499 = arith.cmpi slt, %select_n3A_489, %lt3A_498 : i32
    %ne3A_500 = vector.broadcast %lt3A_499 : i1 to vector<16xi1>
    %ne3A_501 = vector.broadcast %ne3A_500 : vector<16xi1> to vector<16xi1>
    %ne3A_502 = arith.xori %lt3A_497, %ne3A_501 : vector<16xi1>
    %and3A_503 = arith.andi %ne3A_502, %ne3A_494 : vector<16xi1>
    %add3A_504 = vector.broadcast %select_n3A_489 : i32 to vector<16xi32>
    %add3A_505 = arith.addi %rem3A_491, %add3A_504 : vector<16xi32>
    %select_n3A_506 = arith.select %and3A_503, %add3A_505, %rem3A_491 : vector<16xi1>, vector<16xi32>
    %gather3A_507 = tpu.vector_load_idx %arg21[%add3A_480, %select_n3A_506] : memref<32x128xf32, #tpu.memory_space<vmem>>[vector<16xi32>, vector<16xi32>], vector<16xf32>,
    %swap3A_508 = arith.constant 16 : index
    %swap3A_509 = tpu.vector_load %arg22[%swap3A_508] {strides = array<i32>} : memref<128xf32, #tpu.memory_space<vmem>>, vector<16xf32>,
    tpu.vector_store %arg22[%swap3A_508], %gather3A_507 {strides = array<i32>} : memref<128xf32, #tpu.memory_space<vmem>>, vector<16xf32>,
    %dma_start3A_510 = arith.constant 32 : i32
    %dma_start3A_511 = tpu.memref_slice %arg20[%dma_start3A_510] : memref<128xi32, #tpu.memory_space<vmem>> -> memref<32xi32, #tpu.memory_space<vmem>>
    %dma_start3A_512 = arith.constant 0 : i32
    %dma_start3A_513 = arith.constant 0 : i32
    %dma_start3A_514 = tpu.memref_slice %arg6[%dma_start3A_512, %dma_start3A_513] : memref<16384x128xf32, #tpu.memory_space<hbm>> -> memref<16384x128xf32, #tpu.memory_space<hbm>>
    tpu.enqueue_indirect_dma source(%dma_start3A_514 : memref<16384x128xf32, #tpu.memory_space<hbm>>) target(%arg21 : memref<32x128xf32, #tpu.memory_space<vmem>>) offsets(%dma_start3A_511 : memref<32xi32, #tpu.memory_space<vmem>>) semaphore(%arg36 : memref<!tpu.dma_semaphore, #tpu.memory_space<semaphore_mem>>)
    %dma_wait3A_515 = arith.constant 32 : i32
    %dma_wait3A_516 = tpu.memref_slice %arg20[%dma_wait3A_515] : memref<128xi32, #tpu.memory_space<vmem>> -> memref<32xi32, #tpu.memory_space<vmem>>
    %dma_wait3A_517 = arith.constant 0 : i32
    %dma_wait3A_518 = arith.constant 0 : i32
    %dma_wait3A_519 = tpu.memref_slice %arg6[%dma_wait3A_517, %dma_wait3A_518] : memref<16384x128xf32, #tpu.memory_space<hbm>> -> memref<16384x128xf32, #tpu.memory_space<hbm>>
    tpu.wait_indirect_dma semaphore(%arg36 : memref<!tpu.dma_semaphore, #tpu.memory_space<semaphore_mem>>) src(%dma_wait3A_519 : memref<16384x128xf32, #tpu.memory_space<hbm>>) dst(%arg21 : memref<32x128xf32, #tpu.memory_space<vmem>>)
    %get3A_520 = arith.constant 32 : index
    %get3A_521 = tpu.vector_load %arg15[%get3A_520] {strides = array<i32>} : memref<128xi32, #tpu.memory_space<vmem>>, vector<16xi32>,
    %get3A_522 = arith.constant 32 : index
    %get3A_523 = tpu.vector_load %arg16[%get3A_522] {strides = array<i32>} : memref<128xi32, #tpu.memory_space<vmem>>, vector<16xi32>,
    %add3A_524 = arith.constant 0 : i32
    %add3A_525 = vector.broadcast %add3A_524 : i32 to vector<16xi32>
    %add3A_526 = arith.addi %iota3A, %add3A_525 : vector<16xi32>
    %mul3A_527 = arith.constant 4096 : i32
    %mul3A_528 = vector.broadcast %mul3A_527 : i32 to vector<16xi32>
    %mul3A_529 = arith.muli %get3A_521, %mul3A_528 : vector<16xi32>
    %add3A_530 = arith.addi %mul3A_529, %get3A_523 : vector<16xi32>
    %jit3A_531 = arith.constant 128 : i32
    %eq3A_532 = arith.constant 0 : i32
    %eq3A_533 = arith.cmpi eq, %jit3A_531, %eq3A_532 : i32
    %jit3A_534 = arith.constant 1 : i32
    %select_n3A_535 = arith.select %eq3A_533, %jit3A_534, %jit3A_531 : i32
    %rem3A_536 = vector.broadcast %select_n3A_535 : i32 to vector<16xi32>
    %rem3A_537 = arith.remsi %add3A_530, %rem3A_536 : vector<16xi32>
    %ne3A_538 = arith.constant 0 : i32
    %ne3A_539 = vector.broadcast %ne3A_538 : i32 to vector<16xi32>
    %ne3A_540 = arith.cmpi ne, %rem3A_537, %ne3A_539 : vector<16xi32>
    %lt3A_541 = arith.constant 0 : i32
    %lt3A_542 = vector.broadcast %lt3A_541 : i32 to vector<16xi32>
    %lt3A_543 = arith.cmpi slt, %rem3A_537, %lt3A_542 : vector<16xi32>
    %lt3A_544 = arith.constant 0 : i32
    %lt3A_545 = arith.cmpi slt, %select_n3A_535, %lt3A_544 : i32
    %ne3A_546 = vector.broadcast %lt3A_545 : i1 to vector<16xi1>
    %ne3A_547 = vector.broadcast %ne3A_546 : vector<16xi1> to vector<16xi1>
    %ne3A_548 = arith.xori %lt3A_543, %ne3A_547 : vector<16xi1>
    %and3A_549 = arith.andi %ne3A_548, %ne3A_540 : vector<16xi1>
    %add3A_550 = vector.broadcast %select_n3A_535 : i32 to vector<16xi32>
    %add3A_551 = arith.addi %rem3A_537, %add3A_550 : vector<16xi32>
    %select_n3A_552 = arith.select %and3A_549, %add3A_551, %rem3A_537 : vector<16xi1>, vector<16xi32>
    %gather3A_553 = tpu.vector_load_idx %arg21[%add3A_526, %select_n3A_552] : memref<32x128xf32, #tpu.memory_space<vmem>>[vector<16xi32>, vector<16xi32>], vector<16xf32>,
    %swap3A_554 = arith.constant 32 : index
    %swap3A_555 = tpu.vector_load %arg22[%swap3A_554] {strides = array<i32>} : memref<128xf32, #tpu.memory_space<vmem>>, vector<16xf32>,
    tpu.vector_store %arg22[%swap3A_554], %gather3A_553 {strides = array<i32>} : memref<128xf32, #tpu.memory_space<vmem>>, vector<16xf32>,
    %get3A_556 = arith.constant 48 : index
    %get3A_557 = tpu.vector_load %arg15[%get3A_556] {strides = array<i32>} : memref<128xi32, #tpu.memory_space<vmem>>, vector<16xi32>,
    %get3A_558 = arith.constant 48 : index
    %get3A_559 = tpu.vector_load %arg16[%get3A_558] {strides = array<i32>} : memref<128xi32, #tpu.memory_space<vmem>>, vector<16xi32>,
    %add3A_560 = arith.constant 16 : i32
    %add3A_561 = vector.broadcast %add3A_560 : i32 to vector<16xi32>
    %add3A_562 = arith.addi %iota3A, %add3A_561 : vector<16xi32>
    %mul3A_563 = arith.constant 4096 : i32
    %mul3A_564 = vector.broadcast %mul3A_563 : i32 to vector<16xi32>
    %mul3A_565 = arith.muli %get3A_557, %mul3A_564 : vector<16xi32>
    %add3A_566 = arith.addi %mul3A_565, %get3A_559 : vector<16xi32>
    %jit3A_567 = arith.constant 128 : i32
    %eq3A_568 = arith.constant 0 : i32
    %eq3A_569 = arith.cmpi eq, %jit3A_567, %eq3A_568 : i32
    %jit3A_570 = arith.constant 1 : i32
    %select_n3A_571 = arith.select %eq3A_569, %jit3A_570, %jit3A_567 : i32
    %rem3A_572 = vector.broadcast %select_n3A_571 : i32 to vector<16xi32>
    %rem3A_573 = arith.remsi %add3A_566, %rem3A_572 : vector<16xi32>
    %ne3A_574 = arith.constant 0 : i32
    %ne3A_575 = vector.broadcast %ne3A_574 : i32 to vector<16xi32>
    %ne3A_576 = arith.cmpi ne, %rem3A_573, %ne3A_575 : vector<16xi32>
    %lt3A_577 = arith.constant 0 : i32
    %lt3A_578 = vector.broadcast %lt3A_577 : i32 to vector<16xi32>
    %lt3A_579 = arith.cmpi slt, %rem3A_573, %lt3A_578 : vector<16xi32>
    %lt3A_580 = arith.constant 0 : i32
    %lt3A_581 = arith.cmpi slt, %select_n3A_571, %lt3A_580 : i32
    %ne3A_582 = vector.broadcast %lt3A_581 : i1 to vector<16xi1>
    %ne3A_583 = vector.broadcast %ne3A_582 : vector<16xi1> to vector<16xi1>
    %ne3A_584 = arith.xori %lt3A_579, %ne3A_583 : vector<16xi1>
    %and3A_585 = arith.andi %ne3A_584, %ne3A_576 : vector<16xi1>
    %add3A_586 = vector.broadcast %select_n3A_571 : i32 to vector<16xi32>
    %add3A_587 = arith.addi %rem3A_573, %add3A_586 : vector<16xi32>
    %select_n3A_588 = arith.select %and3A_585, %add3A_587, %rem3A_573 : vector<16xi1>, vector<16xi32>
    %gather3A_589 = tpu.vector_load_idx %arg21[%add3A_562, %select_n3A_588] : memref<32x128xf32, #tpu.memory_space<vmem>>[vector<16xi32>, vector<16xi32>], vector<16xf32>,
    %swap3A_590 = arith.constant 48 : index
    %swap3A_591 = tpu.vector_load %arg22[%swap3A_590] {strides = array<i32>} : memref<128xf32, #tpu.memory_space<vmem>>, vector<16xf32>,
    tpu.vector_store %arg22[%swap3A_590], %gather3A_589 {strides = array<i32>} : memref<128xf32, #tpu.memory_space<vmem>>, vector<16xf32>,
    %dma_start3A_592 = arith.constant 64 : i32
    %dma_start3A_593 = tpu.memref_slice %arg20[%dma_start3A_592] : memref<128xi32, #tpu.memory_space<vmem>> -> memref<32xi32, #tpu.memory_space<vmem>>
    %dma_start3A_594 = arith.constant 0 : i32
    %dma_start3A_595 = arith.constant 0 : i32
    %dma_start3A_596 = tpu.memref_slice %arg6[%dma_start3A_594, %dma_start3A_595] : memref<16384x128xf32, #tpu.memory_space<hbm>> -> memref<16384x128xf32, #tpu.memory_space<hbm>>
    tpu.enqueue_indirect_dma source(%dma_start3A_596 : memref<16384x128xf32, #tpu.memory_space<hbm>>) target(%arg21 : memref<32x128xf32, #tpu.memory_space<vmem>>) offsets(%dma_start3A_593 : memref<32xi32, #tpu.memory_space<vmem>>) semaphore(%arg36 : memref<!tpu.dma_semaphore, #tpu.memory_space<semaphore_mem>>)
    %dma_wait3A_597 = arith.constant 64 : i32
    %dma_wait3A_598 = tpu.memref_slice %arg20[%dma_wait3A_597] : memref<128xi32, #tpu.memory_space<vmem>> -> memref<32xi32, #tpu.memory_space<vmem>>
    %dma_wait3A_599 = arith.constant 0 : i32
    %dma_wait3A_600 = arith.constant 0 : i32
    %dma_wait3A_601 = tpu.memref_slice %arg6[%dma_wait3A_599, %dma_wait3A_600] : memref<16384x128xf32, #tpu.memory_space<hbm>> -> memref<16384x128xf32, #tpu.memory_space<hbm>>
    tpu.wait_indirect_dma semaphore(%arg36 : memref<!tpu.dma_semaphore, #tpu.memory_space<semaphore_mem>>) src(%dma_wait3A_601 : memref<16384x128xf32, #tpu.memory_space<hbm>>) dst(%arg21 : memref<32x128xf32, #tpu.memory_space<vmem>>)
    %get3A_602 = arith.constant 64 : index
    %get3A_603 = tpu.vector_load %arg15[%get3A_602] {strides = array<i32>} : memref<128xi32, #tpu.memory_space<vmem>>, vector<16xi32>,
    %get3A_604 = arith.constant 64 : index
    %get3A_605 = tpu.vector_load %arg16[%get3A_604] {strides = array<i32>} : memref<128xi32, #tpu.memory_space<vmem>>, vector<16xi32>,
    %add3A_606 = arith.constant 0 : i32
    %add3A_607 = vector.broadcast %add3A_606 : i32 to vector<16xi32>
    %add3A_608 = arith.addi %iota3A, %add3A_607 : vector<16xi32>
    %mul3A_609 = arith.constant 4096 : i32
    %mul3A_610 = vector.broadcast %mul3A_609 : i32 to vector<16xi32>
    %mul3A_611 = arith.muli %get3A_603, %mul3A_610 : vector<16xi32>
    %add3A_612 = arith.addi %mul3A_611, %get3A_605 : vector<16xi32>
    %jit3A_613 = arith.constant 128 : i32
    %eq3A_614 = arith.constant 0 : i32
    %eq3A_615 = arith.cmpi eq, %jit3A_613, %eq3A_614 : i32
    %jit3A_616 = arith.constant 1 : i32
    %select_n3A_617 = arith.select %eq3A_615, %jit3A_616, %jit3A_613 : i32
    %rem3A_618 = vector.broadcast %select_n3A_617 : i32 to vector<16xi32>
    %rem3A_619 = arith.remsi %add3A_612, %rem3A_618 : vector<16xi32>
    %ne3A_620 = arith.constant 0 : i32
    %ne3A_621 = vector.broadcast %ne3A_620 : i32 to vector<16xi32>
    %ne3A_622 = arith.cmpi ne, %rem3A_619, %ne3A_621 : vector<16xi32>
    %lt3A_623 = arith.constant 0 : i32
    %lt3A_624 = vector.broadcast %lt3A_623 : i32 to vector<16xi32>
    %lt3A_625 = arith.cmpi slt, %rem3A_619, %lt3A_624 : vector<16xi32>
    %lt3A_626 = arith.constant 0 : i32
    %lt3A_627 = arith.cmpi slt, %select_n3A_617, %lt3A_626 : i32
    %ne3A_628 = vector.broadcast %lt3A_627 : i1 to vector<16xi1>
    %ne3A_629 = vector.broadcast %ne3A_628 : vector<16xi1> to vector<16xi1>
    %ne3A_630 = arith.xori %lt3A_625, %ne3A_629 : vector<16xi1>
    %and3A_631 = arith.andi %ne3A_630, %ne3A_622 : vector<16xi1>
    %add3A_632 = vector.broadcast %select_n3A_617 : i32 to vector<16xi32>
    %add3A_633 = arith.addi %rem3A_619, %add3A_632 : vector<16xi32>
    %select_n3A_634 = arith.select %and3A_631, %add3A_633, %rem3A_619 : vector<16xi1>, vector<16xi32>
    %gather3A_635 = tpu.vector_load_idx %arg21[%add3A_608, %select_n3A_634] : memref<32x128xf32, #tpu.memory_space<vmem>>[vector<16xi32>, vector<16xi32>], vector<16xf32>,
    %swap3A_636 = arith.constant 64 : index
    %swap3A_637 = tpu.vector_load %arg22[%swap3A_636] {strides = array<i32>} : memref<128xf32, #tpu.memory_space<vmem>>, vector<16xf32>,
    tpu.vector_store %arg22[%swap3A_636], %gather3A_635 {strides = array<i32>} : memref<128xf32, #tpu.memory_space<vmem>>, vector<16xf32>,
    %get3A_638 = arith.constant 80 : index
    %get3A_639 = tpu.vector_load %arg15[%get3A_638] {strides = array<i32>} : memref<128xi32, #tpu.memory_space<vmem>>, vector<16xi32>,
    %get3A_640 = arith.constant 80 : index
    %get3A_641 = tpu.vector_load %arg16[%get3A_640] {strides = array<i32>} : memref<128xi32, #tpu.memory_space<vmem>>, vector<16xi32>,
    %add3A_642 = arith.constant 16 : i32
    %add3A_643 = vector.broadcast %add3A_642 : i32 to vector<16xi32>
    %add3A_644 = arith.addi %iota3A, %add3A_643 : vector<16xi32>
    %mul3A_645 = arith.constant 4096 : i32
    %mul3A_646 = vector.broadcast %mul3A_645 : i32 to vector<16xi32>
    %mul3A_647 = arith.muli %get3A_639, %mul3A_646 : vector<16xi32>
    %add3A_648 = arith.addi %mul3A_647, %get3A_641 : vector<16xi32>
    %jit3A_649 = arith.constant 128 : i32
    %eq3A_650 = arith.constant 0 : i32
    %eq3A_651 = arith.cmpi eq, %jit3A_649, %eq3A_650 : i32
    %jit3A_652 = arith.constant 1 : i32
    %select_n3A_653 = arith.select %eq3A_651, %jit3A_652, %jit3A_649 : i32
    %rem3A_654 = vector.broadcast %select_n3A_653 : i32 to vector<16xi32>
    %rem3A_655 = arith.remsi %add3A_648, %rem3A_654 : vector<16xi32>
    %ne3A_656 = arith.constant 0 : i32
    %ne3A_657 = vector.broadcast %ne3A_656 : i32 to vector<16xi32>
    %ne3A_658 = arith.cmpi ne, %rem3A_655, %ne3A_657 : vector<16xi32>
    %lt3A_659 = arith.constant 0 : i32
    %lt3A_660 = vector.broadcast %lt3A_659 : i32 to vector<16xi32>
    %lt3A_661 = arith.cmpi slt, %rem3A_655, %lt3A_660 : vector<16xi32>
    %lt3A_662 = arith.constant 0 : i32
    %lt3A_663 = arith.cmpi slt, %select_n3A_653, %lt3A_662 : i32
    %ne3A_664 = vector.broadcast %lt3A_663 : i1 to vector<16xi1>
    %ne3A_665 = vector.broadcast %ne3A_664 : vector<16xi1> to vector<16xi1>
    %ne3A_666 = arith.xori %lt3A_661, %ne3A_665 : vector<16xi1>
    %and3A_667 = arith.andi %ne3A_666, %ne3A_658 : vector<16xi1>
    %add3A_668 = vector.broadcast %select_n3A_653 : i32 to vector<16xi32>
    %add3A_669 = arith.addi %rem3A_655, %add3A_668 : vector<16xi32>
    %select_n3A_670 = arith.select %and3A_667, %add3A_669, %rem3A_655 : vector<16xi1>, vector<16xi32>
    %gather3A_671 = tpu.vector_load_idx %arg21[%add3A_644, %select_n3A_670] : memref<32x128xf32, #tpu.memory_space<vmem>>[vector<16xi32>, vector<16xi32>], vector<16xf32>,
    %swap3A_672 = arith.constant 80 : index
    %swap3A_673 = tpu.vector_load %arg22[%swap3A_672] {strides = array<i32>} : memref<128xf32, #tpu.memory_space<vmem>>, vector<16xf32>,
    tpu.vector_store %arg22[%swap3A_672], %gather3A_671 {strides = array<i32>} : memref<128xf32, #tpu.memory_space<vmem>>, vector<16xf32>,
    %dma_start3A_674 = arith.constant 96 : i32
    %dma_start3A_675 = tpu.memref_slice %arg20[%dma_start3A_674] : memref<128xi32, #tpu.memory_space<vmem>> -> memref<32xi32, #tpu.memory_space<vmem>>
    %dma_start3A_676 = arith.constant 0 : i32
    %dma_start3A_677 = arith.constant 0 : i32
    %dma_start3A_678 = tpu.memref_slice %arg6[%dma_start3A_676, %dma_start3A_677] : memref<16384x128xf32, #tpu.memory_space<hbm>> -> memref<16384x128xf32, #tpu.memory_space<hbm>>
    tpu.enqueue_indirect_dma source(%dma_start3A_678 : memref<16384x128xf32, #tpu.memory_space<hbm>>) target(%arg21 : memref<32x128xf32, #tpu.memory_space<vmem>>) offsets(%dma_start3A_675 : memref<32xi32, #tpu.memory_space<vmem>>) semaphore(%arg36 : memref<!tpu.dma_semaphore, #tpu.memory_space<semaphore_mem>>)
    %dma_wait3A_679 = arith.constant 96 : i32
    %dma_wait3A_680 = tpu.memref_slice %arg20[%dma_wait3A_679] : memref<128xi32, #tpu.memory_space<vmem>> -> memref<32xi32, #tpu.memory_space<vmem>>
    %dma_wait3A_681 = arith.constant 0 : i32
    %dma_wait3A_682 = arith.constant 0 : i32
    %dma_wait3A_683 = tpu.memref_slice %arg6[%dma_wait3A_681, %dma_wait3A_682] : memref<16384x128xf32, #tpu.memory_space<hbm>> -> memref<16384x128xf32, #tpu.memory_space<hbm>>
    tpu.wait_indirect_dma semaphore(%arg36 : memref<!tpu.dma_semaphore, #tpu.memory_space<semaphore_mem>>) src(%dma_wait3A_683 : memref<16384x128xf32, #tpu.memory_space<hbm>>) dst(%arg21 : memref<32x128xf32, #tpu.memory_space<vmem>>)
    %get3A_684 = arith.constant 96 : index
    %get3A_685 = tpu.vector_load %arg15[%get3A_684] {strides = array<i32>} : memref<128xi32, #tpu.memory_space<vmem>>, vector<16xi32>,
    %get3A_686 = arith.constant 96 : index
    %get3A_687 = tpu.vector_load %arg16[%get3A_686] {strides = array<i32>} : memref<128xi32, #tpu.memory_space<vmem>>, vector<16xi32>,
    %add3A_688 = arith.constant 0 : i32
    %add3A_689 = vector.broadcast %add3A_688 : i32 to vector<16xi32>
    %add3A_690 = arith.addi %iota3A, %add3A_689 : vector<16xi32>
    %mul3A_691 = arith.constant 4096 : i32
    %mul3A_692 = vector.broadcast %mul3A_691 : i32 to vector<16xi32>
    %mul3A_693 = arith.muli %get3A_685, %mul3A_692 : vector<16xi32>
    %add3A_694 = arith.addi %mul3A_693, %get3A_687 : vector<16xi32>
    %jit3A_695 = arith.constant 128 : i32
    %eq3A_696 = arith.constant 0 : i32
    %eq3A_697 = arith.cmpi eq, %jit3A_695, %eq3A_696 : i32
    %jit3A_698 = arith.constant 1 : i32
    %select_n3A_699 = arith.select %eq3A_697, %jit3A_698, %jit3A_695 : i32
    %rem3A_700 = vector.broadcast %select_n3A_699 : i32 to vector<16xi32>
    %rem3A_701 = arith.remsi %add3A_694, %rem3A_700 : vector<16xi32>
    %ne3A_702 = arith.constant 0 : i32
    %ne3A_703 = vector.broadcast %ne3A_702 : i32 to vector<16xi32>
    %ne3A_704 = arith.cmpi ne, %rem3A_701, %ne3A_703 : vector<16xi32>
    %lt3A_705 = arith.constant 0 : i32
    %lt3A_706 = vector.broadcast %lt3A_705 : i32 to vector<16xi32>
    %lt3A_707 = arith.cmpi slt, %rem3A_701, %lt3A_706 : vector<16xi32>
    %lt3A_708 = arith.constant 0 : i32
    %lt3A_709 = arith.cmpi slt, %select_n3A_699, %lt3A_708 : i32
    %ne3A_710 = vector.broadcast %lt3A_709 : i1 to vector<16xi1>
    %ne3A_711 = vector.broadcast %ne3A_710 : vector<16xi1> to vector<16xi1>
    %ne3A_712 = arith.xori %lt3A_707, %ne3A_711 : vector<16xi1>
    %and3A_713 = arith.andi %ne3A_712, %ne3A_704 : vector<16xi1>
    %add3A_714 = vector.broadcast %select_n3A_699 : i32 to vector<16xi32>
    %add3A_715 = arith.addi %rem3A_701, %add3A_714 : vector<16xi32>
    %select_n3A_716 = arith.select %and3A_713, %add3A_715, %rem3A_701 : vector<16xi1>, vector<16xi32>
    %gather3A_717 = tpu.vector_load_idx %arg21[%add3A_690, %select_n3A_716] : memref<32x128xf32, #tpu.memory_space<vmem>>[vector<16xi32>, vector<16xi32>], vector<16xf32>,
    %swap3A_718 = arith.constant 96 : index
    %swap3A_719 = tpu.vector_load %arg22[%swap3A_718] {strides = array<i32>} : memref<128xf32, #tpu.memory_space<vmem>>, vector<16xf32>,
    tpu.vector_store %arg22[%swap3A_718], %gather3A_717 {strides = array<i32>} : memref<128xf32, #tpu.memory_space<vmem>>, vector<16xf32>,
    %get3A_720 = arith.constant 112 : index
    %get3A_721 = tpu.vector_load %arg15[%get3A_720] {strides = array<i32>} : memref<128xi32, #tpu.memory_space<vmem>>, vector<16xi32>,
    %get3A_722 = arith.constant 112 : index
    %get3A_723 = tpu.vector_load %arg16[%get3A_722] {strides = array<i32>} : memref<128xi32, #tpu.memory_space<vmem>>, vector<16xi32>,
    %add3A_724 = arith.constant 16 : i32
    %add3A_725 = vector.broadcast %add3A_724 : i32 to vector<16xi32>
    %add3A_726 = arith.addi %iota3A, %add3A_725 : vector<16xi32>
    %mul3A_727 = arith.constant 4096 : i32
    %mul3A_728 = vector.broadcast %mul3A_727 : i32 to vector<16xi32>
    %mul3A_729 = arith.muli %get3A_721, %mul3A_728 : vector<16xi32>
    %add3A_730 = arith.addi %mul3A_729, %get3A_723 : vector<16xi32>
    %jit3A_731 = arith.constant 128 : i32
    %eq3A_732 = arith.constant 0 : i32
    %eq3A_733 = arith.cmpi eq, %jit3A_731, %eq3A_732 : i32
    %jit3A_734 = arith.constant 1 : i32
    %select_n3A_735 = arith.select %eq3A_733, %jit3A_734, %jit3A_731 : i32
    %rem3A_736 = vector.broadcast %select_n3A_735 : i32 to vector<16xi32>
    %rem3A_737 = arith.remsi %add3A_730, %rem3A_736 : vector<16xi32>
    %ne3A_738 = arith.constant 0 : i32
    %ne3A_739 = vector.broadcast %ne3A_738 : i32 to vector<16xi32>
    %ne3A_740 = arith.cmpi ne, %rem3A_737, %ne3A_739 : vector<16xi32>
    %lt3A_741 = arith.constant 0 : i32
    %lt3A_742 = vector.broadcast %lt3A_741 : i32 to vector<16xi32>
    %lt3A_743 = arith.cmpi slt, %rem3A_737, %lt3A_742 : vector<16xi32>
    %lt3A_744 = arith.constant 0 : i32
    %lt3A_745 = arith.cmpi slt, %select_n3A_735, %lt3A_744 : i32
    %ne3A_746 = vector.broadcast %lt3A_745 : i1 to vector<16xi1>
    %ne3A_747 = vector.broadcast %ne3A_746 : vector<16xi1> to vector<16xi1>
    %ne3A_748 = arith.xori %lt3A_743, %ne3A_747 : vector<16xi1>
    %and3A_749 = arith.andi %ne3A_748, %ne3A_740 : vector<16xi1>
    %add3A_750 = vector.broadcast %select_n3A_735 : i32 to vector<16xi32>
    %add3A_751 = arith.addi %rem3A_737, %add3A_750 : vector<16xi32>
    %select_n3A_752 = arith.select %and3A_749, %add3A_751, %rem3A_737 : vector<16xi1>, vector<16xi32>
    %gather3A_753 = tpu.vector_load_idx %arg21[%add3A_726, %select_n3A_752] : memref<32x128xf32, #tpu.memory_space<vmem>>[vector<16xi32>, vector<16xi32>], vector<16xf32>,
    %swap3A_754 = arith.constant 112 : index
    %swap3A_755 = tpu.vector_load %arg22[%swap3A_754] {strides = array<i32>} : memref<128xf32, #tpu.memory_space<vmem>>, vector<16xf32>,
    tpu.vector_store %arg22[%swap3A_754], %gather3A_753 {strides = array<i32>} : memref<128xf32, #tpu.memory_space<vmem>>, vector<16xf32>,
    %dma_start3A_756 = arith.constant 0 : i32
    %dma_start3A_757 = tpu.memref_slice %arg20[%dma_start3A_756] : memref<128xi32, #tpu.memory_space<vmem>> -> memref<32xi32, #tpu.memory_space<vmem>>
    %dma_start3A_758 = arith.constant 0 : i32
    %dma_start3A_759 = arith.constant 0 : i32
    %dma_start3A_760 = tpu.memref_slice %arg7[%dma_start3A_758, %dma_start3A_759] : memref<16384x128xf32, #tpu.memory_space<hbm>> -> memref<16384x128xf32, #tpu.memory_space<hbm>>
    tpu.enqueue_indirect_dma source(%dma_start3A_760 : memref<16384x128xf32, #tpu.memory_space<hbm>>) target(%arg21 : memref<32x128xf32, #tpu.memory_space<vmem>>) offsets(%dma_start3A_757 : memref<32xi32, #tpu.memory_space<vmem>>) semaphore(%arg36 : memref<!tpu.dma_semaphore, #tpu.memory_space<semaphore_mem>>)
    %dma_wait3A_761 = arith.constant 0 : i32
    %dma_wait3A_762 = tpu.memref_slice %arg20[%dma_wait3A_761] : memref<128xi32, #tpu.memory_space<vmem>> -> memref<32xi32, #tpu.memory_space<vmem>>
    %dma_wait3A_763 = arith.constant 0 : i32
    %dma_wait3A_764 = arith.constant 0 : i32
    %dma_wait3A_765 = tpu.memref_slice %arg7[%dma_wait3A_763, %dma_wait3A_764] : memref<16384x128xf32, #tpu.memory_space<hbm>> -> memref<16384x128xf32, #tpu.memory_space<hbm>>
    tpu.wait_indirect_dma semaphore(%arg36 : memref<!tpu.dma_semaphore, #tpu.memory_space<semaphore_mem>>) src(%dma_wait3A_765 : memref<16384x128xf32, #tpu.memory_space<hbm>>) dst(%arg21 : memref<32x128xf32, #tpu.memory_space<vmem>>)
    %get3A_766 = arith.constant 0 : index
    %get3A_767 = tpu.vector_load %arg15[%get3A_766] {strides = array<i32>} : memref<128xi32, #tpu.memory_space<vmem>>, vector<16xi32>,
    %get3A_768 = arith.constant 0 : index
    %get3A_769 = tpu.vector_load %arg16[%get3A_768] {strides = array<i32>} : memref<128xi32, #tpu.memory_space<vmem>>, vector<16xi32>,
    %add3A_770 = arith.constant 0 : i32
    %add3A_771 = vector.broadcast %add3A_770 : i32 to vector<16xi32>
    %add3A_772 = arith.addi %iota3A, %add3A_771 : vector<16xi32>
    %mul3A_773 = arith.constant 4096 : i32
    %mul3A_774 = vector.broadcast %mul3A_773 : i32 to vector<16xi32>
    %mul3A_775 = arith.muli %get3A_767, %mul3A_774 : vector<16xi32>
    %add3A_776 = arith.addi %mul3A_775, %get3A_769 : vector<16xi32>
    %jit3A_777 = arith.constant 128 : i32
    %eq3A_778 = arith.constant 0 : i32
    %eq3A_779 = arith.cmpi eq, %jit3A_777, %eq3A_778 : i32
    %jit3A_780 = arith.constant 1 : i32
    %select_n3A_781 = arith.select %eq3A_779, %jit3A_780, %jit3A_777 : i32
    %rem3A_782 = vector.broadcast %select_n3A_781 : i32 to vector<16xi32>
    %rem3A_783 = arith.remsi %add3A_776, %rem3A_782 : vector<16xi32>
    %ne3A_784 = arith.constant 0 : i32
    %ne3A_785 = vector.broadcast %ne3A_784 : i32 to vector<16xi32>
    %ne3A_786 = arith.cmpi ne, %rem3A_783, %ne3A_785 : vector<16xi32>
    %lt3A_787 = arith.constant 0 : i32
    %lt3A_788 = vector.broadcast %lt3A_787 : i32 to vector<16xi32>
    %lt3A_789 = arith.cmpi slt, %rem3A_783, %lt3A_788 : vector<16xi32>
    %lt3A_790 = arith.constant 0 : i32
    %lt3A_791 = arith.cmpi slt, %select_n3A_781, %lt3A_790 : i32
    %ne3A_792 = vector.broadcast %lt3A_791 : i1 to vector<16xi1>
    %ne3A_793 = vector.broadcast %ne3A_792 : vector<16xi1> to vector<16xi1>
    %ne3A_794 = arith.xori %lt3A_789, %ne3A_793 : vector<16xi1>
    %and3A_795 = arith.andi %ne3A_794, %ne3A_786 : vector<16xi1>
    %add3A_796 = vector.broadcast %select_n3A_781 : i32 to vector<16xi32>
    %add3A_797 = arith.addi %rem3A_783, %add3A_796 : vector<16xi32>
    %select_n3A_798 = arith.select %and3A_795, %add3A_797, %rem3A_783 : vector<16xi1>, vector<16xi32>
    %gather3A_799 = tpu.vector_load_idx %arg21[%add3A_772, %select_n3A_798] : memref<32x128xf32, #tpu.memory_space<vmem>>[vector<16xi32>, vector<16xi32>], vector<16xf32>,
    %swap3A_800 = arith.constant 0 : index
    %swap3A_801 = tpu.vector_load %arg23[%swap3A_800] {strides = array<i32>} : memref<128xf32, #tpu.memory_space<vmem>>, vector<16xf32>,
    tpu.vector_store %arg23[%swap3A_800], %gather3A_799 {strides = array<i32>} : memref<128xf32, #tpu.memory_space<vmem>>, vector<16xf32>,
    %get3A_802 = arith.constant 16 : index
    %get3A_803 = tpu.vector_load %arg15[%get3A_802] {strides = array<i32>} : memref<128xi32, #tpu.memory_space<vmem>>, vector<16xi32>,
    %get3A_804 = arith.constant 16 : index
    %get3A_805 = tpu.vector_load %arg16[%get3A_804] {strides = array<i32>} : memref<128xi32, #tpu.memory_space<vmem>>, vector<16xi32>,
    %add3A_806 = arith.constant 16 : i32
    %add3A_807 = vector.broadcast %add3A_806 : i32 to vector<16xi32>
    %add3A_808 = arith.addi %iota3A, %add3A_807 : vector<16xi32>
    %mul3A_809 = arith.constant 4096 : i32
    %mul3A_810 = vector.broadcast %mul3A_809 : i32 to vector<16xi32>
    %mul3A_811 = arith.muli %get3A_803, %mul3A_810 : vector<16xi32>
    %add3A_812 = arith.addi %mul3A_811, %get3A_805 : vector<16xi32>
    %jit3A_813 = arith.constant 128 : i32
    %eq3A_814 = arith.constant 0 : i32
    %eq3A_815 = arith.cmpi eq, %jit3A_813, %eq3A_814 : i32
    %jit3A_816 = arith.constant 1 : i32
    %select_n3A_817 = arith.select %eq3A_815, %jit3A_816, %jit3A_813 : i32
    %rem3A_818 = vector.broadcast %select_n3A_817 : i32 to vector<16xi32>
    %rem3A_819 = arith.remsi %add3A_812, %rem3A_818 : vector<16xi32>
    %ne3A_820 = arith.constant 0 : i32
    %ne3A_821 = vector.broadcast %ne3A_820 : i32 to vector<16xi32>
    %ne3A_822 = arith.cmpi ne, %rem3A_819, %ne3A_821 : vector<16xi32>
    %lt3A_823 = arith.constant 0 : i32
    %lt3A_824 = vector.broadcast %lt3A_823 : i32 to vector<16xi32>
    %lt3A_825 = arith.cmpi slt, %rem3A_819, %lt3A_824 : vector<16xi32>
    %lt3A_826 = arith.constant 0 : i32
    %lt3A_827 = arith.cmpi slt, %select_n3A_817, %lt3A_826 : i32
    %ne3A_828 = vector.broadcast %lt3A_827 : i1 to vector<16xi1>
    %ne3A_829 = vector.broadcast %ne3A_828 : vector<16xi1> to vector<16xi1>
    %ne3A_830 = arith.xori %lt3A_825, %ne3A_829 : vector<16xi1>
    %and3A_831 = arith.andi %ne3A_830, %ne3A_822 : vector<16xi1>
    %add3A_832 = vector.broadcast %select_n3A_817 : i32 to vector<16xi32>
    %add3A_833 = arith.addi %rem3A_819, %add3A_832 : vector<16xi32>
    %select_n3A_834 = arith.select %and3A_831, %add3A_833, %rem3A_819 : vector<16xi1>, vector<16xi32>
    %gather3A_835 = tpu.vector_load_idx %arg21[%add3A_808, %select_n3A_834] : memref<32x128xf32, #tpu.memory_space<vmem>>[vector<16xi32>, vector<16xi32>], vector<16xf32>,
    %swap3A_836 = arith.constant 16 : index
    %swap3A_837 = tpu.vector_load %arg23[%swap3A_836] {strides = array<i32>} : memref<128xf32, #tpu.memory_space<vmem>>, vector<16xf32>,
    tpu.vector_store %arg23[%swap3A_836], %gather3A_835 {strides = array<i32>} : memref<128xf32, #tpu.memory_space<vmem>>, vector<16xf32>,
    %dma_start3A_838 = arith.constant 32 : i32
    %dma_start3A_839 = tpu.memref_slice %arg20[%dma_start3A_838] : memref<128xi32, #tpu.memory_space<vmem>> -> memref<32xi32, #tpu.memory_space<vmem>>
    %dma_start3A_840 = arith.constant 0 : i32
    %dma_start3A_841 = arith.constant 0 : i32
    %dma_start3A_842 = tpu.memref_slice %arg7[%dma_start3A_840, %dma_start3A_841] : memref<16384x128xf32, #tpu.memory_space<hbm>> -> memref<16384x128xf32, #tpu.memory_space<hbm>>
    tpu.enqueue_indirect_dma source(%dma_start3A_842 : memref<16384x128xf32, #tpu.memory_space<hbm>>) target(%arg21 : memref<32x128xf32, #tpu.memory_space<vmem>>) offsets(%dma_start3A_839 : memref<32xi32, #tpu.memory_space<vmem>>) semaphore(%arg36 : memref<!tpu.dma_semaphore, #tpu.memory_space<semaphore_mem>>)
    %dma_wait3A_843 = arith.constant 32 : i32
    %dma_wait3A_844 = tpu.memref_slice %arg20[%dma_wait3A_843] : memref<128xi32, #tpu.memory_space<vmem>> -> memref<32xi32, #tpu.memory_space<vmem>>
    %dma_wait3A_845 = arith.constant 0 : i32
    %dma_wait3A_846 = arith.constant 0 : i32
    %dma_wait3A_847 = tpu.memref_slice %arg7[%dma_wait3A_845, %dma_wait3A_846] : memref<16384x128xf32, #tpu.memory_space<hbm>> -> memref<16384x128xf32, #tpu.memory_space<hbm>>
    tpu.wait_indirect_dma semaphore(%arg36 : memref<!tpu.dma_semaphore, #tpu.memory_space<semaphore_mem>>) src(%dma_wait3A_847 : memref<16384x128xf32, #tpu.memory_space<hbm>>) dst(%arg21 : memref<32x128xf32, #tpu.memory_space<vmem>>)
    %get3A_848 = arith.constant 32 : index
    %get3A_849 = tpu.vector_load %arg15[%get3A_848] {strides = array<i32>} : memref<128xi32, #tpu.memory_space<vmem>>, vector<16xi32>,
    %get3A_850 = arith.constant 32 : index
    %get3A_851 = tpu.vector_load %arg16[%get3A_850] {strides = array<i32>} : memref<128xi32, #tpu.memory_space<vmem>>, vector<16xi32>,
    %add3A_852 = arith.constant 0 : i32
    %add3A_853 = vector.broadcast %add3A_852 : i32 to vector<16xi32>
    %add3A_854 = arith.addi %iota3A, %add3A_853 : vector<16xi32>
    %mul3A_855 = arith.constant 4096 : i32
    %mul3A_856 = vector.broadcast %mul3A_855 : i32 to vector<16xi32>
    %mul3A_857 = arith.muli %get3A_849, %mul3A_856 : vector<16xi32>
    %add3A_858 = arith.addi %mul3A_857, %get3A_851 : vector<16xi32>
    %jit3A_859 = arith.constant 128 : i32
    %eq3A_860 = arith.constant 0 : i32
    %eq3A_861 = arith.cmpi eq, %jit3A_859, %eq3A_860 : i32
    %jit3A_862 = arith.constant 1 : i32
    %select_n3A_863 = arith.select %eq3A_861, %jit3A_862, %jit3A_859 : i32
    %rem3A_864 = vector.broadcast %select_n3A_863 : i32 to vector<16xi32>
    %rem3A_865 = arith.remsi %add3A_858, %rem3A_864 : vector<16xi32>
    %ne3A_866 = arith.constant 0 : i32
    %ne3A_867 = vector.broadcast %ne3A_866 : i32 to vector<16xi32>
    %ne3A_868 = arith.cmpi ne, %rem3A_865, %ne3A_867 : vector<16xi32>
    %lt3A_869 = arith.constant 0 : i32
    %lt3A_870 = vector.broadcast %lt3A_869 : i32 to vector<16xi32>
    %lt3A_871 = arith.cmpi slt, %rem3A_865, %lt3A_870 : vector<16xi32>
    %lt3A_872 = arith.constant 0 : i32
    %lt3A_873 = arith.cmpi slt, %select_n3A_863, %lt3A_872 : i32
    %ne3A_874 = vector.broadcast %lt3A_873 : i1 to vector<16xi1>
    %ne3A_875 = vector.broadcast %ne3A_874 : vector<16xi1> to vector<16xi1>
    %ne3A_876 = arith.xori %lt3A_871, %ne3A_875 : vector<16xi1>
    %and3A_877 = arith.andi %ne3A_876, %ne3A_868 : vector<16xi1>
    %add3A_878 = vector.broadcast %select_n3A_863 : i32 to vector<16xi32>
    %add3A_879 = arith.addi %rem3A_865, %add3A_878 : vector<16xi32>
    %select_n3A_880 = arith.select %and3A_877, %add3A_879, %rem3A_865 : vector<16xi1>, vector<16xi32>
    %gather3A_881 = tpu.vector_load_idx %arg21[%add3A_854, %select_n3A_880] : memref<32x128xf32, #tpu.memory_space<vmem>>[vector<16xi32>, vector<16xi32>], vector<16xf32>,
    %swap3A_882 = arith.constant 32 : index
    %swap3A_883 = tpu.vector_load %arg23[%swap3A_882] {strides = array<i32>} : memref<128xf32, #tpu.memory_space<vmem>>, vector<16xf32>,
    tpu.vector_store %arg23[%swap3A_882], %gather3A_881 {strides = array<i32>} : memref<128xf32, #tpu.memory_space<vmem>>, vector<16xf32>,
    %get3A_884 = arith.constant 48 : index
    %get3A_885 = tpu.vector_load %arg15[%get3A_884] {strides = array<i32>} : memref<128xi32, #tpu.memory_space<vmem>>, vector<16xi32>,
    %get3A_886 = arith.constant 48 : index
    %get3A_887 = tpu.vector_load %arg16[%get3A_886] {strides = array<i32>} : memref<128xi32, #tpu.memory_space<vmem>>, vector<16xi32>,
    %add3A_888 = arith.constant 16 : i32
    %add3A_889 = vector.broadcast %add3A_888 : i32 to vector<16xi32>
    %add3A_890 = arith.addi %iota3A, %add3A_889 : vector<16xi32>
    %mul3A_891 = arith.constant 4096 : i32
    %mul3A_892 = vector.broadcast %mul3A_891 : i32 to vector<16xi32>
    %mul3A_893 = arith.muli %get3A_885, %mul3A_892 : vector<16xi32>
    %add3A_894 = arith.addi %mul3A_893, %get3A_887 : vector<16xi32>
    %jit3A_895 = arith.constant 128 : i32
    %eq3A_896 = arith.constant 0 : i32
    %eq3A_897 = arith.cmpi eq, %jit3A_895, %eq3A_896 : i32
    %jit3A_898 = arith.constant 1 : i32
    %select_n3A_899 = arith.select %eq3A_897, %jit3A_898, %jit3A_895 : i32
    %rem3A_900 = vector.broadcast %select_n3A_899 : i32 to vector<16xi32>
    %rem3A_901 = arith.remsi %add3A_894, %rem3A_900 : vector<16xi32>
    %ne3A_902 = arith.constant 0 : i32
    %ne3A_903 = vector.broadcast %ne3A_902 : i32 to vector<16xi32>
    %ne3A_904 = arith.cmpi ne, %rem3A_901, %ne3A_903 : vector<16xi32>
    %lt3A_905 = arith.constant 0 : i32
    %lt3A_906 = vector.broadcast %lt3A_905 : i32 to vector<16xi32>
    %lt3A_907 = arith.cmpi slt, %rem3A_901, %lt3A_906 : vector<16xi32>
    %lt3A_908 = arith.constant 0 : i32
    %lt3A_909 = arith.cmpi slt, %select_n3A_899, %lt3A_908 : i32
    %ne3A_910 = vector.broadcast %lt3A_909 : i1 to vector<16xi1>
    %ne3A_911 = vector.broadcast %ne3A_910 : vector<16xi1> to vector<16xi1>
    %ne3A_912 = arith.xori %lt3A_907, %ne3A_911 : vector<16xi1>
    %and3A_913 = arith.andi %ne3A_912, %ne3A_904 : vector<16xi1>
    %add3A_914 = vector.broadcast %select_n3A_899 : i32 to vector<16xi32>
    %add3A_915 = arith.addi %rem3A_901, %add3A_914 : vector<16xi32>
    %select_n3A_916 = arith.select %and3A_913, %add3A_915, %rem3A_901 : vector<16xi1>, vector<16xi32>
    %gather3A_917 = tpu.vector_load_idx %arg21[%add3A_890, %select_n3A_916] : memref<32x128xf32, #tpu.memory_space<vmem>>[vector<16xi32>, vector<16xi32>], vector<16xf32>,
    %swap3A_918 = arith.constant 48 : index
    %swap3A_919 = tpu.vector_load %arg23[%swap3A_918] {strides = array<i32>} : memref<128xf32, #tpu.memory_space<vmem>>, vector<16xf32>,
    tpu.vector_store %arg23[%swap3A_918], %gather3A_917 {strides = array<i32>} : memref<128xf32, #tpu.memory_space<vmem>>, vector<16xf32>,
    %dma_start3A_920 = arith.constant 64 : i32
    %dma_start3A_921 = tpu.memref_slice %arg20[%dma_start3A_920] : memref<128xi32, #tpu.memory_space<vmem>> -> memref<32xi32, #tpu.memory_space<vmem>>
    %dma_start3A_922 = arith.constant 0 : i32
    %dma_start3A_923 = arith.constant 0 : i32
    %dma_start3A_924 = tpu.memref_slice %arg7[%dma_start3A_922, %dma_start3A_923] : memref<16384x128xf32, #tpu.memory_space<hbm>> -> memref<16384x128xf32, #tpu.memory_space<hbm>>
    tpu.enqueue_indirect_dma source(%dma_start3A_924 : memref<16384x128xf32, #tpu.memory_space<hbm>>) target(%arg21 : memref<32x128xf32, #tpu.memory_space<vmem>>) offsets(%dma_start3A_921 : memref<32xi32, #tpu.memory_space<vmem>>) semaphore(%arg36 : memref<!tpu.dma_semaphore, #tpu.memory_space<semaphore_mem>>)
    %dma_wait3A_925 = arith.constant 64 : i32
    %dma_wait3A_926 = tpu.memref_slice %arg20[%dma_wait3A_925] : memref<128xi32, #tpu.memory_space<vmem>> -> memref<32xi32, #tpu.memory_space<vmem>>
    %dma_wait3A_927 = arith.constant 0 : i32
    %dma_wait3A_928 = arith.constant 0 : i32
    %dma_wait3A_929 = tpu.memref_slice %arg7[%dma_wait3A_927, %dma_wait3A_928] : memref<16384x128xf32, #tpu.memory_space<hbm>> -> memref<16384x128xf32, #tpu.memory_space<hbm>>
    tpu.wait_indirect_dma semaphore(%arg36 : memref<!tpu.dma_semaphore, #tpu.memory_space<semaphore_mem>>) src(%dma_wait3A_929 : memref<16384x128xf32, #tpu.memory_space<hbm>>) dst(%arg21 : memref<32x128xf32, #tpu.memory_space<vmem>>)
    %get3A_930 = arith.constant 64 : index
    %get3A_931 = tpu.vector_load %arg15[%get3A_930] {strides = array<i32>} : memref<128xi32, #tpu.memory_space<vmem>>, vector<16xi32>,
    %get3A_932 = arith.constant 64 : index
    %get3A_933 = tpu.vector_load %arg16[%get3A_932] {strides = array<i32>} : memref<128xi32, #tpu.memory_space<vmem>>, vector<16xi32>,
    %add3A_934 = arith.constant 0 : i32
    %add3A_935 = vector.broadcast %add3A_934 : i32 to vector<16xi32>
    %add3A_936 = arith.addi %iota3A, %add3A_935 : vector<16xi32>
    %mul3A_937 = arith.constant 4096 : i32
    %mul3A_938 = vector.broadcast %mul3A_937 : i32 to vector<16xi32>
    %mul3A_939 = arith.muli %get3A_931, %mul3A_938 : vector<16xi32>
    %add3A_940 = arith.addi %mul3A_939, %get3A_933 : vector<16xi32>
    %jit3A_941 = arith.constant 128 : i32
    %eq3A_942 = arith.constant 0 : i32
    %eq3A_943 = arith.cmpi eq, %jit3A_941, %eq3A_942 : i32
    %jit3A_944 = arith.constant 1 : i32
    %select_n3A_945 = arith.select %eq3A_943, %jit3A_944, %jit3A_941 : i32
    %rem3A_946 = vector.broadcast %select_n3A_945 : i32 to vector<16xi32>
    %rem3A_947 = arith.remsi %add3A_940, %rem3A_946 : vector<16xi32>
    %ne3A_948 = arith.constant 0 : i32
    %ne3A_949 = vector.broadcast %ne3A_948 : i32 to vector<16xi32>
    %ne3A_950 = arith.cmpi ne, %rem3A_947, %ne3A_949 : vector<16xi32>
    %lt3A_951 = arith.constant 0 : i32
    %lt3A_952 = vector.broadcast %lt3A_951 : i32 to vector<16xi32>
    %lt3A_953 = arith.cmpi slt, %rem3A_947, %lt3A_952 : vector<16xi32>
    %lt3A_954 = arith.constant 0 : i32
    %lt3A_955 = arith.cmpi slt, %select_n3A_945, %lt3A_954 : i32
    %ne3A_956 = vector.broadcast %lt3A_955 : i1 to vector<16xi1>
    %ne3A_957 = vector.broadcast %ne3A_956 : vector<16xi1> to vector<16xi1>
    %ne3A_958 = arith.xori %lt3A_953, %ne3A_957 : vector<16xi1>
    %and3A_959 = arith.andi %ne3A_958, %ne3A_950 : vector<16xi1>
    %add3A_960 = vector.broadcast %select_n3A_945 : i32 to vector<16xi32>
    %add3A_961 = arith.addi %rem3A_947, %add3A_960 : vector<16xi32>
    %select_n3A_962 = arith.select %and3A_959, %add3A_961, %rem3A_947 : vector<16xi1>, vector<16xi32>
    %gather3A_963 = tpu.vector_load_idx %arg21[%add3A_936, %select_n3A_962] : memref<32x128xf32, #tpu.memory_space<vmem>>[vector<16xi32>, vector<16xi32>], vector<16xf32>,
    %swap3A_964 = arith.constant 64 : index
    %swap3A_965 = tpu.vector_load %arg23[%swap3A_964] {strides = array<i32>} : memref<128xf32, #tpu.memory_space<vmem>>, vector<16xf32>,
    tpu.vector_store %arg23[%swap3A_964], %gather3A_963 {strides = array<i32>} : memref<128xf32, #tpu.memory_space<vmem>>, vector<16xf32>,
    %get3A_966 = arith.constant 80 : index
    %get3A_967 = tpu.vector_load %arg15[%get3A_966] {strides = array<i32>} : memref<128xi32, #tpu.memory_space<vmem>>, vector<16xi32>,
    %get3A_968 = arith.constant 80 : index
    %get3A_969 = tpu.vector_load %arg16[%get3A_968] {strides = array<i32>} : memref<128xi32, #tpu.memory_space<vmem>>, vector<16xi32>,
    %add3A_970 = arith.constant 16 : i32
    %add3A_971 = vector.broadcast %add3A_970 : i32 to vector<16xi32>
    %add3A_972 = arith.addi %iota3A, %add3A_971 : vector<16xi32>
    %mul3A_973 = arith.constant 4096 : i32
    %mul3A_974 = vector.broadcast %mul3A_973 : i32 to vector<16xi32>
    %mul3A_975 = arith.muli %get3A_967, %mul3A_974 : vector<16xi32>
    %add3A_976 = arith.addi %mul3A_975, %get3A_969 : vector<16xi32>
    %jit3A_977 = arith.constant 128 : i32
    %eq3A_978 = arith.constant 0 : i32
    %eq3A_979 = arith.cmpi eq, %jit3A_977, %eq3A_978 : i32
    %jit3A_980 = arith.constant 1 : i32
    %select_n3A_981 = arith.select %eq3A_979, %jit3A_980, %jit3A_977 : i32
    %rem3A_982 = vector.broadcast %select_n3A_981 : i32 to vector<16xi32>
    %rem3A_983 = arith.remsi %add3A_976, %rem3A_982 : vector<16xi32>
    %ne3A_984 = arith.constant 0 : i32
    %ne3A_985 = vector.broadcast %ne3A_984 : i32 to vector<16xi32>
    %ne3A_986 = arith.cmpi ne, %rem3A_983, %ne3A_985 : vector<16xi32>
    %lt3A_987 = arith.constant 0 : i32
    %lt3A_988 = vector.broadcast %lt3A_987 : i32 to vector<16xi32>
    %lt3A_989 = arith.cmpi slt, %rem3A_983, %lt3A_988 : vector<16xi32>
    %lt3A_990 = arith.constant 0 : i32
    %lt3A_991 = arith.cmpi slt, %select_n3A_981, %lt3A_990 : i32
    %ne3A_992 = vector.broadcast %lt3A_991 : i1 to vector<16xi1>
    %ne3A_993 = vector.broadcast %ne3A_992 : vector<16xi1> to vector<16xi1>
    %ne3A_994 = arith.xori %lt3A_989, %ne3A_993 : vector<16xi1>
    %and3A_995 = arith.andi %ne3A_994, %ne3A_986 : vector<16xi1>
    %add3A_996 = vector.broadcast %select_n3A_981 : i32 to vector<16xi32>
    %add3A_997 = arith.addi %rem3A_983, %add3A_996 : vector<16xi32>
    %select_n3A_998 = arith.select %and3A_995, %add3A_997, %rem3A_983 : vector<16xi1>, vector<16xi32>
    %gather3A_999 = tpu.vector_load_idx %arg21[%add3A_972, %select_n3A_998] : memref<32x128xf32, #tpu.memory_space<vmem>>[vector<16xi32>, vector<16xi32>], vector<16xf32>,
    %swap3A_1000 = arith.constant 80 : index
    %swap3A_1001 = tpu.vector_load %arg23[%swap3A_1000] {strides = array<i32>} : memref<128xf32, #tpu.memory_space<vmem>>, vector<16xf32>,
    tpu.vector_store %arg23[%swap3A_1000], %gather3A_999 {strides = array<i32>} : memref<128xf32, #tpu.memory_space<vmem>>, vector<16xf32>,
    %dma_start3A_1002 = arith.constant 96 : i32
    %dma_start3A_1003 = tpu.memref_slice %arg20[%dma_start3A_1002] : memref<128xi32, #tpu.memory_space<vmem>> -> memref<32xi32, #tpu.memory_space<vmem>>
    %dma_start3A_1004 = arith.constant 0 : i32
    %dma_start3A_1005 = arith.constant 0 : i32
    %dma_start3A_1006 = tpu.memref_slice %arg7[%dma_start3A_1004, %dma_start3A_1005] : memref<16384x128xf32, #tpu.memory_space<hbm>> -> memref<16384x128xf32, #tpu.memory_space<hbm>>
    tpu.enqueue_indirect_dma source(%dma_start3A_1006 : memref<16384x128xf32, #tpu.memory_space<hbm>>) target(%arg21 : memref<32x128xf32, #tpu.memory_space<vmem>>) offsets(%dma_start3A_1003 : memref<32xi32, #tpu.memory_space<vmem>>) semaphore(%arg36 : memref<!tpu.dma_semaphore, #tpu.memory_space<semaphore_mem>>)
    %dma_wait3A_1007 = arith.constant 96 : i32
    %dma_wait3A_1008 = tpu.memref_slice %arg20[%dma_wait3A_1007] : memref<128xi32, #tpu.memory_space<vmem>> -> memref<32xi32, #tpu.memory_space<vmem>>
    %dma_wait3A_1009 = arith.constant 0 : i32
    %dma_wait3A_1010 = arith.constant 0 : i32
    %dma_wait3A_1011 = tpu.memref_slice %arg7[%dma_wait3A_1009, %dma_wait3A_1010] : memref<16384x128xf32, #tpu.memory_space<hbm>> -> memref<16384x128xf32, #tpu.memory_space<hbm>>
    tpu.wait_indirect_dma semaphore(%arg36 : memref<!tpu.dma_semaphore, #tpu.memory_space<semaphore_mem>>) src(%dma_wait3A_1011 : memref<16384x128xf32, #tpu.memory_space<hbm>>) dst(%arg21 : memref<32x128xf32, #tpu.memory_space<vmem>>)
    %get3A_1012 = arith.constant 96 : index
    %get3A_1013 = tpu.vector_load %arg15[%get3A_1012] {strides = array<i32>} : memref<128xi32, #tpu.memory_space<vmem>>, vector<16xi32>,
    %get3A_1014 = arith.constant 96 : index
    %get3A_1015 = tpu.vector_load %arg16[%get3A_1014] {strides = array<i32>} : memref<128xi32, #tpu.memory_space<vmem>>, vector<16xi32>,
    %add3A_1016 = arith.constant 0 : i32
    %add3A_1017 = vector.broadcast %add3A_1016 : i32 to vector<16xi32>
    %add3A_1018 = arith.addi %iota3A, %add3A_1017 : vector<16xi32>
    %mul3A_1019 = arith.constant 4096 : i32
    %mul3A_1020 = vector.broadcast %mul3A_1019 : i32 to vector<16xi32>
    %mul3A_1021 = arith.muli %get3A_1013, %mul3A_1020 : vector<16xi32>
    %add3A_1022 = arith.addi %mul3A_1021, %get3A_1015 : vector<16xi32>
    %jit3A_1023 = arith.constant 128 : i32
    %eq3A_1024 = arith.constant 0 : i32
    %eq3A_1025 = arith.cmpi eq, %jit3A_1023, %eq3A_1024 : i32
    %jit3A_1026 = arith.constant 1 : i32
    %select_n3A_1027 = arith.select %eq3A_1025, %jit3A_1026, %jit3A_1023 : i32
    %rem3A_1028 = vector.broadcast %select_n3A_1027 : i32 to vector<16xi32>
    %rem3A_1029 = arith.remsi %add3A_1022, %rem3A_1028 : vector<16xi32>
    %ne3A_1030 = arith.constant 0 : i32
    %ne3A_1031 = vector.broadcast %ne3A_1030 : i32 to vector<16xi32>
    %ne3A_1032 = arith.cmpi ne, %rem3A_1029, %ne3A_1031 : vector<16xi32>
    %lt3A_1033 = arith.constant 0 : i32
    %lt3A_1034 = vector.broadcast %lt3A_1033 : i32 to vector<16xi32>
    %lt3A_1035 = arith.cmpi slt, %rem3A_1029, %lt3A_1034 : vector<16xi32>
    %lt3A_1036 = arith.constant 0 : i32
    %lt3A_1037 = arith.cmpi slt, %select_n3A_1027, %lt3A_1036 : i32
    %ne3A_1038 = vector.broadcast %lt3A_1037 : i1 to vector<16xi1>
    %ne3A_1039 = vector.broadcast %ne3A_1038 : vector<16xi1> to vector<16xi1>
    %ne3A_1040 = arith.xori %lt3A_1035, %ne3A_1039 : vector<16xi1>
    %and3A_1041 = arith.andi %ne3A_1040, %ne3A_1032 : vector<16xi1>
    %add3A_1042 = vector.broadcast %select_n3A_1027 : i32 to vector<16xi32>
    %add3A_1043 = arith.addi %rem3A_1029, %add3A_1042 : vector<16xi32>
    %select_n3A_1044 = arith.select %and3A_1041, %add3A_1043, %rem3A_1029 : vector<16xi1>, vector<16xi32>
    %gather3A_1045 = tpu.vector_load_idx %arg21[%add3A_1018, %select_n3A_1044] : memref<32x128xf32, #tpu.memory_space<vmem>>[vector<16xi32>, vector<16xi32>], vector<16xf32>,
    %swap3A_1046 = arith.constant 96 : index
    %swap3A_1047 = tpu.vector_load %arg23[%swap3A_1046] {strides = array<i32>} : memref<128xf32, #tpu.memory_space<vmem>>, vector<16xf32>,
    tpu.vector_store %arg23[%swap3A_1046], %gather3A_1045 {strides = array<i32>} : memref<128xf32, #tpu.memory_space<vmem>>, vector<16xf32>,
    %get3A_1048 = arith.constant 112 : index
    %get3A_1049 = tpu.vector_load %arg15[%get3A_1048] {strides = array<i32>} : memref<128xi32, #tpu.memory_space<vmem>>, vector<16xi32>,
    %get3A_1050 = arith.constant 112 : index
    %get3A_1051 = tpu.vector_load %arg16[%get3A_1050] {strides = array<i32>} : memref<128xi32, #tpu.memory_space<vmem>>, vector<16xi32>,
    %add3A_1052 = arith.constant 16 : i32
    %add3A_1053 = vector.broadcast %add3A_1052 : i32 to vector<16xi32>
    %add3A_1054 = arith.addi %iota3A, %add3A_1053 : vector<16xi32>
    %mul3A_1055 = arith.constant 4096 : i32
    %mul3A_1056 = vector.broadcast %mul3A_1055 : i32 to vector<16xi32>
    %mul3A_1057 = arith.muli %get3A_1049, %mul3A_1056 : vector<16xi32>
    %add3A_1058 = arith.addi %mul3A_1057, %get3A_1051 : vector<16xi32>
    %jit3A_1059 = arith.constant 128 : i32
    %eq3A_1060 = arith.constant 0 : i32
    %eq3A_1061 = arith.cmpi eq, %jit3A_1059, %eq3A_1060 : i32
    %jit3A_1062 = arith.constant 1 : i32
    %select_n3A_1063 = arith.select %eq3A_1061, %jit3A_1062, %jit3A_1059 : i32
    %rem3A_1064 = vector.broadcast %select_n3A_1063 : i32 to vector<16xi32>
    %rem3A_1065 = arith.remsi %add3A_1058, %rem3A_1064 : vector<16xi32>
    %ne3A_1066 = arith.constant 0 : i32
    %ne3A_1067 = vector.broadcast %ne3A_1066 : i32 to vector<16xi32>
    %ne3A_1068 = arith.cmpi ne, %rem3A_1065, %ne3A_1067 : vector<16xi32>
    %lt3A_1069 = arith.constant 0 : i32
    %lt3A_1070 = vector.broadcast %lt3A_1069 : i32 to vector<16xi32>
    %lt3A_1071 = arith.cmpi slt, %rem3A_1065, %lt3A_1070 : vector<16xi32>
    %lt3A_1072 = arith.constant 0 : i32
    %lt3A_1073 = arith.cmpi slt, %select_n3A_1063, %lt3A_1072 : i32
    %ne3A_1074 = vector.broadcast %lt3A_1073 : i1 to vector<16xi1>
    %ne3A_1075 = vector.broadcast %ne3A_1074 : vector<16xi1> to vector<16xi1>
    %ne3A_1076 = arith.xori %lt3A_1071, %ne3A_1075 : vector<16xi1>
    %and3A_1077 = arith.andi %ne3A_1076, %ne3A_1068 : vector<16xi1>
    %add3A_1078 = vector.broadcast %select_n3A_1063 : i32 to vector<16xi32>
    %add3A_1079 = arith.addi %rem3A_1065, %add3A_1078 : vector<16xi32>
    %select_n3A_1080 = arith.select %and3A_1077, %add3A_1079, %rem3A_1065 : vector<16xi1>, vector<16xi32>
    %gather3A_1081 = tpu.vector_load_idx %arg21[%add3A_1054, %select_n3A_1080] : memref<32x128xf32, #tpu.memory_space<vmem>>[vector<16xi32>, vector<16xi32>], vector<16xf32>,
    %swap3A_1082 = arith.constant 112 : index
    %swap3A_1083 = tpu.vector_load %arg23[%swap3A_1082] {strides = array<i32>} : memref<128xf32, #tpu.memory_space<vmem>>, vector<16xf32>,
    tpu.vector_store %arg23[%swap3A_1082], %gather3A_1081 {strides = array<i32>} : memref<128xf32, #tpu.memory_space<vmem>>, vector<16xf32>,
    %get3A_1084 = arith.constant 0 : index
    %get3A_1085 = tpu.vector_load %arg27[%get3A_1084] {strides = array<i32>} : memref<16xf32, #tpu.memory_space<vmem>>, vector<16xf32>,
    %eq3A_1086 = arith.constant 0 : i32
    %eq3A_1087 = vector.broadcast %eq3A_1086 : i32 to vector<16xi32>
    %eq3A_1088 = arith.cmpi eq, %iota3A, %eq3A_1087 : vector<16xi32>
    %jit3A_1089 = arith.constant 0.000000e+00 : f32
    %broadcast_in_dim3A = vector.broadcast %jit3A_1089 : f32 to vector<16xf32>
    %select_n3A_1090 = arith.select %eq3A_1088, %get3A_1085, %broadcast_in_dim3A : vector<16xi1>, vector<16xf32>
    %reduce_sum3A = arith.constant true
    %reduce_sum3A_1091 = vector.broadcast %reduce_sum3A : i1 to vector<16xi1>
    %reduce_sum3A_1092 = tpu.scan <sum>, %select_n3A_1090 masked %reduce_sum3A_1091 : vector<16xf32>, vector<16xi1> -> vector<16xf32>
    %reduce_sum3A_1093 = vector.extract %reduce_sum3A_1092[15] : f32 from vector<16xf32>
    %eq3A_1094 = arith.constant 1 : i32
    %eq3A_1095 = vector.broadcast %eq3A_1094 : i32 to vector<16xi32>
    %eq3A_1096 = arith.cmpi eq, %iota3A, %eq3A_1095 : vector<16xi32>
    %jit3A_1097 = arith.constant 0.000000e+00 : f32
    %broadcast_in_dim3A_1098 = vector.broadcast %jit3A_1097 : f32 to vector<16xf32>
    %select_n3A_1099 = arith.select %eq3A_1096, %get3A_1085, %broadcast_in_dim3A_1098 : vector<16xi1>, vector<16xf32>
    %reduce_sum3A_1100 = arith.constant true
    %reduce_sum3A_1101 = vector.broadcast %reduce_sum3A_1100 : i1 to vector<16xi1>
    %reduce_sum3A_1102 = tpu.scan <sum>, %select_n3A_1099 masked %reduce_sum3A_1101 : vector<16xf32>, vector<16xi1> -> vector<16xf32>
    %reduce_sum3A_1103 = vector.extract %reduce_sum3A_1102[15] : f32 from vector<16xf32>
    %eq3A_1104 = arith.constant 2 : i32
    %eq3A_1105 = vector.broadcast %eq3A_1104 : i32 to vector<16xi32>
    %eq3A_1106 = arith.cmpi eq, %iota3A, %eq3A_1105 : vector<16xi32>
    %jit3A_1107 = arith.constant 0.000000e+00 : f32
    %broadcast_in_dim3A_1108 = vector.broadcast %jit3A_1107 : f32 to vector<16xf32>
    %select_n3A_1109 = arith.select %eq3A_1106, %get3A_1085, %broadcast_in_dim3A_1108 : vector<16xi1>, vector<16xf32>
    %reduce_sum3A_1110 = arith.constant true
    %reduce_sum3A_1111 = vector.broadcast %reduce_sum3A_1110 : i1 to vector<16xi1>
    %reduce_sum3A_1112 = tpu.scan <sum>, %select_n3A_1109 masked %reduce_sum3A_1111 : vector<16xf32>, vector<16xi1> -> vector<16xf32>
    %reduce_sum3A_1113 = vector.extract %reduce_sum3A_1112[15] : f32 from vector<16xf32>
    %broadcast_in_dim3A_1114 = arith.constant 0.000000e+00 : f32
    %broadcast_in_dim3A_1115 = vector.broadcast %broadcast_in_dim3A_1114 : f32 to vector<16xf32>
    %broadcast_in_dim3A_1116 = arith.constant 0 : i32
    %broadcast_in_dim3A_1117 = vector.broadcast %broadcast_in_dim3A_1116 : i32 to vector<16xi32>
    %scan3A = arith.constant 0 : i32
    %scan3A_1118 = arith.constant 0 : i32
    %scan3A_1119 = arith.constant 16 : i32
    %scan3A_1120 = arith.addi %scan3A_1118, %scan3A_1119 : i32
    %scan3A_1121 = arith.constant 1 : i32
    scf.for %scan3A_1123 = %scan3A_1118 to %scan3A_1120 step %scan3A_1121  : i32 {
      %mul3A_1124 = arith.constant 8 : i32
      %mul3A_1125 = arith.muli %scan3A_1123, %mul3A_1124 : i32
      %dma_start3A_1126 = tpu.memref_slice %arg16[%mul3A_1125] : memref<128xi32, #tpu.memory_space<vmem>> -> memref<8xi32, #tpu.memory_space<vmem>>
      %dma_start3A_1127 = arith.constant 0 : i32
      %dma_start3A_1128 = arith.constant 0 : i32
      %dma_start3A_1129 = tpu.memref_slice %arg4[%dma_start3A_1127, %dma_start3A_1128] : memref<4096x4096xf32, #tpu.memory_space<hbm>> -> memref<4096x4096xf32, #tpu.memory_space<hbm>>
      tpu.enqueue_indirect_dma source(%dma_start3A_1129 : memref<4096x4096xf32, #tpu.memory_space<hbm>>) target(%arg28 : memref<8x4096xf32, #tpu.memory_space<vmem>>) offsets(%dma_start3A_1126 : memref<8xi32, #tpu.memory_space<vmem>>) semaphore(%arg36 : memref<!tpu.dma_semaphore, #tpu.memory_space<semaphore_mem>>)
      %dma_start3A_1130 = tpu.memref_slice %arg18[%mul3A_1125] : memref<128xi32, #tpu.memory_space<vmem>> -> memref<8xi32, #tpu.memory_space<vmem>>
      %dma_start3A_1131 = arith.constant 0 : i32
      %dma_start3A_1132 = arith.constant 0 : i32
      %dma_start3A_1133 = tpu.memref_slice %arg2[%dma_start3A_1131, %dma_start3A_1132] : memref<4096x4096xf32, #tpu.memory_space<hbm>> -> memref<4096x4096xf32, #tpu.memory_space<hbm>>
      tpu.enqueue_indirect_dma source(%dma_start3A_1133 : memref<4096x4096xf32, #tpu.memory_space<hbm>>) target(%arg29 : memref<8x4096xf32, #tpu.memory_space<vmem>>) offsets(%dma_start3A_1130 : memref<8xi32, #tpu.memory_space<vmem>>) semaphore(%arg36 : memref<!tpu.dma_semaphore, #tpu.memory_space<semaphore_mem>>)
      %dma_start3A_1134 = tpu.memref_slice %arg19[%mul3A_1125] : memref<128xi32, #tpu.memory_space<vmem>> -> memref<8xi32, #tpu.memory_space<vmem>>
      %dma_start3A_1135 = arith.constant 0 : i32
      %dma_start3A_1136 = arith.constant 0 : i32
      %dma_start3A_1137 = tpu.memref_slice %arg3[%dma_start3A_1135, %dma_start3A_1136] : memref<32768x512xf32, #tpu.memory_space<hbm>> -> memref<32768x512xf32, #tpu.memory_space<hbm>>
      tpu.enqueue_indirect_dma source(%dma_start3A_1137 : memref<32768x512xf32, #tpu.memory_space<hbm>>) target(%arg30 : memref<8x512xf32, #tpu.memory_space<vmem>>) offsets(%dma_start3A_1134 : memref<8xi32, #tpu.memory_space<vmem>>) semaphore(%arg36 : memref<!tpu.dma_semaphore, #tpu.memory_space<semaphore_mem>>)
      %dma_start3A_1138 = tpu.memref_slice %arg15[%mul3A_1125] : memref<128xi32, #tpu.memory_space<vmem>> -> memref<8xi32, #tpu.memory_space<vmem>>
      %dma_start3A_1139 = arith.constant 0 : i32
      %dma_start3A_1140 = arith.constant 0 : i32
      %dma_start3A_1141 = tpu.memref_slice %arg5[%dma_start3A_1139, %dma_start3A_1140] : memref<512x512xf32, #tpu.memory_space<hbm>> -> memref<512x512xf32, #tpu.memory_space<hbm>>
      tpu.enqueue_indirect_dma source(%dma_start3A_1141 : memref<512x512xf32, #tpu.memory_space<hbm>>) target(%arg31 : memref<8x512xf32, #tpu.memory_space<vmem>>) offsets(%dma_start3A_1138 : memref<8xi32, #tpu.memory_space<vmem>>) semaphore(%arg36 : memref<!tpu.dma_semaphore, #tpu.memory_space<semaphore_mem>>)
      %dma_wait3A_1142 = tpu.memref_slice %arg16[%mul3A_1125] : memref<128xi32, #tpu.memory_space<vmem>> -> memref<8xi32, #tpu.memory_space<vmem>>
      %dma_wait3A_1143 = arith.constant 0 : i32
      %dma_wait3A_1144 = arith.constant 0 : i32
      %dma_wait3A_1145 = tpu.memref_slice %arg4[%dma_wait3A_1143, %dma_wait3A_1144] : memref<4096x4096xf32, #tpu.memory_space<hbm>> -> memref<4096x4096xf32, #tpu.memory_space<hbm>>
      tpu.wait_indirect_dma semaphore(%arg36 : memref<!tpu.dma_semaphore, #tpu.memory_space<semaphore_mem>>) src(%dma_wait3A_1145 : memref<4096x4096xf32, #tpu.memory_space<hbm>>) dst(%arg28 : memref<8x4096xf32, #tpu.memory_space<vmem>>)
      %dma_wait3A_1146 = tpu.memref_slice %arg18[%mul3A_1125] : memref<128xi32, #tpu.memory_space<vmem>> -> memref<8xi32, #tpu.memory_space<vmem>>
      %dma_wait3A_1147 = arith.constant 0 : i32
      %dma_wait3A_1148 = arith.constant 0 : i32
      %dma_wait3A_1149 = tpu.memref_slice %arg2[%dma_wait3A_1147, %dma_wait3A_1148] : memref<4096x4096xf32, #tpu.memory_space<hbm>> -> memref<4096x4096xf32, #tpu.memory_space<hbm>>
      tpu.wait_indirect_dma semaphore(%arg36 : memref<!tpu.dma_semaphore, #tpu.memory_space<semaphore_mem>>) src(%dma_wait3A_1149 : memref<4096x4096xf32, #tpu.memory_space<hbm>>) dst(%arg29 : memref<8x4096xf32, #tpu.memory_space<vmem>>)
      %dma_wait3A_1150 = tpu.memref_slice %arg19[%mul3A_1125] : memref<128xi32, #tpu.memory_space<vmem>> -> memref<8xi32, #tpu.memory_space<vmem>>
      %dma_wait3A_1151 = arith.constant 0 : i32
      %dma_wait3A_1152 = arith.constant 0 : i32
      %dma_wait3A_1153 = tpu.memref_slice %arg3[%dma_wait3A_1151, %dma_wait3A_1152] : memref<32768x512xf32, #tpu.memory_space<hbm>> -> memref<32768x512xf32, #tpu.memory_space<hbm>>
      tpu.wait_indirect_dma semaphore(%arg36 : memref<!tpu.dma_semaphore, #tpu.memory_space<semaphore_mem>>) src(%dma_wait3A_1153 : memref<32768x512xf32, #tpu.memory_space<hbm>>) dst(%arg30 : memref<8x512xf32, #tpu.memory_space<vmem>>)
      %dma_wait3A_1154 = tpu.memref_slice %arg15[%mul3A_1125] : memref<128xi32, #tpu.memory_space<vmem>> -> memref<8xi32, #tpu.memory_space<vmem>>
      %dma_wait3A_1155 = arith.constant 0 : i32
      %dma_wait3A_1156 = arith.constant 0 : i32
      %dma_wait3A_1157 = tpu.memref_slice %arg5[%dma_wait3A_1155, %dma_wait3A_1156] : memref<512x512xf32, #tpu.memory_space<hbm>> -> memref<512x512xf32, #tpu.memory_space<hbm>>
      tpu.wait_indirect_dma semaphore(%arg36 : memref<!tpu.dma_semaphore, #tpu.memory_space<semaphore_mem>>) src(%dma_wait3A_1157 : memref<512x512xf32, #tpu.memory_space<hbm>>) dst(%arg31 : memref<8x512xf32, #tpu.memory_space<vmem>>)
      %scan3A_1158 = arith.constant 0 : i32
      %scan3A_1159 = arith.constant 0 : i32
      %scan3A_1160 = arith.constant 8 : i32
      %scan3A_1161 = arith.addi %scan3A_1159, %scan3A_1160 : i32
      %scan3A_1162 = arith.constant 1 : i32
      scf.for %scan3A_1164 = %scan3A_1159 to %scan3A_1161 step %scan3A_1162  : i32 {
        %add3A_1165 = arith.addi %mul3A_1125, %scan3A_1164 : i32
        %broadcast_in_dim3A_1166 = arith.constant 0 : i32
        %broadcast_in_dim3A_1167 = vector.broadcast %broadcast_in_dim3A_1166 : i32 to vector<16xi32>
        %add3A_1168 = vector.broadcast %add3A_1165 : i32 to vector<16xi32>
        %add3A_1169 = arith.addi %broadcast_in_dim3A_1167, %add3A_1168 : vector<16xi32>
        %gather3A_1170 = tpu.vector_load_idx %arg17[%add3A_1169] : memref<128xi32, #tpu.memory_space<vmem>>[vector<16xi32>], vector<16xi32>,
        %reduce_max3A = arith.constant true
        %reduce_max3A_1171 = vector.broadcast %reduce_max3A : i1 to vector<16xi1>
        %reduce_max3A_1172 = arith.constant -2147483648 : i32
        %reduce_max3A_1173 = vector.broadcast %reduce_max3A_1172 : i32 to vector<16xi32>
        %reduce_max3A_1174 = arith.xori %gather3A_1170, %reduce_max3A_1173 : vector<16xi32>
        %reduce_max3A_1175 = tpu.scan <max>, %reduce_max3A_1174 masked %reduce_max3A_1171 : vector<16xi32>, vector<16xi1> -> vector<16xi32>
        %reduce_max3A_1176 = arith.xori %reduce_max3A_1175, %reduce_max3A_1173 : vector<16xi32>
        %reduce_max3A_1177 = vector.extract %reduce_max3A_1176[15] : i32 from vector<16xi32>
        %gather3A_1178 = tpu.vector_load_idx %arg15[%add3A_1169] : memref<128xi32, #tpu.memory_space<vmem>>[vector<16xi32>], vector<16xi32>,
        %reduce_max3A_1179 = arith.constant true
        %reduce_max3A_1180 = vector.broadcast %reduce_max3A_1179 : i1 to vector<16xi1>
        %reduce_max3A_1181 = arith.constant -2147483648 : i32
        %reduce_max3A_1182 = vector.broadcast %reduce_max3A_1181 : i32 to vector<16xi32>
        %reduce_max3A_1183 = arith.xori %gather3A_1178, %reduce_max3A_1182 : vector<16xi32>
        %reduce_max3A_1184 = tpu.scan <max>, %reduce_max3A_1183 masked %reduce_max3A_1180 : vector<16xi32>, vector<16xi1> -> vector<16xi32>
        %reduce_max3A_1185 = arith.xori %reduce_max3A_1184, %reduce_max3A_1182 : vector<16xi32>
        %reduce_max3A_1186 = vector.extract %reduce_max3A_1185[15] : i32 from vector<16xi32>
        %gather3A_1187 = tpu.vector_load_idx %arg16[%add3A_1169] : memref<128xi32, #tpu.memory_space<vmem>>[vector<16xi32>], vector<16xi32>,
        %reduce_max3A_1188 = arith.constant true
        %reduce_max3A_1189 = vector.broadcast %reduce_max3A_1188 : i1 to vector<16xi1>
        %reduce_max3A_1190 = arith.constant -2147483648 : i32
        %reduce_max3A_1191 = vector.broadcast %reduce_max3A_1190 : i32 to vector<16xi32>
        %reduce_max3A_1192 = arith.xori %gather3A_1187, %reduce_max3A_1191 : vector<16xi32>
        %reduce_max3A_1193 = tpu.scan <max>, %reduce_max3A_1192 masked %reduce_max3A_1189 : vector<16xi32>, vector<16xi1> -> vector<16xi32>
        %reduce_max3A_1194 = arith.xori %reduce_max3A_1193, %reduce_max3A_1191 : vector<16xi32>
        %reduce_max3A_1195 = vector.extract %reduce_max3A_1194[15] : i32 from vector<16xi32>
        %mul3A_1196 = arith.constant 4096 : i32
        %mul3A_1197 = arith.muli %reduce_max3A_1177, %mul3A_1196 : i32
        %mul3A_1198 = arith.constant 512 : i32
        %mul3A_1199 = arith.muli %reduce_max3A_1177, %mul3A_1198 : i32
        %scan3A_1200 = arith.constant 0 : i32
        %scan3A_1201 = arith.constant 0 : i32
        %scan3A_1202 = arith.constant 256 : i32
        %scan3A_1203 = arith.addi %scan3A_1201, %scan3A_1202 : i32
        %scan3A_1204 = arith.constant 4 : i32
        %scan3A_1205 = scf.for %scan3A_1565 = %scan3A_1201 to %scan3A_1203 step %scan3A_1204 iter_args(%scan3A_1566 = %scan3A_1200) -> (i32)  : i32 {
          %mul3A_1567 = arith.constant 16 : i32
          %mul3A_1568 = arith.muli %scan3A_1565, %mul3A_1567 : i32
          %get3A_1569 = arith.index_cast %scan3A_1164 : i32 to index
          %get3A_1570 = arith.index_cast %mul3A_1568 : i32 to index
          %get3A_1571 = tpu.vector_load %arg28[%get3A_1569, %get3A_1570] {strides = array<i32>} : memref<8x4096xf32, #tpu.memory_space<vmem>>, vector<16xf32>,
          %mul3A_1572 = arith.constant 16 : i32
          %mul3A_1573 = arith.muli %scan3A_1565, %mul3A_1572 : i32
          %get3A_1574 = arith.index_cast %scan3A_1164 : i32 to index
          %get3A_1575 = arith.index_cast %mul3A_1573 : i32 to index
          %get3A_1576 = tpu.vector_load %arg29[%get3A_1574, %get3A_1575] {strides = array<i32>} : memref<8x4096xf32, #tpu.memory_space<vmem>>, vector<16xf32>,
          %mul3A_1577 = arith.constant 16 : i32
          %mul3A_1578 = arith.muli %scan3A_1565, %mul3A_1577 : i32
          %add3A_1579 = arith.addi %mul3A_1197, %mul3A_1578 : i32
          %get3A_1580 = arith.index_cast %add3A_1579 : i32 to index
          %get3A_1581 = tpu.vector_load %arg25[%get3A_1580] {strides = array<i32>} : memref<32768xf32, #tpu.memory_space<vmem>>, vector<16xf32>,
          %gt3A_1582 = arith.constant 0.000000e+00 : f32
          %gt3A_1583 = vector.broadcast %gt3A_1582 : f32 to vector<16xf32>
          %gt3A_1584 = arith.cmpf ogt, %get3A_1576, %gt3A_1583 : vector<16xf32>
          %gt3A_1585 = arith.constant 0.000000e+00 : f32
          %gt3A_1586 = vector.broadcast %gt3A_1585 : f32 to vector<16xf32>
          %gt3A_1587 = arith.cmpf ogt, %get3A_1571, %gt3A_1586 : vector<16xf32>
          %and3A_1588 = arith.andi %gt3A_1584, %gt3A_1587 : vector<16xi1>
          %swap3A_1589 = arith.index_cast %scan3A_1566 : i32 to index
          %swap3A_1590 = tpu.vector_load %arg32[%swap3A_1589] masked %and3A_1588 {strides = array<i32>} : memref<4112xf32, #tpu.memory_space<vmem>>, vector<16xf32>, vector<16xi1>
          tpu.vector_store %arg32[%swap3A_1589], %get3A_1571 masked %and3A_1588 {strides = array<i32>} : memref<4112xf32, #tpu.memory_space<vmem>>, vector<16xf32>, vector<16xi1>
          %sub3A_1591 = arith.subf %get3A_1576, %get3A_1581 : vector<16xf32>
          %swap3A_1592 = arith.index_cast %scan3A_1566 : i32 to index
          %swap3A_1593 = tpu.vector_load %arg33[%swap3A_1592] masked %and3A_1588 {strides = array<i32>} : memref<4112xf32, #tpu.memory_space<vmem>>, vector<16xf32>, vector<16xi1>
          tpu.vector_store %arg33[%swap3A_1592], %sub3A_1591 masked %and3A_1588 {strides = array<i32>} : memref<4112xf32, #tpu.memory_space<vmem>>, vector<16xf32>, vector<16xi1>
          %convert_element_type3A_1594 = arith.extui %and3A_1588 : vector<16xi1> to vector<16xi32>
          %reduce_sum3A_1595 = arith.constant true
          %reduce_sum3A_1596 = vector.broadcast %reduce_sum3A_1595 : i1 to vector<16xi1>
          %reduce_sum3A_1597 = tpu.scan <sum>, %convert_element_type3A_1594 masked %reduce_sum3A_1596 : vector<16xi32>, vector<16xi1> -> vector<16xi32>
          %reduce_sum3A_1598 = vector.extract %reduce_sum3A_1597[15] : i32 from vector<16xi32>
          %add3A_1599 = arith.addi %scan3A_1566, %reduce_sum3A_1598 : i32
          %scan3A_1600 = arith.constant 1 : i32
          %scan3A_1601 = arith.addi %scan3A_1565, %scan3A_1600 : i32
          %mul3A_1602 = arith.constant 16 : i32
          %mul3A_1603 = arith.muli %scan3A_1601, %mul3A_1602 : i32
          %get3A_1604 = arith.index_cast %scan3A_1164 : i32 to index
          %get3A_1605 = arith.index_cast %mul3A_1603 : i32 to index
          %get3A_1606 = tpu.vector_load %arg28[%get3A_1604, %get3A_1605] {strides = array<i32>} : memref<8x4096xf32, #tpu.memory_space<vmem>>, vector<16xf32>,
          %mul3A_1607 = arith.constant 16 : i32
          %mul3A_1608 = arith.muli %scan3A_1601, %mul3A_1607 : i32
          %get3A_1609 = arith.index_cast %scan3A_1164 : i32 to index
          %get3A_1610 = arith.index_cast %mul3A_1608 : i32 to index
          %get3A_1611 = tpu.vector_load %arg29[%get3A_1609, %get3A_1610] {strides = array<i32>} : memref<8x4096xf32, #tpu.memory_space<vmem>>, vector<16xf32>,
          %mul3A_1612 = arith.constant 16 : i32
          %mul3A_1613 = arith.muli %scan3A_1601, %mul3A_1612 : i32
          %add3A_1614 = arith.addi %mul3A_1197, %mul3A_1613 : i32
          %get3A_1615 = arith.index_cast %add3A_1614 : i32 to index
          %get3A_1616 = tpu.vector_load %arg25[%get3A_1615] {strides = array<i32>} : memref<32768xf32, #tpu.memory_space<vmem>>, vector<16xf32>,
          %gt3A_1617 = arith.constant 0.000000e+00 : f32
          %gt3A_1618 = vector.broadcast %gt3A_1617 : f32 to vector<16xf32>
          %gt3A_1619 = arith.cmpf ogt, %get3A_1611, %gt3A_1618 : vector<16xf32>
          %gt3A_1620 = arith.constant 0.000000e+00 : f32
          %gt3A_1621 = vector.broadcast %gt3A_1620 : f32 to vector<16xf32>
          %gt3A_1622 = arith.cmpf ogt, %get3A_1606, %gt3A_1621 : vector<16xf32>
          %and3A_1623 = arith.andi %gt3A_1619, %gt3A_1622 : vector<16xi1>
          %swap3A_1624 = arith.index_cast %add3A_1599 : i32 to index
          %swap3A_1625 = tpu.vector_load %arg32[%swap3A_1624] masked %and3A_1623 {strides = array<i32>} : memref<4112xf32, #tpu.memory_space<vmem>>, vector<16xf32>, vector<16xi1>
          tpu.vector_store %arg32[%swap3A_1624], %get3A_1606 masked %and3A_1623 {strides = array<i32>} : memref<4112xf32, #tpu.memory_space<vmem>>, vector<16xf32>, vector<16xi1>
          %sub3A_1626 = arith.subf %get3A_1611, %get3A_1616 : vector<16xf32>
          %swap3A_1627 = arith.index_cast %add3A_1599 : i32 to index
          %swap3A_1628 = tpu.vector_load %arg33[%swap3A_1627] masked %and3A_1623 {strides = array<i32>} : memref<4112xf32, #tpu.memory_space<vmem>>, vector<16xf32>, vector<16xi1>
          tpu.vector_store %arg33[%swap3A_1627], %sub3A_1626 masked %and3A_1623 {strides = array<i32>} : memref<4112xf32, #tpu.memory_space<vmem>>, vector<16xf32>, vector<16xi1>
          %convert_element_type3A_1629 = arith.extui %and3A_1623 : vector<16xi1> to vector<16xi32>
          %reduce_sum3A_1630 = arith.constant true
          %reduce_sum3A_1631 = vector.broadcast %reduce_sum3A_1630 : i1 to vector<16xi1>
          %reduce_sum3A_1632 = tpu.scan <sum>, %convert_element_type3A_1629 masked %reduce_sum3A_1631 : vector<16xi32>, vector<16xi1> -> vector<16xi32>
          %reduce_sum3A_1633 = vector.extract %reduce_sum3A_1632[15] : i32 from vector<16xi32>
          %add3A_1634 = arith.addi %add3A_1599, %reduce_sum3A_1633 : i32
          %scan3A_1635 = arith.constant 2 : i32
          %scan3A_1636 = arith.addi %scan3A_1565, %scan3A_1635 : i32
          %mul3A_1637 = arith.constant 16 : i32
          %mul3A_1638 = arith.muli %scan3A_1636, %mul3A_1637 : i32
          %get3A_1639 = arith.index_cast %scan3A_1164 : i32 to index
          %get3A_1640 = arith.index_cast %mul3A_1638 : i32 to index
          %get3A_1641 = tpu.vector_load %arg28[%get3A_1639, %get3A_1640] {strides = array<i32>} : memref<8x4096xf32, #tpu.memory_space<vmem>>, vector<16xf32>,
          %mul3A_1642 = arith.constant 16 : i32
          %mul3A_1643 = arith.muli %scan3A_1636, %mul3A_1642 : i32
          %get3A_1644 = arith.index_cast %scan3A_1164 : i32 to index
          %get3A_1645 = arith.index_cast %mul3A_1643 : i32 to index
          %get3A_1646 = tpu.vector_load %arg29[%get3A_1644, %get3A_1645] {strides = array<i32>} : memref<8x4096xf32, #tpu.memory_space<vmem>>, vector<16xf32>,
          %mul3A_1647 = arith.constant 16 : i32
          %mul3A_1648 = arith.muli %scan3A_1636, %mul3A_1647 : i32
          %add3A_1649 = arith.addi %mul3A_1197, %mul3A_1648 : i32
          %get3A_1650 = arith.index_cast %add3A_1649 : i32 to index
          %get3A_1651 = tpu.vector_load %arg25[%get3A_1650] {strides = array<i32>} : memref<32768xf32, #tpu.memory_space<vmem>>, vector<16xf32>,
          %gt3A_1652 = arith.constant 0.000000e+00 : f32
          %gt3A_1653 = vector.broadcast %gt3A_1652 : f32 to vector<16xf32>
          %gt3A_1654 = arith.cmpf ogt, %get3A_1646, %gt3A_1653 : vector<16xf32>
          %gt3A_1655 = arith.constant 0.000000e+00 : f32
          %gt3A_1656 = vector.broadcast %gt3A_1655 : f32 to vector<16xf32>
          %gt3A_1657 = arith.cmpf ogt, %get3A_1641, %gt3A_1656 : vector<16xf32>
          %and3A_1658 = arith.andi %gt3A_1654, %gt3A_1657 : vector<16xi1>
          %swap3A_1659 = arith.index_cast %add3A_1634 : i32 to index
          %swap3A_1660 = tpu.vector_load %arg32[%swap3A_1659] masked %and3A_1658 {strides = array<i32>} : memref<4112xf32, #tpu.memory_space<vmem>>, vector<16xf32>, vector<16xi1>
          tpu.vector_store %arg32[%swap3A_1659], %get3A_1641 masked %and3A_1658 {strides = array<i32>} : memref<4112xf32, #tpu.memory_space<vmem>>, vector<16xf32>, vector<16xi1>
          %sub3A_1661 = arith.subf %get3A_1646, %get3A_1651 : vector<16xf32>
          %swap3A_1662 = arith.index_cast %add3A_1634 : i32 to index
          %swap3A_1663 = tpu.vector_load %arg33[%swap3A_1662] masked %and3A_1658 {strides = array<i32>} : memref<4112xf32, #tpu.memory_space<vmem>>, vector<16xf32>, vector<16xi1>
          tpu.vector_store %arg33[%swap3A_1662], %sub3A_1661 masked %and3A_1658 {strides = array<i32>} : memref<4112xf32, #tpu.memory_space<vmem>>, vector<16xf32>, vector<16xi1>
          %convert_element_type3A_1664 = arith.extui %and3A_1658 : vector<16xi1> to vector<16xi32>
          %reduce_sum3A_1665 = arith.constant true
          %reduce_sum3A_1666 = vector.broadcast %reduce_sum3A_1665 : i1 to vector<16xi1>
          %reduce_sum3A_1667 = tpu.scan <sum>, %convert_element_type3A_1664 masked %reduce_sum3A_1666 : vector<16xi32>, vector<16xi1> -> vector<16xi32>
          %reduce_sum3A_1668 = vector.extract %reduce_sum3A_1667[15] : i32 from vector<16xi32>
          %add3A_1669 = arith.addi %add3A_1634, %reduce_sum3A_1668 : i32
          %scan3A_1670 = arith.constant 3 : i32
          %scan3A_1671 = arith.addi %scan3A_1565, %scan3A_1670 : i32
          %mul3A_1672 = arith.constant 16 : i32
          %mul3A_1673 = arith.muli %scan3A_1671, %mul3A_1672 : i32
          %get3A_1674 = arith.index_cast %scan3A_1164 : i32 to index
          %get3A_1675 = arith.index_cast %mul3A_1673 : i32 to index
          %get3A_1676 = tpu.vector_load %arg28[%get3A_1674, %get3A_1675] {strides = array<i32>} : memref<8x4096xf32, #tpu.memory_space<vmem>>, vector<16xf32>,
          %mul3A_1677 = arith.constant 16 : i32
          %mul3A_1678 = arith.muli %scan3A_1671, %mul3A_1677 : i32
          %get3A_1679 = arith.index_cast %scan3A_1164 : i32 to index
          %get3A_1680 = arith.index_cast %mul3A_1678 : i32 to index
          %get3A_1681 = tpu.vector_load %arg29[%get3A_1679, %get3A_1680] {strides = array<i32>} : memref<8x4096xf32, #tpu.memory_space<vmem>>, vector<16xf32>,
          %mul3A_1682 = arith.constant 16 : i32
          %mul3A_1683 = arith.muli %scan3A_1671, %mul3A_1682 : i32
          %add3A_1684 = arith.addi %mul3A_1197, %mul3A_1683 : i32
          %get3A_1685 = arith.index_cast %add3A_1684 : i32 to index
          %get3A_1686 = tpu.vector_load %arg25[%get3A_1685] {strides = array<i32>} : memref<32768xf32, #tpu.memory_space<vmem>>, vector<16xf32>,
          %gt3A_1687 = arith.constant 0.000000e+00 : f32
          %gt3A_1688 = vector.broadcast %gt3A_1687 : f32 to vector<16xf32>
          %gt3A_1689 = arith.cmpf ogt, %get3A_1681, %gt3A_1688 : vector<16xf32>
          %gt3A_1690 = arith.constant 0.000000e+00 : f32
          %gt3A_1691 = vector.broadcast %gt3A_1690 : f32 to vector<16xf32>
          %gt3A_1692 = arith.cmpf ogt, %get3A_1676, %gt3A_1691 : vector<16xf32>
          %and3A_1693 = arith.andi %gt3A_1689, %gt3A_1692 : vector<16xi1>
          %swap3A_1694 = arith.index_cast %add3A_1669 : i32 to index
          %swap3A_1695 = tpu.vector_load %arg32[%swap3A_1694] masked %and3A_1693 {strides = array<i32>} : memref<4112xf32, #tpu.memory_space<vmem>>, vector<16xf32>, vector<16xi1>
          tpu.vector_store %arg32[%swap3A_1694], %get3A_1676 masked %and3A_1693 {strides = array<i32>} : memref<4112xf32, #tpu.memory_space<vmem>>, vector<16xf32>, vector<16xi1>
          %sub3A_1696 = arith.subf %get3A_1681, %get3A_1686 : vector<16xf32>
          %swap3A_1697 = arith.index_cast %add3A_1669 : i32 to index
          %swap3A_1698 = tpu.vector_load %arg33[%swap3A_1697] masked %and3A_1693 {strides = array<i32>} : memref<4112xf32, #tpu.memory_space<vmem>>, vector<16xf32>, vector<16xi1>
          tpu.vector_store %arg33[%swap3A_1697], %sub3A_1696 masked %and3A_1693 {strides = array<i32>} : memref<4112xf32, #tpu.memory_space<vmem>>, vector<16xf32>, vector<16xi1>
          %convert_element_type3A_1699 = arith.extui %and3A_1693 : vector<16xi1> to vector<16xi32>
          %reduce_sum3A_1700 = arith.constant true
          %reduce_sum3A_1701 = vector.broadcast %reduce_sum3A_1700 : i1 to vector<16xi1>
          %reduce_sum3A_1702 = tpu.scan <sum>, %convert_element_type3A_1699 masked %reduce_sum3A_1701 : vector<16xi32>, vector<16xi1> -> vector<16xi32>
          %reduce_sum3A_1703 = vector.extract %reduce_sum3A_1702[15] : i32 from vector<16xi32>
          %add3A_1704 = arith.addi %add3A_1669, %reduce_sum3A_1703 : i32
          scf.yield %add3A_1704 : i32
        }
        %scan3A_1206 = arith.constant 256 : i32
        %swap3A_1207 = arith.index_cast %scan3A_1205 : i32 to index
        %swap3A_1208 = tpu.vector_load %arg32[%swap3A_1207] {strides = array<i32>} : memref<4112xf32, #tpu.memory_space<vmem>>, vector<16xf32>,
        tpu.vector_store %arg32[%swap3A_1207], %broadcast_in_dim3A_1115 {strides = array<i32>} : memref<4112xf32, #tpu.memory_space<vmem>>, vector<16xf32>,
        %swap3A_1209 = arith.index_cast %scan3A_1205 : i32 to index
        %swap3A_1210 = tpu.vector_load %arg33[%swap3A_1209] {strides = array<i32>} : memref<4112xf32, #tpu.memory_space<vmem>>, vector<16xf32>,
        tpu.vector_store %arg33[%swap3A_1209], %broadcast_in_dim3A_1115 {strides = array<i32>} : memref<4112xf32, #tpu.memory_space<vmem>>, vector<16xf32>,
        %jit3A_1211 = arith.constant 16 : i32
        %div3A_1212 = arith.divsi %scan3A_1205, %jit3A_1211 : i32
        %sign3A_1213 = arith.constant 0 : i32
        %sign3A_1214 = arith.cmpi sgt, %scan3A_1205, %sign3A_1213 : i32
        %sign3A_1215 = arith.extui %sign3A_1214 : i1 to i32
        %sign3A_1216 = arith.constant 0 : i32
        %sign3A_1217 = arith.cmpi slt, %scan3A_1205, %sign3A_1216 : i32
        %sign3A_1218 = arith.extui %sign3A_1217 : i1 to i32
        %sign3A_1219 = arith.subi %sign3A_1215, %sign3A_1218 : i32
        %sign3A_1220 = arith.constant 0 : i32
        %sign3A_1221 = arith.cmpi sgt, %jit3A_1211, %sign3A_1220 : i32
        %sign3A_1222 = arith.extui %sign3A_1221 : i1 to i32
        %sign3A_1223 = arith.constant 0 : i32
        %sign3A_1224 = arith.cmpi slt, %jit3A_1211, %sign3A_1223 : i32
        %sign3A_1225 = arith.extui %sign3A_1224 : i1 to i32
        %sign3A_1226 = arith.subi %sign3A_1222, %sign3A_1225 : i32
        %ne3A_1227 = arith.cmpi ne, %sign3A_1219, %sign3A_1226 : i32
        %rem3A_1228 = arith.remsi %scan3A_1205, %jit3A_1211 : i32
        %ne3A_1229 = arith.constant 0 : i32
        %ne3A_1230 = arith.cmpi ne, %rem3A_1228, %ne3A_1229 : i32
        %and3A_1231 = arith.andi %ne3A_1227, %ne3A_1230 : i1
        %sub3A_1232 = arith.constant 1 : i32
        %sub3A_1233 = arith.subi %div3A_1212, %sub3A_1232 : i32
        %select_n3A_1234 = arith.select %and3A_1231, %sub3A_1233, %div3A_1212 : i32
        %add3A_1235 = arith.constant 1 : i32
        %add3A_1236 = arith.addi %select_n3A_1234, %add3A_1235 : i32
        %parallel_loop3A = arith.constant 0 : i32
        %parallel_loop3A_1237 = arith.constant 64 : i32
        %parallel_loop3A_1238 = arith.constant 1 : i32
        scf.for %parallel_loop3A_1565 = %parallel_loop3A to %parallel_loop3A_1237 step %parallel_loop3A_1238  : i32 {
          %parallel_loop3A_1566 = arith.constant 16 : i32
          %parallel_loop3A_1567 = arith.muli %parallel_loop3A_1565, %parallel_loop3A_1566 : i32
          %parallel_loop3A_1568 = arith.index_cast %parallel_loop3A_1567 : i32 to index
          %parallel_loop3A_1569 = tpu.vector_load %arg34[%parallel_loop3A_1568] {strides = array<i32>} : memref<1024xi32, #tpu.memory_space<vmem>>, vector<16xi32>,
          tpu.vector_store %arg34[%parallel_loop3A_1568], %broadcast_in_dim3A_1117 {strides = array<i32>} : memref<1024xi32, #tpu.memory_space<vmem>>, vector<16xi32>,
        } {sc.loop_unroll_factor = 8 : i64, sc.parallel_access}
        %parallel_loop3A_1239 = arith.constant 0 : i32
        %parallel_loop3A_1240 = arith.constant 1 : i32
        scf.for %parallel_loop3A_1565 = %parallel_loop3A_1239 to %add3A_1236 step %parallel_loop3A_1240  : i32 {
          %parallel_loop3A_1566 = arith.constant 16 : i32
          %parallel_loop3A_1567 = arith.muli %parallel_loop3A_1565, %parallel_loop3A_1566 : i32
          %parallel_loop3A_1568 = arith.index_cast %parallel_loop3A_1567 : i32 to index
          %parallel_loop3A_1569 = tpu.vector_load %arg32[%parallel_loop3A_1568] {strides = array<i32>} : memref<4112xf32, #tpu.memory_space<vmem>>, vector<16xf32>,
          %parallel_loop3A_1570 = vector.bitcast %parallel_loop3A_1569 : vector<16xf32> to vector<16xi32>
          %parallel_loop3A_1571 = arith.constant 20 : i32
          %parallel_loop3A_1572 = vector.broadcast %parallel_loop3A_1571 : i32 to vector<16xi32>
          %parallel_loop3A_1573 = arith.shrui %parallel_loop3A_1570, %parallel_loop3A_1572 : vector<16xi32>
          %parallel_loop3A_1574 = arith.constant true
          %parallel_loop3A_1575 = vector.broadcast %parallel_loop3A_1574 : i1 to vector<16xi1>
          %parallel_loop3A_1576, %parallel_loop3A_1577 = tpu.scan_count mask(%parallel_loop3A_1575 : vector<16xi1>) value(%parallel_loop3A_1573 : vector<16xi32>) : vector<16xi1>, vector<16xi32>
          tpu.vector_store_idx %arg34[%parallel_loop3A_1573], %parallel_loop3A_1577 masked %parallel_loop3A_1576 {add = true} : memref<1024xi32, #tpu.memory_space<vmem>>[vector<16xi32>], vector<16xi32>, vector<16xi1>
        } {sc.loop_unroll_factor = 4 : i64, sc.parallel_access}
        %parallel_loop3A_1241 = arith.constant 0 : i32
        %parallel_loop3A_1242 = arith.constant 64 : i32
        %parallel_loop3A_1243 = arith.constant 1 : i32
        %parallel_loop3A_1244 = arith.constant 0 : i32
        %parallel_loop3A_1245 = arith.constant 0 : i32
        %parallel_loop3A_1246 = arith.constant 0 : i32
        %parallel_loop3A_1247:3 = scf.for %parallel_loop3A_1565 = %parallel_loop3A_1241 to %parallel_loop3A_1242 step %parallel_loop3A_1243 iter_args(%parallel_loop3A_1566 = %parallel_loop3A_1244, %parallel_loop3A_1567 = %parallel_loop3A_1245, %parallel_loop3A_1568 = %parallel_loop3A_1246) -> (i32, i32, i32)  : i32 {
          %parallel_loop3A_1569 = arith.constant 63 : i32
          %parallel_loop3A_1570 = arith.subi %parallel_loop3A_1569, %parallel_loop3A_1565 : i32
          %parallel_loop3A_1571 = arith.constant 16 : i32
          %parallel_loop3A_1572 = arith.muli %parallel_loop3A_1570, %parallel_loop3A_1571 : i32
          %parallel_loop3A_1573 = arith.index_cast %parallel_loop3A_1572 : i32 to index
          %parallel_loop3A_1574 = tpu.vector_load %arg34[%parallel_loop3A_1573] {strides = array<i32>} : memref<1024xi32, #tpu.memory_space<vmem>>, vector<16xi32>,
          %parallel_loop3A_1575 = arith.constant true
          %parallel_loop3A_1576 = vector.broadcast %parallel_loop3A_1575 : i1 to vector<16xi1>
          %parallel_loop3A_1577 = tpu.scan <sum>, %parallel_loop3A_1574 masked %parallel_loop3A_1576 : vector<16xi32>, vector<16xi1> -> vector<16xi32>
          %parallel_loop3A_1578 = vector.extract %parallel_loop3A_1577[15] : i32 from vector<16xi32>
          %parallel_loop3A_1579 = arith.constant 50 : i32
          %parallel_loop3A_1580 = arith.cmpi slt, %parallel_loop3A_1566, %parallel_loop3A_1579 : i32
          %parallel_loop3A_1581 = arith.addi %parallel_loop3A_1566, %parallel_loop3A_1578 : i32
          %parallel_loop3A_1582 = arith.constant 50 : i32
          %parallel_loop3A_1583 = arith.cmpi sge, %parallel_loop3A_1581, %parallel_loop3A_1582 : i32
          %parallel_loop3A_1584 = arith.andi %parallel_loop3A_1580, %parallel_loop3A_1583 : i1
          %parallel_loop3A_1585 = arith.addi %parallel_loop3A_1566, %parallel_loop3A_1578 : i32
          %parallel_loop3A_1586 = arith.select %parallel_loop3A_1584, %parallel_loop3A_1570, %parallel_loop3A_1567 : i32
          %parallel_loop3A_1587 = arith.select %parallel_loop3A_1584, %parallel_loop3A_1566, %parallel_loop3A_1568 : i32
          scf.yield %parallel_loop3A_1585, %parallel_loop3A_1586, %parallel_loop3A_1587 : i32, i32, i32
        } {sc.loop_unroll_factor = 8 : i64, sc.parallel_access}
        %mul3A_1248 = arith.constant 16 : i32
        %mul3A_1249 = arith.muli %parallel_loop3A_1247#1, %mul3A_1248 : i32
        %get3A_1250 = arith.index_cast %mul3A_1249 : i32 to index
        %get3A_1251 = tpu.vector_load %arg34[%get3A_1250] {strides = array<i32>} : memref<1024xi32, #tpu.memory_space<vmem>>, vector<16xi32>,
        %rev3A = arith.constant 15 : i32
        %rev3A_1252 = vector.broadcast %rev3A : i32 to vector<16xi32>
        %rev3A_1253 = tpu.iota {dimensions = array<i32: 0>} : vector<16xi32>
        %rev3A_1254 = arith.subi %rev3A_1252, %rev3A_1253 : vector<16xi32>
        %rev3A_1255 = tpu.dynamic_gather %get3A_1251[%rev3A_1254] in [0] : vector<16xi32>, vector<16xi32> -> vector<16xi32>
        %broadcast_in_dim3A_1256 = arith.constant true
        %broadcast_in_dim3A_1257 = vector.broadcast %broadcast_in_dim3A_1256 : i1 to vector<16xi1>
        %masked_cumsum3A = tpu.scan <sum>, %rev3A_1255 masked %broadcast_in_dim3A_1257 : vector<16xi32>, vector<16xi1> -> vector<16xi32>
        %rev3A_1258 = arith.constant 15 : i32
        %rev3A_1259 = vector.broadcast %rev3A_1258 : i32 to vector<16xi32>
        %rev3A_1260 = tpu.iota {dimensions = array<i32: 0>} : vector<16xi32>
        %rev3A_1261 = arith.subi %rev3A_1259, %rev3A_1260 : vector<16xi32>
        %rev3A_1262 = tpu.dynamic_gather %masked_cumsum3A[%rev3A_1261] in [0] : vector<16xi32>, vector<16xi32> -> vector<16xi32>
        %sub3A_1263 = arith.subi %rev3A_1262, %get3A_1251 : vector<16xi32>
        %add3A_1264 = vector.broadcast %parallel_loop3A_1247#2 : i32 to vector<16xi32>
        %add3A_1265 = arith.addi %add3A_1264, %sub3A_1263 : vector<16xi32>
        %lt3A_1266 = arith.constant 50 : i32
        %lt3A_1267 = vector.broadcast %lt3A_1266 : i32 to vector<16xi32>
        %lt3A_1268 = arith.cmpi slt, %add3A_1265, %lt3A_1267 : vector<16xi32>
        %add3A_1269 = vector.broadcast %parallel_loop3A_1247#2 : i32 to vector<16xi32>
        %add3A_1270 = arith.addi %add3A_1269, %rev3A_1262 : vector<16xi32>
        %ge3A = arith.constant 50 : i32
        %ge3A_1271 = vector.broadcast %ge3A : i32 to vector<16xi32>
        %ge3A_1272 = arith.cmpi sge, %add3A_1270, %ge3A_1271 : vector<16xi32>
        %and3A_1273 = arith.andi %lt3A_1268, %ge3A_1272 : vector<16xi1>
        %jit3A_1274 = arith.constant 0 : i32
        %broadcast_in_dim3A_1275 = vector.broadcast %jit3A_1274 : i32 to vector<16xi32>
        %select_n3A_1276 = arith.select %and3A_1273, %iota3A, %broadcast_in_dim3A_1275 : vector<16xi1>, vector<16xi32>
        %reduce_max3A_1277 = arith.constant true
        %reduce_max3A_1278 = vector.broadcast %reduce_max3A_1277 : i1 to vector<16xi1>
        %reduce_max3A_1279 = arith.constant -2147483648 : i32
        %reduce_max3A_1280 = vector.broadcast %reduce_max3A_1279 : i32 to vector<16xi32>
        %reduce_max3A_1281 = arith.xori %select_n3A_1276, %reduce_max3A_1280 : vector<16xi32>
        %reduce_max3A_1282 = tpu.scan <max>, %reduce_max3A_1281 masked %reduce_max3A_1278 : vector<16xi32>, vector<16xi1> -> vector<16xi32>
        %reduce_max3A_1283 = arith.xori %reduce_max3A_1282, %reduce_max3A_1280 : vector<16xi32>
        %reduce_max3A_1284 = vector.extract %reduce_max3A_1283[15] : i32 from vector<16xi32>
        %add3A_1285 = vector.broadcast %parallel_loop3A_1247#2 : i32 to vector<16xi32>
        %add3A_1286 = arith.addi %add3A_1285, %sub3A_1263 : vector<16xi32>
        %jit3A_1287 = arith.constant 0 : i32
        %broadcast_in_dim3A_1288 = vector.broadcast %jit3A_1287 : i32 to vector<16xi32>
        %select_n3A_1289 = arith.select %and3A_1273, %add3A_1286, %broadcast_in_dim3A_1288 : vector<16xi1>, vector<16xi32>
        %reduce_max3A_1290 = arith.constant true
        %reduce_max3A_1291 = vector.broadcast %reduce_max3A_1290 : i1 to vector<16xi1>
        %reduce_max3A_1292 = arith.constant -2147483648 : i32
        %reduce_max3A_1293 = vector.broadcast %reduce_max3A_1292 : i32 to vector<16xi32>
        %reduce_max3A_1294 = arith.xori %select_n3A_1289, %reduce_max3A_1293 : vector<16xi32>
        %reduce_max3A_1295 = tpu.scan <max>, %reduce_max3A_1294 masked %reduce_max3A_1291 : vector<16xi32>, vector<16xi1> -> vector<16xi32>
        %reduce_max3A_1296 = arith.xori %reduce_max3A_1295, %reduce_max3A_1293 : vector<16xi32>
        %reduce_max3A_1297 = vector.extract %reduce_max3A_1296[15] : i32 from vector<16xi32>
        %jit3A_1298 = arith.constant 0 : i32
        %broadcast_in_dim3A_1299 = vector.broadcast %jit3A_1298 : i32 to vector<16xi32>
        %select_n3A_1300 = arith.select %and3A_1273, %get3A_1251, %broadcast_in_dim3A_1299 : vector<16xi1>, vector<16xi32>
        %reduce_max3A_1301 = arith.constant true
        %reduce_max3A_1302 = vector.broadcast %reduce_max3A_1301 : i1 to vector<16xi1>
        %reduce_max3A_1303 = arith.constant -2147483648 : i32
        %reduce_max3A_1304 = vector.broadcast %reduce_max3A_1303 : i32 to vector<16xi32>
        %reduce_max3A_1305 = arith.xori %select_n3A_1300, %reduce_max3A_1304 : vector<16xi32>
        %reduce_max3A_1306 = tpu.scan <max>, %reduce_max3A_1305 masked %reduce_max3A_1302 : vector<16xi32>, vector<16xi1> -> vector<16xi32>
        %reduce_max3A_1307 = arith.xori %reduce_max3A_1306, %reduce_max3A_1304 : vector<16xi32>
        %reduce_max3A_1308 = vector.extract %reduce_max3A_1307[15] : i32 from vector<16xi32>
        %mul3A_1309 = arith.constant 16 : i32
        %mul3A_1310 = arith.muli %parallel_loop3A_1247#1, %mul3A_1309 : i32
        %add3A_1311 = arith.addi %mul3A_1310, %reduce_max3A_1284 : i32
        %sub3A_1312 = arith.constant 50 : i32
        %sub3A_1313 = arith.subi %sub3A_1312, %reduce_max3A_1297 : i32
        %shift_left3A = arith.constant 20 : i32
        %shift_left3A_1314 = arith.shli %add3A_1311, %shift_left3A : i32
        %add3A_1315 = arith.constant 1048576 : i32
        %add3A_1316 = arith.addi %shift_left3A_1314, %add3A_1315 : i32
        %le3A = arith.constant 512 : i32
        %le3A_1317 = arith.cmpi sle, %reduce_max3A_1308, %le3A : i32
        %convert_element_type3A = arith.extui %le3A_1317 : i1 to i32
        %cond3A = arith.constant 0 : i32
        %cond3A_1318 = arith.constant 0 : i32
        %cond3A_1319 = arith.cmpi ne, %convert_element_type3A, %cond3A_1318 : i32
        %cond3A_1320 = scf.if %cond3A_1319 -> (i32) {
          %while3A = arith.constant 0 : i32
          %while3A_1565 = arith.constant 0 : i32
          %while3A_1566 = arith.subi %add3A_1236, %while3A : i32
          %while3A_1567 = arith.addi %while3A, %while3A_1566 : i32
          %while3A_1568 = arith.constant 1 : i32
          %while3A_1569 = arith.divsi %while3A_1566, %while3A_1568 : i32
          %while3A_1570 = arith.muli %while3A_1569, %while3A_1568 : i32
          %while3A_1571 = arith.addi %while3A, %while3A_1570 : i32
          %while3A_1572 = arith.constant 1 : i32
          %while3A_1573 = scf.for %while3A_1610 = %while3A to %while3A_1571 step %while3A_1572 iter_args(%while3A_1611 = %while3A_1565) -> (i32)  : i32 {
            %mul3A_1612 = arith.constant 16 : i32
            %mul3A_1613 = arith.muli %while3A_1610, %mul3A_1612 : i32
            %get3A_1614 = arith.index_cast %mul3A_1613 : i32 to index
            %get3A_1615 = tpu.vector_load %arg32[%get3A_1614] {strides = array<i32>} : memref<4112xf32, #tpu.memory_space<vmem>>, vector<16xf32>,
            %bitcast3A = vector.bitcast %get3A_1615 : vector<16xf32> to vector<16xi32>
            %shift_right_logical3A = arith.constant 20 : i32
            %shift_right_logical3A_1616 = vector.broadcast %shift_right_logical3A : i32 to vector<16xi32>
            %shift_right_logical3A_1617 = arith.shrui %bitcast3A, %shift_right_logical3A_1616 : vector<16xi32>
            %eq3A_1618 = vector.broadcast %add3A_1311 : i32 to vector<16xi32>
            %eq3A_1619 = arith.cmpi eq, %shift_right_logical3A_1617, %eq3A_1618 : vector<16xi32>
            %swap3A_1620 = arith.index_cast %while3A_1611 : i32 to index
            %swap3A_1621 = tpu.vector_load %arg35[%swap3A_1620] masked %eq3A_1619 {strides = array<i32>} : memref<528xf32, #tpu.memory_space<vmem>>, vector<16xf32>, vector<16xi1>
            tpu.vector_store %arg35[%swap3A_1620], %get3A_1615 masked %eq3A_1619 {strides = array<i32>} : memref<528xf32, #tpu.memory_space<vmem>>, vector<16xf32>, vector<16xi1>
            %convert_element_type3A_1622 = arith.extui %eq3A_1619 : vector<16xi1> to vector<16xi32>
            %reduce_sum3A_1623 = arith.constant true
            %reduce_sum3A_1624 = vector.broadcast %reduce_sum3A_1623 : i1 to vector<16xi1>
            %reduce_sum3A_1625 = tpu.scan <sum>, %convert_element_type3A_1622 masked %reduce_sum3A_1624 : vector<16xi32>, vector<16xi1> -> vector<16xi32>
            %reduce_sum3A_1626 = vector.extract %reduce_sum3A_1625[15] : i32 from vector<16xi32>
            %add3A_1627 = arith.addi %while3A_1611, %reduce_sum3A_1626 : i32
            scf.yield %add3A_1627 : i32
          }
          %while3A_1574 = arith.constant 1 : i32
          %while3A_1575 = scf.for %while3A_1610 = %while3A_1571 to %while3A_1567 step %while3A_1574 iter_args(%while3A_1611 = %while3A_1573) -> (i32)  : i32 {
            %mul3A_1612 = arith.constant 16 : i32
            %mul3A_1613 = arith.muli %while3A_1610, %mul3A_1612 : i32
            %get3A_1614 = arith.index_cast %mul3A_1613 : i32 to index
            %get3A_1615 = tpu.vector_load %arg32[%get3A_1614] {strides = array<i32>} : memref<4112xf32, #tpu.memory_space<vmem>>, vector<16xf32>,
            %bitcast3A = vector.bitcast %get3A_1615 : vector<16xf32> to vector<16xi32>
            %shift_right_logical3A = arith.constant 20 : i32
            %shift_right_logical3A_1616 = vector.broadcast %shift_right_logical3A : i32 to vector<16xi32>
            %shift_right_logical3A_1617 = arith.shrui %bitcast3A, %shift_right_logical3A_1616 : vector<16xi32>
            %eq3A_1618 = vector.broadcast %add3A_1311 : i32 to vector<16xi32>
            %eq3A_1619 = arith.cmpi eq, %shift_right_logical3A_1617, %eq3A_1618 : vector<16xi32>
            %swap3A_1620 = arith.index_cast %while3A_1611 : i32 to index
            %swap3A_1621 = tpu.vector_load %arg35[%swap3A_1620] masked %eq3A_1619 {strides = array<i32>} : memref<528xf32, #tpu.memory_space<vmem>>, vector<16xf32>, vector<16xi1>
            tpu.vector_store %arg35[%swap3A_1620], %get3A_1615 masked %eq3A_1619 {strides = array<i32>} : memref<528xf32, #tpu.memory_space<vmem>>, vector<16xf32>, vector<16xi1>
            %convert_element_type3A_1622 = arith.extui %eq3A_1619 : vector<16xi1> to vector<16xi32>
            %reduce_sum3A_1623 = arith.constant true
            %reduce_sum3A_1624 = vector.broadcast %reduce_sum3A_1623 : i1 to vector<16xi1>
            %reduce_sum3A_1625 = tpu.scan <sum>, %convert_element_type3A_1622 masked %reduce_sum3A_1624 : vector<16xi32>, vector<16xi1> -> vector<16xi32>
            %reduce_sum3A_1626 = vector.extract %reduce_sum3A_1625[15] : i32 from vector<16xi32>
            %add3A_1627 = arith.addi %while3A_1611, %reduce_sum3A_1626 : i32
            scf.yield %add3A_1627 : i32
          }
          %swap3A_1576 = arith.index_cast %while3A_1575 : i32 to index
          %swap3A_1577 = tpu.vector_load %arg35[%swap3A_1576] {strides = array<i32>} : memref<528xf32, #tpu.memory_space<vmem>>, vector<16xf32>,
          tpu.vector_store %arg35[%swap3A_1576], %broadcast_in_dim3A_1115 {strides = array<i32>} : memref<528xf32, #tpu.memory_space<vmem>>, vector<16xf32>,
          %jit3A_1578 = arith.constant 16 : i32
          %div3A_1579 = arith.divsi %while3A_1575, %jit3A_1578 : i32
          %sign3A_1580 = arith.constant 0 : i32
          %sign3A_1581 = arith.cmpi sgt, %while3A_1575, %sign3A_1580 : i32
          %sign3A_1582 = arith.extui %sign3A_1581 : i1 to i32
          %sign3A_1583 = arith.constant 0 : i32
          %sign3A_1584 = arith.cmpi slt, %while3A_1575, %sign3A_1583 : i32
          %sign3A_1585 = arith.extui %sign3A_1584 : i1 to i32
          %sign3A_1586 = arith.subi %sign3A_1582, %sign3A_1585 : i32
          %sign3A_1587 = arith.constant 0 : i32
          %sign3A_1588 = arith.cmpi sgt, %jit3A_1578, %sign3A_1587 : i32
          %sign3A_1589 = arith.extui %sign3A_1588 : i1 to i32
          %sign3A_1590 = arith.constant 0 : i32
          %sign3A_1591 = arith.cmpi slt, %jit3A_1578, %sign3A_1590 : i32
          %sign3A_1592 = arith.extui %sign3A_1591 : i1 to i32
          %sign3A_1593 = arith.subi %sign3A_1589, %sign3A_1592 : i32
          %ne3A_1594 = arith.cmpi ne, %sign3A_1586, %sign3A_1593 : i32
          %rem3A_1595 = arith.remsi %while3A_1575, %jit3A_1578 : i32
          %ne3A_1596 = arith.constant 0 : i32
          %ne3A_1597 = arith.cmpi ne, %rem3A_1595, %ne3A_1596 : i32
          %and3A_1598 = arith.andi %ne3A_1594, %ne3A_1597 : i1
          %sub3A_1599 = arith.constant 1 : i32
          %sub3A_1600 = arith.subi %div3A_1579, %sub3A_1599 : i32
          %select_n3A_1601 = arith.select %and3A_1598, %sub3A_1600, %div3A_1579 : i32
          %add3A_1602 = arith.constant 1 : i32
          %add3A_1603 = arith.addi %select_n3A_1601, %add3A_1602 : i32
          %scan3A_1604 = arith.constant 0 : i32
          %scan3A_1605 = arith.constant 20 : i32
          %scan3A_1606 = arith.addi %scan3A_1604, %scan3A_1605 : i32
          %scan3A_1607 = arith.constant 1 : i32
          %scan3A_1608:2 = scf.for %scan3A_1610 = %scan3A_1604 to %scan3A_1606 step %scan3A_1607 iter_args(%scan3A_1611 = %shift_left3A_1314, %scan3A_1612 = %add3A_1316) -> (i32, i32)  : i32 {
            %add3A_1613 = arith.addi %scan3A_1611, %scan3A_1612 : i32
            %add3A_1614 = arith.constant 1 : i32
            %add3A_1615 = arith.addi %add3A_1613, %add3A_1614 : i32
            %jit3A_1616 = arith.constant 2 : i32
            %div3A_1617 = arith.divsi %add3A_1615, %jit3A_1616 : i32
            %sign3A_1618 = arith.constant 0 : i32
            %sign3A_1619 = arith.cmpi sgt, %add3A_1615, %sign3A_1618 : i32
            %sign3A_1620 = arith.extui %sign3A_1619 : i1 to i32
            %sign3A_1621 = arith.constant 0 : i32
            %sign3A_1622 = arith.cmpi slt, %add3A_1615, %sign3A_1621 : i32
            %sign3A_1623 = arith.extui %sign3A_1622 : i1 to i32
            %sign3A_1624 = arith.subi %sign3A_1620, %sign3A_1623 : i32
            %sign3A_1625 = arith.constant 0 : i32
            %sign3A_1626 = arith.cmpi sgt, %jit3A_1616, %sign3A_1625 : i32
            %sign3A_1627 = arith.extui %sign3A_1626 : i1 to i32
            %sign3A_1628 = arith.constant 0 : i32
            %sign3A_1629 = arith.cmpi slt, %jit3A_1616, %sign3A_1628 : i32
            %sign3A_1630 = arith.extui %sign3A_1629 : i1 to i32
            %sign3A_1631 = arith.subi %sign3A_1627, %sign3A_1630 : i32
            %ne3A_1632 = arith.cmpi ne, %sign3A_1624, %sign3A_1631 : i32
            %rem3A_1633 = arith.remsi %add3A_1615, %jit3A_1616 : i32
            %ne3A_1634 = arith.constant 0 : i32
            %ne3A_1635 = arith.cmpi ne, %rem3A_1633, %ne3A_1634 : i32
            %and3A_1636 = arith.andi %ne3A_1632, %ne3A_1635 : i1
            %sub3A_1637 = arith.constant 1 : i32
            %sub3A_1638 = arith.subi %div3A_1617, %sub3A_1637 : i32
            %select_n3A_1639 = arith.select %and3A_1636, %sub3A_1638, %div3A_1617 : i32
            %parallel_loop3A_1640 = arith.constant 0 : i32
            %parallel_loop3A_1641 = arith.constant 1 : i32
            %parallel_loop3A_1642 = scf.for %parallel_loop3A_1650 = %parallel_loop3A_1640 to %add3A_1603 step %parallel_loop3A_1641 iter_args(%parallel_loop3A_1651 = %broadcast_in_dim3A_1117) -> (vector<16xi32>)  : i32 {
              %parallel_loop3A_1652 = arith.constant 16 : i32
              %parallel_loop3A_1653 = arith.muli %parallel_loop3A_1650, %parallel_loop3A_1652 : i32
              %parallel_loop3A_1654 = arith.index_cast %parallel_loop3A_1653 : i32 to index
              %parallel_loop3A_1655 = tpu.vector_load %arg35[%parallel_loop3A_1654] {strides = array<i32>} : memref<528xf32, #tpu.memory_space<vmem>>, vector<16xf32>,
              %parallel_loop3A_1656 = vector.bitcast %parallel_loop3A_1655 : vector<16xf32> to vector<16xi32>
              %parallel_loop3A_1657 = vector.broadcast %select_n3A_1639 : i32 to vector<16xi32>
              %parallel_loop3A_1658 = arith.cmpi sge, %parallel_loop3A_1656, %parallel_loop3A_1657 : vector<16xi32>
              %parallel_loop3A_1659 = arith.constant 1 : i32
              %parallel_loop3A_1660 = arith.constant 0 : i32
              %parallel_loop3A_1661 = vector.broadcast %parallel_loop3A_1659 : i32 to vector<16xi32>
              %parallel_loop3A_1662 = vector.broadcast %parallel_loop3A_1660 : i32 to vector<16xi32>
              %parallel_loop3A_1663 = arith.select %parallel_loop3A_1658, %parallel_loop3A_1661, %parallel_loop3A_1662 : vector<16xi1>, vector<16xi32>
              %parallel_loop3A_1664 = arith.addi %parallel_loop3A_1651, %parallel_loop3A_1663 : vector<16xi32>
              scf.yield %parallel_loop3A_1664 : vector<16xi32>
            } {sc.loop_unroll_factor = 2 : i64, sc.parallel_access}
            %reduce_sum3A_1643 = arith.constant true
            %reduce_sum3A_1644 = vector.broadcast %reduce_sum3A_1643 : i1 to vector<16xi1>
            %reduce_sum3A_1645 = tpu.scan <sum>, %parallel_loop3A_1642 masked %reduce_sum3A_1644 : vector<16xi32>, vector<16xi1> -> vector<16xi32>
            %reduce_sum3A_1646 = vector.extract %reduce_sum3A_1645[15] : i32 from vector<16xi32>
            %ge3A_1647 = arith.cmpi sge, %reduce_sum3A_1646, %sub3A_1313 : i32
            %select_n3A_1648 = arith.select %ge3A_1647, %select_n3A_1639, %scan3A_1611 : i32
            %select_n3A_1649 = arith.select %ge3A_1647, %scan3A_1612, %select_n3A_1639 : i32
            scf.yield %select_n3A_1648, %select_n3A_1649 : i32, i32
          }
          %scan3A_1609 = arith.constant 20 : i32
          scf.yield %scan3A_1608#0 : i32
        } else {
          %scan3A_1565 = arith.constant 0 : i32
          %scan3A_1566 = arith.constant 20 : i32
          %scan3A_1567 = arith.addi %scan3A_1565, %scan3A_1566 : i32
          %scan3A_1568 = arith.constant 1 : i32
          %scan3A_1569:2 = scf.for %scan3A_1571 = %scan3A_1565 to %scan3A_1567 step %scan3A_1568 iter_args(%scan3A_1572 = %shift_left3A_1314, %scan3A_1573 = %add3A_1316) -> (i32, i32)  : i32 {
            %add3A_1574 = arith.addi %scan3A_1572, %scan3A_1573 : i32
            %add3A_1575 = arith.constant 1 : i32
            %add3A_1576 = arith.addi %add3A_1574, %add3A_1575 : i32
            %jit3A_1577 = arith.constant 2 : i32
            %div3A_1578 = arith.divsi %add3A_1576, %jit3A_1577 : i32
            %sign3A_1579 = arith.constant 0 : i32
            %sign3A_1580 = arith.cmpi sgt, %add3A_1576, %sign3A_1579 : i32
            %sign3A_1581 = arith.extui %sign3A_1580 : i1 to i32
            %sign3A_1582 = arith.constant 0 : i32
            %sign3A_1583 = arith.cmpi slt, %add3A_1576, %sign3A_1582 : i32
            %sign3A_1584 = arith.extui %sign3A_1583 : i1 to i32
            %sign3A_1585 = arith.subi %sign3A_1581, %sign3A_1584 : i32
            %sign3A_1586 = arith.constant 0 : i32
            %sign3A_1587 = arith.cmpi sgt, %jit3A_1577, %sign3A_1586 : i32
            %sign3A_1588 = arith.extui %sign3A_1587 : i1 to i32
            %sign3A_1589 = arith.constant 0 : i32
            %sign3A_1590 = arith.cmpi slt, %jit3A_1577, %sign3A_1589 : i32
            %sign3A_1591 = arith.extui %sign3A_1590 : i1 to i32
            %sign3A_1592 = arith.subi %sign3A_1588, %sign3A_1591 : i32
            %ne3A_1593 = arith.cmpi ne, %sign3A_1585, %sign3A_1592 : i32
            %rem3A_1594 = arith.remsi %add3A_1576, %jit3A_1577 : i32
            %ne3A_1595 = arith.constant 0 : i32
            %ne3A_1596 = arith.cmpi ne, %rem3A_1594, %ne3A_1595 : i32
            %and3A_1597 = arith.andi %ne3A_1593, %ne3A_1596 : i1
            %sub3A_1598 = arith.constant 1 : i32
            %sub3A_1599 = arith.subi %div3A_1578, %sub3A_1598 : i32
            %select_n3A_1600 = arith.select %and3A_1597, %sub3A_1599, %div3A_1578 : i32
            %parallel_loop3A_1601 = arith.constant 0 : i32
            %parallel_loop3A_1602 = arith.constant 1 : i32
            %parallel_loop3A_1603 = scf.for %parallel_loop3A_1612 = %parallel_loop3A_1601 to %add3A_1236 step %parallel_loop3A_1602 iter_args(%parallel_loop3A_1613 = %broadcast_in_dim3A_1117) -> (vector<16xi32>)  : i32 {
              %parallel_loop3A_1614 = arith.constant 16 : i32
              %parallel_loop3A_1615 = arith.muli %parallel_loop3A_1612, %parallel_loop3A_1614 : i32
              %parallel_loop3A_1616 = arith.index_cast %parallel_loop3A_1615 : i32 to index
              %parallel_loop3A_1617 = tpu.vector_load %arg32[%parallel_loop3A_1616] {strides = array<i32>} : memref<4112xf32, #tpu.memory_space<vmem>>, vector<16xf32>,
              %parallel_loop3A_1618 = vector.bitcast %parallel_loop3A_1617 : vector<16xf32> to vector<16xi32>
              %parallel_loop3A_1619 = vector.broadcast %select_n3A_1600 : i32 to vector<16xi32>
              %parallel_loop3A_1620 = arith.cmpi sge, %parallel_loop3A_1618, %parallel_loop3A_1619 : vector<16xi32>
              %parallel_loop3A_1621 = arith.constant 1 : i32
              %parallel_loop3A_1622 = arith.constant 0 : i32
              %parallel_loop3A_1623 = vector.broadcast %parallel_loop3A_1621 : i32 to vector<16xi32>
              %parallel_loop3A_1624 = vector.broadcast %parallel_loop3A_1622 : i32 to vector<16xi32>
              %parallel_loop3A_1625 = arith.select %parallel_loop3A_1620, %parallel_loop3A_1623, %parallel_loop3A_1624 : vector<16xi1>, vector<16xi32>
              %parallel_loop3A_1626 = arith.addi %parallel_loop3A_1613, %parallel_loop3A_1625 : vector<16xi32>
              scf.yield %parallel_loop3A_1626 : vector<16xi32>
            } {sc.loop_unroll_factor = 8 : i64, sc.parallel_access}
            %reduce_sum3A_1604 = arith.constant true
            %reduce_sum3A_1605 = vector.broadcast %reduce_sum3A_1604 : i1 to vector<16xi1>
            %reduce_sum3A_1606 = tpu.scan <sum>, %parallel_loop3A_1603 masked %reduce_sum3A_1605 : vector<16xi32>, vector<16xi1> -> vector<16xi32>
            %reduce_sum3A_1607 = vector.extract %reduce_sum3A_1606[15] : i32 from vector<16xi32>
            %ge3A_1608 = arith.constant 50 : i32
            %ge3A_1609 = arith.cmpi sge, %reduce_sum3A_1607, %ge3A_1608 : i32
            %select_n3A_1610 = arith.select %ge3A_1609, %select_n3A_1600, %scan3A_1572 : i32
            %select_n3A_1611 = arith.select %ge3A_1609, %scan3A_1573, %select_n3A_1600 : i32
            scf.yield %select_n3A_1610, %select_n3A_1611 : i32, i32
          }
          %scan3A_1570 = arith.constant 20 : i32
          scf.yield %scan3A_1569#0 : i32
        }
        %parallel_loop3A_1321 = arith.constant 0 : i32
        %parallel_loop3A_1322 = arith.constant 1 : i32
        %parallel_loop3A_1323:2 = scf.for %parallel_loop3A_1565 = %parallel_loop3A_1321 to %add3A_1236 step %parallel_loop3A_1322 iter_args(%parallel_loop3A_1566 = %broadcast_in_dim3A_1115, %parallel_loop3A_1567 = %broadcast_in_dim3A_1115) -> (vector<16xf32>, vector<16xf32>)  : i32 {
          %parallel_loop3A_1568 = arith.constant 16 : i32
          %parallel_loop3A_1569 = arith.muli %parallel_loop3A_1565, %parallel_loop3A_1568 : i32
          %parallel_loop3A_1570 = arith.index_cast %parallel_loop3A_1569 : i32 to index
          %parallel_loop3A_1571 = tpu.vector_load %arg32[%parallel_loop3A_1570] {strides = array<i32>} : memref<4112xf32, #tpu.memory_space<vmem>>, vector<16xf32>,
          %parallel_loop3A_1572 = arith.constant 16 : i32
          %parallel_loop3A_1573 = arith.muli %parallel_loop3A_1565, %parallel_loop3A_1572 : i32
          %parallel_loop3A_1574 = arith.index_cast %parallel_loop3A_1573 : i32 to index
          %parallel_loop3A_1575 = tpu.vector_load %arg33[%parallel_loop3A_1574] {strides = array<i32>} : memref<4112xf32, #tpu.memory_space<vmem>>, vector<16xf32>,
          %parallel_loop3A_1576 = vector.bitcast %parallel_loop3A_1571 : vector<16xf32> to vector<16xi32>
          %parallel_loop3A_1577 = vector.broadcast %cond3A_1320 : i32 to vector<16xi32>
          %parallel_loop3A_1578 = arith.cmpi sge, %parallel_loop3A_1576, %parallel_loop3A_1577 : vector<16xi32>
          %parallel_loop3A_1579 = arith.constant 0.000000e+00 : f32
          %parallel_loop3A_1580 = vector.broadcast %parallel_loop3A_1579 : f32 to vector<16xf32>
          %parallel_loop3A_1581 = arith.select %parallel_loop3A_1578, %parallel_loop3A_1571, %parallel_loop3A_1580 : vector<16xi1>, vector<16xf32>
          %parallel_loop3A_1582 = arith.addf %parallel_loop3A_1566, %parallel_loop3A_1581 : vector<16xf32>
          %parallel_loop3A_1583 = arith.mulf %parallel_loop3A_1571, %parallel_loop3A_1575 : vector<16xf32>
          %parallel_loop3A_1584 = arith.constant 0.000000e+00 : f32
          %parallel_loop3A_1585 = vector.broadcast %parallel_loop3A_1584 : f32 to vector<16xf32>
          %parallel_loop3A_1586 = arith.select %parallel_loop3A_1578, %parallel_loop3A_1583, %parallel_loop3A_1585 : vector<16xi1>, vector<16xf32>
          %parallel_loop3A_1587 = arith.addf %parallel_loop3A_1567, %parallel_loop3A_1586 : vector<16xf32>
          scf.yield %parallel_loop3A_1582, %parallel_loop3A_1587 : vector<16xf32>, vector<16xf32>
        } {sc.loop_unroll_factor = 4 : i64, sc.parallel_access}
        %reduce_sum3A_1324 = arith.constant true
        %reduce_sum3A_1325 = vector.broadcast %reduce_sum3A_1324 : i1 to vector<16xi1>
        %reduce_sum3A_1326 = tpu.scan <sum>, %parallel_loop3A_1323#1 masked %reduce_sum3A_1325 : vector<16xf32>, vector<16xi1> -> vector<16xf32>
        %reduce_sum3A_1327 = vector.extract %reduce_sum3A_1326[15] : f32 from vector<16xf32>
        %add3A_1328 = vector.broadcast %reduce_sum3A_1327 : f32 to vector<16xf32>
        %add3A_1329 = arith.addf %broadcast_in_dim3A_1115, %add3A_1328 : vector<16xf32>
        %reduce_sum3A_1330 = arith.constant true
        %reduce_sum3A_1331 = vector.broadcast %reduce_sum3A_1330 : i1 to vector<16xi1>
        %reduce_sum3A_1332 = tpu.scan <sum>, %parallel_loop3A_1323#0 masked %reduce_sum3A_1331 : vector<16xf32>, vector<16xi1> -> vector<16xf32>
        %reduce_sum3A_1333 = vector.extract %reduce_sum3A_1332[15] : f32 from vector<16xf32>
        %add3A_1334 = vector.broadcast %reduce_sum3A_1333 : f32 to vector<16xf32>
        %add3A_1335 = arith.addf %broadcast_in_dim3A_1115, %add3A_1334 : vector<16xf32>
        %add3A_1336 = arith.constant 9.99999993E-9 : f32
        %add3A_1337 = vector.broadcast %add3A_1336 : f32 to vector<16xf32>
        %add3A_1338 = arith.addf %add3A_1335, %add3A_1337 : vector<16xf32>
        %div3A_1339 = arith.divf %add3A_1329, %add3A_1338 : vector<16xf32>
        %reduce_max3A_1340 = arith.constant true
        %reduce_max3A_1341 = vector.broadcast %reduce_max3A_1340 : i1 to vector<16xi1>
        %reduce_max3A_1342 = tpu.scan <max>, %div3A_1339 masked %reduce_max3A_1341 : vector<16xf32>, vector<16xi1> -> vector<16xf32>
        %reduce_max3A_1343 = vector.extract %reduce_max3A_1342[15] : f32 from vector<16xf32>
        %scan3A_1344 = arith.constant 0 : i32
        %scan3A_1345 = arith.constant 0 : i32
        %scan3A_1346 = arith.constant 32 : i32
        %scan3A_1347 = arith.addi %scan3A_1345, %scan3A_1346 : i32
        %scan3A_1348 = arith.constant 4 : i32
        %scan3A_1349 = scf.for %scan3A_1565 = %scan3A_1345 to %scan3A_1347 step %scan3A_1348 iter_args(%scan3A_1566 = %scan3A_1344) -> (i32)  : i32 {
          %mul3A_1567 = arith.constant 16 : i32
          %mul3A_1568 = arith.muli %scan3A_1565, %mul3A_1567 : i32
          %get3A_1569 = arith.index_cast %scan3A_1164 : i32 to index
          %get3A_1570 = arith.index_cast %mul3A_1568 : i32 to index
          %get3A_1571 = tpu.vector_load %arg31[%get3A_1569, %get3A_1570] {strides = array<i32>} : memref<8x512xf32, #tpu.memory_space<vmem>>, vector<16xf32>,
          %mul3A_1572 = arith.constant 16 : i32
          %mul3A_1573 = arith.muli %scan3A_1565, %mul3A_1572 : i32
          %get3A_1574 = arith.index_cast %scan3A_1164 : i32 to index
          %get3A_1575 = arith.index_cast %mul3A_1573 : i32 to index
          %get3A_1576 = tpu.vector_load %arg30[%get3A_1574, %get3A_1575] {strides = array<i32>} : memref<8x512xf32, #tpu.memory_space<vmem>>, vector<16xf32>,
          %mul3A_1577 = arith.constant 16 : i32
          %mul3A_1578 = arith.muli %scan3A_1565, %mul3A_1577 : i32
          %add3A_1579 = arith.addi %mul3A_1199, %mul3A_1578 : i32
          %get3A_1580 = arith.index_cast %add3A_1579 : i32 to index
          %get3A_1581 = tpu.vector_load %arg26[%get3A_1580] {strides = array<i32>} : memref<4096xf32, #tpu.memory_space<vmem>>, vector<16xf32>,
          %gt3A_1582 = arith.constant 0.000000e+00 : f32
          %gt3A_1583 = vector.broadcast %gt3A_1582 : f32 to vector<16xf32>
          %gt3A_1584 = arith.cmpf ogt, %get3A_1576, %gt3A_1583 : vector<16xf32>
          %gt3A_1585 = arith.constant 0.000000e+00 : f32
          %gt3A_1586 = vector.broadcast %gt3A_1585 : f32 to vector<16xf32>
          %gt3A_1587 = arith.cmpf ogt, %get3A_1571, %gt3A_1586 : vector<16xf32>
          %and3A_1588 = arith.andi %gt3A_1584, %gt3A_1587 : vector<16xi1>
          %swap3A_1589 = arith.index_cast %scan3A_1566 : i32 to index
          %swap3A_1590 = tpu.vector_load %arg32[%swap3A_1589] masked %and3A_1588 {strides = array<i32>} : memref<4112xf32, #tpu.memory_space<vmem>>, vector<16xf32>, vector<16xi1>
          tpu.vector_store %arg32[%swap3A_1589], %get3A_1571 masked %and3A_1588 {strides = array<i32>} : memref<4112xf32, #tpu.memory_space<vmem>>, vector<16xf32>, vector<16xi1>
          %sub3A_1591 = arith.subf %get3A_1576, %get3A_1581 : vector<16xf32>
          %swap3A_1592 = arith.index_cast %scan3A_1566 : i32 to index
          %swap3A_1593 = tpu.vector_load %arg33[%swap3A_1592] masked %and3A_1588 {strides = array<i32>} : memref<4112xf32, #tpu.memory_space<vmem>>, vector<16xf32>, vector<16xi1>
          tpu.vector_store %arg33[%swap3A_1592], %sub3A_1591 masked %and3A_1588 {strides = array<i32>} : memref<4112xf32, #tpu.memory_space<vmem>>, vector<16xf32>, vector<16xi1>
          %convert_element_type3A_1594 = arith.extui %and3A_1588 : vector<16xi1> to vector<16xi32>
          %reduce_sum3A_1595 = arith.constant true
          %reduce_sum3A_1596 = vector.broadcast %reduce_sum3A_1595 : i1 to vector<16xi1>
          %reduce_sum3A_1597 = tpu.scan <sum>, %convert_element_type3A_1594 masked %reduce_sum3A_1596 : vector<16xi32>, vector<16xi1> -> vector<16xi32>
          %reduce_sum3A_1598 = vector.extract %reduce_sum3A_1597[15] : i32 from vector<16xi32>
          %add3A_1599 = arith.addi %scan3A_1566, %reduce_sum3A_1598 : i32
          %scan3A_1600 = arith.constant 1 : i32
          %scan3A_1601 = arith.addi %scan3A_1565, %scan3A_1600 : i32
          %mul3A_1602 = arith.constant 16 : i32
          %mul3A_1603 = arith.muli %scan3A_1601, %mul3A_1602 : i32
          %get3A_1604 = arith.index_cast %scan3A_1164 : i32 to index
          %get3A_1605 = arith.index_cast %mul3A_1603 : i32 to index
          %get3A_1606 = tpu.vector_load %arg31[%get3A_1604, %get3A_1605] {strides = array<i32>} : memref<8x512xf32, #tpu.memory_space<vmem>>, vector<16xf32>,
          %mul3A_1607 = arith.constant 16 : i32
          %mul3A_1608 = arith.muli %scan3A_1601, %mul3A_1607 : i32
          %get3A_1609 = arith.index_cast %scan3A_1164 : i32 to index
          %get3A_1610 = arith.index_cast %mul3A_1608 : i32 to index
          %get3A_1611 = tpu.vector_load %arg30[%get3A_1609, %get3A_1610] {strides = array<i32>} : memref<8x512xf32, #tpu.memory_space<vmem>>, vector<16xf32>,
          %mul3A_1612 = arith.constant 16 : i32
          %mul3A_1613 = arith.muli %scan3A_1601, %mul3A_1612 : i32
          %add3A_1614 = arith.addi %mul3A_1199, %mul3A_1613 : i32
          %get3A_1615 = arith.index_cast %add3A_1614 : i32 to index
          %get3A_1616 = tpu.vector_load %arg26[%get3A_1615] {strides = array<i32>} : memref<4096xf32, #tpu.memory_space<vmem>>, vector<16xf32>,
          %gt3A_1617 = arith.constant 0.000000e+00 : f32
          %gt3A_1618 = vector.broadcast %gt3A_1617 : f32 to vector<16xf32>
          %gt3A_1619 = arith.cmpf ogt, %get3A_1611, %gt3A_1618 : vector<16xf32>
          %gt3A_1620 = arith.constant 0.000000e+00 : f32
          %gt3A_1621 = vector.broadcast %gt3A_1620 : f32 to vector<16xf32>
          %gt3A_1622 = arith.cmpf ogt, %get3A_1606, %gt3A_1621 : vector<16xf32>
          %and3A_1623 = arith.andi %gt3A_1619, %gt3A_1622 : vector<16xi1>
          %swap3A_1624 = arith.index_cast %add3A_1599 : i32 to index
          %swap3A_1625 = tpu.vector_load %arg32[%swap3A_1624] masked %and3A_1623 {strides = array<i32>} : memref<4112xf32, #tpu.memory_space<vmem>>, vector<16xf32>, vector<16xi1>
          tpu.vector_store %arg32[%swap3A_1624], %get3A_1606 masked %and3A_1623 {strides = array<i32>} : memref<4112xf32, #tpu.memory_space<vmem>>, vector<16xf32>, vector<16xi1>
          %sub3A_1626 = arith.subf %get3A_1611, %get3A_1616 : vector<16xf32>
          %swap3A_1627 = arith.index_cast %add3A_1599 : i32 to index
          %swap3A_1628 = tpu.vector_load %arg33[%swap3A_1627] masked %and3A_1623 {strides = array<i32>} : memref<4112xf32, #tpu.memory_space<vmem>>, vector<16xf32>, vector<16xi1>
          tpu.vector_store %arg33[%swap3A_1627], %sub3A_1626 masked %and3A_1623 {strides = array<i32>} : memref<4112xf32, #tpu.memory_space<vmem>>, vector<16xf32>, vector<16xi1>
          %convert_element_type3A_1629 = arith.extui %and3A_1623 : vector<16xi1> to vector<16xi32>
          %reduce_sum3A_1630 = arith.constant true
          %reduce_sum3A_1631 = vector.broadcast %reduce_sum3A_1630 : i1 to vector<16xi1>
          %reduce_sum3A_1632 = tpu.scan <sum>, %convert_element_type3A_1629 masked %reduce_sum3A_1631 : vector<16xi32>, vector<16xi1> -> vector<16xi32>
          %reduce_sum3A_1633 = vector.extract %reduce_sum3A_1632[15] : i32 from vector<16xi32>
          %add3A_1634 = arith.addi %add3A_1599, %reduce_sum3A_1633 : i32
          %scan3A_1635 = arith.constant 2 : i32
          %scan3A_1636 = arith.addi %scan3A_1565, %scan3A_1635 : i32
          %mul3A_1637 = arith.constant 16 : i32
          %mul3A_1638 = arith.muli %scan3A_1636, %mul3A_1637 : i32
          %get3A_1639 = arith.index_cast %scan3A_1164 : i32 to index
          %get3A_1640 = arith.index_cast %mul3A_1638 : i32 to index
          %get3A_1641 = tpu.vector_load %arg31[%get3A_1639, %get3A_1640] {strides = array<i32>} : memref<8x512xf32, #tpu.memory_space<vmem>>, vector<16xf32>,
          %mul3A_1642 = arith.constant 16 : i32
          %mul3A_1643 = arith.muli %scan3A_1636, %mul3A_1642 : i32
          %get3A_1644 = arith.index_cast %scan3A_1164 : i32 to index
          %get3A_1645 = arith.index_cast %mul3A_1643 : i32 to index
          %get3A_1646 = tpu.vector_load %arg30[%get3A_1644, %get3A_1645] {strides = array<i32>} : memref<8x512xf32, #tpu.memory_space<vmem>>, vector<16xf32>,
          %mul3A_1647 = arith.constant 16 : i32
          %mul3A_1648 = arith.muli %scan3A_1636, %mul3A_1647 : i32
          %add3A_1649 = arith.addi %mul3A_1199, %mul3A_1648 : i32
          %get3A_1650 = arith.index_cast %add3A_1649 : i32 to index
          %get3A_1651 = tpu.vector_load %arg26[%get3A_1650] {strides = array<i32>} : memref<4096xf32, #tpu.memory_space<vmem>>, vector<16xf32>,
          %gt3A_1652 = arith.constant 0.000000e+00 : f32
          %gt3A_1653 = vector.broadcast %gt3A_1652 : f32 to vector<16xf32>
          %gt3A_1654 = arith.cmpf ogt, %get3A_1646, %gt3A_1653 : vector<16xf32>
          %gt3A_1655 = arith.constant 0.000000e+00 : f32
          %gt3A_1656 = vector.broadcast %gt3A_1655 : f32 to vector<16xf32>
          %gt3A_1657 = arith.cmpf ogt, %get3A_1641, %gt3A_1656 : vector<16xf32>
          %and3A_1658 = arith.andi %gt3A_1654, %gt3A_1657 : vector<16xi1>
          %swap3A_1659 = arith.index_cast %add3A_1634 : i32 to index
          %swap3A_1660 = tpu.vector_load %arg32[%swap3A_1659] masked %and3A_1658 {strides = array<i32>} : memref<4112xf32, #tpu.memory_space<vmem>>, vector<16xf32>, vector<16xi1>
          tpu.vector_store %arg32[%swap3A_1659], %get3A_1641 masked %and3A_1658 {strides = array<i32>} : memref<4112xf32, #tpu.memory_space<vmem>>, vector<16xf32>, vector<16xi1>
          %sub3A_1661 = arith.subf %get3A_1646, %get3A_1651 : vector<16xf32>
          %swap3A_1662 = arith.index_cast %add3A_1634 : i32 to index
          %swap3A_1663 = tpu.vector_load %arg33[%swap3A_1662] masked %and3A_1658 {strides = array<i32>} : memref<4112xf32, #tpu.memory_space<vmem>>, vector<16xf32>, vector<16xi1>
          tpu.vector_store %arg33[%swap3A_1662], %sub3A_1661 masked %and3A_1658 {strides = array<i32>} : memref<4112xf32, #tpu.memory_space<vmem>>, vector<16xf32>, vector<16xi1>
          %convert_element_type3A_1664 = arith.extui %and3A_1658 : vector<16xi1> to vector<16xi32>
          %reduce_sum3A_1665 = arith.constant true
          %reduce_sum3A_1666 = vector.broadcast %reduce_sum3A_1665 : i1 to vector<16xi1>
          %reduce_sum3A_1667 = tpu.scan <sum>, %convert_element_type3A_1664 masked %reduce_sum3A_1666 : vector<16xi32>, vector<16xi1> -> vector<16xi32>
          %reduce_sum3A_1668 = vector.extract %reduce_sum3A_1667[15] : i32 from vector<16xi32>
          %add3A_1669 = arith.addi %add3A_1634, %reduce_sum3A_1668 : i32
          %scan3A_1670 = arith.constant 3 : i32
          %scan3A_1671 = arith.addi %scan3A_1565, %scan3A_1670 : i32
          %mul3A_1672 = arith.constant 16 : i32
          %mul3A_1673 = arith.muli %scan3A_1671, %mul3A_1672 : i32
          %get3A_1674 = arith.index_cast %scan3A_1164 : i32 to index
          %get3A_1675 = arith.index_cast %mul3A_1673 : i32 to index
          %get3A_1676 = tpu.vector_load %arg31[%get3A_1674, %get3A_1675] {strides = array<i32>} : memref<8x512xf32, #tpu.memory_space<vmem>>, vector<16xf32>,
          %mul3A_1677 = arith.constant 16 : i32
          %mul3A_1678 = arith.muli %scan3A_1671, %mul3A_1677 : i32
          %get3A_1679 = arith.index_cast %scan3A_1164 : i32 to index
          %get3A_1680 = arith.index_cast %mul3A_1678 : i32 to index
          %get3A_1681 = tpu.vector_load %arg30[%get3A_1679, %get3A_1680] {strides = array<i32>} : memref<8x512xf32, #tpu.memory_space<vmem>>, vector<16xf32>,
          %mul3A_1682 = arith.constant 16 : i32
          %mul3A_1683 = arith.muli %scan3A_1671, %mul3A_1682 : i32
          %add3A_1684 = arith.addi %mul3A_1199, %mul3A_1683 : i32
          %get3A_1685 = arith.index_cast %add3A_1684 : i32 to index
          %get3A_1686 = tpu.vector_load %arg26[%get3A_1685] {strides = array<i32>} : memref<4096xf32, #tpu.memory_space<vmem>>, vector<16xf32>,
          %gt3A_1687 = arith.constant 0.000000e+00 : f32
          %gt3A_1688 = vector.broadcast %gt3A_1687 : f32 to vector<16xf32>
          %gt3A_1689 = arith.cmpf ogt, %get3A_1681, %gt3A_1688 : vector<16xf32>
          %gt3A_1690 = arith.constant 0.000000e+00 : f32
          %gt3A_1691 = vector.broadcast %gt3A_1690 : f32 to vector<16xf32>
          %gt3A_1692 = arith.cmpf ogt, %get3A_1676, %gt3A_1691 : vector<16xf32>
          %and3A_1693 = arith.andi %gt3A_1689, %gt3A_1692 : vector<16xi1>
          %swap3A_1694 = arith.index_cast %add3A_1669 : i32 to index
          %swap3A_1695 = tpu.vector_load %arg32[%swap3A_1694] masked %and3A_1693 {strides = array<i32>} : memref<4112xf32, #tpu.memory_space<vmem>>, vector<16xf32>, vector<16xi1>
          tpu.vector_store %arg32[%swap3A_1694], %get3A_1676 masked %and3A_1693 {strides = array<i32>} : memref<4112xf32, #tpu.memory_space<vmem>>, vector<16xf32>, vector<16xi1>
          %sub3A_1696 = arith.subf %get3A_1681, %get3A_1686 : vector<16xf32>
          %swap3A_1697 = arith.index_cast %add3A_1669 : i32 to index
          %swap3A_1698 = tpu.vector_load %arg33[%swap3A_1697] masked %and3A_1693 {strides = array<i32>} : memref<4112xf32, #tpu.memory_space<vmem>>, vector<16xf32>, vector<16xi1>
          tpu.vector_store %arg33[%swap3A_1697], %sub3A_1696 masked %and3A_1693 {strides = array<i32>} : memref<4112xf32, #tpu.memory_space<vmem>>, vector<16xf32>, vector<16xi1>
          %convert_element_type3A_1699 = arith.extui %and3A_1693 : vector<16xi1> to vector<16xi32>
          %reduce_sum3A_1700 = arith.constant true
          %reduce_sum3A_1701 = vector.broadcast %reduce_sum3A_1700 : i1 to vector<16xi1>
          %reduce_sum3A_1702 = tpu.scan <sum>, %convert_element_type3A_1699 masked %reduce_sum3A_1701 : vector<16xi32>, vector<16xi1> -> vector<16xi32>
          %reduce_sum3A_1703 = vector.extract %reduce_sum3A_1702[15] : i32 from vector<16xi32>
          %add3A_1704 = arith.addi %add3A_1669, %reduce_sum3A_1703 : i32
          scf.yield %add3A_1704 : i32
        }
        %scan3A_1350 = arith.constant 32 : i32
        %swap3A_1351 = arith.index_cast %scan3A_1349 : i32 to index
        %swap3A_1352 = tpu.vector_load %arg32[%swap3A_1351] {strides = array<i32>} : memref<4112xf32, #tpu.memory_space<vmem>>, vector<16xf32>,
        tpu.vector_store %arg32[%swap3A_1351], %broadcast_in_dim3A_1115 {strides = array<i32>} : memref<4112xf32, #tpu.memory_space<vmem>>, vector<16xf32>,
        %swap3A_1353 = arith.index_cast %scan3A_1349 : i32 to index
        %swap3A_1354 = tpu.vector_load %arg33[%swap3A_1353] {strides = array<i32>} : memref<4112xf32, #tpu.memory_space<vmem>>, vector<16xf32>,
        tpu.vector_store %arg33[%swap3A_1353], %broadcast_in_dim3A_1115 {strides = array<i32>} : memref<4112xf32, #tpu.memory_space<vmem>>, vector<16xf32>,
        %jit3A_1355 = arith.constant 16 : i32
        %div3A_1356 = arith.divsi %scan3A_1349, %jit3A_1355 : i32
        %sign3A_1357 = arith.constant 0 : i32
        %sign3A_1358 = arith.cmpi sgt, %scan3A_1349, %sign3A_1357 : i32
        %sign3A_1359 = arith.extui %sign3A_1358 : i1 to i32
        %sign3A_1360 = arith.constant 0 : i32
        %sign3A_1361 = arith.cmpi slt, %scan3A_1349, %sign3A_1360 : i32
        %sign3A_1362 = arith.extui %sign3A_1361 : i1 to i32
        %sign3A_1363 = arith.subi %sign3A_1359, %sign3A_1362 : i32
        %sign3A_1364 = arith.constant 0 : i32
        %sign3A_1365 = arith.cmpi sgt, %jit3A_1355, %sign3A_1364 : i32
        %sign3A_1366 = arith.extui %sign3A_1365 : i1 to i32
        %sign3A_1367 = arith.constant 0 : i32
        %sign3A_1368 = arith.cmpi slt, %jit3A_1355, %sign3A_1367 : i32
        %sign3A_1369 = arith.extui %sign3A_1368 : i1 to i32
        %sign3A_1370 = arith.subi %sign3A_1366, %sign3A_1369 : i32
        %ne3A_1371 = arith.cmpi ne, %sign3A_1363, %sign3A_1370 : i32
        %rem3A_1372 = arith.remsi %scan3A_1349, %jit3A_1355 : i32
        %ne3A_1373 = arith.constant 0 : i32
        %ne3A_1374 = arith.cmpi ne, %rem3A_1372, %ne3A_1373 : i32
        %and3A_1375 = arith.andi %ne3A_1371, %ne3A_1374 : i1
        %sub3A_1376 = arith.constant 1 : i32
        %sub3A_1377 = arith.subi %div3A_1356, %sub3A_1376 : i32
        %select_n3A_1378 = arith.select %and3A_1375, %sub3A_1377, %div3A_1356 : i32
        %add3A_1379 = arith.constant 1 : i32
        %add3A_1380 = arith.addi %select_n3A_1378, %add3A_1379 : i32
        %parallel_loop3A_1381 = arith.constant 0 : i32
        %parallel_loop3A_1382 = arith.constant 64 : i32
        %parallel_loop3A_1383 = arith.constant 1 : i32
        scf.for %parallel_loop3A_1565 = %parallel_loop3A_1381 to %parallel_loop3A_1382 step %parallel_loop3A_1383  : i32 {
          %parallel_loop3A_1566 = arith.constant 16 : i32
          %parallel_loop3A_1567 = arith.muli %parallel_loop3A_1565, %parallel_loop3A_1566 : i32
          %parallel_loop3A_1568 = arith.index_cast %parallel_loop3A_1567 : i32 to index
          %parallel_loop3A_1569 = tpu.vector_load %arg34[%parallel_loop3A_1568] {strides = array<i32>} : memref<1024xi32, #tpu.memory_space<vmem>>, vector<16xi32>,
          tpu.vector_store %arg34[%parallel_loop3A_1568], %broadcast_in_dim3A_1117 {strides = array<i32>} : memref<1024xi32, #tpu.memory_space<vmem>>, vector<16xi32>,
        } {sc.loop_unroll_factor = 8 : i64, sc.parallel_access}
        %parallel_loop3A_1384 = arith.constant 0 : i32
        %parallel_loop3A_1385 = arith.constant 1 : i32
        scf.for %parallel_loop3A_1565 = %parallel_loop3A_1384 to %add3A_1380 step %parallel_loop3A_1385  : i32 {
          %parallel_loop3A_1566 = arith.constant 16 : i32
          %parallel_loop3A_1567 = arith.muli %parallel_loop3A_1565, %parallel_loop3A_1566 : i32
          %parallel_loop3A_1568 = arith.index_cast %parallel_loop3A_1567 : i32 to index
          %parallel_loop3A_1569 = tpu.vector_load %arg32[%parallel_loop3A_1568] {strides = array<i32>} : memref<4112xf32, #tpu.memory_space<vmem>>, vector<16xf32>,
          %parallel_loop3A_1570 = vector.bitcast %parallel_loop3A_1569 : vector<16xf32> to vector<16xi32>
          %parallel_loop3A_1571 = arith.constant 20 : i32
          %parallel_loop3A_1572 = vector.broadcast %parallel_loop3A_1571 : i32 to vector<16xi32>
          %parallel_loop3A_1573 = arith.shrui %parallel_loop3A_1570, %parallel_loop3A_1572 : vector<16xi32>
          %parallel_loop3A_1574 = arith.constant true
          %parallel_loop3A_1575 = vector.broadcast %parallel_loop3A_1574 : i1 to vector<16xi1>
          %parallel_loop3A_1576, %parallel_loop3A_1577 = tpu.scan_count mask(%parallel_loop3A_1575 : vector<16xi1>) value(%parallel_loop3A_1573 : vector<16xi32>) : vector<16xi1>, vector<16xi32>
          tpu.vector_store_idx %arg34[%parallel_loop3A_1573], %parallel_loop3A_1577 masked %parallel_loop3A_1576 {add = true} : memref<1024xi32, #tpu.memory_space<vmem>>[vector<16xi32>], vector<16xi32>, vector<16xi1>
        } {sc.loop_unroll_factor = 4 : i64, sc.parallel_access}
        %parallel_loop3A_1386 = arith.constant 0 : i32
        %parallel_loop3A_1387 = arith.constant 64 : i32
        %parallel_loop3A_1388 = arith.constant 1 : i32
        %parallel_loop3A_1389 = arith.constant 0 : i32
        %parallel_loop3A_1390 = arith.constant 0 : i32
        %parallel_loop3A_1391 = arith.constant 0 : i32
        %parallel_loop3A_1392:3 = scf.for %parallel_loop3A_1565 = %parallel_loop3A_1386 to %parallel_loop3A_1387 step %parallel_loop3A_1388 iter_args(%parallel_loop3A_1566 = %parallel_loop3A_1389, %parallel_loop3A_1567 = %parallel_loop3A_1390, %parallel_loop3A_1568 = %parallel_loop3A_1391) -> (i32, i32, i32)  : i32 {
          %parallel_loop3A_1569 = arith.constant 63 : i32
          %parallel_loop3A_1570 = arith.subi %parallel_loop3A_1569, %parallel_loop3A_1565 : i32
          %parallel_loop3A_1571 = arith.constant 16 : i32
          %parallel_loop3A_1572 = arith.muli %parallel_loop3A_1570, %parallel_loop3A_1571 : i32
          %parallel_loop3A_1573 = arith.index_cast %parallel_loop3A_1572 : i32 to index
          %parallel_loop3A_1574 = tpu.vector_load %arg34[%parallel_loop3A_1573] {strides = array<i32>} : memref<1024xi32, #tpu.memory_space<vmem>>, vector<16xi32>,
          %parallel_loop3A_1575 = arith.constant true
          %parallel_loop3A_1576 = vector.broadcast %parallel_loop3A_1575 : i1 to vector<16xi1>
          %parallel_loop3A_1577 = tpu.scan <sum>, %parallel_loop3A_1574 masked %parallel_loop3A_1576 : vector<16xi32>, vector<16xi1> -> vector<16xi32>
          %parallel_loop3A_1578 = vector.extract %parallel_loop3A_1577[15] : i32 from vector<16xi32>
          %parallel_loop3A_1579 = arith.constant 50 : i32
          %parallel_loop3A_1580 = arith.cmpi slt, %parallel_loop3A_1566, %parallel_loop3A_1579 : i32
          %parallel_loop3A_1581 = arith.addi %parallel_loop3A_1566, %parallel_loop3A_1578 : i32
          %parallel_loop3A_1582 = arith.constant 50 : i32
          %parallel_loop3A_1583 = arith.cmpi sge, %parallel_loop3A_1581, %parallel_loop3A_1582 : i32
          %parallel_loop3A_1584 = arith.andi %parallel_loop3A_1580, %parallel_loop3A_1583 : i1
          %parallel_loop3A_1585 = arith.addi %parallel_loop3A_1566, %parallel_loop3A_1578 : i32
          %parallel_loop3A_1586 = arith.select %parallel_loop3A_1584, %parallel_loop3A_1570, %parallel_loop3A_1567 : i32
          %parallel_loop3A_1587 = arith.select %parallel_loop3A_1584, %parallel_loop3A_1566, %parallel_loop3A_1568 : i32
          scf.yield %parallel_loop3A_1585, %parallel_loop3A_1586, %parallel_loop3A_1587 : i32, i32, i32
        } {sc.loop_unroll_factor = 8 : i64, sc.parallel_access}
        %mul3A_1393 = arith.constant 16 : i32
        %mul3A_1394 = arith.muli %parallel_loop3A_1392#1, %mul3A_1393 : i32
        %get3A_1395 = arith.index_cast %mul3A_1394 : i32 to index
        %get3A_1396 = tpu.vector_load %arg34[%get3A_1395] {strides = array<i32>} : memref<1024xi32, #tpu.memory_space<vmem>>, vector<16xi32>,
        %rev3A_1397 = arith.constant 15 : i32
        %rev3A_1398 = vector.broadcast %rev3A_1397 : i32 to vector<16xi32>
        %rev3A_1399 = tpu.iota {dimensions = array<i32: 0>} : vector<16xi32>
        %rev3A_1400 = arith.subi %rev3A_1398, %rev3A_1399 : vector<16xi32>
        %rev3A_1401 = tpu.dynamic_gather %get3A_1396[%rev3A_1400] in [0] : vector<16xi32>, vector<16xi32> -> vector<16xi32>
        %broadcast_in_dim3A_1402 = arith.constant true
        %broadcast_in_dim3A_1403 = vector.broadcast %broadcast_in_dim3A_1402 : i1 to vector<16xi1>
        %masked_cumsum3A_1404 = tpu.scan <sum>, %rev3A_1401 masked %broadcast_in_dim3A_1403 : vector<16xi32>, vector<16xi1> -> vector<16xi32>
        %rev3A_1405 = arith.constant 15 : i32
        %rev3A_1406 = vector.broadcast %rev3A_1405 : i32 to vector<16xi32>
        %rev3A_1407 = tpu.iota {dimensions = array<i32: 0>} : vector<16xi32>
        %rev3A_1408 = arith.subi %rev3A_1406, %rev3A_1407 : vector<16xi32>
        %rev3A_1409 = tpu.dynamic_gather %masked_cumsum3A_1404[%rev3A_1408] in [0] : vector<16xi32>, vector<16xi32> -> vector<16xi32>
        %sub3A_1410 = arith.subi %rev3A_1409, %get3A_1396 : vector<16xi32>
        %add3A_1411 = vector.broadcast %parallel_loop3A_1392#2 : i32 to vector<16xi32>
        %add3A_1412 = arith.addi %add3A_1411, %sub3A_1410 : vector<16xi32>
        %lt3A_1413 = arith.constant 50 : i32
        %lt3A_1414 = vector.broadcast %lt3A_1413 : i32 to vector<16xi32>
        %lt3A_1415 = arith.cmpi slt, %add3A_1412, %lt3A_1414 : vector<16xi32>
        %add3A_1416 = vector.broadcast %parallel_loop3A_1392#2 : i32 to vector<16xi32>
        %add3A_1417 = arith.addi %add3A_1416, %rev3A_1409 : vector<16xi32>
        %ge3A_1418 = arith.constant 50 : i32
        %ge3A_1419 = vector.broadcast %ge3A_1418 : i32 to vector<16xi32>
        %ge3A_1420 = arith.cmpi sge, %add3A_1417, %ge3A_1419 : vector<16xi32>
        %and3A_1421 = arith.andi %lt3A_1415, %ge3A_1420 : vector<16xi1>
        %jit3A_1422 = arith.constant 0 : i32
        %broadcast_in_dim3A_1423 = vector.broadcast %jit3A_1422 : i32 to vector<16xi32>
        %select_n3A_1424 = arith.select %and3A_1421, %iota3A, %broadcast_in_dim3A_1423 : vector<16xi1>, vector<16xi32>
        %reduce_max3A_1425 = arith.constant true
        %reduce_max3A_1426 = vector.broadcast %reduce_max3A_1425 : i1 to vector<16xi1>
        %reduce_max3A_1427 = arith.constant -2147483648 : i32
        %reduce_max3A_1428 = vector.broadcast %reduce_max3A_1427 : i32 to vector<16xi32>
        %reduce_max3A_1429 = arith.xori %select_n3A_1424, %reduce_max3A_1428 : vector<16xi32>
        %reduce_max3A_1430 = tpu.scan <max>, %reduce_max3A_1429 masked %reduce_max3A_1426 : vector<16xi32>, vector<16xi1> -> vector<16xi32>
        %reduce_max3A_1431 = arith.xori %reduce_max3A_1430, %reduce_max3A_1428 : vector<16xi32>
        %reduce_max3A_1432 = vector.extract %reduce_max3A_1431[15] : i32 from vector<16xi32>
        %add3A_1433 = vector.broadcast %parallel_loop3A_1392#2 : i32 to vector<16xi32>
        %add3A_1434 = arith.addi %add3A_1433, %sub3A_1410 : vector<16xi32>
        %jit3A_1435 = arith.constant 0 : i32
        %broadcast_in_dim3A_1436 = vector.broadcast %jit3A_1435 : i32 to vector<16xi32>
        %select_n3A_1437 = arith.select %and3A_1421, %add3A_1434, %broadcast_in_dim3A_1436 : vector<16xi1>, vector<16xi32>
        %reduce_max3A_1438 = arith.constant true
        %reduce_max3A_1439 = vector.broadcast %reduce_max3A_1438 : i1 to vector<16xi1>
        %reduce_max3A_1440 = arith.constant -2147483648 : i32
        %reduce_max3A_1441 = vector.broadcast %reduce_max3A_1440 : i32 to vector<16xi32>
        %reduce_max3A_1442 = arith.xori %select_n3A_1437, %reduce_max3A_1441 : vector<16xi32>
        %reduce_max3A_1443 = tpu.scan <max>, %reduce_max3A_1442 masked %reduce_max3A_1439 : vector<16xi32>, vector<16xi1> -> vector<16xi32>
        %reduce_max3A_1444 = arith.xori %reduce_max3A_1443, %reduce_max3A_1441 : vector<16xi32>
        %reduce_max3A_1445 = vector.extract %reduce_max3A_1444[15] : i32 from vector<16xi32>
        %jit3A_1446 = arith.constant 0 : i32
        %broadcast_in_dim3A_1447 = vector.broadcast %jit3A_1446 : i32 to vector<16xi32>
        %select_n3A_1448 = arith.select %and3A_1421, %get3A_1396, %broadcast_in_dim3A_1447 : vector<16xi1>, vector<16xi32>
        %reduce_max3A_1449 = arith.constant true
        %reduce_max3A_1450 = vector.broadcast %reduce_max3A_1449 : i1 to vector<16xi1>
        %reduce_max3A_1451 = arith.constant -2147483648 : i32
        %reduce_max3A_1452 = vector.broadcast %reduce_max3A_1451 : i32 to vector<16xi32>
        %reduce_max3A_1453 = arith.xori %select_n3A_1448, %reduce_max3A_1452 : vector<16xi32>
        %reduce_max3A_1454 = tpu.scan <max>, %reduce_max3A_1453 masked %reduce_max3A_1450 : vector<16xi32>, vector<16xi1> -> vector<16xi32>
        %reduce_max3A_1455 = arith.xori %reduce_max3A_1454, %reduce_max3A_1452 : vector<16xi32>
        %reduce_max3A_1456 = vector.extract %reduce_max3A_1455[15] : i32 from vector<16xi32>
        %mul3A_1457 = arith.constant 16 : i32
        %mul3A_1458 = arith.muli %parallel_loop3A_1392#1, %mul3A_1457 : i32
        %add3A_1459 = arith.addi %mul3A_1458, %reduce_max3A_1432 : i32
        %sub3A_1460 = arith.constant 50 : i32
        %sub3A_1461 = arith.subi %sub3A_1460, %reduce_max3A_1445 : i32
        %shift_left3A_1462 = arith.constant 20 : i32
        %shift_left3A_1463 = arith.shli %add3A_1459, %shift_left3A_1462 : i32
        %add3A_1464 = arith.constant 1048576 : i32
        %add3A_1465 = arith.addi %shift_left3A_1463, %add3A_1464 : i32
        %le3A_1466 = arith.constant 512 : i32
        %le3A_1467 = arith.cmpi sle, %reduce_max3A_1456, %le3A_1466 : i32
        %convert_element_type3A_1468 = arith.extui %le3A_1467 : i1 to i32
        %cond3A_1469 = arith.constant 0 : i32
        %cond3A_1470 = arith.constant 0 : i32
        %cond3A_1471 = arith.cmpi ne, %convert_element_type3A_1468, %cond3A_1470 : i32
        %cond3A_1472 = scf.if %cond3A_1471 -> (i32) {
          %while3A = arith.constant 0 : i32
          %while3A_1565 = arith.constant 0 : i32
          %while3A_1566 = arith.subi %add3A_1380, %while3A : i32
          %while3A_1567 = arith.addi %while3A, %while3A_1566 : i32
          %while3A_1568 = arith.constant 1 : i32
          %while3A_1569 = arith.divsi %while3A_1566, %while3A_1568 : i32
          %while3A_1570 = arith.muli %while3A_1569, %while3A_1568 : i32
          %while3A_1571 = arith.addi %while3A, %while3A_1570 : i32
          %while3A_1572 = arith.constant 1 : i32
          %while3A_1573 = scf.for %while3A_1610 = %while3A to %while3A_1571 step %while3A_1572 iter_args(%while3A_1611 = %while3A_1565) -> (i32)  : i32 {
            %mul3A_1612 = arith.constant 16 : i32
            %mul3A_1613 = arith.muli %while3A_1610, %mul3A_1612 : i32
            %get3A_1614 = arith.index_cast %mul3A_1613 : i32 to index
            %get3A_1615 = tpu.vector_load %arg32[%get3A_1614] {strides = array<i32>} : memref<4112xf32, #tpu.memory_space<vmem>>, vector<16xf32>,
            %bitcast3A = vector.bitcast %get3A_1615 : vector<16xf32> to vector<16xi32>
            %shift_right_logical3A = arith.constant 20 : i32
            %shift_right_logical3A_1616 = vector.broadcast %shift_right_logical3A : i32 to vector<16xi32>
            %shift_right_logical3A_1617 = arith.shrui %bitcast3A, %shift_right_logical3A_1616 : vector<16xi32>
            %eq3A_1618 = vector.broadcast %add3A_1459 : i32 to vector<16xi32>
            %eq3A_1619 = arith.cmpi eq, %shift_right_logical3A_1617, %eq3A_1618 : vector<16xi32>
            %swap3A_1620 = arith.index_cast %while3A_1611 : i32 to index
            %swap3A_1621 = tpu.vector_load %arg35[%swap3A_1620] masked %eq3A_1619 {strides = array<i32>} : memref<528xf32, #tpu.memory_space<vmem>>, vector<16xf32>, vector<16xi1>
            tpu.vector_store %arg35[%swap3A_1620], %get3A_1615 masked %eq3A_1619 {strides = array<i32>} : memref<528xf32, #tpu.memory_space<vmem>>, vector<16xf32>, vector<16xi1>
            %convert_element_type3A_1622 = arith.extui %eq3A_1619 : vector<16xi1> to vector<16xi32>
            %reduce_sum3A_1623 = arith.constant true
            %reduce_sum3A_1624 = vector.broadcast %reduce_sum3A_1623 : i1 to vector<16xi1>
            %reduce_sum3A_1625 = tpu.scan <sum>, %convert_element_type3A_1622 masked %reduce_sum3A_1624 : vector<16xi32>, vector<16xi1> -> vector<16xi32>
            %reduce_sum3A_1626 = vector.extract %reduce_sum3A_1625[15] : i32 from vector<16xi32>
            %add3A_1627 = arith.addi %while3A_1611, %reduce_sum3A_1626 : i32
            scf.yield %add3A_1627 : i32
          }
          %while3A_1574 = arith.constant 1 : i32
          %while3A_1575 = scf.for %while3A_1610 = %while3A_1571 to %while3A_1567 step %while3A_1574 iter_args(%while3A_1611 = %while3A_1573) -> (i32)  : i32 {
            %mul3A_1612 = arith.constant 16 : i32
            %mul3A_1613 = arith.muli %while3A_1610, %mul3A_1612 : i32
            %get3A_1614 = arith.index_cast %mul3A_1613 : i32 to index
            %get3A_1615 = tpu.vector_load %arg32[%get3A_1614] {strides = array<i32>} : memref<4112xf32, #tpu.memory_space<vmem>>, vector<16xf32>,
            %bitcast3A = vector.bitcast %get3A_1615 : vector<16xf32> to vector<16xi32>
            %shift_right_logical3A = arith.constant 20 : i32
            %shift_right_logical3A_1616 = vector.broadcast %shift_right_logical3A : i32 to vector<16xi32>
            %shift_right_logical3A_1617 = arith.shrui %bitcast3A, %shift_right_logical3A_1616 : vector<16xi32>
            %eq3A_1618 = vector.broadcast %add3A_1459 : i32 to vector<16xi32>
            %eq3A_1619 = arith.cmpi eq, %shift_right_logical3A_1617, %eq3A_1618 : vector<16xi32>
            %swap3A_1620 = arith.index_cast %while3A_1611 : i32 to index
            %swap3A_1621 = tpu.vector_load %arg35[%swap3A_1620] masked %eq3A_1619 {strides = array<i32>} : memref<528xf32, #tpu.memory_space<vmem>>, vector<16xf32>, vector<16xi1>
            tpu.vector_store %arg35[%swap3A_1620], %get3A_1615 masked %eq3A_1619 {strides = array<i32>} : memref<528xf32, #tpu.memory_space<vmem>>, vector<16xf32>, vector<16xi1>
            %convert_element_type3A_1622 = arith.extui %eq3A_1619 : vector<16xi1> to vector<16xi32>
            %reduce_sum3A_1623 = arith.constant true
            %reduce_sum3A_1624 = vector.broadcast %reduce_sum3A_1623 : i1 to vector<16xi1>
            %reduce_sum3A_1625 = tpu.scan <sum>, %convert_element_type3A_1622 masked %reduce_sum3A_1624 : vector<16xi32>, vector<16xi1> -> vector<16xi32>
            %reduce_sum3A_1626 = vector.extract %reduce_sum3A_1625[15] : i32 from vector<16xi32>
            %add3A_1627 = arith.addi %while3A_1611, %reduce_sum3A_1626 : i32
            scf.yield %add3A_1627 : i32
          }
          %swap3A_1576 = arith.index_cast %while3A_1575 : i32 to index
          %swap3A_1577 = tpu.vector_load %arg35[%swap3A_1576] {strides = array<i32>} : memref<528xf32, #tpu.memory_space<vmem>>, vector<16xf32>,
          tpu.vector_store %arg35[%swap3A_1576], %broadcast_in_dim3A_1115 {strides = array<i32>} : memref<528xf32, #tpu.memory_space<vmem>>, vector<16xf32>,
          %jit3A_1578 = arith.constant 16 : i32
          %div3A_1579 = arith.divsi %while3A_1575, %jit3A_1578 : i32
          %sign3A_1580 = arith.constant 0 : i32
          %sign3A_1581 = arith.cmpi sgt, %while3A_1575, %sign3A_1580 : i32
          %sign3A_1582 = arith.extui %sign3A_1581 : i1 to i32
          %sign3A_1583 = arith.constant 0 : i32
          %sign3A_1584 = arith.cmpi slt, %while3A_1575, %sign3A_1583 : i32
          %sign3A_1585 = arith.extui %sign3A_1584 : i1 to i32
          %sign3A_1586 = arith.subi %sign3A_1582, %sign3A_1585 : i32
          %sign3A_1587 = arith.constant 0 : i32
          %sign3A_1588 = arith.cmpi sgt, %jit3A_1578, %sign3A_1587 : i32
          %sign3A_1589 = arith.extui %sign3A_1588 : i1 to i32
          %sign3A_1590 = arith.constant 0 : i32
          %sign3A_1591 = arith.cmpi slt, %jit3A_1578, %sign3A_1590 : i32
          %sign3A_1592 = arith.extui %sign3A_1591 : i1 to i32
          %sign3A_1593 = arith.subi %sign3A_1589, %sign3A_1592 : i32
          %ne3A_1594 = arith.cmpi ne, %sign3A_1586, %sign3A_1593 : i32
          %rem3A_1595 = arith.remsi %while3A_1575, %jit3A_1578 : i32
          %ne3A_1596 = arith.constant 0 : i32
          %ne3A_1597 = arith.cmpi ne, %rem3A_1595, %ne3A_1596 : i32
          %and3A_1598 = arith.andi %ne3A_1594, %ne3A_1597 : i1
          %sub3A_1599 = arith.constant 1 : i32
          %sub3A_1600 = arith.subi %div3A_1579, %sub3A_1599 : i32
          %select_n3A_1601 = arith.select %and3A_1598, %sub3A_1600, %div3A_1579 : i32
          %add3A_1602 = arith.constant 1 : i32
          %add3A_1603 = arith.addi %select_n3A_1601, %add3A_1602 : i32
          %scan3A_1604 = arith.constant 0 : i32
          %scan3A_1605 = arith.constant 20 : i32
          %scan3A_1606 = arith.addi %scan3A_1604, %scan3A_1605 : i32
          %scan3A_1607 = arith.constant 1 : i32
          %scan3A_1608:2 = scf.for %scan3A_1610 = %scan3A_1604 to %scan3A_1606 step %scan3A_1607 iter_args(%scan3A_1611 = %shift_left3A_1463, %scan3A_1612 = %add3A_1465) -> (i32, i32)  : i32 {
            %add3A_1613 = arith.addi %scan3A_1611, %scan3A_1612 : i32
            %add3A_1614 = arith.constant 1 : i32
            %add3A_1615 = arith.addi %add3A_1613, %add3A_1614 : i32
            %jit3A_1616 = arith.constant 2 : i32
            %div3A_1617 = arith.divsi %add3A_1615, %jit3A_1616 : i32
            %sign3A_1618 = arith.constant 0 : i32
            %sign3A_1619 = arith.cmpi sgt, %add3A_1615, %sign3A_1618 : i32
            %sign3A_1620 = arith.extui %sign3A_1619 : i1 to i32
            %sign3A_1621 = arith.constant 0 : i32
            %sign3A_1622 = arith.cmpi slt, %add3A_1615, %sign3A_1621 : i32
            %sign3A_1623 = arith.extui %sign3A_1622 : i1 to i32
            %sign3A_1624 = arith.subi %sign3A_1620, %sign3A_1623 : i32
            %sign3A_1625 = arith.constant 0 : i32
            %sign3A_1626 = arith.cmpi sgt, %jit3A_1616, %sign3A_1625 : i32
            %sign3A_1627 = arith.extui %sign3A_1626 : i1 to i32
            %sign3A_1628 = arith.constant 0 : i32
            %sign3A_1629 = arith.cmpi slt, %jit3A_1616, %sign3A_1628 : i32
            %sign3A_1630 = arith.extui %sign3A_1629 : i1 to i32
            %sign3A_1631 = arith.subi %sign3A_1627, %sign3A_1630 : i32
            %ne3A_1632 = arith.cmpi ne, %sign3A_1624, %sign3A_1631 : i32
            %rem3A_1633 = arith.remsi %add3A_1615, %jit3A_1616 : i32
            %ne3A_1634 = arith.constant 0 : i32
            %ne3A_1635 = arith.cmpi ne, %rem3A_1633, %ne3A_1634 : i32
            %and3A_1636 = arith.andi %ne3A_1632, %ne3A_1635 : i1
            %sub3A_1637 = arith.constant 1 : i32
            %sub3A_1638 = arith.subi %div3A_1617, %sub3A_1637 : i32
            %select_n3A_1639 = arith.select %and3A_1636, %sub3A_1638, %div3A_1617 : i32
            %parallel_loop3A_1640 = arith.constant 0 : i32
            %parallel_loop3A_1641 = arith.constant 1 : i32
            %parallel_loop3A_1642 = scf.for %parallel_loop3A_1650 = %parallel_loop3A_1640 to %add3A_1603 step %parallel_loop3A_1641 iter_args(%parallel_loop3A_1651 = %broadcast_in_dim3A_1117) -> (vector<16xi32>)  : i32 {
              %parallel_loop3A_1652 = arith.constant 16 : i32
              %parallel_loop3A_1653 = arith.muli %parallel_loop3A_1650, %parallel_loop3A_1652 : i32
              %parallel_loop3A_1654 = arith.index_cast %parallel_loop3A_1653 : i32 to index
              %parallel_loop3A_1655 = tpu.vector_load %arg35[%parallel_loop3A_1654] {strides = array<i32>} : memref<528xf32, #tpu.memory_space<vmem>>, vector<16xf32>,
              %parallel_loop3A_1656 = vector.bitcast %parallel_loop3A_1655 : vector<16xf32> to vector<16xi32>
              %parallel_loop3A_1657 = vector.broadcast %select_n3A_1639 : i32 to vector<16xi32>
              %parallel_loop3A_1658 = arith.cmpi sge, %parallel_loop3A_1656, %parallel_loop3A_1657 : vector<16xi32>
              %parallel_loop3A_1659 = arith.constant 1 : i32
              %parallel_loop3A_1660 = arith.constant 0 : i32
              %parallel_loop3A_1661 = vector.broadcast %parallel_loop3A_1659 : i32 to vector<16xi32>
              %parallel_loop3A_1662 = vector.broadcast %parallel_loop3A_1660 : i32 to vector<16xi32>
              %parallel_loop3A_1663 = arith.select %parallel_loop3A_1658, %parallel_loop3A_1661, %parallel_loop3A_1662 : vector<16xi1>, vector<16xi32>
              %parallel_loop3A_1664 = arith.addi %parallel_loop3A_1651, %parallel_loop3A_1663 : vector<16xi32>
              scf.yield %parallel_loop3A_1664 : vector<16xi32>
            } {sc.loop_unroll_factor = 2 : i64, sc.parallel_access}
            %reduce_sum3A_1643 = arith.constant true
            %reduce_sum3A_1644 = vector.broadcast %reduce_sum3A_1643 : i1 to vector<16xi1>
            %reduce_sum3A_1645 = tpu.scan <sum>, %parallel_loop3A_1642 masked %reduce_sum3A_1644 : vector<16xi32>, vector<16xi1> -> vector<16xi32>
            %reduce_sum3A_1646 = vector.extract %reduce_sum3A_1645[15] : i32 from vector<16xi32>
            %ge3A_1647 = arith.cmpi sge, %reduce_sum3A_1646, %sub3A_1461 : i32
            %select_n3A_1648 = arith.select %ge3A_1647, %select_n3A_1639, %scan3A_1611 : i32
            %select_n3A_1649 = arith.select %ge3A_1647, %scan3A_1612, %select_n3A_1639 : i32
            scf.yield %select_n3A_1648, %select_n3A_1649 : i32, i32
          }
          %scan3A_1609 = arith.constant 20 : i32
          scf.yield %scan3A_1608#0 : i32
        } else {
          %scan3A_1565 = arith.constant 0 : i32
          %scan3A_1566 = arith.constant 20 : i32
          %scan3A_1567 = arith.addi %scan3A_1565, %scan3A_1566 : i32
          %scan3A_1568 = arith.constant 1 : i32
          %scan3A_1569:2 = scf.for %scan3A_1571 = %scan3A_1565 to %scan3A_1567 step %scan3A_1568 iter_args(%scan3A_1572 = %shift_left3A_1463, %scan3A_1573 = %add3A_1465) -> (i32, i32)  : i32 {
            %add3A_1574 = arith.addi %scan3A_1572, %scan3A_1573 : i32
            %add3A_1575 = arith.constant 1 : i32
            %add3A_1576 = arith.addi %add3A_1574, %add3A_1575 : i32
            %jit3A_1577 = arith.constant 2 : i32
            %div3A_1578 = arith.divsi %add3A_1576, %jit3A_1577 : i32
            %sign3A_1579 = arith.constant 0 : i32
            %sign3A_1580 = arith.cmpi sgt, %add3A_1576, %sign3A_1579 : i32
            %sign3A_1581 = arith.extui %sign3A_1580 : i1 to i32
            %sign3A_1582 = arith.constant 0 : i32
            %sign3A_1583 = arith.cmpi slt, %add3A_1576, %sign3A_1582 : i32
            %sign3A_1584 = arith.extui %sign3A_1583 : i1 to i32
            %sign3A_1585 = arith.subi %sign3A_1581, %sign3A_1584 : i32
            %sign3A_1586 = arith.constant 0 : i32
            %sign3A_1587 = arith.cmpi sgt, %jit3A_1577, %sign3A_1586 : i32
            %sign3A_1588 = arith.extui %sign3A_1587 : i1 to i32
            %sign3A_1589 = arith.constant 0 : i32
            %sign3A_1590 = arith.cmpi slt, %jit3A_1577, %sign3A_1589 : i32
            %sign3A_1591 = arith.extui %sign3A_1590 : i1 to i32
            %sign3A_1592 = arith.subi %sign3A_1588, %sign3A_1591 : i32
            %ne3A_1593 = arith.cmpi ne, %sign3A_1585, %sign3A_1592 : i32
            %rem3A_1594 = arith.remsi %add3A_1576, %jit3A_1577 : i32
            %ne3A_1595 = arith.constant 0 : i32
            %ne3A_1596 = arith.cmpi ne, %rem3A_1594, %ne3A_1595 : i32
            %and3A_1597 = arith.andi %ne3A_1593, %ne3A_1596 : i1
            %sub3A_1598 = arith.constant 1 : i32
            %sub3A_1599 = arith.subi %div3A_1578, %sub3A_1598 : i32
            %select_n3A_1600 = arith.select %and3A_1597, %sub3A_1599, %div3A_1578 : i32
            %parallel_loop3A_1601 = arith.constant 0 : i32
            %parallel_loop3A_1602 = arith.constant 1 : i32
            %parallel_loop3A_1603 = scf.for %parallel_loop3A_1612 = %parallel_loop3A_1601 to %add3A_1380 step %parallel_loop3A_1602 iter_args(%parallel_loop3A_1613 = %broadcast_in_dim3A_1117) -> (vector<16xi32>)  : i32 {
              %parallel_loop3A_1614 = arith.constant 16 : i32
              %parallel_loop3A_1615 = arith.muli %parallel_loop3A_1612, %parallel_loop3A_1614 : i32
              %parallel_loop3A_1616 = arith.index_cast %parallel_loop3A_1615 : i32 to index
              %parallel_loop3A_1617 = tpu.vector_load %arg32[%parallel_loop3A_1616] {strides = array<i32>} : memref<4112xf32, #tpu.memory_space<vmem>>, vector<16xf32>,
              %parallel_loop3A_1618 = vector.bitcast %parallel_loop3A_1617 : vector<16xf32> to vector<16xi32>
              %parallel_loop3A_1619 = vector.broadcast %select_n3A_1600 : i32 to vector<16xi32>
              %parallel_loop3A_1620 = arith.cmpi sge, %parallel_loop3A_1618, %parallel_loop3A_1619 : vector<16xi32>
              %parallel_loop3A_1621 = arith.constant 1 : i32
              %parallel_loop3A_1622 = arith.constant 0 : i32
              %parallel_loop3A_1623 = vector.broadcast %parallel_loop3A_1621 : i32 to vector<16xi32>
              %parallel_loop3A_1624 = vector.broadcast %parallel_loop3A_1622 : i32 to vector<16xi32>
              %parallel_loop3A_1625 = arith.select %parallel_loop3A_1620, %parallel_loop3A_1623, %parallel_loop3A_1624 : vector<16xi1>, vector<16xi32>
              %parallel_loop3A_1626 = arith.addi %parallel_loop3A_1613, %parallel_loop3A_1625 : vector<16xi32>
              scf.yield %parallel_loop3A_1626 : vector<16xi32>
            } {sc.loop_unroll_factor = 8 : i64, sc.parallel_access}
            %reduce_sum3A_1604 = arith.constant true
            %reduce_sum3A_1605 = vector.broadcast %reduce_sum3A_1604 : i1 to vector<16xi1>
            %reduce_sum3A_1606 = tpu.scan <sum>, %parallel_loop3A_1603 masked %reduce_sum3A_1605 : vector<16xi32>, vector<16xi1> -> vector<16xi32>
            %reduce_sum3A_1607 = vector.extract %reduce_sum3A_1606[15] : i32 from vector<16xi32>
            %ge3A_1608 = arith.constant 50 : i32
            %ge3A_1609 = arith.cmpi sge, %reduce_sum3A_1607, %ge3A_1608 : i32
            %select_n3A_1610 = arith.select %ge3A_1609, %select_n3A_1600, %scan3A_1572 : i32
            %select_n3A_1611 = arith.select %ge3A_1609, %scan3A_1573, %select_n3A_1600 : i32
            scf.yield %select_n3A_1610, %select_n3A_1611 : i32, i32
          }
          %scan3A_1570 = arith.constant 20 : i32
          scf.yield %scan3A_1569#0 : i32
        }
        %parallel_loop3A_1473 = arith.constant 0 : i32
        %parallel_loop3A_1474 = arith.constant 1 : i32
        %parallel_loop3A_1475:2 = scf.for %parallel_loop3A_1565 = %parallel_loop3A_1473 to %add3A_1380 step %parallel_loop3A_1474 iter_args(%parallel_loop3A_1566 = %broadcast_in_dim3A_1115, %parallel_loop3A_1567 = %broadcast_in_dim3A_1115) -> (vector<16xf32>, vector<16xf32>)  : i32 {
          %parallel_loop3A_1568 = arith.constant 16 : i32
          %parallel_loop3A_1569 = arith.muli %parallel_loop3A_1565, %parallel_loop3A_1568 : i32
          %parallel_loop3A_1570 = arith.index_cast %parallel_loop3A_1569 : i32 to index
          %parallel_loop3A_1571 = tpu.vector_load %arg32[%parallel_loop3A_1570] {strides = array<i32>} : memref<4112xf32, #tpu.memory_space<vmem>>, vector<16xf32>,
          %parallel_loop3A_1572 = arith.constant 16 : i32
          %parallel_loop3A_1573 = arith.muli %parallel_loop3A_1565, %parallel_loop3A_1572 : i32
          %parallel_loop3A_1574 = arith.index_cast %parallel_loop3A_1573 : i32 to index
          %parallel_loop3A_1575 = tpu.vector_load %arg33[%parallel_loop3A_1574] {strides = array<i32>} : memref<4112xf32, #tpu.memory_space<vmem>>, vector<16xf32>,
          %parallel_loop3A_1576 = vector.bitcast %parallel_loop3A_1571 : vector<16xf32> to vector<16xi32>
          %parallel_loop3A_1577 = vector.broadcast %cond3A_1472 : i32 to vector<16xi32>
          %parallel_loop3A_1578 = arith.cmpi sge, %parallel_loop3A_1576, %parallel_loop3A_1577 : vector<16xi32>
          %parallel_loop3A_1579 = arith.constant 0.000000e+00 : f32
          %parallel_loop3A_1580 = vector.broadcast %parallel_loop3A_1579 : f32 to vector<16xf32>
          %parallel_loop3A_1581 = arith.select %parallel_loop3A_1578, %parallel_loop3A_1571, %parallel_loop3A_1580 : vector<16xi1>, vector<16xf32>
          %parallel_loop3A_1582 = arith.addf %parallel_loop3A_1566, %parallel_loop3A_1581 : vector<16xf32>
          %parallel_loop3A_1583 = arith.mulf %parallel_loop3A_1571, %parallel_loop3A_1575 : vector<16xf32>
          %parallel_loop3A_1584 = arith.constant 0.000000e+00 : f32
          %parallel_loop3A_1585 = vector.broadcast %parallel_loop3A_1584 : f32 to vector<16xf32>
          %parallel_loop3A_1586 = arith.select %parallel_loop3A_1578, %parallel_loop3A_1583, %parallel_loop3A_1585 : vector<16xi1>, vector<16xf32>
          %parallel_loop3A_1587 = arith.addf %parallel_loop3A_1567, %parallel_loop3A_1586 : vector<16xf32>
          scf.yield %parallel_loop3A_1582, %parallel_loop3A_1587 : vector<16xf32>, vector<16xf32>
        } {sc.loop_unroll_factor = 4 : i64, sc.parallel_access}
        %reduce_sum3A_1476 = arith.constant true
        %reduce_sum3A_1477 = vector.broadcast %reduce_sum3A_1476 : i1 to vector<16xi1>
        %reduce_sum3A_1478 = tpu.scan <sum>, %parallel_loop3A_1475#1 masked %reduce_sum3A_1477 : vector<16xf32>, vector<16xi1> -> vector<16xf32>
        %reduce_sum3A_1479 = vector.extract %reduce_sum3A_1478[15] : f32 from vector<16xf32>
        %add3A_1480 = vector.broadcast %reduce_sum3A_1479 : f32 to vector<16xf32>
        %add3A_1481 = arith.addf %broadcast_in_dim3A_1115, %add3A_1480 : vector<16xf32>
        %reduce_sum3A_1482 = arith.constant true
        %reduce_sum3A_1483 = vector.broadcast %reduce_sum3A_1482 : i1 to vector<16xi1>
        %reduce_sum3A_1484 = tpu.scan <sum>, %parallel_loop3A_1475#0 masked %reduce_sum3A_1483 : vector<16xf32>, vector<16xi1> -> vector<16xf32>
        %reduce_sum3A_1485 = vector.extract %reduce_sum3A_1484[15] : f32 from vector<16xf32>
        %add3A_1486 = vector.broadcast %reduce_sum3A_1485 : f32 to vector<16xf32>
        %add3A_1487 = arith.addf %broadcast_in_dim3A_1115, %add3A_1486 : vector<16xf32>
        %add3A_1488 = arith.constant 9.99999993E-9 : f32
        %add3A_1489 = vector.broadcast %add3A_1488 : f32 to vector<16xf32>
        %add3A_1490 = arith.addf %add3A_1487, %add3A_1489 : vector<16xf32>
        %div3A_1491 = arith.divf %add3A_1481, %add3A_1490 : vector<16xf32>
        %reduce_max3A_1492 = arith.constant true
        %reduce_max3A_1493 = vector.broadcast %reduce_max3A_1492 : i1 to vector<16xi1>
        %reduce_max3A_1494 = tpu.scan <max>, %div3A_1491 masked %reduce_max3A_1493 : vector<16xf32>, vector<16xi1> -> vector<16xf32>
        %reduce_max3A_1495 = vector.extract %reduce_max3A_1494[15] : f32 from vector<16xf32>
        %broadcast_in_dim3A_1496 = arith.constant 0 : i32
        %broadcast_in_dim3A_1497 = vector.broadcast %broadcast_in_dim3A_1496 : i32 to vector<16xi32>
        %add3A_1498 = vector.broadcast %scan3A_1164 : i32 to vector<16xi32>
        %add3A_1499 = arith.addi %broadcast_in_dim3A_1497, %add3A_1498 : vector<16xi32>
        %add3A_1500 = vector.broadcast %reduce_max3A_1195 : i32 to vector<16xi32>
        %add3A_1501 = arith.addi %broadcast_in_dim3A_1117, %add3A_1500 : vector<16xi32>
        %gather3A_1502 = tpu.vector_load_idx %arg29[%add3A_1499, %add3A_1501] : memref<8x4096xf32, #tpu.memory_space<vmem>>[vector<16xi32>, vector<16xi32>], vector<16xf32>,
        %reduce_max3A_1503 = arith.constant true
        %reduce_max3A_1504 = vector.broadcast %reduce_max3A_1503 : i1 to vector<16xi1>
        %reduce_max3A_1505 = tpu.scan <max>, %gather3A_1502 masked %reduce_max3A_1504 : vector<16xf32>, vector<16xi1> -> vector<16xf32>
        %reduce_max3A_1506 = vector.extract %reduce_max3A_1505[15] : f32 from vector<16xf32>
        %gather3A_1507 = tpu.vector_load_idx %arg22[%add3A_1169] : memref<128xf32, #tpu.memory_space<vmem>>[vector<16xi32>], vector<16xf32>,
        %reduce_max3A_1508 = arith.constant true
        %reduce_max3A_1509 = vector.broadcast %reduce_max3A_1508 : i1 to vector<16xi1>
        %reduce_max3A_1510 = tpu.scan <max>, %gather3A_1507 masked %reduce_max3A_1509 : vector<16xf32>, vector<16xi1> -> vector<16xf32>
        %reduce_max3A_1511 = vector.extract %reduce_max3A_1510[15] : f32 from vector<16xf32>
        %gather3A_1512 = tpu.vector_load_idx %arg23[%add3A_1169] : memref<128xf32, #tpu.memory_space<vmem>>[vector<16xi32>], vector<16xf32>,
        %reduce_max3A_1513 = arith.constant true
        %reduce_max3A_1514 = vector.broadcast %reduce_max3A_1513 : i1 to vector<16xi1>
        %reduce_max3A_1515 = tpu.scan <max>, %gather3A_1512 masked %reduce_max3A_1514 : vector<16xf32>, vector<16xi1> -> vector<16xf32>
        %reduce_max3A_1516 = vector.extract %reduce_max3A_1515[15] : f32 from vector<16xf32>
        %gt3A = arith.constant 0.000000e+00 : f32
        %gt3A_1517 = arith.cmpf ogt, %reduce_max3A_1506, %gt3A : f32
        %jit3A_1518 = arith.constant 1.000000e+00 : f32
        %jit3A_1519 = arith.constant 0.000000e+00 : f32
        %select_n3A_1520 = arith.select %gt3A_1517, %jit3A_1518, %jit3A_1519 : f32
        %sub3A_1521 = arith.subf %reduce_max3A_1511, %reduce_max3A_1506 : f32
        %sub3A_1522 = arith.subf %reduce_max3A_1516, %select_n3A_1520 : f32
        %add3A_1523 = vector.broadcast %sub3A_1521 : f32 to vector<16xf32>
        %add3A_1524 = arith.addf %broadcast_in_dim3A_1115, %add3A_1523 : vector<16xf32>
        %max3A = arith.constant 1.000000e+00 : f32
        %max3A_1525 = arith.maximumf %sub3A_1522, %max3A : f32
        %add3A_1526 = vector.broadcast %max3A_1525 : f32 to vector<16xf32>
        %add3A_1527 = arith.addf %broadcast_in_dim3A_1115, %add3A_1526 : vector<16xf32>
        %div3A_1528 = arith.divf %add3A_1524, %add3A_1527 : vector<16xf32>
        %reduce_max3A_1529 = arith.constant true
        %reduce_max3A_1530 = vector.broadcast %reduce_max3A_1529 : i1 to vector<16xi1>
        %reduce_max3A_1531 = tpu.scan <max>, %div3A_1528 masked %reduce_max3A_1530 : vector<16xf32>, vector<16xi1> -> vector<16xf32>
        %reduce_max3A_1532 = vector.extract %reduce_max3A_1531[15] : f32 from vector<16xf32>
        %gt3A_1533 = arith.constant 0.000000e+00 : f32
        %gt3A_1534 = arith.cmpf ogt, %sub3A_1522, %gt3A_1533 : f32
        %jit3A_1535 = arith.constant 0.000000e+00 : f32
        %select_n3A_1536 = arith.select %gt3A_1534, %reduce_max3A_1532, %jit3A_1535 : f32
        %add3A_1537 = arith.addi %mul3A_1197, %reduce_max3A_1195 : i32
        %add3A_1538 = vector.broadcast %add3A_1537 : i32 to vector<16xi32>
        %add3A_1539 = arith.addi %broadcast_in_dim3A_1117, %add3A_1538 : vector<16xi32>
        %gather3A_1540 = tpu.vector_load_idx %arg25[%add3A_1539] : memref<32768xf32, #tpu.memory_space<vmem>>[vector<16xi32>], vector<16xf32>,
        %reduce_max3A_1541 = arith.constant true
        %reduce_max3A_1542 = vector.broadcast %reduce_max3A_1541 : i1 to vector<16xi1>
        %reduce_max3A_1543 = tpu.scan <max>, %gather3A_1540 masked %reduce_max3A_1542 : vector<16xf32>, vector<16xi1> -> vector<16xf32>
        %reduce_max3A_1544 = vector.extract %reduce_max3A_1543[15] : f32 from vector<16xf32>
        %add3A_1545 = arith.addi %mul3A_1199, %reduce_max3A_1186 : i32
        %add3A_1546 = vector.broadcast %add3A_1545 : i32 to vector<16xi32>
        %add3A_1547 = arith.addi %broadcast_in_dim3A_1117, %add3A_1546 : vector<16xi32>
        %gather3A_1548 = tpu.vector_load_idx %arg26[%add3A_1547] : memref<4096xf32, #tpu.memory_space<vmem>>[vector<16xi32>], vector<16xf32>,
        %reduce_max3A_1549 = arith.constant true
        %reduce_max3A_1550 = vector.broadcast %reduce_max3A_1549 : i1 to vector<16xi1>
        %reduce_max3A_1551 = tpu.scan <max>, %gather3A_1548 masked %reduce_max3A_1550 : vector<16xf32>, vector<16xi1> -> vector<16xf32>
        %reduce_max3A_1552 = vector.extract %reduce_max3A_1551[15] : f32 from vector<16xf32>
        %mul3A_1553 = arith.mulf %reduce_sum3A_1093, %select_n3A_1536 : f32
        %add3A_1554 = arith.addf %reduce_max3A_1552, %reduce_max3A_1495 : f32
        %mul3A_1555 = arith.mulf %reduce_sum3A_1103, %add3A_1554 : f32
        %add3A_1556 = arith.addf %mul3A_1553, %mul3A_1555 : f32
        %add3A_1557 = arith.addf %reduce_max3A_1544, %reduce_max3A_1343 : f32
        %mul3A_1558 = arith.mulf %reduce_sum3A_1113, %add3A_1557 : f32
        %add3A_1559 = arith.addf %add3A_1556, %mul3A_1558 : f32
        %add3A_1560 = vector.broadcast %add3A_1559 : f32 to vector<16xf32>
        %add3A_1561 = arith.addf %broadcast_in_dim3A_1115, %add3A_1560 : vector<16xf32>
        %eq3A_1562 = arith.constant 0 : i32
        %eq3A_1563 = vector.broadcast %eq3A_1562 : i32 to vector<16xi32>
        %eq3A_1564 = arith.cmpi eq, %iota3A, %eq3A_1563 : vector<16xi32>
        tpu.vector_store_idx %arg24[%add3A_1169], %add3A_1561 masked %eq3A_1564 : memref<128xf32, #tpu.memory_space<vmem>>[vector<16xi32>], vector<16xf32>, vector<16xi1>
      }
      %scan3A_1163 = arith.constant 8 : i32
    }
    %scan3A_1122 = arith.constant 16 : i32
    "tpu.region"() ({
      %run_scoped3A = tpu.sem_alloc : memref<!tpu.dma_semaphore, #tpu.memory_space<semaphore_mem>>
      %dma_start3A_1123 = tpu.memref_slice %arg14[%mul3A_2] : memref<4096xf32, #tpu.memory_space<hbm>> -> memref<128xf32, #tpu.memory_space<hbm>>
      %dma_start3A_1124 = tpu.memref_slice %arg14[%mul3A_2] : memref<4096xf32, #tpu.memory_space<hbm>> -> memref<128xf32, #tpu.memory_space<hbm>>
      tpu.enqueue_dma source(%arg24 : memref<128xf32, #tpu.memory_space<vmem>>) target(%dma_start3A_1124 : memref<128xf32, #tpu.memory_space<hbm>>) target_semaphore(%run_scoped3A : memref<!tpu.dma_semaphore, #tpu.memory_space<semaphore_mem>>)
      %dma_wait3A_1125 = tpu.memref_slice %arg14[%mul3A_2] : memref<4096xf32, #tpu.memory_space<hbm>> -> memref<128xf32, #tpu.memory_space<hbm>>
      %dma_wait3A_1126 = tpu.memref_slice %arg14[%mul3A_2] : memref<4096xf32, #tpu.memory_space<hbm>> -> memref<128xf32, #tpu.memory_space<hbm>>
      tpu.wait_dma2 semaphore(%run_scoped3A : memref<!tpu.dma_semaphore, #tpu.memory_space<semaphore_mem>>) src(%arg24 : memref<128xf32, #tpu.memory_space<vmem>>) dst(%dma_wait3A_1126 : memref<128xf32, #tpu.memory_space<hbm>>)
      tpu.yield
    }) : () -> ()
    return
  }
}

</mosaic_0001>

<sc_bundles>
// kernel: kernel.3.cloned.1.call-start
scs
__scs_entry_jumppad:
0x0: {  	(pc) =	sbr.rel $0x88, $3  }
0x1: {  	(tag) =	ssettag $0x0;
	lr =	simm.s32 $0x1  }
0x2: {  	[smem:$0x3F96] =	sst lr;
	_ =	strace $0xD0000000  }
0x3: {  	_ = 	snop  }
0x4: {  	_ = 	snop  }
0x5: {  	_ = 	snop  }
0x6: {  	_ = 	snop  }
0x7: {  	_ = 	snop  }
__scs_overlays_trampoline_lowered:
0x8: {  	[smem:$0x3FA5] =	sst s0  }
0x9: {  	[smem:$0x3FA6] =	sst s1  }
0xa: {  	[smem:$0x3FA7] =	sst s2  }
0xb: {  	[smem:$0x3FA8] =	sst s3  }
0xc: {  	[smem:$0x3FA9] =	sst s4  }
0xd: {  	[smem:$0x3FAA] =	sst s5  }
0xe: {  	[smem:$0x3FAB] =	sst s6  }
0xf: {  	[smem:$0x3FAC] =	sst s7  }
0x10: {  	[smem:$0x3FAD] =	sst s8  }
0x11: {  	[smem:$0x3FAE] =	sst s9;
	s0 =	simm.s32 @!p0 $0x0  }
0x12: {  	s1 =	sld [smem:$0x3F94];
	s0 =	simm.s32 @p0 $0x1  }
0x13: {  	[smem:$0x3FAF] =	sst s0;
	s0 =	simm.s32 @!p1 $0x0  }
0x14: {  	s2 =	sld [smem:$0x3F93];
	s0 =	simm.s32 @p1 $0x1  }
0x15: {  	[smem:$0x3FB0] =	sst s0;
	s0 =	simm.s32 @!p2 $0x0  }
0x16: {  	s3 =	sld [smem:$0x3FDB];
	s0 =	simm.s32 @p2 $0x1  }
0x17: {  	s4 =	simm.s32 $0x1BF5;
	[smem:$0x3FB2] =	sst s0  }
0x18: {  	s0 =	sld [smem:$0x3F95];
	_ =	swait.ge [sflag:s4], $0x0  }
0x19: {  	s7 =	sld [smem:$0x3F96]  }
0x1a: {  	s8 =	sadd.s32 $0xFFFFE003, lr  }
0x1b: {  	s9 =	sadd.s32 $0xFFFFFEF7, lr;
	s5 =	simm.s32 $0xFFFFFFFF;
	p2 =	slt.u32 s8, $0xFFFFF086  }
0x1c: {  	p1 =	slt.u32 s9, $0xF7A;
	s5 =	simm.s32 @!p2 $0x0  }
0x1d: {  	s5 =	simm.s32 @p1 $0x1;
	p0 =	seq.s32 s7, s2  }
0x1e: {  	s7 =	smul.u32 @!p0 $0xF7A, s2;
	p2 =	seq.s32 @!p0 s5, $0x0  }
0x1f: {  	s9 =	smul.u32 $0xF7A, s1;
	s8 =	simm.s32 @!p0 $0x1BF5;
	p2 =	por !p2, p0  }
0x20: {  	[sflag:s8] =	ssyncset.s32 @!p0 $0xFFFFF086;
	s6 =	sadd.s32 @!p0 s3, s7;
	s7 =	simm.s32 @!p0 $0x108  }
0x21: {  	s3 =	sadd.s32 s3, s9;
	s6 =	sadd.s32 @!p0 $0x88, s6;
	s7 =	simm.s32 @p2 $0x1082  }
0x22: {  	[simem:s7], [sflag:s8] =	dma.local @!p0 [hbm:s6], $0xF7A  }
0x23: {  	s9 =	sor.u32 $0xD0000000, s2;
	s6 =	simm.s32 $0x108;
	_ =	swait.ge @!p0 [sflag:s8], $0x0  }
0x24: {  	s3 =	sadd.s32 $0x88, s3;
	s6 =	simm.s32 @!p1 $0x1082;
	[sflag:s4] =	ssyncset.s32 $0xFFFFF086  }
0x25: {  	[simem:s6], [sflag:s4] =	dma.local [hbm:s3], $0xF7A  }
0x26: {  	[smem:$0x3F96] =	sst s1;
	(tag) =	ssettag s2;
	_ =	strace s9  }
0x27: {  	s1 =	sld [smem:$0x3FA6]  }
0x28: {  	s2 =	sld [smem:$0x3FA7]  }
0x29: {  	s4 =	sld [smem:$0x3FA9]  }
0x2a: {  	p0 =	seq.s32 s5, $0x0;
	s5 =	sld [smem:$0x3FAA]  }
0x2b: {  	s6 =	sld [smem:$0x3FAB]  }
0x2c: {  	s7 =	sld [smem:$0x3FAC]  }
0x2d: {  	s3 =	simm.s32 $0x108;
	s8 =	sld [smem:$0x3FAD]  }
0x2e: {  	s3 =	simm.s32 @!p0 $0x1082;
	s9 =	sld [smem:$0x3FAE]  }
0x2f: {  	lr =	sadd.s32 s0, s3;
	s0 =	sld [smem:$0x3FA5]  }
0x30: {  	s3 =	sld [smem:$0x3FA8]  }
0x31: {  	[smem:$0x3FB1] =	sst s10  }
0x32: {  	s10 =	sld [smem:$0x3FAF];
	_ =	sdelay $0x3  }
0x33: {  	p0 =	seq.s32 s10, $0x1;
	s10 =	sld [smem:$0x3FB1];
	_ =	sdelay $0x3  }
0x34: {  	[smem:$0x3FB1] =	sst s10  }
0x35: {  	s10 =	sld [smem:$0x3FB0];
	_ =	sdelay $0x3  }
0x36: {  	p1 =	seq.s32 s10, $0x1;
	s10 =	sld [smem:$0x3FB1];
	_ =	sdelay $0x3  }
0x37: {  	[smem:$0x3FB1] =	sst s10  }
0x38: {  	s10 =	sld [smem:$0x3FB2]  }
0x39: {  	_ = 	snop;
	(pc) =	sbr.ind lr, $3  }
0x3a: {  	_ = 	snop  }
0x3b: {  	_ = 	snop  }
0x3c: {  	p2 =	seq.s32 s10, $0x1;
	s10 =	sld [smem:$0x3FB1]  }
0x3d: {  	_ =	shalt  }
0x3e: {  	_ =	shalt  }
0x3f: {  	_ =	shalt  }
0x40: {  	_ =	shalt  }
0x41: {  	_ =	shalt  }
0x42: {  	_ =	shalt  }
0x43: {  	_ =	shalt  }
0x44: {  	_ =	shalt  }
0x45: {  	_ =	shalt  }
0x46: {  	_ =	shalt  }
0x47: {  	_ =	shalt  }
0x48: {  	_ =	shalt  }
0x49: {  	_ =	shalt  }
0x4a: {  	_ =	shalt  }
0x4b: {  	_ =	shalt  }
0x4c: {  	_ =	shalt  }
0x4d: {  	_ =	shalt  }
0x4e: {  	_ =	shalt  }
0x4f: {  	_ =	shalt  }
0x50: {  	_ =	shalt  }
0x51: {  	_ =	shalt  }
0x52: {  	_ =	shalt  }
0x53: {  	_ =	shalt  }
0x54: {  	_ =	shalt  }
0x55: {  	_ =	shalt  }
0x56: {  	_ =	shalt  }
0x57: {  	_ =	shalt  }
0x58: {  	_ =	shalt  }
0x59: {  	_ =	shalt  }
0x5a: {  	_ =	shalt  }
0x5b: {  	_ =	shalt  }
0x5c: {  	_ =	shalt  }
0x5d: {  	_ =	shalt  }
0x5e: {  	_ =	shalt  }
0x5f: {  	_ =	shalt  }
0x60: {  	_ =	shalt  }
0x61: {  	_ =	shalt  }
0x62: {  	_ =	shalt  }
0x63: {  	_ =	shalt  }
0x64: {  	_ =	shalt  }
0x65: {  	_ =	shalt  }
0x66: {  	_ =	shalt  }
0x67: {  	_ =	shalt  }
0x68: {  	_ =	shalt  }
0x69: {  	_ =	shalt  }
0x6a: {  	_ =	shalt  }
0x6b: {  	_ =	shalt  }
0x6c: {  	_ =	shalt  }
0x6d: {  	_ =	shalt  }
0x6e: {  	_ =	shalt  }
0x6f: {  	_ =	shalt  }
0x70: {  	_ =	shalt  }
0x71: {  	_ =	shalt  }
0x72: {  	_ =	shalt  }
0x73: {  	_ =	shalt  }
0x74: {  	_ =	shalt  }
0x75: {  	_ =	shalt  }
0x76: {  	_ =	shalt  }
0x77: {  	_ =	shalt  }
0x78: {  	_ =	shalt  }
0x79: {  	_ =	shalt  }
0x7a: {  	_ =	shalt  }
0x7b: {  	_ =	shalt  }
0x7c: {  	_ =	shalt  }
0x7d: {  	_ =	shalt  }
0x7e: {  	_ =	shalt  }
0x7f: {  	_ =	shalt  }
0x80: {  	_ =	shalt  }
0x81: {  	_ =	shalt  }
0x82: {  	_ =	shalt  }
0x83: {  	_ =	shalt  }
0x84: {  	_ =	shalt  }
0x85: {  	_ =	shalt  }
0x86: {  	_ =	shalt  }
0x87: {  	_ =	shalt  }
.Lfunc_end0:
.L_simem_size_0:
called_computation.1_lowered:
.L_overlay_start_0:
0x88: {  	s2 =	sld [smem:$0x3FD9]  }
0x89: {  	s3 =	sld [smem:$0x3FFE];
	_ =	sdelay $0x1  }
0x8a: {  	s1 =	srdreg.scid  }
0x8b: {  	s0 =	sand.u32 $0x1, s1  }
0x8c: {  	s17 =	sshll.u32 s0, $0xA;
	s2 =	sadd.s32 s3, s2  }
0x8d: {  	s2 =	sadd.s32 s2, s17  }
0x8e: {  	[smem:$0x3FBD] =	sst s2  }
0x8f: {  	_ = 	snop  }
0x90: {  	s2 =	sld [smem:$0x3FC9]  }
0x91: {  	s18 =	sld [smem:$0x3FC6]  }
0x92: {  	s4 =	sld [smem:$0x3FC5]  }
0x93: {  	s5 =	sld [smem:$0x3FC1]  }
0x94: {  	s6 =	sld [smem:$0x3FC0]  }
0x95: {  	s7 =	sld [smem:$0x3FBF]  }
0x96: {  	s8 =	sld [smem:$0x3FD0];
	(tm) =	ssettm $0x1  }
0x97: {  	s9 =	sld [smem:$0x3FFB];
	_ =	sdelay $0x3  }
0x98: {  	_ =	strace s9  }
0x99: {  	s9 =	sld [smem:$0x3FFC];
	_ =	sdelay $0x3  }
0x9a: {  	_ =	strace s9  }
0x9b: {  	s9 =	sld [smem:$0x3FFD];
	_ =	sdelay $0x3  }
0x9c: {  	_ =	strace s9  }
0x9d: {  	_ =	strace $0x8FFFFFFF  }
0x9e: {  	s19 =	sld [smem:$0x3FDB];
	_ =	sdelay $0x1  }
0x9f: {  	s10 =	simm.s32 $_scs_section_size  }
0xa0: {  	s11 =	simm.s32 $_size__tile_overlayer_lowered;
	s12 =	simm.s32 $_tile_overlayer_lowered  }
0xa1: {  	s22 =	simm.s32 $0x1BFF;
	s21 =	sshll.u32 s12, $0x1;
	s9 =	sadd.s32 s10, s19  }
0xa2: {  	s13 =	simm.s32 $0x0;
	s20 =	sshll.u32 s11, $0x1;
	s11 =	sadd.s32 s21, s9  }
0xa3: {  	[timem:s13], [sflag:s22] =	dma.local [hbm:s11], s20  }
0xa4: {  	_ =	swait.ge [sflag:s22], s20  }
0xa5: {  	s10 =	ssub.s32 $0x0, s20;
	[sflag:s22] =	ssyncset.done $0x0  }
0xa6: {  	[sflag:s22] =	ssyncadd.s32 s10;
	_ =	sdelay $0x1  }
0xa7: {  	s23 =	simm.s32 $0x1B8B  }
0xa8: {  	_ =	swait.ge [sflag:s23], $0x1  }
0xa9: {  	[sflag:s23] =	ssyncset.done $0x0  }
0xaa: {  	s25 =	simm.s32 $0x1B8E;
	s24 =	sld [smem:$0x3FFE];
	[sflag:s23] =	ssyncadd.s32 $0xFFFFFFFF  }
0xab: {  	s26 =	simm.s32 $execute0_lowered;
	[smem:$0x3FD2] =	sst s25  }
0xac: {  	s11 =	sshll.u32 s26, $0x1;
	_ =	strace $0x80000049;
	[dreg:$0x1] =	wrdreg $0xFFFFFFFF  }
0xad: {  	s28 =	simm.s32 $_size_execute0_lowered;
	s9 =	sadd.s32 s9, s11;
	[dreg:$0x0] =	wrdreg $0x0  }
0xae: {  	s11 =	sshll.u32 s28, $0x1;
	[dreg:$0x2] =	wrdreg s9  }
0xaf: {  	[dreg:$0x3] =	wrdreg s11  }
0xb0: {  	[dreg:$0x4] =	wrdreg $0xC0  }
0xb1: {  	_ =	task [dreg:s13], $0x5FFFF  }
0xb2: {  	[dreg:$0x1] =	wrdreg $0xFFFFFFFF  }
0xb3: {  	[dreg:$0x0] =	wrdreg $0x60  }
0xb4: {  	[dreg:$0x2] =	wrdreg s2  }
0xb5: {  	[dreg:$0x3] =	wrdreg s24  }
0xb6: {  	[dreg:$0x4] =	wrdreg s18  }
0xb7: {  	[dreg:$0x5] =	wrdreg s4  }
0xb8: {  	[dreg:$0x6] =	wrdreg s5  }
0xb9: {  	[dreg:$0x7] =	wrdreg s6  }
0xba: {  	[dreg:$0x8] =	wrdreg s7  }
0xbb: {  	[dreg:$0x9] =	wrdreg s8  }
0xbc: {  	[dreg:$0xa] =	wrdreg $0x9  }
0xbd: {  	_ =	task.clear_ibuf [dreg:s13], $0xBFFFF;
	_ =	strace $0x90000049  }
0xbe: {  	s29 =	simm.s32 $0x9;
	_ =	strace $0x8000004B  }
0xbf: {  	_ =	swait.ge [sflag:s29], $0x1  }
0xc0: {  	[sflag:s29] =	ssyncadd.s32 $0xFFFFFFFF  }
0xc1: {  	_ =	strace $0x9000004B  }
0xc2: {  	_ =	sfence  }
0xc3: {  	s30 =	sld [smem:$0x0];
	_ =	sdelay $0x2  }
0xc4: {  	s31 =	sshll.u32 s1, $0xD;
	s1 =	sshrl.u32 s1, $0x2  }
0xc5: {  	s3 =	sand.u32 $0x4000, s31;
	s1 =	sadd.s32 s1, s30  }
0xc6: {  	s0 =	sor.u32 s3, s0;
	s1 =	sshll.u32 s1, $0x11  }
0xc7: {  	s0 =	sor.u32 s1, s0  }
0xc8: {  	s0 =	sadd.s32 $0x8F2B, s0  }
0xc9: {  	[sflag:s0] =	ssyncadd.remote.s32 $0x1  }
0xca: {  	_ =	sfence.sel $0xFFFF  }
0xcb: {  	[dreg:$0x0] =	wrdreg $0xFFFFFFFF;
	(pc) =	sbr.abs _section_cstart, $3  }
0xcc: {  	[dreg:$0x1] =	wrdreg $0xFFFFFFFF  }
0xcd: {  	_ =	task.clear_ibuf [dreg:s13], $0x2FFFF;
	_ =	strace $0x9FFFFFFF  }
0xce: {  	(tm) =	ssettm $0x7FFFFFFF  }
0xcf: {  	_ =	shalt  }
tec
execute0_lowered:
.L_overlay_start_1:
0x0: {  	(tag) =	ssettag $0x1  }
0x1: {  	s9 =	rddreg [dreg:$0x0]  }
0x2: {  	s0 =	rddreg [dreg:$0x1]  }
0x3: {  	s10 =	rddreg [dreg:$0x2]  }
0x4: {  	s11 =	rddreg [dreg:$0x3]  }
0x5: {  	s1 =	rddreg [dreg:$0x4]  }
0x6: {  	s2 =	rddreg [dreg:$0x5]  }
0x7: {  	s3 =	rddreg [dreg:$0x6]  }
0x8: {  	s4 =	rddreg [dreg:$0x7];
	s5 =	simm.s32 $0x0  }
0x9: {  	[smem:$0x7FF] =	sst s5;
	s15 =	sadd.s32 $0x1200, s0  }
0xa: {  	s16 =	sadd.s32 $0x202400, s0;
	_ =	strace $0x8000004A;
	[dreg:$0x9] =	wrdreg s15  }
0xb: {  	s17 =	sadd.s32 $0x242400, s0;
	[dreg:$0xa] =	wrdreg s16  }
0xc: {  	s6 =	sadd.s32 $0x201400, s0;
	[dreg:$0xb] =	wrdreg s17  }
0xd: {  	s8 =	sadd.s32 $0x201200, s0;
	[dreg:$0xc] =	wrdreg s6  }
0xe: {  	s21 =	sadd.s32 $0x282400, s0;
	[dreg:$0xd] =	wrdreg s8  }
0xf: {  	s24 =	sadd.s32 $0x100, s10;
	[dreg:$0xe] =	wrdreg s21  }
0x10: {  	s25 =	sadd.s32 $0x200, s10;
	[dreg:$0x12] =	wrdreg s24  }
0x11: {  	s26 =	sadd.s32 $0x300, s10;
	[dreg:$0x13] =	wrdreg s25  }
0x12: {  	s28 =	sadd.s32 $0x400, s10;
	[dreg:$0x14] =	wrdreg s26  }
0x13: {  	s29 =	sadd.s32 $0x500, s10;
	[dreg:$0x15] =	wrdreg s28  }
0x14: {  	s30 =	sadd.s32 $0x600, s10;
	[dreg:$0x16] =	wrdreg s29  }
0x15: {  	s31 =	sadd.s32 $0x700, s10;
	[dreg:$0x17] =	wrdreg s30  }
0x16: {  	s0 =	sadd.s32 $0x1300, s0;
	[dreg:$0x18] =	wrdreg s31  }
0x17: {  	s12 =	sadd.s32 $0xD00, s10;
	[dreg:$0x1b] =	wrdreg s0  }
0x18: {  	s13 =	sadd.s32 $0xE00, s10;
	[smem:$0x7EB] =	sst s12  }
0x19: {  	s18 =	srdreg.scid;
	s14 =	sadd.s32 $0xF00, s10;
	[smem:$0x7EC] =	sst s13  }
0x1a: {  	s5 =	sand.u32 $0x1, s18;
	s18 =	sadd.s32 $0x400, s9;
	[smem:$0x7ED] =	sst s14  }
0x1b: {  	s8 =	sadd.s32 $0xC00, s10;
	[smem:$0x7F1] =	sst s18  }
0x1c: {  	s15 =	sadd.s32 $0x100, s9;
	[smem:$0x7EA] =	sst s8  }
0x1d: {  	s16 =	sadd.s32 $0x200, s9;
	[smem:$0x7EE] =	sst s15  }
0x1e: {  	s17 =	sadd.s32 $0x300, s9;
	[smem:$0x7EF] =	sst s16  }
0x1f: {  	s21 =	sadd.s32 $0x700, s9;
	[smem:$0x7F0] =	sst s17  }
0x20: {  	s24 =	sadd.s32 $0xA00, s9;
	[smem:$0x7F4] =	sst s21  }
0x21: {  	s25 =	sadd.s32 $0xB00, s9;
	[smem:$0x7F7] =	sst s24  }
0x22: {  	s26 =	sadd.s32 $0xC00, s9;
	[smem:$0x7F8] =	sst s25  }
0x23: {  	s7 =	stileid.u32;
	s28 =	sadd.s32 $0xD00, s9;
	[smem:$0x7F9] =	sst s26  }
0x24: {  	s7 =	sshll.u32 s7, $0x5;
	s29 =	sadd.s32 $0xE00, s9;
	[smem:$0x7FA] =	sst s28  }
0x25: {  	s19 =	ssub.s32 $0x2, s5;
	s30 =	sadd.s32 $0xF00, s9;
	[smem:$0x7FB] =	sst s29  }
0x26: {  	s5 =	sshll.u32 s5, $0x4;
	s31 =	sadd.s32 $0x100, s11;
	[smem:$0x7FC] =	sst s30  }
0x27: {  	s5 =	sor.u32 s5, s7;
	s7 =	sadd.s32 $0xB00, s10;
	[smem:$0x7FD] =	sst s31  }
0x28: {  	s1 =	sadd.s32 s1, s5;
	[dreg:$0x1f] =	wrdreg s7  }
0x29: {  	s22 =	sadd.s32 s2, s5;
	[dreg:$0xf] =	wrdreg s1  }
0x2a: {  	s23 =	sadd.s32 s3, s5;
	[dreg:$0x10] =	wrdreg s22  }
0x2b: {  	s2 =	sadd.s32 s4, s5;
	[dreg:$0x11] =	wrdreg s23  }
0x2c: {  	s3 =	sadd.s32 $0x800, s10;
	[dreg:$0x19] =	wrdreg s2  }
0x2d: {  	s20 =	sshrl.u32 s19, $0x1;
	s5 =	sadd.s32 $0x900, s10;
	[dreg:$0x1a] =	wrdreg s3  }
0x2e: {  	s6 =	ssub.s32 s19, s20;
	s19 =	sadd.s32 $0x500, s9;
	[dreg:$0x1d] =	wrdreg s5  }
0x2f: {  	s20 =	sadd.s32 $0x600, s9;
	[smem:$0x7F2] =	sst s19  }
.Ltmp0:
0x30: {  	s4 =	smax.u32 s6, $0x1;
	[smem:$0x7F3] =	sst s20;
	(pc) =	sbr.rel .LBB2_1-.Ltmp0, $4  }
0x31: {  	v0 =	vlaneseq.u32;
	v2 =	vimm.s32 $0x0;
	vm0 =	vmmov $0x1;
	s6 =	sadd.s32 $0xA00, s10;
	[dreg:$0x1c] =	wrdreg s4  }
0x32: {  	vm1 =	vcmask $0x308;
	vm2 =	vcmask $0x70C;
	v1 =	vmul.u32 $0x80, v0;
	s0 =	simm.s32 $0x0;
	s22 =	sadd.s32 $0x800, s9;
	[dreg:$0x1e] =	wrdreg s6  }
0x33: {  	vm3 =	vmmov $0xffff;
	v6 =	vimm.f32 $0.0e+00;
	v5 =	vshrl.u32 v0, $0x3;
	s23 =	sadd.s32 $0x900, s9;
	s2 =	simm.s32 $0x2;
	[smem:$0x7F5] =	sst s22  }
0x34: {  	v4 =	vand.u32 $0x7, v0;
	v5 =	vmul.u32 $0x8, v5;
	v3 =	vor.u32 $0x800, v1;
	s3 =	simm.s32 $0x0;
	[smem:$0x7F6] =	sst s23;
	s23 =	simm.s32 $0x1E600  }
.LBB2_84:
0x35: {  	s0 =	simm.s32 $0x0;
	s1 =	rddreg [dreg:$0x19];
	s2 =	simm.s32 $0x1400  }
0x36: {  	[hbm4b:s1+s0] =	stream.linear.scatter [tilespmem:s2], [sflag:$0x2], $0x80, $0x38;
	[tilespmem:$0x1EC80] =	vst v63  }
0x37: {  	s2 =	simm.s32 $0x2  }
0x38: {  	_ =	swait.ge [sflag:s2], $0x80  }
0x39: {  	s3 =	sld [smem:$0x7E6];
	_ =	sdelay $0x2  }
0x3a: {  	s31 =	rddreg [dreg:$0x1c];
	s3 =	sadd.s32 $0x1, s3  }
0x3b: {  	p0 =	sne.s32 s3, s31  }
.Ltmp1:
0x3c: {  	_ = 	snop;
	(pc) =	sbr.rel @!p0 .LBB2_85-.Ltmp1, $3  }
0x3d: {  	_ =	sdelay $0x1  }
0x3e: {  	[sflag:s2] =	ssyncset.done $0x0  }
0x3f: {  	[sflag:s2] =	ssyncadd.s32 $0xFFFFFF80  }
.LBB2_1:
0x40: {  	[smem:$0x7E6] =	sst s3  }
0x41: {  	s1 =	rddreg [dreg:$0xf]  }
0x42: {  	[tilespmem:s0], [sflag:$0x2] =	stream.linear.gather [hbm4b:s1+s0], $0x80, $0x38;
	[tilespmem:$0x1EC80] =	vst v63  }
0x43: {  	_ =	swait.ge [sflag:s2], $0x80  }
0x44: {  	[sflag:s2] =	ssyncset.done $0x0  }
0x45: {  	s13 =	simm.s32 $0x80;
	s12 =	rddreg [dreg:$0x10];
	[sflag:s2] =	ssyncadd.s32 $0xFFFFFF80  }
0x46: {  	[tilespmem:s13], [sflag:$0x2] =	stream.linear.gather [hbm4b:s12+s0], $0x80, $0x38;
	[tilespmem:$0x1EC80] =	vst v63  }
0x47: {  	_ =	swait.ge [sflag:s2], $0x80  }
0x48: {  	[sflag:s2] =	ssyncset.done $0x0  }
0x49: {  	s15 =	simm.s32 $0x100;
	s14 =	rddreg [dreg:$0x11];
	[sflag:s2] =	ssyncadd.s32 $0xFFFFFF80  }
0x4a: {  	[tilespmem:s15], [sflag:$0x2] =	stream.linear.gather [hbm4b:s14+s0], $0x80, $0x38;
	[tilespmem:$0x1EC80] =	vst v63  }
0x4b: {  	_ =	swait.ge [sflag:s2], $0x80  }
0x4c: {  	[sflag:s2] =	ssyncset.done $0x0  }
0x4d: {  	s17 =	simm.s32 $0x1480;
	s16 =	rddreg [dreg:$0xc];
	[sflag:s2] =	ssyncadd.s32 $0xFFFFFF80  }
0x4e: {  	[tilespmem:s17], [sflag:$0x2] =	stream.linear.gather [hbm4b:s16+s0], $0x8000, $0x38;
	[tilespmem:$0x1EC80] =	vst v63  }
0x4f: {  	_ =	swait.ge [sflag:s2], $0x8000  }
0x50: {  	[sflag:s2] =	ssyncset.done $0x0  }
0x51: {  	s19 =	simm.s32 $0x9480;
	s18 =	rddreg [dreg:$0xd];
	[sflag:s2] =	ssyncadd.s32 $0xFFFF8000  }
0x52: {  	[tilespmem:s19], [sflag:$0x2] =	stream.linear.gather [hbm4b:s18+s0], $0x1000, $0x38;
	[tilespmem:$0x1EC80] =	vst v63  }
0x53: {  	_ =	swait.ge [sflag:s2], $0x1000  }
0x54: {  	[sflag:s2] =	ssyncset.done $0x0  }
0x55: {  	s21 =	simm.s32 $0xA480;
	s20 =	rddreg [dreg:$0xe];
	[sflag:s2] =	ssyncadd.s32 $0xFFFFF000  }
0x56: {  	[tilespmem:s21], [sflag:$0x2] =	stream.linear.gather [hbm4b:s20+s0], $0x80, $0x38;
	[tilespmem:$0x1EC80] =	vst v63  }
0x57: {  	_ =	swait.ge [sflag:s2], $0x80  }
0x58: {  	[sflag:s2] =	ssyncset.done $0x0  }
0x59: {  	[sflag:s2] =	ssyncadd.s32 $0xFFFFFF80  }
0x5a: {  	v7 =	vld [tilespmem:$0x0]  }
0x5b: {  	v8 =	vld [tilespmem:$0x100]  }
0x5c: {  	v9 =	vld [tilespmem:$0x80]  }
0x5d: {  	v10 =	vld [tilespmem:$0x10]  }
0x5e: {  	v13 =	vld [tilespmem:$0x90]  }
0x5f: {  	v46 =	vld [tilespmem:$0x110]  }
0x60: {  	v50 =	vld [tilespmem:$0x20]  }
0x61: {  	v16 =	vld [tilespmem:$0xA0]  }
0x62: {  	v18 =	vld [tilespmem:$0x120]  }
0x63: {  	v19 =	vld [tilespmem:$0x30]  }
0x64: {  	v56 =	vld [tilespmem:$0xB0]  }
0x65: {  	v22 =	vld [tilespmem:$0x130]  }
0x66: {  	v60 =	vld [tilespmem:$0x40]  }
0x67: {  	v62 =	vld [tilespmem:$0xC0]  }
0x68: {  	v24 =	vld [tilespmem:$0x140]  }
0x69: {  	v30 =	vld [tilespmem:$0x50];
	v11 =	vshll.u32 v8, $0x9  }
0x6a: {  	v32 =	vld [tilespmem:$0xD0];
	v12 =	vshll.u32 v7, $0xC;
	v8 =	vshll.u32 v8, $0xC;
	v15 =	vand.u32 $0x7F, v9  }
0x6b: {  	v36 =	vld [tilespmem:$0x150];
	v49 =	vshll.u32 v10, $0xC;
	v51 =	vshll.u32 v46, $0x9;
	v17 =	vand.u32 $0x7F, v13  }
0x6c: {  	v54 =	vshll.u32 v50, $0xC;
	v57 =	vshll.u32 v18, $0x9;
	v21 =	vand.u32 $0x7F, v16  }
0x6d: {  	v58 =	vshll.u32 v18, $0xC;
	v61 =	vshll.u32 v19, $0xC;
	v63 =	vshll.u32 v22, $0x9  }
0x6e: {  	v23 =	vand.u32 $0x7F, v56;
	v22 =	vshll.u32 v22, $0xC;
	v29 =	vshll.u32 v60, $0xC  }
0x6f: {  	v41 =	vld [tilespmem:$0xE0];
	v33 =	vshll.u32 v24, $0xC;
	v18 =	vand.u32 $0x7F, v62;
	v37 =	vshll.u32 v30, $0xC  }
0x70: {  	v40 =	vand.u32 $0x7F, v32;
	v44 =	vshll.u32 v36, $0x9;
	v7 =	vadd.s32 v7, v11  }
0x71: {  	v45 =	vadd.s32 v9, v12;
	vm5 =	vne.s32 v15, $0x0;
	v8 =	vadd.s32 v9, v8  }
0x72: {  	v10 =	vadd.s32 v10, v51;
	v12 =	vshll.u32 v46, $0xC;
	v55 =	vadd.s32 v16, v54  }
0x73: {  	v15 =	vadd.s32 v50, v57;
	v16 =	vadd.s32 v16, v58;
	v19 =	vadd.s32 v19, v63  }
0x74: {  	v31 =	vadd.s32 v62, v29;
	v50 =	vand.u32 $0x7F, v41;
	v14 =	vshra.s32 v45, $0x1F  }
0x75: {  	vm4 =	vlt.s32 v45, $0x1;
	v12 =	vadd.s32 v13, v12;
	v20 =	vshra.s32 v55, $0x1F  }
0x76: {  	v43 =	vld [tilespmem:$0x160];
	[tilespmem:$0x200] =	vst v8;
	v8 =	vshll.u32 v24, $0x9;
	v34 =	vshra.s32 v31, $0x1F;
	v14 =	vshrl.u32 v14, $0x19  }
0x77: {  	vm4 =	vmand vm4, vm5;
	vm5 =	vne.s32 v17, $0x0;
	v20 =	vshrl.u32 v20, $0x19  }
0x78: {  	v38 =	vld [tilespmem:$0x60];
	v17 =	vadd.s32 v56, v61;
	v8 =	vadd.s32 v60, v8;
	v35 =	vshrl.u32 v34, $0x19  }
0x79: {  	v47 =	vadd.s32 v14, v45;
	v48 =	vsel vm4, $0xFFFFFFFF, v2;
	v14 =	vadd.s32 v13, v49  }
0x7a: {  	v51 =	vld [tilespmem:$0x170];
	[tilespmem:$0x190] =	vst v10;
	v13 =	vadd.s32 v20, v55;
	v27 =	vshra.s32 v17, $0x1F;
	v10 =	vadd.s32 v35, v31  }
0x7b: {  	v45 =	vshll.u32 v36, $0xC;
	[tilespmem:$0x1C0] =	vst v8;
	v8 =	vshll.u32 v43, $0x9;
	v9 =	vshra.s32 v47, $0x7  }
0x7c: {  	v52 =	vshra.s32 v14, $0x1F;
	vm4 =	vlt.s32 v14, $0x1;
	v13 =	vshra.s32 v13, $0x7  }
0x7d: {  	v10 =	vshra.s32 v10, $0x7;
	v8 =	vadd.s32 v38, v8;
	v9 =	vadd.s32 v48, v9  }
0x7e: {  	v11 =	vshrl.u32 v52, $0x19;
	vm4 =	vmand vm4, vm5;
	vm5 =	vne.s32 v21, $0x0  }
0x7f: {  	v21 =	vshrl.u32 v27, $0x19;
	v48 =	vshll.u32 v38, $0xC;
	v60 =	vshll.u32 v51, $0xC  }
0x80: {  	v11 =	vadd.s32 v11, v14;
	v53 =	vsel vm4, $0xFFFFFFFF, v2;
	vm4 =	vlt.s32 v55, $0x1  }
0x81: {  	v14 =	vadd.s32 v56, v22;
	[tilespmem:$0x280] =	vst v9;
	v9 =	vadd.s32 v62, v33;
	v56 =	vshll.u32 v51, $0x9  }
0x82: {  	[tilespmem:$0x180] =	vst v7;
	v47 =	vld [tilespmem:$0x70];
	v11 =	vshra.s32 v11, $0x7;
	vm4 =	vmand vm4, vm5;
	vm5 =	vlt.s32 v17, $0x1  }
0x83: {  	v49 =	vld [tilespmem:$0xF0];
	v17 =	vadd.s32 v21, v17;
	[tilespmem:$0x230] =	vst v14;
	v14 =	vadd.s32 v41, v48;
	v11 =	vadd.s32 v53, v11  }
0x84: {  	[tilespmem:$0x1A0] =	vst v15;
	v59 =	vsel vm4, $0xFFFFFFFF, v2;
	vm4 =	vne.s32 v23, $0x0;
	v7 =	vshra.s32 v17, $0x7  }
0x85: {  	[tilespmem:$0x1E0] =	vst v8;
	v52 =	vshra.s32 v14, $0x1F;
	v53 =	vshll.u32 v43, $0xC;
	v13 =	vadd.s32 v59, v13  }
0x86: {  	vm4 =	vmand vm5, vm4;
	vm5 =	vne.s32 v18, $0x0;
	[tilespmem:$0x290] =	vst v11;
	v11 =	vadd.s32 v32, v37  }
0x87: {  	[tilespmem:$0x240] =	vst v9;
	v9 =	vshrl.u32 v52, $0x19;
	v55 =	vshll.u32 v47, $0xC;
	v8 =	vadd.s32 v47, v56  }
0x88: {  	[tilespmem:$0x220] =	vst v16;
	v59 =	vand.u32 $0x7F, v49;
	v28 =	vsel vm4, $0xFFFFFFFF, v2;
	vm4 =	vlt.s32 v31, $0x1  }
0x89: {  	v42 =	vshra.s32 v11, $0x1F;
	[tilespmem:$0x2A0] =	vst v13;
	v13 =	vadd.s32 v30, v44;
	v9 =	vadd.s32 v9, v14  }
0x8a: {  	v57 =	vadd.s32 v49, v55;
	[tilespmem:$0x1F0] =	vst v8;
	v8 =	vadd.s32 v49, v60;
	v7 =	vadd.s32 v28, v7  }
0x8b: {  	[tilespmem:$0x1B0] =	vst v19;
	vm4 =	vmand vm4, vm5;
	v15 =	vshrl.u32 v42, $0x19;
	vm5 =	vlt.s32 v11, $0x1  }
0x8c: {  	[tilespmem:$0x210] =	vst v12;
	v58 =	vshra.s32 v57, $0x1F;
	v39 =	vsel vm4, $0xFFFFFFFF, v2;
	vm4 =	vne.s32 v40, $0x0  }
0x8d: {  	v11 =	vadd.s32 v15, v11;
	[tilespmem:$0x2B0] =	vst v7;
	v7 =	vadd.s32 v32, v45;
	vm4 =	vmand vm5, vm4  }
0x8e: {  	[tilespmem:$0x1D0] =	vst v13;
	vm5 =	vlt.s32 v14, $0x1;
	v46 =	vsel vm4, $0xFFFFFFFF, v2;
	vm4 =	vne.s32 v50, $0x0  }
0x8f: {  	[tilespmem:$0x270] =	vst v8;
	v10 =	vadd.s32 v39, v10;
	v11 =	vshra.s32 v11, $0x7;
	vm4 =	vmand vm5, vm4  }
0x90: {  	[tilespmem:$0x250] =	vst v7;
	v7 =	vshra.s32 v9, $0x7;
	v9 =	vshrl.u32 v58, $0x19;
	v54 =	vsel vm4, $0xFFFFFFFF, v2  }
0x91: {  	[tilespmem:$0x2C0] =	vst v10;
	vm5 =	vlt.s32 v57, $0x1;
	vm4 =	vne.s32 v59, $0x0;
	v7 =	vadd.s32 v54, v7  }
0x92: {  	v10 =	vadd.s32 v41, v53;
	vm4 =	vmand vm5, vm4;
	[tilespmem:$0x2E0] =	vst v7;
	v7 =	vadd.s32 v9, v57  }
0x93: {  	v11 =	vadd.s32 v46, v11;
	[tilespmem:$0x260] =	vst v10;
	v61 =	vsel vm4, $0xFFFFFFFF, v2;
	v7 =	vshra.s32 v7, $0x7  }
0x94: {  	s24 =	simm.s32 $0x20;
	s25 =	simm.s32 $0x280;
	[tilespmem:$0x2D0] =	vst v11;
	v7 =	vadd.s32 v61, v7  }
0x95: {  	s26 =	simm.s32 $0x300;
	s4 =	simm.s32 $0x1;
	s22 =	rddreg [dreg:$0xa];
	[tilespmem:$0x2F0] =	vst v7  }
0x96: {  	[tilespmem:s26], [sflag:$0x1] =	stream.indirect.gather [hbm4b:s22+s24], $0x80, s25, s24, $0xb8;
	[tilespmem:$0x1EC80] =	vst v63  }
0x97: {  	_ =	swait.ge [sflag:s4], $0x1000  }
0x98: {  	[sflag:s4] =	ssyncset.done $0x0  }
0x99: {  	[sflag:s4] =	ssyncadd.s32 $0xFFFFF000  }
0x9a: {  	v7 =	vld [tilespmem:$0x80];
	_ =	sdelay $0x4  }
0x9b: {  	v7 =	vand.u32 $0x7F, v7  }
0x9c: {  	v8 =	vld [tilespmem:$0x90];
	v7 =	vor.u32 v1, v7;
	_ =	sdelay $0x4  }
0x9d: {  	v8 =	vand.u32 $0x7F, v8;
	v7 =	vld.idx.msk [tilespmem:v7+s26+$0x0], $0xffff  }
0x9e: {  	v8 =	vor.u32 v3, v8;
	_ =	sdelay $0x3  }
0x9f: {  	[tilespmem:$0x1300] =	vst v7  }
0xa0: {  	v7 =	vld.idx.msk [tilespmem:v8+s26+$0x0], $0xffff;
	_ =	sdelay $0x4  }
0xa1: {  	s5 =	simm.s32 $0x2A0;
	[tilespmem:$0x1310] =	vst v7  }
0xa2: {  	[tilespmem:s26], [sflag:$0x1] =	stream.indirect.gather [hbm4b:s22+s24], $0x80, s5, s24, $0xb8;
	[tilespmem:$0x1EC80] =	vst v63  }
0xa3: {  	_ =	swait.ge [sflag:s4], $0x1000  }
0xa4: {  	[sflag:s4] =	ssyncset.done $0x0  }
0xa5: {  	[sflag:s4] =	ssyncadd.s32 $0xFFFFF000  }
0xa6: {  	v7 =	vld [tilespmem:$0xA0];
	_ =	sdelay $0x4  }
0xa7: {  	v7 =	vand.u32 $0x7F, v7  }
0xa8: {  	v8 =	vld [tilespmem:$0xB0];
	v7 =	vor.u32 v1, v7;
	_ =	sdelay $0x4  }
0xa9: {  	v8 =	vand.u32 $0x7F, v8;
	v7 =	vld.idx.msk [tilespmem:v7+s26+$0x0], $0xffff  }
0xaa: {  	v8 =	vor.u32 v3, v8;
	_ =	sdelay $0x3  }
0xab: {  	[tilespmem:$0x1320] =	vst v7  }
0xac: {  	v7 =	vld.idx.msk [tilespmem:v8+s26+$0x0], $0xffff;
	_ =	sdelay $0x4  }
0xad: {  	s6 =	simm.s32 $0x2C0;
	[tilespmem:$0x1330] =	vst v7  }
0xae: {  	[tilespmem:s26], [sflag:$0x1] =	stream.indirect.gather [hbm4b:s22+s24], $0x80, s6, s24, $0xb8;
	[tilespmem:$0x1EC80] =	vst v63  }
0xaf: {  	_ =	swait.ge [sflag:s4], $0x1000  }
0xb0: {  	[sflag:s4] =	ssyncset.done $0x0  }
0xb1: {  	[sflag:s4] =	ssyncadd.s32 $0xFFFFF000  }
0xb2: {  	v7 =	vld [tilespmem:$0xC0];
	_ =	sdelay $0x4  }
0xb3: {  	v7 =	vand.u32 $0x7F, v7  }
0xb4: {  	v8 =	vld [tilespmem:$0xD0];
	v7 =	vor.u32 v1, v7;
	_ =	sdelay $0x4  }
0xb5: {  	v8 =	vand.u32 $0x7F, v8;
	v7 =	vld.idx.msk [tilespmem:v7+s26+$0x0], $0xffff  }
0xb6: {  	v8 =	vor.u32 v3, v8;
	_ =	sdelay $0x3  }
0xb7: {  	[tilespmem:$0x1340] =	vst v7  }
0xb8: {  	v7 =	vld.idx.msk [tilespmem:v8+s26+$0x0], $0xffff;
	_ =	sdelay $0x4  }
0xb9: {  	s7 =	simm.s32 $0x2E0;
	[tilespmem:$0x1350] =	vst v7  }
0xba: {  	[tilespmem:s26], [sflag:$0x1] =	stream.indirect.gather [hbm4b:s22+s24], $0x80, s7, s24, $0xb8;
	[tilespmem:$0x1EC80] =	vst v63  }
0xbb: {  	_ =	swait.ge [sflag:s4], $0x1000  }
0xbc: {  	[sflag:s4] =	ssyncset.done $0x0  }
0xbd: {  	[sflag:s4] =	ssyncadd.s32 $0xFFFFF000  }
0xbe: {  	v7 =	vld [tilespmem:$0xE0];
	_ =	sdelay $0x4  }
0xbf: {  	v7 =	vand.u32 $0x7F, v7  }
0xc0: {  	v8 =	vld [tilespmem:$0xF0];
	v7 =	vor.u32 v1, v7;
	_ =	sdelay $0x4  }
0xc1: {  	v8 =	vand.u32 $0x7F, v8;
	v7 =	vld.idx.msk [tilespmem:v7+s26+$0x0], $0xffff  }
0xc2: {  	v8 =	vor.u32 v3, v8;
	_ =	sdelay $0x3  }
0xc3: {  	[tilespmem:$0x1360] =	vst v7  }
0xc4: {  	v7 =	vld.idx.msk [tilespmem:v8+s26+$0x0], $0xffff;
	_ =	sdelay $0x4  }
0xc5: {  	s28 =	rddreg [dreg:$0xb];
	[tilespmem:$0x1370] =	vst v7  }
0xc6: {  	[tilespmem:s26], [sflag:$0x1] =	stream.indirect.gather [hbm4b:s28+s24], $0x80, s25, s24, $0xb8;
	[tilespmem:$0x1EC80] =	vst v63  }
0xc7: {  	_ =	swait.ge [sflag:s4], $0x1000  }
0xc8: {  	[sflag:s4] =	ssyncset.done $0x0  }
0xc9: {  	[sflag:s4] =	ssyncadd.s32 $0xFFFFF000  }
0xca: {  	v7 =	vld [tilespmem:$0x80];
	_ =	sdelay $0x4  }
0xcb: {  	v7 =	vand.u32 $0x7F, v7  }
0xcc: {  	v8 =	vld [tilespmem:$0x90];
	v7 =	vor.u32 v1, v7;
	_ =	sdelay $0x4  }
0xcd: {  	v8 =	vand.u32 $0x7F, v8;
	v7 =	vld.idx.msk [tilespmem:v7+s26+$0x0], $0xffff  }
0xce: {  	v8 =	vor.u32 v3, v8;
	_ =	sdelay $0x3  }
0xcf: {  	[tilespmem:$0x1380] =	vst v7  }
0xd0: {  	v7 =	vld.idx.msk [tilespmem:v8+s26+$0x0], $0xffff;
	_ =	sdelay $0x4  }
0xd1: {  	[tilespmem:$0x1390] =	vst v7  }
0xd2: {  	[tilespmem:s26], [sflag:$0x1] =	stream.indirect.gather [hbm4b:s28+s24], $0x80, s5, s24, $0xb8;
	[tilespmem:$0x1EC80] =	vst v63  }
0xd3: {  	_ =	swait.ge [sflag:s4], $0x1000  }
0xd4: {  	[sflag:s4] =	ssyncset.done $0x0  }
0xd5: {  	[sflag:s4] =	ssyncadd.s32 $0xFFFFF000  }
0xd6: {  	v7 =	vld [tilespmem:$0xA0];
	_ =	sdelay $0x4  }
0xd7: {  	v7 =	vand.u32 $0x7F, v7  }
0xd8: {  	v8 =	vld [tilespmem:$0xB0];
	v7 =	vor.u32 v1, v7;
	_ =	sdelay $0x4  }
0xd9: {  	v8 =	vand.u32 $0x7F, v8;
	v7 =	vld.idx.msk [tilespmem:v7+s26+$0x0], $0xffff  }
0xda: {  	v8 =	vor.u32 v3, v8;
	_ =	sdelay $0x3  }
0xdb: {  	[tilespmem:$0x13A0] =	vst v7  }
0xdc: {  	v7 =	vld.idx.msk [tilespmem:v8+s26+$0x0], $0xffff;
	_ =	sdelay $0x4  }
0xdd: {  	[tilespmem:$0x13B0] =	vst v7  }
0xde: {  	[tilespmem:s26], [sflag:$0x1] =	stream.indirect.gather [hbm4b:s28+s24], $0x80, s6, s24, $0xb8;
	[tilespmem:$0x1EC80] =	vst v63  }
0xdf: {  	_ =	swait.ge [sflag:s4], $0x1000  }
0xe0: {  	[sflag:s4] =	ssyncset.done $0x0  }
0xe1: {  	[sflag:s4] =	ssyncadd.s32 $0xFFFFF000  }
0xe2: {  	v7 =	vld [tilespmem:$0xC0];
	_ =	sdelay $0x4  }
0xe3: {  	v7 =	vand.u32 $0x7F, v7  }
0xe4: {  	v8 =	vld [tilespmem:$0xD0];
	v7 =	vor.u32 v1, v7;
	_ =	sdelay $0x4  }
0xe5: {  	v8 =	vand.u32 $0x7F, v8;
	v7 =	vld.idx.msk [tilespmem:v7+s26+$0x0], $0xffff  }
0xe6: {  	v8 =	vor.u32 v3, v8;
	_ =	sdelay $0x3  }
0xe7: {  	[tilespmem:$0x13C0] =	vst v7  }
0xe8: {  	v7 =	vld.idx.msk [tilespmem:v8+s26+$0x0], $0xffff;
	_ =	sdelay $0x4  }
0xe9: {  	[tilespmem:$0x13D0] =	vst v7  }
0xea: {  	[tilespmem:s26], [sflag:$0x1] =	stream.indirect.gather [hbm4b:s28+s24], $0x80, s7, s24, $0xb8;
	[tilespmem:$0x1EC80] =	vst v63  }
0xeb: {  	_ =	swait.ge [sflag:s4], $0x1000  }
0xec: {  	[sflag:s4] =	ssyncset.done $0x0  }
0xed: {  	[sflag:s4] =	ssyncadd.s32 $0xFFFFF000  }
0xee: {  	v7 =	vld [tilespmem:$0xA480];
	_ =	sdelay $0x4  }
0xef: {  	v8 =	vnsel vm0, $0x0, v7  }
0xf0: {  	(xrf2) =	vadd.scan.msk.f32 $0xffff, v8;
	v8 =	vsel vm1, $0x0, v7  }
0xf1: {  	v7 =	vsel vm2, $0x0, v7;
	(xrf2) =	vadd.scan.msk.f32 $0xffff, v8  }
0xf2: {  	(xrf2) =	vadd.scan.msk.f32 $0xffff, v7;
	_ =	sdelay $0x4  }
0xf3: {  	v7 =	vld [tilespmem:$0xE0];
	_ =	sdelay $0x2  }
0xf4: {  	v8, _, _ =	vpop (xrf2)  }
0xf5: {  	v62, _, _ =	vpop (xrf2);
	(v2sf) =	vpush v8, $0xF  }
0xf6: {  	v7 =	vand.u32 $0x7F, v7;
	(v2sf) =	vpush v62, $0xF;
	v63, _, _ =	vpop (xrf2)  }
0xf7: {  	v7 =	vor.u32 v1, v7;
	v8 =	vld [tilespmem:$0xF0];
	(v2sf) =	vpush v63, $0xF;
	_ =	sdelay $0x4  }
0xf8: {  	v7 =	vld.idx.msk [tilespmem:v7+s26+$0x0], $0xffff;
	v8 =	vand.u32 $0x7F, v8  }
0xf9: {  	v8 =	vor.u32 v3, v8;
	_ =	sdelay $0x3  }
0xfa: {  	[tilespmem:$0x13E0] =	vst v7  }
0xfb: {  	v7 =	vld.idx.msk [tilespmem:v8+s26+$0x0], $0xffff  }
.Ltmp2:
0xfc: {  	_ = 	snop;
	(pc) =	sbr.rel .LBB2_2-.Ltmp2, $4  }
0xfd: {  	s29 =	spop (v2sf)  }
0xfe: {  	[smem:$0x7E7] =	sst s29;
	s30 =	spop (v2sf)  }
0xff: {  	[smem:$0x7E8] =	sst s30;
	s31 =	spop (v2sf)  }
0x100: {  	s0 =	simm.s32 $0x0;
	[tilespmem:$0x13F0] =	vst v7;
	[smem:$0x7E9] =	sst s31  }
.LBB2_83:
0x101: {  	s0 =	sld [smem:$0x7E4];
	_ =	sdelay $0x2  }
0x102: {  	s0 =	sadd.s32 $0x1, s0  }
0x103: {  	p0 =	sne.s32 s0, $0x10  }
.Ltmp3:
0x104: {  	_ = 	snop;
	(pc) =	sbr.rel @!p0 .LBB2_84-.Ltmp3, $1  }
0x105: {  	_ =	sdelay $0x3  }
.LBB2_2:
0x106: {  	s2 =	sshll.u32 s0, $0x3  }
0x107: {  	v7 =	vld.msk [tilespmem:s2+$0x80], $0xff;
	_ =	sdelay $0x4  }
0x108: {  	v8 =	vshll.u32 v7, $0x5  }
0x109: {  	v7 =	vand.u32 $0x7, v7;
	v8 =	vand.u32 $0xFFFFFF00, v8  }
0x10a: {  	v7 =	vor.u32 v7, v8  }
0x10b: {  	v7 =	vperm.xlane v7, v4;
	_ =	sdelay $0x1  }
0x10c: {  	v7 =	vadd.s32 v5, v7;
	_ =	sdelay $0x2  }
0x10d: {  	s11 =	rddreg [dreg:$0x2]  }
0x10e: {  	s3 =	simm.s32 $0x0;
	s1 =	simm.s32 $0xA500;
	s12 =	rddreg [dreg:$0x12]  }
0x10f: {  	[tilespmem:s1], [sflag:$0x1] =	stream.indirect_vreg.gather [hbm4b:s11+s3], $0x80, v7, vm3, $0xb8;
	[tilespmem:$0x1EC80] =	vst v63  }
0x110: {  	s13 =	simm.s32 $0xAD00;
	s14 =	rddreg [dreg:$0x13]  }
0x111: {  	[tilespmem:s13], [sflag:$0x1] =	stream.indirect_vreg.gather [hbm4b:s12+s3], $0x80, v7, vm3, $0xb8;
	[tilespmem:$0x1EC80] =	vst v63  }
0x112: {  	s15 =	simm.s32 $0xB500;
	s16 =	rddreg [dreg:$0x14]  }
0x113: {  	[tilespmem:s15], [sflag:$0x1] =	stream.indirect_vreg.gather [hbm4b:s14+s3], $0x80, v7, vm3, $0xb8;
	[tilespmem:$0x1EC80] =	vst v63  }
0x114: {  	s17 =	simm.s32 $0xBD00;
	s18 =	rddreg [dreg:$0x15]  }
0x115: {  	[tilespmem:s17], [sflag:$0x1] =	stream.indirect_vreg.gather [hbm4b:s16+s3], $0x80, v7, vm3, $0xb8;
	[tilespmem:$0x1EC80] =	vst v63  }
0x116: {  	s19 =	simm.s32 $0xC500;
	s20 =	rddreg [dreg:$0x16]  }
0x117: {  	[tilespmem:s19], [sflag:$0x1] =	stream.indirect_vreg.gather [hbm4b:s18+s3], $0x80, v7, vm3, $0xb8;
	[tilespmem:$0x1EC80] =	vst v63  }
0x118: {  	s21 =	simm.s32 $0xCD00;
	s22 =	rddreg [dreg:$0x17]  }
0x119: {  	[tilespmem:s21], [sflag:$0x1] =	stream.indirect_vreg.gather [hbm4b:s20+s3], $0x80, v7, vm3, $0xb8;
	[tilespmem:$0x1EC80] =	vst v63  }
0x11a: {  	s24 =	simm.s32 $0xD500;
	s25 =	rddreg [dreg:$0x18]  }
0x11b: {  	[tilespmem:s24], [sflag:$0x1] =	stream.indirect_vreg.gather [hbm4b:s22+s3], $0x80, v7, vm3, $0xb8;
	[tilespmem:$0x1EC80] =	vst v63  }
0x11c: {  	s26 =	simm.s32 $0xDD00;
	s28 =	rddreg [dreg:$0x1a]  }
0x11d: {  	[tilespmem:s26], [sflag:$0x1] =	stream.indirect_vreg.gather [hbm4b:s25+s3], $0x80, v7, vm3, $0xb8;
	[tilespmem:$0x1EC80] =	vst v63  }
0x11e: {  	s29 =	simm.s32 $0xE500;
	s30 =	rddreg [dreg:$0x1d]  }
0x11f: {  	[tilespmem:s29], [sflag:$0x1] =	stream.indirect_vreg.gather [hbm4b:s28+s3], $0x80, v7, vm3, $0xb8;
	[tilespmem:$0x1EC80] =	vst v63  }
0x120: {  	s31 =	simm.s32 $0xED00;
	s4 =	rddreg [dreg:$0x1e]  }
0x121: {  	[tilespmem:s31], [sflag:$0x1] =	stream.indirect_vreg.gather [hbm4b:s30+s3], $0x80, v7, vm3, $0xb8;
	[tilespmem:$0x1EC80] =	vst v63  }
0x122: {  	s5 =	simm.s32 $0xF500;
	s6 =	rddreg [dreg:$0x1f]  }
0x123: {  	[tilespmem:s5], [sflag:$0x1] =	stream.indirect_vreg.gather [hbm4b:s4+s3], $0x80, v7, vm3, $0xb8;
	[tilespmem:$0x1EC80] =	vst v63  }
0x124: {  	s7 =	simm.s32 $0xFD00;
	s8 =	sld [smem:$0x7EA]  }
0x125: {  	[tilespmem:s7], [sflag:$0x1] =	stream.indirect_vreg.gather [hbm4b:s6+s3], $0x80, v7, vm3, $0xb8;
	[tilespmem:$0x1EC80] =	vst v63  }
0x126: {  	s9 =	simm.s32 $0x10500;
	s10 =	sld [smem:$0x7EB]  }
0x127: {  	[tilespmem:s9], [sflag:$0x1] =	stream.indirect_vreg.gather [hbm4b:s8+s3], $0x80, v7, vm3, $0xb8;
	[tilespmem:$0x1EC80] =	vst v63  }
0x128: {  	s11 =	simm.s32 $0x10D00;
	s12 =	sld [smem:$0x7EC]  }
0x129: {  	[tilespmem:s11], [sflag:$0x1] =	stream.indirect_vreg.gather [hbm4b:s10+s3], $0x80, v7, vm3, $0xb8;
	[tilespmem:$0x1EC80] =	vst v63  }
0x12a: {  	s13 =	simm.s32 $0x11500;
	s14 =	sld [smem:$0x7ED]  }
0x12b: {  	[tilespmem:s13], [sflag:$0x1] =	stream.indirect_vreg.gather [hbm4b:s12+s3], $0x80, v7, vm3, $0xb8;
	[tilespmem:$0x1EC80] =	vst v63  }
0x12c: {  	s15 =	simm.s32 $0x11D00  }
0x12d: {  	[tilespmem:s15], [sflag:$0x1] =	stream.indirect_vreg.gather [hbm4b:s14+s3], $0x80, v7, vm3, $0xb8;
	[tilespmem:$0x1EC80] =	vst v63  }
0x12e: {  	v7 =	vld.msk [tilespmem:s2+$0x180], $0xff;
	_ =	sdelay $0x4  }
0x12f: {  	v8 =	vshll.u32 v7, $0x5  }
0x130: {  	v7 =	vand.u32 $0x7, v7;
	v8 =	vand.u32 $0xFFFFFF00, v8  }
0x131: {  	v7 =	vor.u32 v7, v8  }
0x132: {  	v7 =	vperm.xlane v7, v4;
	_ =	sdelay $0x1  }
0x133: {  	v7 =	vadd.s32 v5, v7;
	_ =	sdelay $0x2  }
0x134: {  	s16 =	rddreg [dreg:$0x0]  }
0x135: {  	s17 =	simm.s32 $0x12500;
	s18 =	sld [smem:$0x7EE]  }
0x136: {  	[tilespmem:s17], [sflag:$0x1] =	stream.indirect_vreg.gather [hbm4b:s16+s3], $0x80, v7, vm3, $0xb8;
	[tilespmem:$0x1EC80] =	vst v63  }
0x137: {  	s19 =	simm.s32 $0x12D00;
	s20 =	sld [smem:$0x7EF]  }
0x138: {  	[tilespmem:s19], [sflag:$0x1] =	stream.indirect_vreg.gather [hbm4b:s18+s3], $0x80, v7, vm3, $0xb8;
	[tilespmem:$0x1EC80] =	vst v63  }
0x139: {  	s21 =	simm.s32 $0x13500;
	s22 =	sld [smem:$0x7F0]  }
0x13a: {  	[tilespmem:s21], [sflag:$0x1] =	stream.indirect_vreg.gather [hbm4b:s20+s3], $0x80, v7, vm3, $0xb8;
	[tilespmem:$0x1EC80] =	vst v63  }
0x13b: {  	s24 =	simm.s32 $0x13D00;
	s25 =	sld [smem:$0x7F1]  }
0x13c: {  	[tilespmem:s24], [sflag:$0x1] =	stream.indirect_vreg.gather [hbm4b:s22+s3], $0x80, v7, vm3, $0xb8;
	[tilespmem:$0x1EC80] =	vst v63  }
0x13d: {  	s26 =	simm.s32 $0x14500;
	s28 =	sld [smem:$0x7F2]  }
0x13e: {  	[tilespmem:s26], [sflag:$0x1] =	stream.indirect_vreg.gather [hbm4b:s25+s3], $0x80, v7, vm3, $0xb8;
	[tilespmem:$0x1EC80] =	vst v63  }
0x13f: {  	s29 =	simm.s32 $0x14D00;
	s30 =	sld [smem:$0x7F3]  }
0x140: {  	[tilespmem:s29], [sflag:$0x1] =	stream.indirect_vreg.gather [hbm4b:s28+s3], $0x80, v7, vm3, $0xb8;
	[tilespmem:$0x1EC80] =	vst v63  }
0x141: {  	s1 =	sld [smem:$0x7F4];
	s31 =	simm.s32 $0x15500  }
0x142: {  	[tilespmem:s31], [sflag:$0x1] =	stream.indirect_vreg.gather [hbm4b:s30+s3], $0x80, v7, vm3, $0xb8;
	[tilespmem:$0x1EC80] =	vst v63  }
0x143: {  	s4 =	simm.s32 $0x15D00;
	s5 =	sld [smem:$0x7F5]  }
0x144: {  	[tilespmem:s4], [sflag:$0x1] =	stream.indirect_vreg.gather [hbm4b:s1+s3], $0x80, v7, vm3, $0xb8;
	[tilespmem:$0x1EC80] =	vst v63  }
0x145: {  	s6 =	simm.s32 $0x16500;
	s7 =	sld [smem:$0x7F6]  }
0x146: {  	[tilespmem:s6], [sflag:$0x1] =	stream.indirect_vreg.gather [hbm4b:s5+s3], $0x80, v7, vm3, $0xb8;
	[tilespmem:$0x1EC80] =	vst v63  }
0x147: {  	s8 =	simm.s32 $0x16D00;
	s9 =	sld [smem:$0x7F7]  }
0x148: {  	[tilespmem:s8], [sflag:$0x1] =	stream.indirect_vreg.gather [hbm4b:s7+s3], $0x80, v7, vm3, $0xb8;
	[tilespmem:$0x1EC80] =	vst v63  }
0x149: {  	s10 =	simm.s32 $0x17500;
	s11 =	sld [smem:$0x7F8]  }
0x14a: {  	[tilespmem:s10], [sflag:$0x1] =	stream.indirect_vreg.gather [hbm4b:s9+s3], $0x80, v7, vm3, $0xb8;
	[tilespmem:$0x1EC80] =	vst v63  }
0x14b: {  	s12 =	simm.s32 $0x17D00;
	s13 =	sld [smem:$0x7F9]  }
0x14c: {  	[tilespmem:s12], [sflag:$0x1] =	stream.indirect_vreg.gather [hbm4b:s11+s3], $0x80, v7, vm3, $0xb8;
	[tilespmem:$0x1EC80] =	vst v63  }
0x14d: {  	s14 =	simm.s32 $0x18500;
	s15 =	sld [smem:$0x7FA]  }
0x14e: {  	[tilespmem:s14], [sflag:$0x1] =	stream.indirect_vreg.gather [hbm4b:s13+s3], $0x80, v7, vm3, $0xb8;
	[tilespmem:$0x1EC80] =	vst v63  }
0x14f: {  	s16 =	simm.s32 $0x18D00;
	s17 =	sld [smem:$0x7FB]  }
0x150: {  	[tilespmem:s16], [sflag:$0x1] =	stream.indirect_vreg.gather [hbm4b:s15+s3], $0x80, v7, vm3, $0xb8;
	[tilespmem:$0x1EC80] =	vst v63  }
0x151: {  	s18 =	simm.s32 $0x19500;
	s19 =	sld [smem:$0x7FC]  }
0x152: {  	[tilespmem:s18], [sflag:$0x1] =	stream.indirect_vreg.gather [hbm4b:s17+s3], $0x80, v7, vm3, $0xb8;
	[tilespmem:$0x1EC80] =	vst v63  }
0x153: {  	s20 =	simm.s32 $0x19D00  }
0x154: {  	[tilespmem:s20], [sflag:$0x1] =	stream.indirect_vreg.gather [hbm4b:s19+s3], $0x80, v7, vm3, $0xb8;
	[tilespmem:$0x1EC80] =	vst v63  }
0x155: {  	v7 =	vld.msk [tilespmem:s2+$0x200], $0xff;
	_ =	sdelay $0x4  }
0x156: {  	v8 =	vshll.u32 v7, $0x2  }
0x157: {  	v7 =	vand.u32 $0x7, v7;
	v8 =	vand.u32 $0xFFFFFFE0, v8  }
0x158: {  	v7 =	vor.u32 v7, v8  }
0x159: {  	v7 =	vperm.xlane v7, v4;
	_ =	sdelay $0x1  }
0x15a: {  	v7 =	vadd.s32 v5, v7;
	_ =	sdelay $0x3  }
0x15b: {  	s21 =	rddreg [dreg:$0x9];
	s22 =	simm.s32 $0x1A500  }
0x15c: {  	[tilespmem:s22], [sflag:$0x1] =	stream.indirect_vreg.gather [hbm4b:s21+s3], $0x80, v7, vm3, $0xb8;
	[tilespmem:$0x1EC80] =	vst v63  }
0x15d: {  	s24 =	rddreg [dreg:$0x1b];
	s25 =	simm.s32 $0x1AD00  }
0x15e: {  	[tilespmem:s25], [sflag:$0x1] =	stream.indirect_vreg.gather [hbm4b:s24+s3], $0x80, v7, vm3, $0xb8;
	[tilespmem:$0x1EC80] =	vst v63  }
0x15f: {  	v7 =	vld.msk [tilespmem:s2+$0x0], $0xff;
	_ =	sdelay $0x4  }
0x160: {  	v8 =	vshll.u32 v7, $0x2  }
0x161: {  	v7 =	vand.u32 $0x7, v7;
	v8 =	vand.u32 $0xFFFFFFE0, v8  }
0x162: {  	v7 =	vor.u32 v7, v8  }
0x163: {  	v7 =	vperm.xlane v7, v4;
	_ =	sdelay $0x1  }
0x164: {  	v7 =	vadd.s32 v5, v7;
	_ =	sdelay $0x1  }
0x165: {  	[smem:$0x7E4] =	sst s0  }
0x166: {  	s26 =	rddreg [dreg:$0x3]  }
0x167: {  	s28 =	simm.s32 $0x1B500;
	s29 =	sld [smem:$0x7FD]  }
0x168: {  	[tilespmem:s28], [sflag:$0x1] =	stream.indirect_vreg.gather [hbm4b:s26+s3], $0x80, v7, vm3, $0xb8;
	[tilespmem:$0x1EC80] =	vst v63  }
0x169: {  	[smem:$0x7E5] =	sst s2;
	s30 =	simm.s32 $0x1BD00;
	s31 =	simm.s32 $0x1  }
0x16a: {  	[tilespmem:s30], [sflag:$0x1] =	stream.indirect_vreg.gather [hbm4b:s29+s3], $0x80, v7, vm3, $0xb8;
	[tilespmem:$0x1EC80] =	vst v63  }
0x16b: {  	_ =	swait.ge [sflag:s31], $0x8000  }
0x16c: {  	[sflag:s31] =	ssyncset.done $0x0  }
0x16d: {  	[sflag:s31] =	ssyncadd.s32 $0xFFFF8000  }
0x16e: {  	_ =	swait.ge [sflag:s31], $0x8000  }
0x16f: {  	[sflag:s31] =	ssyncset.done $0x0  }
0x170: {  	[sflag:s31] =	ssyncadd.s32 $0xFFFF8000  }
0x171: {  	_ =	swait.ge [sflag:s31], $0x1000  }
.Ltmp4:
0x172: {  	[sflag:s31] =	ssyncset.done $0x0;
	(pc) =	sbr.rel .LBB2_3-.Ltmp4, $4  }
0x173: {  	[sflag:s31] =	ssyncadd.s32 $0xFFFFF000  }
0x174: {  	_ =	swait.ge [sflag:s31], $0x1000  }
0x175: {  	[sflag:s31] =	ssyncset.done $0x0  }
0x176: {  	s6 =	simm.s32 $0x0;
	[sflag:s31] =	ssyncadd.s32 $0xFFFFF000  }
.LBB2_82:
0x177: {  	(xrf2) =	vadd.scan.msk.f32 $0xffff, v10  }
0x178: {  	(xrf2) =	vadd.scan.msk.f32 $0xffff, v9;
	_ =	sdelay $0x8  }
0x179: {  	v8, _, _ =	vpop (xrf2)  }
0x17a: {  	v9, _, _ =	vpop (xrf2)  }
0x17b: {  	v9 =	vadd.f32 $0.0e+00, v9;
	_ =	sdelay $0x1  }
0x17c: {  	v9 =	vadd.f32 $9.999999930e-09, v9  }
0x17d: {  	v55 =	vmov s6;
	s5 =	sld [smem:$0x7DF]  }
0x17e: {  	v10 =	vshll.u32 v55, $0x7;
	v9 =	vbroadcast v9, $0xF  }
0x17f: {  	v10 =	vand.u32 $0x380, v10  }
0x180: {  	v56 =	vmov s5;
	v10 =	vbroadcast v10, $0x0;
	(erf) = vrcp.f32 v9  }
0x181: {  	v11 =	vand.u32 $0x7F, v56;
	v9 =	vshll.u32 v56, $0x3  }
0x182: {  	v10 =	vor.u32 v10, v11;
	v9 =	vand.u32 $0xFFFFFC00, v9  }
0x183: {  	v9 =	vor.u32 v9, v10;
	_ =	sdelay $0x2  }
0x184: {  	v8 =	vadd.f32 $0.0e+00, v8  }
0x185: {  	s0 =	simm.s32 $0x12500  }
0x186: {  	v8 =	vbroadcast v8, $0xF;
	v9 =	vld.idx.msk [tilespmem:v9+s0+$0x0], $0xffff  }
0x187: {  	s15 =	simm.s32 $0x1300;
	v57 =	vpop (erf)  }
0x188: {  	s16 =	simm.s32 $0x1380;
	v58 =	vld.idx.msk [tilespmem:v7+s15+$0x0], $0xffff;
	v8 =	vmul.f32 v57, v8  }
0x189: {  	v59 =	vld.idx.msk [tilespmem:v7+s16+$0x0], $0xffff  }
0x18a: {  	(xrf0) =	vmax.scan.msk.f32 $0xffff, v8  }
0x18b: {  	(xrf0) =	vmax.scan.msk.f32 $0xffff, v9;
	_ =	sdelay $0x1  }
0x18c: {  	(xrf0) =	vmax.scan.msk.f32 $0xffff, v58  }
0x18d: {  	(xrf0) =	vmax.scan.msk.f32 $0xffff, v59;
	_ =	sdelay $0x1  }
0x18e: {  	v8, _, _ =	vpop (xrf0)  }
0x18f: {  	(v2sf) =	vpush v8, $0xF;
	v8, _, _ =	vpop (xrf0)  }
0x190: {  	(v2sf) =	vpush v8, $0xF  }
0x191: {  	v8, _, _ =	vpop (xrf0)  }
0x192: {  	(v2sf) =	vpush v8, $0xF;
	v8, _, _ =	vpop (xrf0)  }
0x193: {  	(v2sf) =	vpush v8, $0xF;
	_ =	sdelay $0xa  }
0x194: {  	s17 =	spop (v2sf)  }
0x195: {  	s1 =	spop (v2sf)  }
0x196: {  	p0 =	sgt.f32 s1, $0.0e+00  }
0x197: {  	s3 =	simm.f32 $1.000000000e+00;
	s2 =	spop (v2sf)  }
0x198: {  	s4 =	spop (v2sf);
	s3 =	simm.s32 @!p0 $0x0  }
0x199: {  	s3 =	ssub.f32 s4, s3;
	_ =	sdelay $0x1  }
0x19a: {  	s18 =	sld [smem:$0x7E3];
	s4 =	smax.f32 s3, $1.000000000e+00  }
0x19b: {  	s19 =	sld [smem:$0x7DE];
	v8 =	vmov s4  }
0x19c: {  	s20 =	sld [smem:$0x7E0];
	(erf) = vrcp.f32 v8;
	_ =	sdelay $0x1  }
0x19d: {  	s4 =	sadd.s32 s18, s5  }
0x19e: {  	s1 =	ssub.f32 s2, s1;
	s2 =	sadd.s32 s20, s19;
	v8 =	vmov s4  }
0x19f: {  	v60 =	vmov s2  }
0x1a0: {  	v61 =	vmov s1  }
0x1a1: {  	v10 =	vadd.f32 $0.0e+00, v61  }
0x1a2: {  	s21 =	simm.s32 $0x1480  }
0x1a3: {  	s22 =	simm.s32 $0x9480;
	v10 =	vbroadcast v10, $0x0;
	v8 =	vld.idx.msk [tilespmem:v8+s21+$0x0], $0xffff  }
0x1a4: {  	v9 =	vld.idx.msk [tilespmem:v60+s22+$0x0], $0xffff;
	v62 =	vpop (erf)  }
0x1a5: {  	v10 =	vmul.f32 v62, v10;
	_ =	sdelay $0x1  }
0x1a6: {  	(xrf0) =	vmax.scan.msk.f32 $0xffff, v10  }
0x1a7: {  	(xrf0) =	vmax.scan.msk.f32 $0xffff, v8  }
0x1a8: {  	(xrf0) =	vmax.scan.msk.f32 $0xffff, v9;
	_ =	sdelay $0x3  }
0x1a9: {  	v8, _, _ =	vpop (xrf0)  }
0x1aa: {  	v63, _, _ =	vpop (xrf0);
	(v2sf) =	vpush v8, $0xF  }
0x1ab: {  	(v2sf) =	vpush v63, $0xF;
	v8, _, _ =	vpop (xrf0)  }
0x1ac: {  	(v2sf) =	vpush v8, $0xF;
	_ =	sdelay $0xb  }
0x1ad: {  	s26 =	sld [smem:$0x7E7]  }
0x1ae: {  	s28 =	sld [smem:$0x7E8];
	s1 =	spop (v2sf)  }
0x1af: {  	p0 =	sgt.f32 s3, $0.0e+00;
	s24 =	spop (v2sf)  }
0x1b0: {  	s29 =	sld [smem:$0x7C9];
	s25 =	spop (v2sf)  }
0x1b1: {  	s1 =	simm.s32 @!p0 $0x0;
	s0 =	sadd.f32 s25, s17  }
0x1b2: {  	s30 =	sld [smem:$0x7E9];
	s1 =	smul.f32 s1, s26  }
0x1b3: {  	s2 =	sadd.f32 s24, s29;
	s0 =	smul.f32 s0, s28  }
0x1b4: {  	_ = 	snop  }
0x1b5: {  	s0 =	sadd.f32 s1, s0;
	s1 =	smul.f32 s2, s30  }
0x1b6: {  	_ = 	snop  }
0x1b7: {  	s0 =	sadd.f32 s0, s1  }
0x1b8: {  	s6 =	sadd.s32 $0x1, s6  }
0x1b9: {  	p0 =	sne.s32 s6, $0x8;
	v8 =	vmov s0  }
.Ltmp5:
0x1ba: {  	v8 =	vadd.f32 $0.0e+00, v8;
	(pc) =	sbr.rel @!p0 .LBB2_83-.Ltmp5, $4  }
0x1bb: {  	_ = 	snop  }
0x1bc: {  	v8 =	vbroadcast v8, $0x0  }
0x1bd: {  	s31 =	simm.s32 $0x1400  }
0x1be: {  	[tilespmem:v7+s31+$0x0] =	vst.idx.msk $0x1, v8  }
.LBB2_3:
0x1bf: {  	s0 =	sld [smem:$0x7E5];
	_ =	sdelay $0x2  }
0x1c0: {  	s0 =	sor.u32 s0, s6  }
0x1c1: {  	v7 =	vmov s0;
	_ =	sdelay $0x3  }
0x1c2: {  	s18 =	simm.s32 $0x100  }
0x1c3: {  	v8 =	vld.idx.msk [tilespmem:v7+s18+$0x0], $0xffff;
	_ =	sdelay $0x4  }
0x1c4: {  	v8 =	vxor.u32 $0x80000000, v8  }
0x1c5: {  	(xrf0) =	vmax.scan.msk.u32 $0xffff, v8;
	_ =	sdelay $0x5  }
0x1c6: {  	v8, _, _ =	vpop (xrf0)  }
0x1c7: {  	(v2sf) =	vpush v8, $0xF;
	_ =	sdelay $0xb  }
0x1c8: {  	s4 =	simm.s32 $0x0  }
0x1c9: {  	s22 =	sshll.u32 s6, $0x7;
	s19 =	sand.u32 $0x7C00, s4  }
0x1ca: {  	s1 =	sand.u32 $0x40, s4;
	s2 =	sor.u32 s22, s19  }
0x1cb: {  	s0 =	sor.u32 s1, s2;
	s13 =	spop (v2sf)  }
0x1cc: {  	v10 =	vld [tilespmem:s0+$0xA500];
	s20 =	sshll.u32 s13, $0xC  }
0x1cd: {  	s3 =	sand.u32 $0xF80, s4;
	v11 =	vld [tilespmem:s0+$0x12500];
	s0 =	sadd.s32 $0x1480, s20  }
0x1ce: {  	s5 =	sadd.s32 s3, s0  }
0x1cf: {  	s3 =	sadd.s32 s1, s5  }
0x1d0: {  	v12 =	vld [tilespmem:s3+$0x0];
	_ =	sdelay $0x1  }
0x1d1: {  	vm4 =	vgt.f32 v11, $0.0e+00;
	vm5 =	vgt.f32 v10, $0.0e+00  }
0x1d2: {  	vm4 =	vmand vm5, vm4  }
0x1d3: {  	v8 =	vsel vm4, $0x1, v2  }
0x1d4: {  	s21 =	simm.s32 $0x80;
	v9 =	vld.idx.msk [tilespmem:v7+s4+$0x0], $0xffff;
	(xrf0) =	vadd.scan.msk.s32 $0xffff, v8;
	v11 =	vsub.f32 v11, v12  }
0x1d5: {  	s24 =	sor.u32 $0x10, s1;
	v8 =	vld.idx.msk [tilespmem:v7+s21+$0x0], $0xffff;
	[tilespmem:s4+$0x1C500] =	vst.msk vm4, v10  }
0x1d6: {  	s25 =	sor.u32 s24, s2;
	[tilespmem:s4+$0x1D580] =	vst.msk vm4, v11  }
0x1d7: {  	v10 =	vld [tilespmem:s25+$0xA500]  }
0x1d8: {  	v11 =	vld [tilespmem:s25+$0x12500];
	_ =	sdelay $0x1  }
0x1d9: {  	v12, _, _ =	vpop (xrf0)  }
0x1da: {  	(v2sf) =	vpush v12, $0xF;
	_ =	sdelay $0x1  }
0x1db: {  	vm4 =	vgt.f32 v11, $0.0e+00;
	vm5 =	vgt.f32 v10, $0.0e+00  }
0x1dc: {  	vm4 =	vmand vm5, vm4  }
0x1dd: {  	v12 =	vsel vm4, $0x1, v2  }
0x1de: {  	(xrf0) =	vadd.scan.msk.s32 $0xffff, v12;
	_ =	sdelay $0x4  }
0x1df: {  	s3 =	sadd.s32 s24, s5  }
0x1e0: {  	v12 =	vld [tilespmem:s3+$0x0];
	v13, _, _ =	vpop (xrf0)  }
0x1e1: {  	(v2sf) =	vpush v13, $0xF;
	_ =	sdelay $0x2  }
0x1e2: {  	s26 =	spop (v2sf)  }
0x1e3: {  	v11 =	vsub.f32 v11, v12;
	s3 =	sadd.s32 $0x0, s26  }
0x1e4: {  	s28 =	sor.u32 $0x20, s1;
	[tilespmem:s3+$0x1C500] =	vst.msk vm4, v10  }
0x1e5: {  	s29 =	sor.u32 s28, s2;
	[tilespmem:s3+$0x1D580] =	vst.msk vm4, v11  }
0x1e6: {  	v10 =	vld [tilespmem:s29+$0xA500]  }
0x1e7: {  	v11 =	vld [tilespmem:s29+$0x12500];
	_ =	sdelay $0x1  }
0x1e8: {  	s4 =	sadd.s32 s28, s5  }
0x1e9: {  	v12 =	vld [tilespmem:s4+$0x0];
	_ =	sdelay $0x1  }
0x1ea: {  	vm4 =	vgt.f32 v10, $0.0e+00;
	vm5 =	vgt.f32 v11, $0.0e+00  }
0x1eb: {  	vm4 =	vmand vm4, vm5  }
0x1ec: {  	v13 =	vsel vm4, $0x1, v2;
	s30 =	spop (v2sf)  }
0x1ed: {  	[smem:$0x7E2] =	sst s6;
	v11 =	vsub.f32 v11, v12;
	(xrf0) =	vadd.scan.msk.s32 $0xffff, v13;
	s6 =	sadd.s32 s3, s30  }
0x1ee: {  	s7 =	sor.u32 $0x30, s1;
	[tilespmem:s6+$0x1C500] =	vst.msk vm4, v10  }
0x1ef: {  	s8 =	sor.u32 s7, s2;
	[tilespmem:s6+$0x1D580] =	vst.msk vm4, v11  }
0x1f0: {  	v10 =	vld [tilespmem:s8+$0xA500]  }
0x1f1: {  	s4 =	simm.s32 $0x200;
	v11 =	vld [tilespmem:s8+$0x12500]  }
0x1f2: {  	s31 =	sand.u32 $0x7C00, s4;
	s3 =	simm.s32 $0x40  }
0x1f3: {  	s7 =	sadd.s32 s7, s5;
	s1 =	sor.u32 s22, s31;
	v13, _, _ =	vpop (xrf0);
	s2 =	sand.u32 $0x40, s3  }
0x1f4: {  	[smem:$0x7E3] =	sst s20;
	s5 =	simm.s32 $0x4;
	(v2sf) =	vpush v13, $0xF;
	s8 =	sor.u32 s2, s1;
	v12 =	vld [tilespmem:s7+$0x0]  }
.LBB2_4:
0x1f5: {  	s5 =	sadd.s32 $0x4, s5  }
0x1f6: {  	vm5 =	vgt.f32 v10, $0.0e+00;
	p0 =	slt.u32 s5, $0xFC;
	vm4 =	vgt.f32 v11, $0.0e+00  }
0x1f7: {  	vm4 =	vmand vm5, vm4  }
0x1f8: {  	v13 =	vsel vm4, $0x1, v2  }
0x1f9: {  	(xrf0) =	vadd.scan.msk.s32 $0xffff, v13;
	_ =	sdelay $0x5  }
0x1fa: {  	v13, _, _ =	vpop (xrf0)  }
0x1fb: {  	(v2sf) =	vpush v13, $0xF;
	_ =	sdelay $0x2  }
0x1fc: {  	s7 =	spop (v2sf)  }
0x1fd: {  	v11 =	vsub.f32 v11, v12;
	s6 =	sadd.s32 s6, s7  }
0x1fe: {  	[tilespmem:s6+$0x1C500] =	vst.msk vm4, v10  }
0x1ff: {  	[tilespmem:s6+$0x1D580] =	vst.msk vm4, v11  }
0x200: {  	v10 =	vld [tilespmem:s8+$0xA500]  }
0x201: {  	s7 =	sand.u32 $0xF80, s3;
	v11 =	vld [tilespmem:s8+$0x12500]  }
0x202: {  	s7 =	sadd.s32 s7, s0  }
0x203: {  	s8 =	sadd.s32 s2, s7  }
0x204: {  	v12 =	vld [tilespmem:s8+$0x0];
	_ =	sdelay $0x1  }
0x205: {  	vm5 =	vgt.f32 v10, $0.0e+00;
	vm4 =	vgt.f32 v11, $0.0e+00  }
0x206: {  	vm4 =	vmand vm5, vm4  }
0x207: {  	v13 =	vsel vm4, $0x1, v2;
	s8 =	spop (v2sf)  }
0x208: {  	v11 =	vsub.f32 v11, v12;
	(xrf0) =	vadd.scan.msk.s32 $0xffff, v13;
	s6 =	sadd.s32 s6, s8  }
0x209: {  	s8 =	sor.u32 $0x10, s2;
	[tilespmem:s6+$0x1C500] =	vst.msk vm4, v10  }
0x20a: {  	s9 =	sor.u32 s8, s1;
	[tilespmem:s6+$0x1D580] =	vst.msk vm4, v11  }
0x20b: {  	v10 =	vld [tilespmem:s9+$0xA500]  }
0x20c: {  	v11 =	vld [tilespmem:s9+$0x12500];
	_ =	sdelay $0x1  }
0x20d: {  	v12, _, _ =	vpop (xrf0)  }
0x20e: {  	(v2sf) =	vpush v12, $0xF;
	_ =	sdelay $0x1  }
0x20f: {  	vm5 =	vgt.f32 v10, $0.0e+00;
	vm4 =	vgt.f32 v11, $0.0e+00  }
0x210: {  	vm4 =	vmand vm5, vm4  }
0x211: {  	v12 =	vsel vm4, $0x1, v2  }
0x212: {  	(xrf0) =	vadd.scan.msk.s32 $0xffff, v12;
	_ =	sdelay $0x4  }
0x213: {  	s8 =	sadd.s32 s8, s7  }
0x214: {  	v12 =	vld [tilespmem:s8+$0x0];
	v13, _, _ =	vpop (xrf0)  }
0x215: {  	(v2sf) =	vpush v13, $0xF;
	_ =	sdelay $0x2  }
0x216: {  	s8 =	spop (v2sf)  }
0x217: {  	s6 =	sadd.s32 s6, s8;
	v11 =	vsub.f32 v11, v12  }
0x218: {  	s8 =	sor.u32 $0x20, s2;
	[tilespmem:s6+$0x1C500] =	vst.msk vm4, v10  }
0x219: {  	s9 =	sor.u32 s8, s1;
	s8 =	sadd.s32 s8, s7;
	[tilespmem:s6+$0x1D580] =	vst.msk vm4, v11  }
0x21a: {  	v10 =	vld [tilespmem:s9+$0xA500]  }
0x21b: {  	v11 =	vld [tilespmem:s9+$0x12500];
	_ =	sdelay $0x2  }
0x21c: {  	v12 =	vld [tilespmem:s8+$0x0]  }
0x21d: {  	vm4 =	vgt.f32 v10, $0.0e+00  }
0x21e: {  	vm5 =	vgt.f32 v11, $0.0e+00  }
0x21f: {  	vm4 =	vmand vm4, vm5  }
0x220: {  	v13 =	vsel vm4, $0x1, v2;
	s8 =	spop (v2sf)  }
0x221: {  	s4 =	sadd.s32 $0x200, s4;
	s3 =	sadd.s32 $0x40, s3;
	s6 =	sadd.s32 s6, s8;
	v11 =	vsub.f32 v11, v12;
	(xrf0) =	vadd.scan.msk.s32 $0xffff, v13  }
0x222: {  	s9 =	sor.u32 $0x30, s2;
	s8 =	sand.u32 $0x7C00, s4;
	[tilespmem:s6+$0x1C500] =	vst.msk vm4, v10  }
0x223: {  	s2 =	sand.u32 $0x40, s3;
	s11 =	sor.u32 s9, s1;
	s1 =	sor.u32 s22, s8;
	[tilespmem:s6+$0x1D580] =	vst.msk vm4, v11  }
.Ltmp6:
0x224: {  	s7 =	sadd.s32 s9, s7;
	s8 =	sor.u32 s2, s1;
	v10 =	vld [tilespmem:s11+$0xA500];
	(pc) =	sbr.rel @p0 .LBB2_4-.Ltmp6, $4  }
0x225: {  	v11 =	vld [tilespmem:s11+$0x12500]  }
0x226: {  	v12 =	vld [tilespmem:s7+$0x0]  }
0x227: {  	v13, _, _ =	vpop (xrf0)  }
0x228: {  	(v2sf) =	vpush v13, $0xF  }
0x229: {  	_ = 	snop  }
0x22a: {  	vm5 =	vgt.f32 v10, $0.0e+00;
	vm4 =	vgt.f32 v11, $0.0e+00  }
0x22b: {  	vm4 =	vmand vm5, vm4  }
0x22c: {  	v13 =	vsel vm4, $0x1, v2  }
0x22d: {  	(xrf0) =	vadd.scan.msk.s32 $0xffff, v13;
	_ =	sdelay $0x5  }
0x22e: {  	v13, _, _ =	vpop (xrf0)  }
0x22f: {  	(v2sf) =	vpush v13, $0xF;
	_ =	sdelay $0x4  }
0x230: {  	s4 =	spop (v2sf)  }
0x231: {  	v11 =	vsub.f32 v11, v12;
	s4 =	sadd.s32 s6, s4  }
0x232: {  	[tilespmem:s4+$0x1C500] =	vst.msk vm4, v10  }
0x233: {  	s3 =	sand.u32 $0xF80, s3;
	[tilespmem:s4+$0x1D580] =	vst.msk vm4, v11  }
0x234: {  	s0 =	sadd.s32 s3, s0;
	v10 =	vld [tilespmem:s8+$0xA500]  }
0x235: {  	s3 =	sadd.s32 s2, s0;
	v11 =	vld [tilespmem:s8+$0x12500]  }
0x236: {  	v54 =	vld [tilespmem:s3+$0x0];
	_ =	sdelay $0x3  }
0x237: {  	vm4 =	vgt.f32 v11, $0.0e+00;
	vm5 =	vgt.f32 v10, $0.0e+00;
	s19 =	spop (v2sf)  }
0x238: {  	v11 =	vsub.f32 v11, v54;
	vm4 =	vmand vm5, vm4;
	s3 =	sadd.s32 s4, s19  }
0x239: {  	s20 =	sor.u32 $0x10, s2;
	v55 =	vsel vm4, $0x1, v2;
	[tilespmem:s3+$0x1C500] =	vst.msk vm4, v10  }
0x23a: {  	s5 =	sor.u32 s20, s1;
	(xrf0) =	vadd.scan.msk.s32 $0xffff, v55;
	[tilespmem:s3+$0x1D580] =	vst.msk vm4, v11  }
0x23b: {  	v10 =	vld [tilespmem:s5+$0xA500]  }
0x23c: {  	v11 =	vld [tilespmem:s5+$0x12500];
	_ =	sdelay $0x3  }
0x23d: {  	v12, _, _ =	vpop (xrf0)  }
0x23e: {  	(v2sf) =	vpush v12, $0xF;
	vm4 =	vgt.f32 v11, $0.0e+00;
	vm5 =	vgt.f32 v10, $0.0e+00  }
0x23f: {  	vm4 =	vmand vm5, vm4  }
0x240: {  	v56 =	vsel vm4, $0x1, v2  }
0x241: {  	(xrf0) =	vadd.scan.msk.s32 $0xffff, v56;
	_ =	sdelay $0x5  }
0x242: {  	v12, _, _ =	vpop (xrf0)  }
0x243: {  	s4 =	sadd.s32 s20, s0;
	(v2sf) =	vpush v12, $0xF  }
0x244: {  	v57 =	vld [tilespmem:s4+$0x0];
	_ =	sdelay $0x3  }
0x245: {  	s21 =	spop (v2sf)  }
0x246: {  	v11 =	vsub.f32 v11, v57;
	s3 =	sadd.s32 s3, s21  }
0x247: {  	s24 =	sor.u32 $0x20, s2;
	[tilespmem:s3+$0x1C500] =	vst.msk vm4, v10  }
0x248: {  	s25 =	sor.u32 s24, s1;
	[tilespmem:s3+$0x1D580] =	vst.msk vm4, v11  }
0x249: {  	v10 =	vld [tilespmem:s25+$0xA500]  }
0x24a: {  	s4 =	sadd.s32 s24, s0;
	v11 =	vld [tilespmem:s25+$0x12500]  }
0x24b: {  	v58 =	vld [tilespmem:s4+$0x0];
	_ =	sdelay $0x3  }
0x24c: {  	vm4 =	vgt.f32 v10, $0.0e+00;
	vm5 =	vgt.f32 v11, $0.0e+00;
	s26 =	spop (v2sf)  }
0x24d: {  	v11 =	vsub.f32 v11, v58;
	vm4 =	vmand vm4, vm5;
	s3 =	sadd.s32 s3, s26  }
0x24e: {  	s28 =	sor.u32 $0x30, s2;
	[tilespmem:s3+$0x1C500] =	vst.msk vm4, v10  }
0x24f: {  	s29 =	sor.u32 s28, s1;
	[tilespmem:s3+$0x1D580] =	vst.msk vm4, v11  }
0x250: {  	v10 =	vld [tilespmem:s29+$0xA500]  }
0x251: {  	v11 =	vld [tilespmem:s29+$0x12500];
	_ =	sdelay $0x4  }
0x252: {  	v59 =	vsel vm4, $0x1, v2;
	vm4 =	vgt.f32 v11, $0.0e+00;
	vm5 =	vgt.f32 v10, $0.0e+00  }
0x253: {  	(xrf0) =	vadd.scan.msk.s32 $0xffff, v59;
	vm4 =	vmand vm5, vm4  }
0x254: {  	v60 =	vsel vm4, $0x1, v2  }
0x255: {  	(xrf0) =	vadd.scan.msk.s32 $0xffff, v60;
	_ =	sdelay $0x3  }
0x256: {  	v61, _, _ =	vpop (xrf0)  }
0x257: {  	(v2sf) =	vpush v61, $0xF  }
0x258: {  	v62, _, _ =	vpop (xrf0)  }
0x259: {  	(v2sf) =	vpush v62, $0xF;
	_ =	sdelay $0x7  }
0x25a: {  	s0 =	sadd.s32 s28, s0  }
0x25b: {  	v63 =	vld [tilespmem:s0+$0x0];
	_ =	sdelay $0x3  }
0x25c: {  	s30 =	spop (v2sf)  }
0x25d: {  	v11 =	vsub.f32 v11, v63;
	s0 =	sadd.s32 s3, s30  }
0x25e: {  	[tilespmem:s0+$0x1C500] =	vst.msk vm4, v10;
	s31 =	spop (v2sf)  }
0x25f: {  	[tilespmem:s0+$0x1D580] =	vst.msk vm4, v11;
	s0 =	sadd.s32 s0, s31  }
0x260: {  	[tilespmem:s0+$0x1C500] =	vst v6  }
0x261: {  	s1 =	simm.s32 $0x1E640;
	[tilespmem:s0+$0x1D580] =	vst v6  }
0x262: {  	[tilespmem:s1+$0xFFFFFFC0] =	vst v2  }
0x263: {  	[tilespmem:s1+$0x30] =	vst v2  }
0x264: {  	[tilespmem:s1+$0x20] =	vst v2  }
0x265: {  	[tilespmem:s1+$0x10] =	vst v2  }
0x266: {  	[tilespmem:s1+$0x0] =	vst v2  }
0x267: {  	[tilespmem:s1+$0xFFFFFFF0] =	vst v2  }
0x268: {  	s2 =	simm.s32 $0x0;
	[tilespmem:s1+$0xFFFFFFE0] =	vst v2  }
.LBB2_6:
0x269: {  	s2 =	sadd.s32 $0x8, s2;
	[tilespmem:s1+$0xFFFFFFD0] =	vst v2;
	s1 =	sadd.s32 $0x80, s1  }
0x26a: {  	[tilespmem:s1+$0xFFFFFFC0] =	vst v2;
	p0 =	slt.u32 s2, $0x38  }
0x26b: {  	[tilespmem:s1+$0x30] =	vst v2  }
.Ltmp7:
0x26c: {  	[tilespmem:s1+$0x20] =	vst v2;
	(pc) =	sbr.rel @p0 .LBB2_6-.Ltmp7, $4  }
0x26d: {  	[tilespmem:s1+$0x10] =	vst v2  }
0x26e: {  	[tilespmem:s1+$0x0] =	vst v2  }
0x26f: {  	[tilespmem:s1+$0xFFFFFFF0] =	vst v2  }
0x270: {  	[tilespmem:s1+$0xFFFFFFE0] =	vst v2  }
0x271: {  	v9 =	vxor.u32 $0x80000000, v9  }
0x272: {  	v8 =	vxor.u32 $0x80000000, v8;
	(xrf0) =	vmax.scan.msk.u32 $0xffff, v9  }
0x273: {  	(xrf0) =	vmax.scan.msk.u32 $0xffff, v8;
	_ =	sdelay $0x4  }
0x274: {  	v8, _, _ =	vpop (xrf0)  }
0x275: {  	(v2sf) =	vpush v8, $0xF;
	v8, _, _ =	vpop (xrf0)  }
0x276: {  	s2 =	sand.u32 $0xF, s0;
	(v2sf) =	vpush v8, $0xF  }
0x277: {  	s3 =	sshra.s32 s0, $0x1F;
	p0 =	slt.s32 s0, $0x1;
	p1 =	sne.s32 s2, $0x0  }
0x278: {  	s29 =	sshrl.u32 s3, $0x1C;
	p0 =	por !p0, !p1  }
0x279: {  	s2 =	simm.s32 $0x1;
	s30 =	sadd.s32 s29, s0;
	p1 =	por !p0, !p0  }
0x27a: {  	s10 =	sshra.s32 s30, $0x4;
	s2 =	simm.s32 @!p1 $0x0  }
0x27b: {  	s25 =	ssub.s32 s10, s2  }
0x27c: {  	s0 =	sadd.s32 $0x1, s25  }
0x27d: {  	s31 =	sshrl.u32 s0, $0x1E  }
0x27e: {  	s2 =	sadd.s32 s31, s0  }
0x27f: {  	s7 =	sand.u32 $0xFFFFFFFC, s2  }
0x280: {  	p0 =	slt.s32 s7, $0x1  }
.Ltmp8:
0x281: {  	_ = 	snop;
	(pc) =	sbr.rel @p0 .LBB2_10-.Ltmp8, $4  }
0x282: {  	_ = 	snop  }
0x283: {  	[tilespmem:s1+$0xFFFFFFD0] =	vst v2;
	s1 =	simm.s32 @!p0 $0x0  }
0x284: {  	s1 =	simm.s32 @p0 $0x1;
	s2 =	spop (v2sf)  }
0x285: {  	[smem:$0x7E1] =	sst s1;
	s5 =	spop (v2sf)  }
0x286: {  	s1 =	simm.s32 $0x1C520  }
0x287: {  	v8 =	vld [tilespmem:s1+$0x10]  }
0x288: {  	v9 =	vld [tilespmem:s1+$0xFFFFFFF0]  }
0x289: {  	p0 =	sgt.s32 s7, $0x4  }
.Ltmp9:
0x28a: {  	_ = 	snop;
	(pc) =	sbr.rel @!p0 .LBB2_9-.Ltmp9, $4  }
0x28b: {  	_ = 	snop  }
0x28c: {  	v8 =	vshrl.u32 v8, $0x14  }
0x28d: {  	v10 =	vld [tilespmem:s1+$0x0];
	v9 =	vshrl.u32 v9, $0x14;
	(xrf1) =	vunique.msk.u32 $0xffff, v8  }
0x28e: {  	p2 =	por $0x0, $0x0;
	p3 =	por $0x0, $0x0;
	v11 =	vld [tilespmem:s1+$0xFFFFFFE0];
	s1 =	simm.s32 $0x1C560;
	(xrf1) =	vunique.msk.u32 $0xffff, v9  }
0x28f: {  	_ =	sdelay $0x2  }
0x290: {  	v14 =	vld [tilespmem:s1+$0x10];
	v13 =	vshrl.u32 v10, $0x14  }
0x291: {  	v15 =	vld [tilespmem:s1+$0xFFFFFFF0];
	v12 =	vshrl.u32 v11, $0x14;
	(xrf1) =	vunique.msk.u32 $0xffff, v13  }
0x292: {  	(xrf1) =	vunique.msk.u32 $0xffff, v12;
	_ =	sdelay $0x2  }
0x293: {  	v18 =	vshrl.u32 v14, $0x14  }
0x294: {  	v17 =	vshrl.u32 v15, $0x14;
	(xrf1) =	vunique.msk.u32 $0xffff, v18  }
0x295: {  	(xrf1) =	vunique.msk.u32 $0xffff, v17;
	_ =	sdelay $0x2  }
0x296: {  	p0 =	sgt.s32 s7, $0x8  }
.Ltmp10:
0x297: {  	_ = 	snop;
	(pc) =	sbr.rel @!p0 .LBB2_34-.Ltmp10, $3  }
0x298: {  	_ =	sdelay $0x1  }
0x299: {  	v10 =	vld [tilespmem:s1+$0x0]  }
0x29a: {  	s3 =	simm.s32 $0x1C5A0;
	p2 =	por $0x1, $0x1;
	v11 =	vld [tilespmem:s1+$0xFFFFFFE0]  }
0x29b: {  	v15 =	vld [tilespmem:s3+$0x10]  }
0x29c: {  	v16 =	vld [tilespmem:s3+$0xFFFFFFF0];
	_ =	sdelay $0x1  }
0x29d: {  	v19 =	vshrl.u32 v10, $0x14  }
0x29e: {  	v20 =	vshrl.u32 v11, $0x14;
	(xrf1) =	vunique.msk.u32 $0xffff, v19  }
0x29f: {  	(xrf1) =	vunique.msk.u32 $0xffff, v20;
	v23 =	vshrl.u32 v15, $0x14  }
0x2a0: {  	v21 =	vshrl.u32 v16, $0x14;
	(xrf1) =	vunique.msk.u32 $0xffff, v23  }
0x2a1: {  	(xrf1) =	vunique.msk.u32 $0xffff, v21  }
0x2a2: {  	p0 =	sgt.s32 s7, $0xC  }
.Ltmp11:
0x2a3: {  	v10 =	vld [tilespmem:s3+$0x0];
	(pc) =	sbr.rel @!p0 .LBB2_36-.Ltmp11, $3  }
0x2a4: {  	_, v14, vm4 =	vpop (xrf1);
	v11 =	vld [tilespmem:s3+$0xFFFFFFE0];
	_ =	sdelay $0x1  }
0x2a5: {  	_, v15, vm5 =	vpop (xrf1)  }
0x2a6: {  	s1 =	simm.s32 $0xC;
	p3 =	por $0x1, $0x1;
	s3 =	simm.s32 $0x1C5E0;
	_, v16, vm6 =	vpop (xrf1)  }
.LBB2_37:
0x2a7: {  	v22 =	vld [tilespmem:s3+$0x10];
	s1 =	sadd.s32 $0x4, s1;
	v24 =	vshrl.u32 v10, $0x14;
	_, v25, vm7 =	vpop (xrf1)  }
0x2a8: {  	v26 =	vld [tilespmem:s3+$0xFFFFFFF0];
	p0 =	slt.s32 s1, s7;
	v27 =	vshrl.u32 v11, $0x14;
	(xrf1) =	vunique.msk.u32 $0xffff, v24  }
0x2a9: {  	(xrf1) =	vunique.msk.u32 $0xffff, v27;
	[tilespmem:v8+s23+$0x0] =	vst.idx.add.s32.msk vm4, v14;
	v8 =	vmov v18;
	v18 =	vmov v23  }
.Ltmp12:
0x2aa: {  	v10 =	vld [tilespmem:s3+$0x0];
	(pc) =	sbr.rel @p0 .LBB2_37-.Ltmp12, $4  }
0x2ab: {  	v11 =	vld [tilespmem:s3+$0xFFFFFFE0];
	_, v14, vm4 =	vpop (xrf1)  }
0x2ac: {  	v23 =	vshrl.u32 v22, $0x14;
	[tilespmem:v9+s23+$0x0] =	vst.idx.add.s32.msk vm5, v15;
	_, v15, vm5 =	vpop (xrf1);
	v9 =	vmov v17;
	v17 =	vmov v21  }
0x2ad: {  	v21 =	vshrl.u32 v26, $0x14;
	(xrf1) =	vunique.msk.u32 $0xffff, v23;
	[tilespmem:v12+s23+$0x0] =	vst.idx.add.s32.msk vm7, v25;
	v12 =	vmovc v20;
	v20 =	vmov v27  }
0x2ae: {  	s3 =	sadd.s32 $0x40, s3;
	(xrf1) =	vunique.msk.u32 $0xffff, v21;
	[tilespmem:v13+s23+$0x0] =	vst.idx.add.s32.msk vm6, v16;
	_, v16, vm6 =	vpop (xrf1);
	v13 =	vmov v19;
	v19 =	vmov v24  }
0x2af: {  	v22 =	vmovc v8;
	v24 =	vmovc v9;
	v26 =	vmov v12;
	v27 =	vmov v13;
	v25 =	vmov v18  }
0x2b0: {  	v8 =	vmovc v23;
	v23 =	vmovc v17;
	v9 =	vmov v21;
	v12 =	vmov v20;
	v13 =	vmov v19  }
.LBB2_39:
0x2b1: {  	v10 =	vshrl.u32 v10, $0x14  }
0x2b2: {  	v11 =	vshrl.u32 v11, $0x14;
	(xrf1) =	vunique.msk.u32 $0xffff, v10  }
0x2b3: {  	(xrf1) =	vunique.msk.u32 $0xffff, v11;
	_ =	sdelay $0x4  }
0x2b4: {  	_, v17, vm7 =	vpop @p3 (xrf1);
	v21 =	vmov @p2 v23  }
0x2b5: {  	_, v18, vm8 =	vpop @p2 (xrf1)  }
0x2b6: {  	v19 =	vmov @p2 v25;
	_, v20, vm9 =	vpop @p2 (xrf1);
	vm8 =	vmmov @p2 vm8  }
0x2b7: {  	v19 =	vpsel p2, v19, v0;
	_, v23, vm10 =	vpop @p2 (xrf1);
	vm9 =	vmmov @p2 vm9  }
0x2b8: {  	[tilespmem:v22+s23+$0x0] =	vst.idx.add.s32.msk @p3 vm4, v14;
	v14 =	vpsel p2, v21, v0;
	_, v21, vm4 =	vpop @p2 (xrf1)  }
0x2b9: {  	[tilespmem:v24+s23+$0x0] =	vst.idx.add.s32.msk @p3 vm5, v15;
	v12 =	vpsel p2, v12, v0;
	vm5 =	vmmov @p2 vm10  }
0x2ba: {  	v13 =	vpsel p2, v13, v0;
	[tilespmem:v27+s23+$0x0] =	vst.idx.add.s32.msk @p3 vm6, v16;
	_, v62, vm14 =	vpop (xrf1)  }
0x2bb: {  	v16 =	vpsel p2, v18, v0;
	[tilespmem:v26+s23+$0x0] =	vst.idx.add.s32.msk @p3 vm7, v17;
	_, v17, vm7 =	vpop (xrf1)  }
0x2bc: {  	[tilespmem:v19+s23+$0x0] =	vst.idx.add.s32.msk @p2 vm8, v16;
	v16 =	vpsel p2, v20, v0;
	_, v63, vm15 =	vpop (xrf1)  }
0x2bd: {  	[tilespmem:v14+s23+$0x0] =	vst.idx.add.s32.msk @p2 vm9, v16;
	_, v19, vm8 =	vpop (xrf1)  }
0x2be: {  	[tilespmem:v12+s23+$0x0] =	vst.idx.add.s32.msk @p2 vm4, v21;
	v12 =	vpsel p2, v23, v0  }
0x2bf: {  	[tilespmem:v13+s23+$0x0] =	vst.idx.add.s32.msk @p2 vm5, v12  }
0x2c0: {  	[tilespmem:v8+s23+$0x0] =	vst.idx.add.s32.msk vm14, v62  }
0x2c1: {  	[tilespmem:v9+s23+$0x0] =	vst.idx.add.s32.msk vm7, v17  }
0x2c2: {  	[tilespmem:v10+s23+$0x0] =	vst.idx.add.s32.msk vm15, v63  }
0x2c3: {  	[tilespmem:v11+s23+$0x0] =	vst.idx.add.s32.msk vm8, v19  }
.LBB2_10:
0x2c4: {  	p0 =	sle.s32 s7, s25  }
.Ltmp13:
0x2c5: {  	_ = 	snop;
	(pc) =	sbr.rel @!p0 .LBB2_11-.Ltmp13, $3  }
0x2c6: {  	_ =	sdelay $0x1  }
0x2c7: {  	s8 =	simm.s32 $0xFFFFFFFF  }
0x2c8: {  	s3 =	ssub.s32 s0, s7;
	s8 =	simm.s32 @!p1 $0x0  }
0x2c9: {  	s1 =	sshll.u32 s25, $0x6;
	s6 =	sshll.u32 s3, $0x6  }
0x2ca: {  	s1 =	ssub.s32 s1, s6  }
0x2cb: {  	s31 =	sadd.s32 s8, s10;
	s9 =	sshra.s32 s1, $0x2  }
0x2cc: {  	s1 =	ssub.s32 s31, s3;
	s6 =	sadd.s32 $0x1C510, s9  }
.LBB2_41:
0x2cd: {  	v8 =	vld [tilespmem:s6+$0x0];
	_ =	sdelay $0x4  }
0x2ce: {  	v8 =	vshrl.u32 v8, $0x14  }
0x2cf: {  	(xrf1) =	vunique.msk.u32 $0xffff, v8;
	_ =	sdelay $0xd  }
0x2d0: {  	s1 =	sadd.s32 $0x1, s1;
	_, v9, vm4 =	vpop (xrf1)  }
0x2d1: {  	p0 =	slt.s32 s1, s25  }
.Ltmp14:
0x2d2: {  	_ = 	snop;
	(pc) =	sbr.rel @p0 .LBB2_41-.Ltmp14, $2  }
0x2d3: {  	_ =	sdelay $0x2  }
0x2d4: {  	s6 =	sadd.s32 $0x10, s6;
	[tilespmem:v8+s23+$0x0] =	vst.idx.add.s32.msk vm4, v9  }
.LBB2_11:
0x2d5: {  	s1 =	sxor.u32 $0x80000000, s2  }
0x2d6: {  	s18 =	sxor.u32 $0x80000000, s5;
	[smem:$0x7DE] =	sst s1  }
0x2d7: {  	s19 =	sshll.u32 s13, $0x9;
	[smem:$0x7DF] =	sst s18  }
0x2d8: {  	s20 =	simm.s32 $0x1E9F0;
	[smem:$0x7E0] =	sst s19  }
0x2d9: {  	v8 =	vld [tilespmem:s20+$0x0]  }
0x2da: {  	v9 =	vld [tilespmem:s20+$0xFFFFFFF0];
	_ =	sdelay $0x1  }
0x2db: {  	v10 =	vld [tilespmem:s20+$0xFFFFFFE0];
	_ =	sdelay $0x1  }
0x2dc: {  	(xrf0) =	vadd.scan.msk.s32 $0xffff, v8;
	v8 =	vld [tilespmem:s20+$0xFFFFFFD0]  }
0x2dd: {  	(xrf0) =	vadd.scan.msk.s32 $0xffff, v9;
	v9 =	vld [tilespmem:s20+$0xFFFFFFC0];
	_ =	sdelay $0x1  }
0x2de: {  	(xrf0) =	vadd.scan.msk.s32 $0xffff, v10;
	_ =	sdelay $0x1  }
0x2df: {  	(xrf0) =	vadd.scan.msk.s32 $0xffff, v8  }
0x2e0: {  	(xrf0) =	vadd.scan.msk.s32 $0xffff, v9  }
0x2e1: {  	v10, _, _ =	vpop (xrf0)  }
0x2e2: {  	(v2sf) =	vpush v10, $0xF;
	v10, _, _ =	vpop (xrf0)  }
0x2e3: {  	(v2sf) =	vpush v10, $0xF;
	v10, _, _ =	vpop (xrf0)  }
0x2e4: {  	(v2sf) =	vpush v10, $0xF  }
0x2e5: {  	v8, _, _ =	vpop (xrf0)  }
0x2e6: {  	v9 =	vld [tilespmem:s20+$0xFFFFFFA0];
	(v2sf) =	vpush v8, $0xF;
	v8, _, _ =	vpop (xrf0)  }
0x2e7: {  	(v2sf) =	vpush v8, $0xF;
	v8 =	vld [tilespmem:s20+$0xFFFFFFB0];
	_ =	sdelay $0x3  }
0x2e8: {  	(xrf0) =	vadd.scan.msk.s32 $0xffff, v9  }
0x2e9: {  	v10 =	vld [tilespmem:s20+$0xFFFFFF90];
	(xrf0) =	vadd.scan.msk.s32 $0xffff, v8;
	_ =	sdelay $0x4  }
0x2ea: {  	v8, _, _ =	vpop (xrf0);
	(xrf0) =	vadd.scan.msk.s32 $0xffff, v10;
	s21 =	spop (v2sf)  }
0x2eb: {  	s18 =	simm.s32 $0x1E970;
	s26 =	spop (v2sf);
	(v2sf) =	vpush v8, $0xF;
	v10, _, _ =	vpop (xrf0)  }
0x2ec: {  	v11 =	vld [tilespmem:s18+$0x0];
	s11 =	spop (v2sf);
	(v2sf) =	vpush v10, $0xF  }
0x2ed: {  	s2 =	simm.s32 $0x0;
	v12 =	vld [tilespmem:s18+$0xFFFFFFF0]  }
0x2ee: {  	s6 =	simm.s32 $0x3F;
	s24 =	simm.s32 $0x8;
	s9 =	simm.s32 $0x3E;
	v9 =	vld [tilespmem:s18+$0xFFFFFFE0]  }
0x2ef: {  	p0 =	por $0x1, $0x1;
	s5 =	simm.s32 $0x0;
	s17 =	simm.s32 $0x38  }
0x2f0: {  	s29 =	simm.s32 $0x3C;
	s28 =	simm.s32 $0x3A;
	s30 =	simm.s32 $0x3D;
	v8, _, _ =	vpop (xrf0)  }
0x2f1: {  	s15 =	simm.s32 $0x37;
	s19 =	simm.s32 $0x39;
	(xrf0) =	vadd.scan.msk.s32 $0xffff, v11;
	s20 =	sadd.s32 $0x0, s21;
	(v2sf) =	vpush v8, $0xF  }
0x2f2: {  	(xrf0) =	vadd.scan.msk.s32 $0xffff, v12;
	s21 =	simm.s32 $0x3B;
	p1 =	sgt.s32 s20, $0x31;
	s1 =	sadd.s32 s26, s20  }
0x2f3: {  	(xrf0) =	vadd.scan.msk.s32 $0xffff, v9;
	p6 =	slt.s32 s20, $0x32;
	p0 =	por !p0, !p1;
	p2 =	sgt.s32 s1, $0x31  }
0x2f4: {  	s16 =	sadd.s32 s11, s1;
	p5 =	slt.s32 s1, $0x32;
	p4 =	por !p0, !p0  }
0x2f5: {  	p2 =	por !p6, !p2;
	p3 =	sgt.s32 s16, $0x31;
	s5 =	smov.u32 @p4 s6  }
0x2f6: {  	v8 =	vld [tilespmem:s18+$0xFFFFFFD0];
	p1 =	por !p2, !p2;
	p6 =	por !p5, !p3;
	p3 =	slt.s32 s16, $0x32  }
0x2f7: {  	v9 =	vld [tilespmem:s18+$0xFFFFFFC0];
	v10, _, _ =	vpop (xrf0);
	s2 =	smov.u32 @p4 s2;
	s31 =	spop (v2sf);
	s5 =	smov.u32 @p1 s9  }
0x2f8: {  	(v2sf) =	vpush v10, $0xF;
	v10, _, _ =	vpop (xrf0);
	p2 =	por !p6, !p6;
	s26 =	sadd.s32 s31, s16;
	s6 =	spop (v2sf)  }
.LBB2_12:
0x2f9: {  	v11 =	vld [tilespmem:s18+$0xFFFFFFA0];
	(v2sf) =	vpush v10, $0xF;
	v10, _, _ =	vpop (xrf0);
	p4 =	sgt.s32 s26, $0x31;
	p0 =	slt.s32 s26, $0x32;
	s9 =	sadd.s32 s6, s26  }
0x2fa: {  	s2 =	smov.u32 @p1 s20;
	v12 =	vld [tilespmem:s18+$0xFFFFFFB0];
	(v2sf) =	vpush v10, $0xF;
	p1 =	por !p3, !p4;
	s6 =	spop (v2sf)  }
0x2fb: {  	s2 =	smov.u32 @p2 s1;
	p3 =	sgt.s32 s9, $0x31;
	(xrf0) =	vadd.scan.msk.s32 $0xffff, v8;
	s1 =	spop (v2sf)  }
0x2fc: {  	s5 =	smov.u32 @p2 s30;
	p1 =	por !p1, !p1;
	p0 =	por !p0, !p3;
	(xrf0) =	vadd.scan.msk.s32 $0xffff, v9  }
0x2fd: {  	p2 =	slt.s32 s9, $0x32;
	p0 =	por !p0, !p0;
	s1 =	sadd.s32 s1, s9  }
0x2fe: {  	s5 =	smov.u32 @p1 s29;
	s2 =	smov.u32 @p1 s16;
	s11 =	sadd.s32 s6, s1;
	(xrf0) =	vadd.scan.msk.s32 $0xffff, v11  }
0x2ff: {  	s2 =	smov.u32 @p0 s26;
	p1 =	sgt.s32 s1, $0x31;
	p3 =	sgt.s32 s11, $0x31;
	v8 =	vld [tilespmem:s18+$0xFFFFFF90];
	(xrf0) =	vadd.scan.msk.s32 $0xffff, v12  }
0x300: {  	p1 =	por !p2, !p1;
	p2 =	slt.s32 s1, $0x32;
	s6 =	spop (v2sf)  }
0x301: {  	p1 =	por !p1, !p1;
	p2 =	por !p2, !p3;
	v9, _, _ =	vpop (xrf0);
	s6 =	sadd.s32 s6, s11  }
0x302: {  	s5 =	smov.u32 @p0 s21;
	s2 =	smov.u32 @p1 s9;
	(v2sf) =	vpush v9, $0xF;
	v9, _, _ =	vpop (xrf0);
	p0 =	sgt.s32 s6, $0x31  }
0x303: {  	s5 =	smov.u32 @p1 s28;
	p1 =	por !p2, !p2;
	p2 =	slt.s32 s11, $0x32;
	(v2sf) =	vpush v9, $0xF  }
0x304: {  	s5 =	smov.u32 @p1 s19;
	s2 =	smov.u32 @p1 s1;
	p0 =	por !p2, !p0;
	v9, _, _ =	vpop (xrf0);
	(xrf0) =	vadd.scan.msk.s32 $0xffff, v8  }
0x305: {  	s24 =	sadd.s32 $0x8, s24;
	s18 =	sadd.s32 $0xFFFFFF80, s18;
	p0 =	por !p0, !p0;
	v8, _, _ =	vpop (xrf0);
	(v2sf) =	vpush v9, $0xF  }
0x306: {  	p4 =	slt.u32 s24, $0x38;
	s5 =	smov.u32 @p0 s17;
	s2 =	smov.u32 @p0 s11;
	v9 =	vld [tilespmem:s18+$0x0];
	(v2sf) =	vpush v8, $0xF  }
0x307: {  	s9 =	sadd.s32 $0xFFFFFFFF, s15;
	v8 =	vld [tilespmem:s18+$0xFFFFFFF0];
	s1 =	spop (v2sf)  }
0x308: {  	p0 =	slt.s32 s6, $0x32;
	v10 =	vld [tilespmem:s18+$0xFFFFFFE0];
	s20 =	sadd.s32 s6, s1;
	s1 =	spop (v2sf)  }
0x309: {  	p1 =	sgt.s32 s20, $0x31;
	s1 =	sadd.s32 s1, s20;
	s11 =	spop (v2sf)  }
0x30a: {  	p0 =	por !p0, !p1;
	p1 =	slt.s32 s20, $0x32;
	p3 =	sgt.s32 s1, $0x31;
	v11, _, _ =	vpop (xrf0)  }
0x30b: {  	s16 =	sadd.s32 s11, s1;
	(xrf0) =	vadd.scan.msk.s32 $0xffff, v9;
	p2 =	por !p0, !p0;
	p0 =	por !p1, !p3;
	(v2sf) =	vpush v11, $0xF  }
0x30c: {  	p3 =	slt.s32 s1, $0x32;
	p5 =	sgt.s32 s16, $0x31;
	(xrf0) =	vadd.scan.msk.s32 $0xffff, v8;
	s5 =	smov.u32 @p2 s15  }
0x30d: {  	p1 =	por !p0, !p0;
	p0 =	por !p3, !p5;
	p3 =	slt.s32 s16, $0x32;
	(xrf0) =	vadd.scan.msk.s32 $0xffff, v10  }
.Ltmp15:
0x30e: {  	s2 =	smov.u32 @p2 s6;
	s5 =	smov.u32 @p1 s9;
	(pc) =	sbr.rel @p4 .LBB2_12-.Ltmp15, $4  }
0x30f: {  	s19 =	sadd.s32 $0xFFFFFFFA, s15;
	s17 =	sadd.s32 $0xFFFFFFF9, s15  }
0x310: {  	s29 =	sadd.s32 $0xFFFFFFFD, s15;
	s21 =	sadd.s32 $0xFFFFFFFC, s15;
	s28 =	sadd.s32 $0xFFFFFFFB, s15;
	v8 =	vld [tilespmem:s18+$0xFFFFFFD0]  }
0x311: {  	s30 =	sadd.s32 $0xFFFFFFFE, s15;
	s15 =	sadd.s32 $0xFFFFFFF8, s15;
	v9 =	vld [tilespmem:s18+$0xFFFFFFC0];
	v10, _, _ =	vpop (xrf0);
	s6 =	spop (v2sf)  }
0x312: {  	p2 =	por !p0, !p0;
	(v2sf) =	vpush v10, $0xF;
	v10, _, _ =	vpop (xrf0);
	s26 =	sadd.s32 s6, s16;
	s6 =	spop (v2sf)  }
0x313: {  	_ =	sdelay $0x1  }
0x314: {  	(xrf0) =	vadd.scan.msk.s32 $0xffff, v8;
	_ =	sdelay $0x1  }
0x315: {  	(v2sf) =	vpush v10, $0xF  }
0x316: {  	v11 =	vld [tilespmem:s18+$0xFFFFFFA0]  }
0x317: {  	v12 =	vld [tilespmem:s18+$0xFFFFFFB0];
	v8, _, _ =	vpop (xrf0)  }
0x318: {  	p0 =	sgt.s32 s26, $0x31;
	(xrf0) =	vadd.scan.msk.s32 $0xffff, v9;
	(v2sf) =	vpush v8, $0xF  }
0x319: {  	p4 =	slt.s32 s26, $0x32;
	p0 =	por !p3, !p0;
	v8, _, _ =	vpop (xrf0)  }
0x31a: {  	s9 =	spop (v2sf);
	s4 =	simm.s32 @!p0 $0x0;
	v9 =	vld [tilespmem:s18+$0xFFFFFF90];
	s18 =	sadd.s32 s6, s26;
	(v2sf) =	vpush v8, $0xF  }
0x31b: {  	s11 =	spop (v2sf);
	s4 =	simm.s32 @p0 $0x1;
	p5 =	sgt.s32 s18, $0x31;
	(xrf0) =	vadd.scan.msk.s32 $0xffff, v11  }
0x31c: {  	[smem:$0x7CB] =	sst s4;
	s24 =	sadd.s32 s11, s18;
	p0 =	por !p4, !p5;
	(xrf0) =	vadd.scan.msk.s32 $0xffff, v12  }
0x31d: {  	s31 =	sadd.s32 s9, s24;
	p4 =	sgt.s32 s24, $0x31;
	s4 =	simm.s32 @!p0 $0x0  }
0x31e: {  	p6 =	sgt.s32 s31, $0x31;
	s4 =	simm.s32 @p0 $0x1;
	p0 =	slt.s32 s18, $0x32;
	v8, _, _ =	vpop (xrf0)  }
0x31f: {  	s14 =	spop (v2sf);
	[smem:$0x7CD] =	sst s4;
	p0 =	por !p0, !p4;
	(v2sf) =	vpush v8, $0xF  }
0x320: {  	s6 =	sadd.s32 s14, s31;
	p4 =	slt.s32 s31, $0x32;
	s14 =	sld [smem:$0x7CB]  }
0x321: {  	s4 =	simm.s32 @!p0 $0x0;
	p5 =	sgt.s32 s6, $0x31;
	p3 =	slt.s32 s6, $0x32;
	v8, _, _ =	vpop (xrf0)  }
0x322: {  	(xrf0) =	vadd.scan.msk.s32 $0xffff, v9;
	s4 =	simm.s32 @p0 $0x1;
	p0 =	slt.s32 s24, $0x32;
	p4 =	por !p4, !p5;
	v9, _, _ =	vpop (xrf0);
	(v2sf) =	vpush v8, $0xF  }
0x323: {  	[smem:$0x7CE] =	sst s4;
	p6 =	por !p0, !p6;
	(v2sf) =	vpush v9, $0xF;
	s4 =	spop (v2sf)  }
0x324: {  	s12 =	sadd.s32 s6, s4;
	s11 =	spop (v2sf);
	s4 =	simm.s32 @!p4 $0x0  }
0x325: {  	p0 =	sgt.s32 s12, $0x31;
	s4 =	simm.s32 @p4 $0x1;
	s11 =	sadd.s32 s11, s12  }
0x326: {  	p5 =	por !p3, !p0;
	p3 =	slt.s32 s12, $0x32;
	p4 =	sgt.s32 s11, $0x31  }
0x327: {  	[smem:$0x7CF] =	sst s4;
	s13 =	spop (v2sf);
	p0 =	por !p3, !p4  }
0x328: {  	p3 =	slt.s32 s11, $0x32;
	s4 =	simm.s32 @!p0 $0x0;
	s9 =	sadd.s32 s13, s11  }
0x329: {  	s4 =	simm.s32 @p0 $0x1;
	p4 =	sgt.s32 s9, $0x31;
	s13 =	spop (v2sf)  }
0x32a: {  	[smem:$0x7D0] =	sst s4;
	p0 =	por !p3, !p4;
	s13 =	sadd.s32 s13, s9  }
0x32b: {  	p3 =	slt.s32 s9, $0x32;
	s4 =	simm.s32 @!p0 $0x0;
	p4 =	sgt.s32 s13, $0x31  }
0x32c: {  	s5 =	smov.u32 @p2 s30;
	s4 =	simm.s32 @p0 $0x1;
	p0 =	por !p3, !p4  }
0x32d: {  	[smem:$0x7D1] =	sst s4;
	p4 =	seq.s32 s14, $0x1;
	s4 =	simm.s32 @!p0 $0x0  }
0x32e: {  	s30 =	spop (v2sf);
	p4 =	por !p4, !p4;
	s4 =	simm.s32 @p0 $0x1  }
0x32f: {  	s30 =	sadd.s32 s30, s13;
	[smem:$0x7D2] =	sst s4;
	s4 =	simm.s32 @!p4 $0x0  }
0x330: {  	p3 =	sgt.s32 s30, $0x31;
	p0 =	slt.s32 s13, $0x32;
	s4 =	simm.s32 @p4 $0x1  }
0x331: {  	v8, _, _ =	vpop (xrf0);
	s14 =	spop (v2sf);
	p0 =	por !p0, !p3;
	[smem:$0x7D6] =	sst s4  }
0x332: {  	(v2sf) =	vpush v8, $0xF;
	s4 =	spop (v2sf);
	[smem:$0x7CC] =	sst s0;
	s0 =	simm.s32 @!p0 $0x0  }
0x333: {  	s0 =	simm.s32 @p0 $0x1  }
0x334: {  	[smem:$0x7D3] =	sst s0  }
0x335: {  	s0 =	sld [smem:$0x7CC]  }
0x336: {  	s5 =	smov.u32 @p4 s29;
	s29 =	sadd.s32 s4, s30;
	s4 =	sld [smem:$0x7CD]  }
0x337: {  	_ =	sdelay $0x1  }
0x338: {  	p3 =	seq.s32 s4, $0x1  }
0x339: {  	p4 =	por !p3, !p3  }
0x33a: {  	s5 =	smov.u32 @p4 s21;
	s21 =	sld [smem:$0x7CE]  }
0x33b: {  	p0 =	slt.s32 s30, $0x32;
	p3 =	sgt.s32 s29, $0x31;
	s4 =	simm.s32 @!p4 $0x0  }
0x33c: {  	p0 =	por !p0, !p3;
	s4 =	simm.s32 @p4 $0x1  }
0x33d: {  	[smem:$0x7D7] =	sst s4;
	s4 =	simm.s32 @!p0 $0x0;
	p4 =	seq.s32 s21, $0x1  }
0x33e: {  	s4 =	simm.s32 @p0 $0x1;
	p0 =	por !p4, !p4  }
0x33f: {  	[smem:$0x7D4] =	sst s4;
	s4 =	simm.s32 @!p0 $0x0  }
0x340: {  	p4 =	por !p6, !p6;
	s4 =	simm.s32 @p0 $0x1  }
0x341: {  	[smem:$0x7D8] =	sst s4;
	s4 =	simm.s32 @!p4 $0x0  }
0x342: {  	s5 =	smov.u32 @p0 s28;
	s4 =	simm.s32 @p4 $0x1  }
0x343: {  	s28 =	spop (v2sf);
	[smem:$0x7D9] =	sst s4;
	s4 =	sadd.s32 s14, s29  }
0x344: {  	s14 =	sadd.s32 s28, s4;
	s28 =	sld [smem:$0x7CF]  }
0x345: {  	p6 =	slt.s32 s29, $0x32;
	p3 =	sgt.s32 s4, $0x31  }
0x346: {  	p0 =	por !p6, !p3  }
0x347: {  	s5 =	smov.u32 @p4 s19;
	s21 =	simm.s32 @!p0 $0x0;
	p6 =	seq.s32 s28, $0x1  }
0x348: {  	s21 =	simm.s32 @p0 $0x1;
	s28 =	sld [smem:$0x7D2];
	p4 =	por !p6, !p6  }
0x349: {  	p3 =	sgt.s32 s14, $0x31;
	[smem:$0x7D5] =	sst s21;
	s19 =	simm.s32 @!p4 $0x0  }
0x34a: {  	p6 =	slt.s32 s4, $0x32;
	s21 =	sld [smem:$0x7D1];
	s19 =	simm.s32 @p4 $0x1  }
0x34b: {  	p0 =	por !p6, !p3;
	[smem:$0x7DA] =	sst s19  }
0x34c: {  	s5 =	smov.u32 @p4 s17;
	p3 =	por !p5, !p5;
	s19 =	sld [smem:$0x7D0]  }
0x34d: {  	s14 =	simm.s32 @!p3 $0x0;
	p4 =	seq.s32 s28, $0x1;
	s28 =	sld [smem:$0x7D5]  }
0x34e: {  	s14 =	simm.s32 @p3 $0x1;
	p6 =	seq.s32 s21, $0x1;
	s21 =	sld [smem:$0x7D4]  }
0x34f: {  	s5 =	smov.u32 @p3 s15;
	[smem:$0x7DB] =	sst s14;
	p5 =	seq.s32 s19, $0x1  }
0x350: {  	s14 =	sadd.s32 $0xFFFFFFFF, s15;
	s19 =	sld [smem:$0x7D3];
	p3 =	por !p5, !p5  }
0x351: {  	p0 =	por !p0, !p0;
	s17 =	simm.s32 @!p3 $0x0;
	s5 =	smov.u32 @p3 s14  }
0x352: {  	s14 =	sadd.s32 $0xFFFFFFFE, s15;
	s17 =	simm.s32 @p3 $0x1;
	p3 =	por !p6, !p6  }
0x353: {  	p6 =	por !p4, !p4;
	p5 =	seq.s32 s19, $0x1;
	p4 =	seq.s32 s21, $0x1  }
0x354: {  	[smem:$0x7DC] =	sst s17;
	s17 =	simm.s32 @!p3 $0x0;
	s5 =	smov.u32 @p3 s14  }
0x355: {  	s14 =	sadd.s32 $0xFFFFFFFD, s15;
	p5 =	por !p5, !p5;
	p4 =	por !p4, !p4  }
0x356: {  	s17 =	simm.s32 @p3 $0x1;
	s5 =	smov.u32 @p6 s14;
	s14 =	sadd.s32 $0xFFFFFFFC, s15  }
0x357: {  	p3 =	seq.s32 s28, $0x1;
	s5 =	smov.u32 @p5 s14;
	s14 =	sadd.s32 $0xFFFFFFFB, s15  }
0x358: {  	p3 =	por !p3, !p3;
	s5 =	smov.u32 @p4 s14;
	s14 =	sadd.s32 $0xFFFFFFFA, s15  }
0x359: {  	[smem:$0x7DD] =	sst s17;
	s5 =	smov.u32 @p3 s14;
	s14 =	sadd.s32 $0xFFFFFFF9, s15  }
0x35a: {  	s15 =	sld [smem:$0x7D6];
	s5 =	smov.u32 @p0 s14  }
0x35b: {  	s17 =	sld [smem:$0x7D7];
	s5 =	sshll.u32 s5, $0x4  }
0x35c: {  	s2 =	smov.u32 @p1 s20;
	s19 =	sld [smem:$0x7D8];
	v10 =	vld [tilespmem:s5+$0x1E600]  }
0x35d: {  	s2 =	smov.u32 @p2 s1;
	s20 =	sld [smem:$0x7D9];
	p1 =	seq.s32 s15, $0x1  }
0x35e: {  	v8 =	vmul.u32 $0xFFFFFFFF, v0;
	s2 =	smov.u32 @p1 s16;
	p1 =	seq.s32 s17, $0x1  }
0x35f: {  	s2 =	smov.u32 @p1 s26;
	p1 =	seq.s32 s19, $0x1  }
0x360: {  	v8 =	vadd.s32 $0xF, v8;
	s21 =	sld [smem:$0x7DA];
	s2 =	smov.u32 @p1 s18;
	p1 =	seq.s32 s20, $0x1  }
0x361: {  	s2 =	smov.u32 @p1 s24;
	s24 =	sld [smem:$0x7DB];
	v9 =	vperm.xlane v10, v8  }
0x362: {  	s26 =	sld [smem:$0x7DC]  }
0x363: {  	s28 =	sld [smem:$0x7DD];
	p1 =	seq.s32 s21, $0x1;
	(xrf0) =	vadd.scan.msk.s32 $0xffff, v9  }
0x364: {  	s2 =	smov.u32 @p1 s31;
	p1 =	seq.s32 s24, $0x1  }
0x365: {  	s2 =	smov.u32 @p1 s6;
	p1 =	seq.s32 s26, $0x1  }
0x366: {  	s2 =	smov.u32 @p1 s12;
	p1 =	seq.s32 s28, $0x1  }
0x367: {  	s2 =	smov.u32 @p1 s11  }
0x368: {  	s2 =	smov.u32 @p6 s9  }
0x369: {  	s2 =	smov.u32 @p5 s13;
	v9, _, _ =	vpop (xrf0)  }
0x36a: {  	s2 =	smov.u32 @p4 s30;
	v9 =	vperm.xlane v9, v8  }
0x36b: {  	s2 =	smov.u32 @p3 s29  }
0x36c: {  	s2 =	smov.u32 @p0 s4;
	v11 =	vsub.s32 v9, v10  }
0x36d: {  	v9 =	vadd.s32 s2, v9;
	v11 =	vadd.s32 s2, v11  }
0x36e: {  	vm5 =	vgt.s32 v9, $0x31;
	vm4 =	vlt.s32 v11, $0x32  }
0x36f: {  	v9 =	vor.u32 $0x80000000, v0;
	vm4 =	vmand vm5, vm4  }
0x370: {  	v11 =	vxor.u32 $0x80000000, v11;
	v63 =	vnsel vm4, $0x80000000, v9  }
0x371: {  	v10 =	vxor.u32 $0x80000000, v10;
	v11 =	vnsel vm4, $0x80000000, v11;
	(xrf0) =	vmax.scan.msk.u32 $0xffff, v63  }
0x372: {  	v10 =	vnsel vm4, $0x80000000, v10;
	(xrf0) =	vmax.scan.msk.u32 $0xffff, v11  }
0x373: {  	(xrf0) =	vmax.scan.msk.u32 $0xffff, v10;
	_ =	sdelay $0x3  }
0x374: {  	v10, _, _ =	vpop (xrf0)  }
0x375: {  	(v2sf) =	vpush v10, $0xF;
	v10, _, _ =	vpop (xrf0)  }
0x376: {  	(v2sf) =	vpush v10, $0xF;
	v10, _, _ =	vpop (xrf0)  }
0x377: {  	(v2sf) =	vpush v10, $0xF;
	_ =	sdelay $0xc  }
0x378: {  	s30 =	spop (v2sf)  }
0x379: {  	s17 =	spop (v2sf)  }
0x37a: {  	s31 =	spop (v2sf)  }
0x37b: {  	p0 =	slt.u32 s31, $0x80000201  }
.Ltmp16:
0x37c: {  	_ = 	snop;
	(pc) =	sbr.rel @!p0 .LBB2_14-.Ltmp16, $4  }
0x37d: {  	s1 =	sadd.s32 s30, s5  }
0x37e: {  	s9 =	sadd.s32 $0x80000000, s1  }
0x37f: {  	s5 =	sshll.u32 s9, $0x14  }
0x380: {  	s2 =	sadd.s32 $0x100000, s5  }
0x381: {  	p0 =	slt.s32 s25, $0x0  }
.Ltmp17:
0x382: {  	_ = 	snop;
	(pc) =	sbr.rel @p0 .LBB2_49-.Ltmp17, $2  }
0x383: {  	_ =	sdelay $0x2  }
0x384: {  	s1 =	simm.s32 $0x0;
	s6 =	simm.s32 $0x0  }
0x385: {  	p0 =	sne.s32 s0, $0x1  }
.Ltmp18:
0x386: {  	_ = 	snop;
	(pc) =	sbr.rel @!p0 .LBB2_44-.Ltmp18, $3  }
0x387: {  	_ =	sdelay $0x1  }
0x388: {  	s4 =	simm.s32 $0x1C500  }
0x389: {  	v10 =	vmov s9;
	s6 =	simm.s32 $0x0;
	s0 =	sadd.s32 $0xFFFFFFFF, s0;
	p1 =	por $0x0, $0x0;
	v11 =	vld [tilespmem:s4+$0x0]  }
0x38a: {  	_ =	sdelay $0x3  }
0x38b: {  	v12 =	vshrl.u32 v11, $0x14  }
0x38c: {  	vm4 =	veq.s32 v12, v10  }
0x38d: {  	v12 =	vsel vm4, $0x1, v2  }
0x38e: {  	(xrf0) =	vadd.scan.msk.s32 $0xffff, v12;
	_ =	sdelay $0x3  }
0x38f: {  	p0 =	sne.s32 s0, $0x1  }
.Ltmp19:
0x390: {  	_ = 	snop;
	(pc) =	sbr.rel @!p0 .LBB2_46-.Ltmp19, $4  }
0x391: {  	v12, _, _ =	vpop (xrf0)  }
0x392: {  	(v2sf) =	vpush v12, $0xF  }
0x393: {  	s9 =	simm.s32 $0x1C510;
	[tilespmem:s6+$0x1EA00] =	vst.msk vm4, v11  }
0x394: {  	s11 =	sadd.s32 $0xFFFFFFFF, s0;
	p1 =	por $0x1, $0x1;
	s0 =	simm.s32 $0x0;
	v11 =	vld [tilespmem:s9+$0x0]  }
.LBB2_47:
0x395: {  	p0 =	sne.s32 s11, $0x1;
	_ =	sdelay $0x3  }
0x396: {  	v12 =	vshrl.u32 v11, $0x14  }
0x397: {  	vm4 =	veq.s32 v12, v10  }
0x398: {  	v12 =	vsel vm4, $0x1, v2  }
0x399: {  	(xrf0) =	vadd.scan.msk.s32 $0xffff, v12;
	_ =	sdelay $0x4  }
.Ltmp20:
0x39a: {  	s4 =	spop (v2sf);
	(pc) =	sbr.rel @p0 .LBB2_47-.Ltmp20, $4  }
0x39b: {  	v12, _, _ =	vpop (xrf0);
	s0 =	sadd.s32 s0, s4  }
0x39c: {  	[tilespmem:s0+$0x1EA00] =	vst.msk vm4, v11;
	(v2sf) =	vpush v12, $0xF  }
0x39d: {  	s9 =	sadd.s32 $0x10, s9  }
0x39e: {  	s11 =	sadd.s32 $0xFFFFFFFF, s11;
	v11 =	vld [tilespmem:s9+$0x0]  }
.LBB2_48:
0x39f: {  	_ =	sdelay $0x3  }
0x3a0: {  	v12 =	vshrl.u32 v11, $0x14  }
0x3a1: {  	vm4 =	veq.s32 v12, v10  }
0x3a2: {  	v10 =	vsel vm4, $0x1, v2  }
0x3a3: {  	(xrf0) =	vadd.scan.msk.s32 $0xffff, v10;
	_ =	sdelay $0x5  }
0x3a4: {  	v10, _, _ =	vpop (xrf0)  }
0x3a5: {  	(v2sf) =	vpush v10, $0xF;
	_ =	sdelay $0xc  }
0x3a6: {  	s4 =	spop @p1 (v2sf)  }
0x3a7: {  	s0 =	sadd.s32 @p1 s0, s4  }
0x3a8: {  	s6 =	smov.u32 @p1 s0;
	s31 =	spop (v2sf)  }
0x3a9: {  	[tilespmem:s6+$0x1EA00] =	vst.msk vm4, v11;
	s6 =	sadd.s32 s6, s31  }
.LBB2_49:
0x3aa: {  	s0 =	sand.u32 $0xF, s6  }
0x3ab: {  	s4 =	sshra.s32 s6, $0x1F;
	p0 =	slt.s32 s6, $0x1;
	p1 =	sne.s32 s0, $0x0  }
0x3ac: {  	s26 =	sshrl.u32 s4, $0x1C;
	p0 =	por !p0, !p1  }
0x3ad: {  	s4 =	simm.s32 $0x1;
	s0 =	sadd.s32 s26, s6;
	p0 =	por !p0, !p0  }
0x3ae: {  	s0 =	sshra.s32 s0, $0x4;
	s4 =	simm.s32 @!p0 $0x0  }
0x3af: {  	s15 =	ssub.s32 s0, s4  }
0x3b0: {  	s0 =	sadd.s32 $0x1, s15  }
0x3b1: {  	s28 =	sshrl.u32 s0, $0x1F  }
0x3b2: {  	s4 =	sadd.s32 s28, s0  }
0x3b3: {  	s16 =	sand.u32 $0xFFFFFFFE, s4  }
.Ltmp21:
0x3b4: {  	s0 =	ssub.s32 s0, s16;
	(pc) =	sbr.rel .LBB2_50-.Ltmp21, $4  }
0x3b5: {  	s29 =	sshll.u32 s15, $0x6;
	s9 =	sshll.u32 s0, $0x6  }
0x3b6: {  	s30 =	sxor.u32 $0x80000000, s17;
	s4 =	ssub.s32 s29, s9  }
0x3b7: {  	s17 =	ssub.s32 $0x32, s30;
	p1 =	slt.s32 s16, $0x1;
	s31 =	sshra.s32 s4, $0x2  }
0x3b8: {  	[tilespmem:s6+$0x1EA00] =	vst v6;
	p2 =	sgt.s32 s16, s15;
	s18 =	ssub.s32 s15, s0;
	s19 =	sadd.s32 $0x1EA10, s31  }
.LBB2_54:
0x3b9: {  	(xrf0) =	vadd.scan.msk.s32 $0xffff, v11;
	_ =	sdelay $0x5  }
0x3ba: {  	v10, _, _ =	vpop (xrf0)  }
0x3bb: {  	(v2sf) =	vpush v10, $0xF;
	_ =	sdelay $0xb  }
0x3bc: {  	s1 =	sadd.s32 $0x1, s1  }
0x3bd: {  	p3 =	seq.s32 s1, $0x14  }
.Ltmp22:
0x3be: {  	_ = 	snop;
	(pc) =	sbr.rel @p3 .LBB2_21-.Ltmp22, $4  }
0x3bf: {  	s0 =	spop (v2sf)  }
0x3c0: {  	p0 =	slt.s32 s0, s17;
	s0 =	smov.u32 s20  }
0x3c1: {  	s0 =	smov.u32 @p0 s5  }
0x3c2: {  	s2 =	smov.u32 @p0 s20;
	s5 =	smov.u32 s0  }
.LBB2_50:
0x3c3: {  	s0 =	sadd.s32 s5, s2  }
0x3c4: {  	s4 =	sadd.s32 $0x1, s0;
	p0 =	slt.u32 s0, $0x7FFFFFFF;
	s0 =	simm.s32 $0x1  }
0x3c5: {  	s0 =	simm.s32 @!p0 $0x0;
	s6 =	sshra.s32 s4, $0x1F  }
0x3c6: {  	s30 =	sand.u32 $0x1, s4;
	s0 =	sadd.s32 s0, s6  }
0x3c7: {  	p3 =	seq.s32 s30, $0x1;
	p6 =	sne.s32 s0, $0x1  }
.Ltmp23:
0x3c8: {  	s31 =	sshrl.u32 s4, $0x1F;
	p0 =	por !p6, !p3;
	(pc) =	sbr.rel @p1 .LBB2_51-.Ltmp23, $4  }
0x3c9: {  	s0 =	sadd.s32 s31, s4;
	s4 =	simm.s32 $0x1;
	p0 =	por !p0, !p0  }
0x3ca: {  	s0 =	sshra.s32 s0, $0x1;
	s4 =	simm.s32 @!p0 $0x0  }
0x3cb: {  	s20 =	ssub.s32 s0, s4  }
0x3cc: {  	v11 =	vimm.s32 $0x0;
	v10 =	vmov s20  }
0x3cd: {  	p3 =	sgt.s32 s16, $0x2  }
.Ltmp24:
0x3ce: {  	_ = 	snop;
	(pc) =	sbr.rel @!p3 .LBB2_56-.Ltmp24, $4  }
0x3cf: {  	_ = 	snop  }
0x3d0: {  	s0 =	simm.s32 $0x1EA10  }
0x3d1: {  	v13 =	vld [tilespmem:s0+$0xFFFFFFF0]  }
0x3d2: {  	p0 =	por $0x0, $0x0;
	v12 =	vld [tilespmem:s0+$0x0]  }
0x3d3: {  	p3 =	sgt.s32 s16, $0x4  }
.Ltmp25:
0x3d4: {  	_ = 	snop;
	(pc) =	sbr.rel @!p3 .LBB2_59-.Ltmp25, $4  }
0x3d5: {  	_ = 	snop  }
0x3d6: {  	s0 =	simm.s32 $0x1EA30;
	vm4 =	vge.s32 v13, v10  }
0x3d7: {  	v13 =	vld [tilespmem:s0+$0xFFFFFFF0];
	v14 =	vsel vm4, $0x1, v2;
	vm4 =	vge.s32 v12, v10  }
0x3d8: {  	s6 =	simm.s32 $0x4;
	p0 =	por $0x1, $0x1;
	v12 =	vld [tilespmem:s0+$0x0];
	v14 =	vadd.s32 v14, v11;
	v15 =	vsel vm4, $0x1, v2  }
.LBB2_58:
0x3d9: {  	s6 =	sadd.s32 $0x2, s6  }
0x3da: {  	v14 =	vadd.s32 v15, v14;
	p3 =	slt.s32 s6, s16  }
.Ltmp26:
0x3db: {  	(pc) =	sbr.rel @p3 .LBB2_58-.Ltmp26, $4  }
0x3dc: {  	_ = 	snop  }
0x3dd: {  	s0 =	sadd.s32 $0x20, s0;
	vm4 =	vge.s32 v13, v10  }
0x3de: {  	v13 =	vld [tilespmem:s0+$0xFFFFFFF0];
	v15 =	vsel vm4, $0x1, v2;
	vm4 =	vge.s32 v12, v10  }
0x3df: {  	v12 =	vld [tilespmem:s0+$0x0];
	v14 =	vadd.s32 v15, v14;
	v15 =	vsel vm4, $0x1, v2  }
.LBB2_59:
0x3e0: {  	_ =	sdelay $0x2  }
0x3e1: {  	v14 =	vadd.s32 @p0 v15, v14;
	vm4 =	vge.s32 v13, v10  }
0x3e2: {  	v11 =	vpsel p0, v14, v11;
	v13 =	vsel vm4, $0x1, v2;
	vm4 =	vge.s32 v12, v10  }
0x3e3: {  	v11 =	vadd.s32 v13, v11;
	v12 =	vsel vm4, $0x1, v2  }
0x3e4: {  	v11 =	vadd.s32 v12, v11  }
.LBB2_51:
.Ltmp27:
0x3e5: {  	(pc) =	sbr.rel @p2 .LBB2_54-.Ltmp27, $1  }
0x3e6: {  	_ =	sdelay $0x3  }
0x3e7: {  	s0 =	smov.u32 s19;
	s6 =	smov.u32 s18  }
.LBB2_53:
0x3e8: {  	v12 =	vld [tilespmem:s0+$0x0]  }
0x3e9: {  	s6 =	sadd.s32 $0x1, s6  }
0x3ea: {  	p0 =	slt.s32 s6, s15  }
.Ltmp28:
0x3eb: {  	_ = 	snop;
	(pc) =	sbr.rel @p0 .LBB2_53-.Ltmp28, $4  }
0x3ec: {  	_ = 	snop  }
0x3ed: {  	vm4 =	vge.s32 v12, v10  }
0x3ee: {  	v12 =	vsel vm4, $0x1, v2  }
0x3ef: {  	s0 =	sadd.s32 $0x10, s0;
	v11 =	vadd.s32 v12, v11  }
.Ltmp29:
0x3f0: {  	_ = 	snop;
	(pc) =	sbr.rel .LBB2_54-.Ltmp29, $1  }
0x3f1: {  	_ =	sdelay $0x3  }
.LBB2_56:
.Ltmp30:
0x3f2: {  	(pc) =	sbr.rel .LBB2_59-.Ltmp30, $2  }
0x3f3: {  	_ =	sdelay $0x2  }
0x3f4: {  	_ = 	snop  }
.LBB2_14:
0x3f5: {  	s1 =	sshrl.u32 s0, $0x1D  }
0x3f6: {  	s1 =	sadd.s32 s1, s0  }
0x3f7: {  	s1 =	sand.u32 $0xFFFFFFF8, s1  }
.Ltmp31:
0x3f8: {  	s30 =	ssub.s32 s0, s1;
	(pc) =	sbr.rel .LBB2_15-.Ltmp31, $4  }
0x3f9: {  	s4 =	sshll.u32 s25, $0x6;
	s6 =	sshll.u32 s30, $0x6  }
0x3fa: {  	s4 =	ssub.s32 s4, s6  }
0x3fb: {  	s31 =	sadd.s32 s8, s10;
	s17 =	simm.s32 $0x0;
	s4 =	sshra.s32 s4, $0x2  }
0x3fc: {  	s0 =	smov.u32 s5;
	s15 =	ssub.s32 s31, s30;
	s16 =	sadd.s32 $0x1C510, s4  }
.LBB2_20:
0x3fd: {  	(xrf0) =	vadd.scan.msk.s32 $0xffff, v11;
	_ =	sdelay $0x5  }
0x3fe: {  	v10, _, _ =	vpop (xrf0)  }
0x3ff: {  	(v2sf) =	vpush v10, $0xF;
	_ =	sdelay $0xe  }
0x400: {  	s4 =	spop (v2sf)  }
0x401: {  	s17 =	sadd.s32 $0x1, s17;
	p0 =	sgt.s32 s4, $0x31  }
0x402: {  	s0 =	smov.u32 @p0 s5;
	s5 =	smov.u32 @p0 s2;
	p0 =	sne.s32 s17, $0x14  }
.Ltmp32:
0x403: {  	_ = 	snop;
	(pc) =	sbr.rel @!p0 .LBB2_21-.Ltmp32, $2  }
0x404: {  	_ =	sdelay $0x2  }
0x405: {  	s2 =	smov.u32 s5  }
.LBB2_15:
0x406: {  	s4 =	sadd.s32 s0, s2  }
0x407: {  	s5 =	sadd.s32 $0x1, s4;
	p0 =	slt.u32 s4, $0x7FFFFFFF;
	s4 =	simm.s32 $0x1  }
0x408: {  	s4 =	simm.s32 @!p0 $0x0;
	s6 =	sshra.s32 s5, $0x1F  }
0x409: {  	s30 =	sand.u32 $0x1, s5;
	s4 =	sadd.s32 s4, s6  }
0x40a: {  	p1 =	seq.s32 s30, $0x1;
	p6 =	sne.s32 s4, $0x1  }
0x40b: {  	s31 =	sshrl.u32 s5, $0x1F;
	p0 =	por !p6, !p1  }
0x40c: {  	s4 =	sadd.s32 s31, s5;
	s5 =	simm.s32 $0x1;
	p0 =	por !p0, !p0  }
0x40d: {  	s5 =	simm.s32 @!p0 $0x0;
	p0 =	slt.s32 s1, $0x1  }
.Ltmp33:
0x40e: {  	_ = 	snop;
	(pc) =	sbr.rel @p0 .LBB2_16-.Ltmp33, $4  }
0x40f: {  	_ = 	snop  }
0x410: {  	s4 =	sshra.s32 s4, $0x1  }
0x411: {  	s5 =	ssub.s32 s4, s5  }
0x412: {  	v10 =	vmov s5  }
0x413: {  	s9 =	simm.s32 $0x1C540  }
0x414: {  	v12 =	vld [tilespmem:s9+$0xFFFFFFC0]  }
0x415: {  	v13 =	vld [tilespmem:s9+$0xFFFFFFD0]  }
0x416: {  	p0 =	sgt.s32 s1, $0x8;
	v18 =	vld [tilespmem:s9+$0xFFFFFFE0]  }
.Ltmp34:
0x417: {  	v14 =	vld [tilespmem:s9+$0xFFFFFFF0];
	(pc) =	sbr.rel @!p0 .LBB2_62-.Ltmp34, $4  }
0x418: {  	v11 =	vld [tilespmem:s9+$0x0]  }
0x419: {  	vm4 =	vge.s32 v12, v10;
	v12 =	vld [tilespmem:s9+$0x10]  }
0x41a: {  	v15 =	vimm.s32 $0x0;
	v16 =	vsel vm4, $0x1, v2;
	vm4 =	vge.s32 v13, v10;
	v13 =	vld [tilespmem:s9+$0x20]  }
0x41b: {  	s6 =	simm.s32 $0x8;
	v16 =	vadd.s32 v16, v15;
	v17 =	vsel vm4, $0x1, v2;
	vm4 =	vge.s32 v18, v10;
	v15 =	vld [tilespmem:s9+$0x30];
	s9 =	simm.s32 $0x1C5C0  }
.LBB2_61:
0x41c: {  	v18 =	vld [tilespmem:s9+$0xFFFFFFC0];
	s6 =	sadd.s32 $0x8, s6;
	v16 =	vadd.s32 v17, v16;
	v17 =	vsel vm4, $0x1, v2;
	vm4 =	vge.s32 v14, v10  }
0x41d: {  	v19 =	vld [tilespmem:s9+$0xFFFFFFD0];
	p0 =	slt.s32 s6, s1;
	v14 =	vadd.s32 v17, v16;
	v16 =	vsel vm4, $0x1, v2;
	vm4 =	vge.s32 v11, v10  }
0x41e: {  	v20 =	vld [tilespmem:s9+$0xFFFFFFE0];
	v11 =	vadd.s32 v16, v14;
	v16 =	vsel vm4, $0x1, v2;
	vm4 =	vge.s32 v12, v10  }
.Ltmp35:
0x41f: {  	v14 =	vld [tilespmem:s9+$0xFFFFFFF0];
	v12 =	vadd.s32 v16, v11;
	v16 =	vsel vm4, $0x1, v2;
	vm4 =	vge.s32 v13, v10;
	(pc) =	sbr.rel @p0 .LBB2_61-.Ltmp35, $4  }
0x420: {  	v11 =	vld [tilespmem:s9+$0x0];
	v13 =	vadd.s32 v16, v12;
	v16 =	vsel vm4, $0x1, v2;
	vm4 =	vge.s32 v15, v10  }
0x421: {  	vm5 =	vge.s32 v18, v10;
	v12 =	vld [tilespmem:s9+$0x10];
	v15 =	vadd.s32 v16, v13;
	v16 =	vsel vm4, $0x1, v2  }
0x422: {  	v17 =	vsel vm5, $0x1, v2;
	vm4 =	vge.s32 v19, v10;
	v13 =	vld [tilespmem:s9+$0x20];
	v15 =	vadd.s32 v16, v15  }
0x423: {  	v16 =	vadd.s32 v17, v15;
	v17 =	vsel vm4, $0x1, v2;
	vm4 =	vge.s32 v20, v10;
	v15 =	vld [tilespmem:s9+$0x30];
	s9 =	sadd.s32 $0x80, s9  }
.LBB2_62:
0x424: {  	v16 =	vadd.s32 v17, v16;
	v58 =	vsel vm4, $0x1, v2;
	vm4 =	vge.s32 v14, v10  }
0x425: {  	v59 =	vadd.s32 v58, v16;
	v60 =	vsel vm4, $0x1, v2;
	vm4 =	vge.s32 v11, v10  }
.Ltmp36:
0x426: {  	v11 =	vadd.s32 v60, v59;
	v61 =	vsel vm4, $0x1, v2;
	vm4 =	vge.s32 v12, v10;
	(pc) =	sbr.rel .LBB2_17-.Ltmp36, $4  }
0x427: {  	v11 =	vadd.s32 v61, v11;
	v12 =	vsel vm4, $0x1, v2;
	vm4 =	vge.s32 v13, v10  }
0x428: {  	v11 =	vadd.s32 v12, v11;
	v62 =	vsel vm4, $0x1, v2;
	vm4 =	vge.s32 v15, v10  }
0x429: {  	v11 =	vadd.s32 v62, v11;
	v63 =	vsel vm4, $0x1, v2  }
0x42a: {  	v11 =	vadd.s32 v63, v11  }
.LBB2_16:
0x42b: {  	v11 =	vimm.s32 $0x0  }
.LBB2_17:
0x42c: {  	p0 =	sgt.s32 s1, s25  }
.Ltmp37:
0x42d: {  	_ = 	snop;
	(pc) =	sbr.rel @p0 .LBB2_20-.Ltmp37, $1  }
0x42e: {  	_ =	sdelay $0x3  }
0x42f: {  	s6 =	smov.u32 s16;
	s9 =	smov.u32 s15  }
.LBB2_19:
0x430: {  	v12 =	vld [tilespmem:s6+$0x0]  }
0x431: {  	s9 =	sadd.s32 $0x1, s9  }
0x432: {  	p0 =	slt.s32 s9, s25  }
.Ltmp38:
0x433: {  	_ = 	snop;
	(pc) =	sbr.rel @p0 .LBB2_19-.Ltmp38, $4  }
0x434: {  	_ = 	snop  }
0x435: {  	vm4 =	vge.s32 v12, v10  }
0x436: {  	v12 =	vsel vm4, $0x1, v2  }
0x437: {  	s6 =	sadd.s32 $0x10, s6;
	v11 =	vadd.s32 v12, v11  }
.Ltmp39:
0x438: {  	_ = 	snop;
	(pc) =	sbr.rel .LBB2_20-.Ltmp39, $1  }
0x439: {  	_ =	sdelay $0x3  }
.LBB2_21:
0x43a: {  	s31 =	sld [smem:$0x7E1];
	_ =	sdelay $0x2  }
0x43b: {  	p0 =	seq.s32 s31, $0x1  }
.Ltmp40:
0x43c: {  	_ = 	snop;
	(pc) =	sbr.rel @p0 .LBB2_22-.Ltmp40, $2  }
0x43d: {  	_ =	sdelay $0x2  }
0x43e: {  	v12 =	vmov s0  }
0x43f: {  	s1 =	simm.s32 $0x1C520  }
0x440: {  	s0 =	simm.s32 $0x1D5A0;
	v14 =	vld [tilespmem:s1+$0xFFFFFFE0]  }
0x441: {  	v16 =	vld [tilespmem:s0+$0xFFFFFFE0]  }
0x442: {  	p0 =	sgt.s32 s7, $0x4;
	v13 =	vld [tilespmem:s1+$0xFFFFFFF0]  }
.Ltmp41:
0x443: {  	v17 =	vld [tilespmem:s0+$0xFFFFFFF0];
	(pc) =	sbr.rel @!p0 .LBB2_65-.Ltmp41, $4  }
0x444: {  	v11 =	vld [tilespmem:s1+$0x0]  }
0x445: {  	v15 =	vld [tilespmem:s0+$0x0]  }
0x446: {  	v10 =	vld [tilespmem:s1+$0x10];
	v19 =	vmul.f32 v16, v14  }
0x447: {  	v18 =	vimm.f32 $0.0e+00;
	s2 =	simm.s32 $0x1C560;
	v20 =	vimm.f32 $0.0e+00;
	s1 =	simm.s32 $0x4;
	vm4 =	vgt.s32 v12, v14;
	v16 =	vld [tilespmem:s0+$0x10]  }
.LBB2_64:
0x448: {  	v21 =	vsel vm4, $0x0, v14;
	v14 =	vld [tilespmem:s2+$0xFFFFFFE0];
	v19 =	vsel vm4, $0x0, v19;
	v17 =	vmul.f32 v17, v13;
	s0 =	sadd.s32 $0x40, s0  }
0x449: {  	s1 =	sadd.s32 $0x4, s1;
	vm4 =	vgt.s32 v12, v13;
	v22 =	vld [tilespmem:s0+$0xFFFFFFE0];
	v18 =	vadd.f32 v21, v18;
	v19 =	vadd.f32 v19, v20  }
0x44a: {  	p0 =	slt.s32 s1, s7;
	v20 =	vsel vm4, $0x0, v13;
	v13 =	vld [tilespmem:s2+$0xFFFFFFF0];
	v21 =	vsel vm4, $0x0, v17;
	v15 =	vmul.f32 v15, v11  }
.Ltmp42:
0x44b: {  	vm4 =	vgt.s32 v12, v11;
	v17 =	vld [tilespmem:s0+$0xFFFFFFF0];
	v18 =	vadd.f32 v20, v18;
	v19 =	vadd.f32 v21, v19;
	(pc) =	sbr.rel @p0 .LBB2_64-.Ltmp42, $4  }
0x44c: {  	v20 =	vsel vm4, $0x0, v11;
	v11 =	vld [tilespmem:s2+$0x0];
	v21 =	vsel vm4, $0x0, v15;
	v16 =	vmul.f32 v16, v10  }
0x44d: {  	vm4 =	vgt.s32 v12, v10;
	v15 =	vld [tilespmem:s0+$0x0];
	v18 =	vadd.f32 v20, v18;
	v20 =	vadd.f32 v21, v19  }
0x44e: {  	v21 =	vsel vm4, $0x0, v10;
	v19 =	vmul.f32 v22, v14;
	v10 =	vld [tilespmem:s2+$0x10];
	v22 =	vsel vm4, $0x0, v16  }
0x44f: {  	vm4 =	vgt.s32 v12, v14;
	s2 =	sadd.s32 $0x40, s2;
	v16 =	vld [tilespmem:s0+$0x10];
	v18 =	vadd.f32 v21, v18;
	v20 =	vadd.f32 v22, v20  }
.LBB2_65:
0x450: {  	v14 =	vsel vm4, $0x0, v14;
	v19 =	vsel vm4, $0x0, v19;
	v17 =	vmul.f32 v17, v13  }
0x451: {  	vm4 =	vgt.s32 v12, v13;
	v14 =	vadd.f32 v14, v18;
	v63 =	vadd.f32 v19, v20  }
0x452: {  	v13 =	vsel vm4, $0x0, v13;
	v17 =	vsel vm4, $0x0, v17;
	v15 =	vmul.f32 v15, v11  }
.Ltmp43:
0x453: {  	vm4 =	vgt.s32 v12, v11;
	v13 =	vadd.f32 v13, v14;
	v14 =	vadd.f32 v17, v63;
	(pc) =	sbr.rel .LBB2_23-.Ltmp43, $4  }
0x454: {  	v11 =	vsel vm4, $0x0, v11;
	v15 =	vsel vm4, $0x0, v15;
	v16 =	vmul.f32 v16, v10  }
0x455: {  	vm4 =	vgt.s32 v12, v10;
	v11 =	vadd.f32 v11, v13;
	v13 =	vadd.f32 v15, v14  }
0x456: {  	v10 =	vsel vm4, $0x0, v10;
	v14 =	vsel vm4, $0x0, v16  }
0x457: {  	v10 =	vadd.f32 v10, v11;
	v11 =	vadd.f32 v14, v13  }
.LBB2_22:
0x458: {  	v10 =	vimm.f32 $0.0e+00;
	v11 =	vimm.f32 $0.0e+00  }
.LBB2_23:
0x459: {  	p0 =	sgt.s32 s7, s25  }
.Ltmp44:
0x45a: {  	_ = 	snop;
	(pc) =	sbr.rel @p0 .LBB2_26-.Ltmp44, $1  }
0x45b: {  	_ =	sdelay $0x3  }
0x45c: {  	s0 =	sshll.u32 s25, $0x6;
	s1 =	sshll.u32 s3, $0x6  }
0x45d: {  	s0 =	ssub.s32 s0, s1  }
0x45e: {  	s31 =	sadd.s32 s8, s10;
	s2 =	sshra.s32 s0, $0x2  }
0x45f: {  	s0 =	ssub.s32 s31, s3;
	s1 =	sadd.s32 $0x1C510, s2;
	s2 =	sadd.s32 $0x1D590, s2  }
.LBB2_25:
0x460: {  	v13 =	vld [tilespmem:s1+$0x0]  }
0x461: {  	v14 =	vld [tilespmem:s2+$0x0];
	_ =	sdelay $0x1  }
0x462: {  	s0 =	sadd.s32 $0x1, s0  }
0x463: {  	p0 =	slt.s32 s0, s25  }
.Ltmp45:
0x464: {  	_ = 	snop;
	(pc) =	sbr.rel @p0 .LBB2_25-.Ltmp45, $4  }
0x465: {  	v14 =	vmul.f32 v14, v13  }
0x466: {  	vm4 =	vgt.s32 v12, v13  }
0x467: {  	v13 =	vsel vm4, $0x0, v13;
	v14 =	vsel vm4, $0x0, v14  }
0x468: {  	s1 =	sadd.s32 $0x10, s1;
	s2 =	sadd.s32 $0x10, s2;
	v10 =	vadd.f32 v13, v10;
	v11 =	vadd.f32 v14, v11  }
.LBB2_26:
0x469: {  	s1 =	simm.s32 $0x0  }
0x46a: {  	s0 =	sand.u32 $0xC00, s1  }
0x46b: {  	s21 =	sld [smem:$0x7E0];
	s2 =	sand.u32 $0x40, s1;
	s3 =	sor.u32 s22, s0  }
0x46c: {  	s0 =	sor.u32 s2, s3  }
0x46d: {  	v12 =	vld [tilespmem:s0+$0x1B500]  }
0x46e: {  	s4 =	sand.u32 $0x180, s1;
	v13 =	vld [tilespmem:s0+$0x1A500];
	s0 =	sadd.s32 $0x9480, s21  }
0x46f: {  	s5 =	sadd.s32 s4, s0  }
0x470: {  	s4 =	sadd.s32 s2, s5  }
0x471: {  	v14 =	vld [tilespmem:s4+$0x0];
	_ =	sdelay $0x1  }
0x472: {  	vm4 =	vgt.f32 v13, $0.0e+00;
	vm5 =	vgt.f32 v12, $0.0e+00  }
0x473: {  	vm4 =	vmand vm5, vm4  }
0x474: {  	v15 =	vsel vm4, $0x1, v2  }
0x475: {  	(xrf0) =	vadd.scan.msk.s32 $0xffff, v15;
	v13 =	vsub.f32 v13, v14  }
0x476: {  	s24 =	sor.u32 $0x10, s2;
	[tilespmem:s1+$0x1C500] =	vst.msk vm4, v12  }
0x477: {  	s25 =	sor.u32 s24, s3;
	[tilespmem:s1+$0x1D580] =	vst.msk vm4, v13  }
0x478: {  	v12 =	vld [tilespmem:s25+$0x1B500]  }
0x479: {  	v13 =	vld [tilespmem:s25+$0x1A500];
	_ =	sdelay $0x1  }
0x47a: {  	v14, _, _ =	vpop (xrf0)  }
0x47b: {  	(v2sf) =	vpush v14, $0xF;
	_ =	sdelay $0x1  }
0x47c: {  	vm4 =	vgt.f32 v13, $0.0e+00;
	vm5 =	vgt.f32 v12, $0.0e+00  }
0x47d: {  	vm4 =	vmand vm5, vm4  }
0x47e: {  	v14 =	vsel vm4, $0x1, v2  }
0x47f: {  	(xrf0) =	vadd.scan.msk.s32 $0xffff, v14;
	_ =	sdelay $0x4  }
0x480: {  	s26 =	sadd.s32 s24, s5  }
0x481: {  	v14 =	vld [tilespmem:s26+$0x0];
	v15, _, _ =	vpop (xrf0)  }
0x482: {  	(v2sf) =	vpush v15, $0xF;
	_ =	sdelay $0x2  }
0x483: {  	s28 =	spop (v2sf)  }
0x484: {  	v13 =	vsub.f32 v13, v14;
	s1 =	sadd.s32 $0x0, s28  }
0x485: {  	s29 =	sor.u32 $0x20, s2;
	[tilespmem:s1+$0x1C500] =	vst.msk vm4, v12  }
0x486: {  	s6 =	sor.u32 s29, s3;
	[tilespmem:s1+$0x1D580] =	vst.msk vm4, v13  }
0x487: {  	v12 =	vld [tilespmem:s6+$0x1B500]  }
0x488: {  	v13 =	vld [tilespmem:s6+$0x1A500];
	_ =	sdelay $0x1  }
0x489: {  	s4 =	sadd.s32 s29, s5  }
0x48a: {  	v14 =	vld [tilespmem:s4+$0x0];
	_ =	sdelay $0x1  }
0x48b: {  	vm4 =	vgt.f32 v12, $0.0e+00;
	vm5 =	vgt.f32 v13, $0.0e+00  }
0x48c: {  	vm4 =	vmand vm4, vm5  }
0x48d: {  	v15 =	vsel vm4, $0x1, v2;
	s30 =	spop (v2sf)  }
0x48e: {  	v13 =	vsub.f32 v13, v14;
	(xrf0) =	vadd.scan.msk.s32 $0xffff, v15;
	s6 =	sadd.s32 s1, s30  }
0x48f: {  	s7 =	sor.u32 $0x30, s2;
	[tilespmem:s6+$0x1C500] =	vst.msk vm4, v12  }
0x490: {  	s8 =	sor.u32 s7, s3;
	[tilespmem:s6+$0x1D580] =	vst.msk vm4, v13  }
0x491: {  	v12 =	vld [tilespmem:s8+$0x1B500]  }
0x492: {  	s4 =	simm.s32 $0x200;
	v13 =	vld [tilespmem:s8+$0x1A500]  }
0x493: {  	s3 =	simm.s32 $0x40;
	s31 =	sand.u32 $0xC00, s4  }
0x494: {  	s2 =	sand.u32 $0x40, s3;
	s7 =	sadd.s32 s7, s5;
	s1 =	sor.u32 s22, s31;
	v15, _, _ =	vpop (xrf0)  }
0x495: {  	s5 =	simm.s32 $0x4;
	s8 =	sor.u32 s2, s1;
	v14 =	vld [tilespmem:s7+$0x0];
	(v2sf) =	vpush v15, $0xF  }
.LBB2_27:
0x496: {  	s5 =	sadd.s32 $0x4, s5  }
0x497: {  	vm5 =	vgt.f32 v12, $0.0e+00;
	p0 =	slt.u32 s5, $0x1C;
	vm4 =	vgt.f32 v13, $0.0e+00  }
0x498: {  	vm4 =	vmand vm5, vm4  }
0x499: {  	v15 =	vsel vm4, $0x1, v2  }
0x49a: {  	(xrf0) =	vadd.scan.msk.s32 $0xffff, v15;
	_ =	sdelay $0x5  }
0x49b: {  	v15, _, _ =	vpop (xrf0)  }
0x49c: {  	(v2sf) =	vpush v15, $0xF;
	_ =	sdelay $0x2  }
0x49d: {  	s7 =	spop (v2sf)  }
0x49e: {  	v13 =	vsub.f32 v13, v14;
	s6 =	sadd.s32 s6, s7  }
0x49f: {  	[tilespmem:s6+$0x1C500] =	vst.msk vm4, v12  }
0x4a0: {  	[tilespmem:s6+$0x1D580] =	vst.msk vm4, v13  }
0x4a1: {  	v12 =	vld [tilespmem:s8+$0x1B500]  }
0x4a2: {  	s7 =	sand.u32 $0x180, s3;
	v13 =	vld [tilespmem:s8+$0x1A500]  }
0x4a3: {  	s7 =	sadd.s32 s7, s0  }
0x4a4: {  	s8 =	sadd.s32 s2, s7  }
0x4a5: {  	v14 =	vld [tilespmem:s8+$0x0];
	_ =	sdelay $0x1  }
0x4a6: {  	vm5 =	vgt.f32 v12, $0.0e+00;
	vm4 =	vgt.f32 v13, $0.0e+00  }
0x4a7: {  	vm4 =	vmand vm5, vm4  }
0x4a8: {  	v15 =	vsel vm4, $0x1, v2;
	s8 =	spop (v2sf)  }
0x4a9: {  	v13 =	vsub.f32 v13, v14;
	(xrf0) =	vadd.scan.msk.s32 $0xffff, v15;
	s6 =	sadd.s32 s6, s8  }
0x4aa: {  	s8 =	sor.u32 $0x10, s2;
	[tilespmem:s6+$0x1C500] =	vst.msk vm4, v12  }
0x4ab: {  	s9 =	sor.u32 s8, s1;
	[tilespmem:s6+$0x1D580] =	vst.msk vm4, v13  }
0x4ac: {  	v12 =	vld [tilespmem:s9+$0x1B500]  }
0x4ad: {  	v13 =	vld [tilespmem:s9+$0x1A500];
	_ =	sdelay $0x1  }
0x4ae: {  	v14, _, _ =	vpop (xrf0)  }
0x4af: {  	(v2sf) =	vpush v14, $0xF;
	_ =	sdelay $0x1  }
0x4b0: {  	vm5 =	vgt.f32 v12, $0.0e+00;
	vm4 =	vgt.f32 v13, $0.0e+00  }
0x4b1: {  	vm4 =	vmand vm5, vm4  }
0x4b2: {  	v14 =	vsel vm4, $0x1, v2  }
0x4b3: {  	(xrf0) =	vadd.scan.msk.s32 $0xffff, v14;
	_ =	sdelay $0x4  }
0x4b4: {  	s8 =	sadd.s32 s8, s7  }
0x4b5: {  	v14 =	vld [tilespmem:s8+$0x0];
	v15, _, _ =	vpop (xrf0)  }
0x4b6: {  	(v2sf) =	vpush v15, $0xF;
	_ =	sdelay $0x2  }
0x4b7: {  	s8 =	spop (v2sf)  }
0x4b8: {  	s6 =	sadd.s32 s6, s8;
	v13 =	vsub.f32 v13, v14  }
0x4b9: {  	s8 =	sor.u32 $0x20, s2;
	[tilespmem:s6+$0x1C500] =	vst.msk vm4, v12  }
0x4ba: {  	s9 =	sor.u32 s8, s1;
	s8 =	sadd.s32 s8, s7;
	[tilespmem:s6+$0x1D580] =	vst.msk vm4, v13  }
0x4bb: {  	v12 =	vld [tilespmem:s9+$0x1B500]  }
0x4bc: {  	v13 =	vld [tilespmem:s9+$0x1A500];
	_ =	sdelay $0x2  }
0x4bd: {  	v14 =	vld [tilespmem:s8+$0x0]  }
0x4be: {  	vm4 =	vgt.f32 v12, $0.0e+00  }
0x4bf: {  	vm5 =	vgt.f32 v13, $0.0e+00  }
0x4c0: {  	vm4 =	vmand vm4, vm5  }
0x4c1: {  	v15 =	vsel vm4, $0x1, v2;
	s8 =	spop (v2sf)  }
0x4c2: {  	s4 =	sadd.s32 $0x200, s4;
	s3 =	sadd.s32 $0x40, s3;
	s6 =	sadd.s32 s6, s8;
	v13 =	vsub.f32 v13, v14;
	(xrf0) =	vadd.scan.msk.s32 $0xffff, v15  }
0x4c3: {  	s9 =	sor.u32 $0x30, s2;
	s8 =	sand.u32 $0xC00, s4;
	[tilespmem:s6+$0x1C500] =	vst.msk vm4, v12  }
0x4c4: {  	s2 =	sand.u32 $0x40, s3;
	s11 =	sor.u32 s9, s1;
	s1 =	sor.u32 s22, s8;
	[tilespmem:s6+$0x1D580] =	vst.msk vm4, v13  }
.Ltmp46:
0x4c5: {  	s7 =	sadd.s32 s9, s7;
	s8 =	sor.u32 s2, s1;
	v12 =	vld [tilespmem:s11+$0x1B500];
	(pc) =	sbr.rel @p0 .LBB2_27-.Ltmp46, $4  }
0x4c6: {  	v13 =	vld [tilespmem:s11+$0x1A500]  }
0x4c7: {  	v14 =	vld [tilespmem:s7+$0x0]  }
0x4c8: {  	v15, _, _ =	vpop (xrf0)  }
0x4c9: {  	(v2sf) =	vpush v15, $0xF  }
0x4ca: {  	_ = 	snop  }
0x4cb: {  	vm5 =	vgt.f32 v12, $0.0e+00;
	vm4 =	vgt.f32 v13, $0.0e+00  }
0x4cc: {  	vm4 =	vmand vm5, vm4  }
0x4cd: {  	v15 =	vsel vm4, $0x1, v2  }
0x4ce: {  	(xrf0) =	vadd.scan.msk.s32 $0xffff, v15;
	_ =	sdelay $0x5  }
0x4cf: {  	v15, _, _ =	vpop (xrf0)  }
0x4d0: {  	(v2sf) =	vpush v15, $0xF;
	_ =	sdelay $0x4  }
0x4d1: {  	s4 =	spop (v2sf)  }
0x4d2: {  	v53 =	vsub.f32 v13, v14;
	s4 =	sadd.s32 s6, s4  }
0x4d3: {  	[tilespmem:s4+$0x1C500] =	vst.msk vm4, v12  }
0x4d4: {  	s3 =	sand.u32 $0x180, s3;
	[tilespmem:s4+$0x1D580] =	vst.msk vm4, v53  }
0x4d5: {  	s0 =	sadd.s32 s3, s0;
	v12 =	vld [tilespmem:s8+$0x1B500]  }
0x4d6: {  	s3 =	sadd.s32 s2, s0;
	v13 =	vld [tilespmem:s8+$0x1A500]  }
0x4d7: {  	v54 =	vld [tilespmem:s3+$0x0];
	_ =	sdelay $0x3  }
0x4d8: {  	vm4 =	vgt.f32 v13, $0.0e+00;
	vm5 =	vgt.f32 v12, $0.0e+00;
	s20 =	spop (v2sf)  }
0x4d9: {  	v13 =	vsub.f32 v13, v54;
	vm4 =	vmand vm5, vm4;
	s3 =	sadd.s32 s4, s20  }
0x4da: {  	s21 =	sor.u32 $0x10, s2;
	v55 =	vsel vm4, $0x1, v2;
	[tilespmem:s3+$0x1C500] =	vst.msk vm4, v12  }
0x4db: {  	s5 =	sor.u32 s21, s1;
	(xrf0) =	vadd.scan.msk.s32 $0xffff, v55;
	[tilespmem:s3+$0x1D580] =	vst.msk vm4, v13  }
0x4dc: {  	v12 =	vld [tilespmem:s5+$0x1B500]  }
0x4dd: {  	v13 =	vld [tilespmem:s5+$0x1A500];
	_ =	sdelay $0x3  }
0x4de: {  	v14, _, _ =	vpop (xrf0)  }
0x4df: {  	(v2sf) =	vpush v14, $0xF;
	vm4 =	vgt.f32 v13, $0.0e+00;
	vm5 =	vgt.f32 v12, $0.0e+00  }
0x4e0: {  	vm4 =	vmand vm5, vm4  }
0x4e1: {  	v56 =	vsel vm4, $0x1, v2  }
0x4e2: {  	(xrf0) =	vadd.scan.msk.s32 $0xffff, v56;
	_ =	sdelay $0x5  }
0x4e3: {  	v14, _, _ =	vpop (xrf0)  }
0x4e4: {  	s4 =	sadd.s32 s21, s0;
	(v2sf) =	vpush v14, $0xF  }
0x4e5: {  	v57 =	vld [tilespmem:s4+$0x0];
	_ =	sdelay $0x3  }
0x4e6: {  	s22 =	spop (v2sf)  }
0x4e7: {  	v13 =	vsub.f32 v13, v57;
	s3 =	sadd.s32 s3, s22  }
0x4e8: {  	s24 =	sor.u32 $0x20, s2;
	[tilespmem:s3+$0x1C500] =	vst.msk vm4, v12  }
0x4e9: {  	s25 =	sor.u32 s24, s1;
	[tilespmem:s3+$0x1D580] =	vst.msk vm4, v13  }
0x4ea: {  	v12 =	vld [tilespmem:s25+$0x1B500]  }
0x4eb: {  	s4 =	sadd.s32 s24, s0;
	v13 =	vld [tilespmem:s25+$0x1A500]  }
0x4ec: {  	v58 =	vld [tilespmem:s4+$0x0];
	_ =	sdelay $0x3  }
0x4ed: {  	vm4 =	vgt.f32 v12, $0.0e+00;
	vm5 =	vgt.f32 v13, $0.0e+00;
	s26 =	spop (v2sf)  }
0x4ee: {  	v13 =	vsub.f32 v13, v58;
	vm4 =	vmand vm4, vm5;
	s3 =	sadd.s32 s3, s26  }
0x4ef: {  	s28 =	sor.u32 $0x30, s2;
	[tilespmem:s3+$0x1C500] =	vst.msk vm4, v12  }
0x4f0: {  	s29 =	sor.u32 s28, s1;
	[tilespmem:s3+$0x1D580] =	vst.msk vm4, v13  }
0x4f1: {  	v12 =	vld [tilespmem:s29+$0x1B500]  }
0x4f2: {  	v13 =	vld [tilespmem:s29+$0x1A500];
	_ =	sdelay $0x4  }
0x4f3: {  	v59 =	vsel vm4, $0x1, v2;
	vm4 =	vgt.f32 v13, $0.0e+00;
	vm5 =	vgt.f32 v12, $0.0e+00  }
0x4f4: {  	(xrf0) =	vadd.scan.msk.s32 $0xffff, v59;
	vm4 =	vmand vm5, vm4  }
0x4f5: {  	v60 =	vsel vm4, $0x1, v2  }
0x4f6: {  	(xrf0) =	vadd.scan.msk.s32 $0xffff, v60;
	_ =	sdelay $0x3  }
0x4f7: {  	v61, _, _ =	vpop (xrf0)  }
0x4f8: {  	(v2sf) =	vpush v61, $0xF  }
0x4f9: {  	v62, _, _ =	vpop (xrf0)  }
0x4fa: {  	(v2sf) =	vpush v62, $0xF;
	_ =	sdelay $0x7  }
0x4fb: {  	s0 =	sadd.s32 s28, s0  }
0x4fc: {  	v63 =	vld [tilespmem:s0+$0x0];
	_ =	sdelay $0x3  }
0x4fd: {  	s30 =	spop (v2sf)  }
0x4fe: {  	v13 =	vsub.f32 v13, v63;
	s0 =	sadd.s32 s3, s30  }
0x4ff: {  	[tilespmem:s0+$0x1C500] =	vst.msk vm4, v12;
	s31 =	spop (v2sf)  }
0x500: {  	[tilespmem:s0+$0x1D580] =	vst.msk vm4, v13;
	s0 =	sadd.s32 s0, s31  }
0x501: {  	[tilespmem:s0+$0x1C500] =	vst v6  }
0x502: {  	s1 =	simm.s32 $0x1E640;
	[tilespmem:s0+$0x1D580] =	vst v6  }
0x503: {  	[tilespmem:s1+$0xFFFFFFC0] =	vst v2  }
0x504: {  	[tilespmem:s1+$0x30] =	vst v2  }
0x505: {  	[tilespmem:s1+$0x20] =	vst v2  }
0x506: {  	[tilespmem:s1+$0x10] =	vst v2  }
0x507: {  	[tilespmem:s1+$0x0] =	vst v2  }
0x508: {  	[tilespmem:s1+$0xFFFFFFF0] =	vst v2  }
0x509: {  	s2 =	simm.s32 $0x0;
	[tilespmem:s1+$0xFFFFFFE0] =	vst v2  }
.LBB2_29:
0x50a: {  	s2 =	sadd.s32 $0x8, s2;
	[tilespmem:s1+$0xFFFFFFD0] =	vst v2;
	s1 =	sadd.s32 $0x80, s1  }
0x50b: {  	[tilespmem:s1+$0xFFFFFFC0] =	vst v2;
	p0 =	slt.u32 s2, $0x38  }
0x50c: {  	[tilespmem:s1+$0x30] =	vst v2  }
.Ltmp47:
0x50d: {  	[tilespmem:s1+$0x20] =	vst v2;
	(pc) =	sbr.rel @p0 .LBB2_29-.Ltmp47, $4  }
0x50e: {  	[tilespmem:s1+$0x10] =	vst v2  }
0x50f: {  	[tilespmem:s1+$0x0] =	vst v2  }
0x510: {  	[tilespmem:s1+$0xFFFFFFF0] =	vst v2  }
0x511: {  	[tilespmem:s1+$0xFFFFFFE0] =	vst v2  }
0x512: {  	(xrf2) =	vadd.scan.msk.f32 $0xffff, v11  }
0x513: {  	(xrf2) =	vadd.scan.msk.f32 $0xffff, v10;
	_ =	sdelay $0x8  }
0x514: {  	v10, _, _ =	vpop (xrf2)  }
0x515: {  	v11, _, _ =	vpop (xrf2)  }
0x516: {  	v11 =	vadd.f32 $0.0e+00, v11;
	_ =	sdelay $0x1  }
0x517: {  	v11 =	vadd.f32 $9.999999930e-09, v11;
	_ =	sdelay $0x1  }
0x518: {  	v11 =	vbroadcast v11, $0xF;
	_ =	sdelay $0x1  }
0x519: {  	(erf) = vrcp.f32 v11;
	_ =	sdelay $0x5  }
0x51a: {  	v10 =	vadd.f32 $0.0e+00, v10;
	_ =	sdelay $0x1  }
0x51b: {  	v10 =	vbroadcast v10, $0xF  }
0x51c: {  	v11 =	vpop (erf)  }
0x51d: {  	v10 =	vmul.f32 v11, v10;
	_ =	sdelay $0x1  }
0x51e: {  	(xrf0) =	vmax.scan.msk.f32 $0xffff, v10;
	_ =	sdelay $0x5  }
0x51f: {  	v10, _, _ =	vpop (xrf0)  }
0x520: {  	(v2sf) =	vpush v10, $0xF  }
0x521: {  	s2 =	sand.u32 $0xF, s0  }
0x522: {  	s3 =	sshra.s32 s0, $0x1F;
	p0 =	slt.s32 s0, $0x1;
	p1 =	sne.s32 s2, $0x0  }
0x523: {  	s28 =	sshrl.u32 s3, $0x1C;
	p0 =	por !p0, !p1  }
0x524: {  	s2 =	simm.s32 $0x1;
	s29 =	sadd.s32 s28, s0;
	p1 =	por !p0, !p0  }
0x525: {  	s4 =	sshra.s32 s29, $0x4;
	s2 =	simm.s32 @!p1 $0x0  }
0x526: {  	s25 =	ssub.s32 s4, s2  }
0x527: {  	s0 =	sadd.s32 $0x1, s25  }
0x528: {  	s30 =	sshrl.u32 s0, $0x1E  }
0x529: {  	s2 =	sadd.s32 s30, s0  }
0x52a: {  	s7 =	sand.u32 $0xFFFFFFFC, s2  }
0x52b: {  	p0 =	slt.s32 s7, $0x1  }
.Ltmp48:
0x52c: {  	_ = 	snop;
	(pc) =	sbr.rel @p0 .LBB2_66-.Ltmp48, $4  }
0x52d: {  	[tilespmem:s1+$0xFFFFFFD0] =	vst v2;
	s1 =	simm.s32 @!p0 $0x0  }
0x52e: {  	s1 =	simm.s32 @p0 $0x1  }
0x52f: {  	[smem:$0x7CA] =	sst s1;
	s31 =	spop (v2sf)  }
0x530: {  	[smem:$0x7C9] =	sst s31  }
0x531: {  	s1 =	simm.s32 $0x1C520  }
0x532: {  	v10 =	vld [tilespmem:s1+$0x10]  }
0x533: {  	v11 =	vld [tilespmem:s1+$0xFFFFFFF0]  }
0x534: {  	p0 =	sgt.s32 s7, $0x4  }
.Ltmp49:
0x535: {  	_ = 	snop;
	(pc) =	sbr.rel @!p0 .LBB2_32-.Ltmp49, $4  }
0x536: {  	_ = 	snop  }
0x537: {  	v10 =	vshrl.u32 v10, $0x14  }
0x538: {  	v12 =	vld [tilespmem:s1+$0x0];
	v11 =	vshrl.u32 v11, $0x14;
	(xrf1) =	vunique.msk.u32 $0xffff, v10  }
0x539: {  	p2 =	por $0x0, $0x0;
	p3 =	por $0x0, $0x0;
	v13 =	vld [tilespmem:s1+$0xFFFFFFE0];
	s1 =	simm.s32 $0x1C560;
	(xrf1) =	vunique.msk.u32 $0xffff, v11  }
0x53a: {  	_ =	sdelay $0x2  }
0x53b: {  	v16 =	vld [tilespmem:s1+$0x10];
	v15 =	vshrl.u32 v12, $0x14  }
0x53c: {  	v17 =	vld [tilespmem:s1+$0xFFFFFFF0];
	v14 =	vshrl.u32 v13, $0x14;
	(xrf1) =	vunique.msk.u32 $0xffff, v15  }
0x53d: {  	(xrf1) =	vunique.msk.u32 $0xffff, v14;
	_ =	sdelay $0x2  }
0x53e: {  	v20 =	vshrl.u32 v16, $0x14  }
0x53f: {  	v19 =	vshrl.u32 v17, $0x14;
	(xrf1) =	vunique.msk.u32 $0xffff, v20  }
0x540: {  	(xrf1) =	vunique.msk.u32 $0xffff, v19;
	_ =	sdelay $0x2  }
0x541: {  	p0 =	sgt.s32 s7, $0x8  }
.Ltmp50:
0x542: {  	_ = 	snop;
	(pc) =	sbr.rel @!p0 .LBB2_87-.Ltmp50, $3  }
0x543: {  	_ =	sdelay $0x1  }
0x544: {  	v12 =	vld [tilespmem:s1+$0x0]  }
0x545: {  	s2 =	simm.s32 $0x1C5A0;
	p2 =	por $0x1, $0x1;
	v13 =	vld [tilespmem:s1+$0xFFFFFFE0]  }
0x546: {  	v17 =	vld [tilespmem:s2+$0x10]  }
0x547: {  	v18 =	vld [tilespmem:s2+$0xFFFFFFF0];
	_ =	sdelay $0x1  }
0x548: {  	v21 =	vshrl.u32 v12, $0x14  }
0x549: {  	v22 =	vshrl.u32 v13, $0x14;
	(xrf1) =	vunique.msk.u32 $0xffff, v21  }
0x54a: {  	(xrf1) =	vunique.msk.u32 $0xffff, v22;
	v25 =	vshrl.u32 v17, $0x14  }
0x54b: {  	v23 =	vshrl.u32 v18, $0x14;
	(xrf1) =	vunique.msk.u32 $0xffff, v25  }
0x54c: {  	(xrf1) =	vunique.msk.u32 $0xffff, v23  }
0x54d: {  	p0 =	sgt.s32 s7, $0xC  }
.Ltmp51:
0x54e: {  	v12 =	vld [tilespmem:s2+$0x0];
	(pc) =	sbr.rel @!p0 .LBB2_89-.Ltmp51, $3  }
0x54f: {  	_, v16, vm4 =	vpop (xrf1);
	v13 =	vld [tilespmem:s2+$0xFFFFFFE0];
	_ =	sdelay $0x1  }
0x550: {  	_, v17, vm5 =	vpop (xrf1)  }
0x551: {  	s1 =	simm.s32 $0xC;
	p3 =	por $0x1, $0x1;
	s2 =	simm.s32 $0x1C5E0;
	_, v18, vm6 =	vpop (xrf1)  }
.LBB2_90:
0x552: {  	v24 =	vld [tilespmem:s2+$0x10];
	s1 =	sadd.s32 $0x4, s1;
	v26 =	vshrl.u32 v12, $0x14;
	_, v27, vm7 =	vpop (xrf1)  }
0x553: {  	v28 =	vld [tilespmem:s2+$0xFFFFFFF0];
	p0 =	slt.s32 s1, s7;
	v29 =	vshrl.u32 v13, $0x14;
	(xrf1) =	vunique.msk.u32 $0xffff, v26  }
0x554: {  	(xrf1) =	vunique.msk.u32 $0xffff, v29;
	[tilespmem:v10+s23+$0x0] =	vst.idx.add.s32.msk vm4, v16;
	v10 =	vmov v20;
	v20 =	vmov v25  }
.Ltmp52:
0x555: {  	v12 =	vld [tilespmem:s2+$0x0];
	(pc) =	sbr.rel @p0 .LBB2_90-.Ltmp52, $4  }
0x556: {  	v13 =	vld [tilespmem:s2+$0xFFFFFFE0];
	_, v16, vm4 =	vpop (xrf1)  }
0x557: {  	v25 =	vshrl.u32 v24, $0x14;
	[tilespmem:v11+s23+$0x0] =	vst.idx.add.s32.msk vm5, v17;
	_, v17, vm5 =	vpop (xrf1);
	v11 =	vmov v19;
	v19 =	vmov v23  }
0x558: {  	v23 =	vshrl.u32 v28, $0x14;
	(xrf1) =	vunique.msk.u32 $0xffff, v25;
	[tilespmem:v14+s23+$0x0] =	vst.idx.add.s32.msk vm7, v27;
	v14 =	vmovc v22;
	v22 =	vmov v29  }
0x559: {  	s2 =	sadd.s32 $0x40, s2;
	(xrf1) =	vunique.msk.u32 $0xffff, v23;
	[tilespmem:v15+s23+$0x0] =	vst.idx.add.s32.msk vm6, v18;
	_, v18, vm6 =	vpop (xrf1);
	v15 =	vmov v21;
	v21 =	vmov v26  }
0x55a: {  	v24 =	vmovc v10;
	v26 =	vmovc v11;
	v28 =	vmov v14;
	v29 =	vmov v15;
	v27 =	vmov v20  }
0x55b: {  	v10 =	vmovc v25;
	v25 =	vmovc v19;
	v11 =	vmov v23;
	v14 =	vmov v22;
	v15 =	vmov v21  }
.LBB2_92:
0x55c: {  	v12 =	vshrl.u32 v12, $0x14  }
0x55d: {  	v13 =	vshrl.u32 v13, $0x14;
	(xrf1) =	vunique.msk.u32 $0xffff, v12  }
0x55e: {  	(xrf1) =	vunique.msk.u32 $0xffff, v13;
	_ =	sdelay $0x4  }
0x55f: {  	_, v19, vm7 =	vpop @p3 (xrf1);
	v23 =	vmov @p2 v25  }
0x560: {  	_, v20, vm8 =	vpop @p2 (xrf1)  }
0x561: {  	v21 =	vmov @p2 v27;
	_, v22, vm9 =	vpop @p2 (xrf1);
	vm8 =	vmmov @p2 vm8  }
0x562: {  	v21 =	vpsel p2, v21, v0;
	_, v25, vm10 =	vpop @p2 (xrf1);
	vm9 =	vmmov @p2 vm9  }
0x563: {  	[tilespmem:v24+s23+$0x0] =	vst.idx.add.s32.msk @p3 vm4, v16;
	v16 =	vpsel p2, v23, v0;
	_, v23, vm4 =	vpop @p2 (xrf1)  }
0x564: {  	[tilespmem:v26+s23+$0x0] =	vst.idx.add.s32.msk @p3 vm5, v17;
	v14 =	vpsel p2, v14, v0;
	vm5 =	vmmov @p2 vm10  }
0x565: {  	v15 =	vpsel p2, v15, v0;
	[tilespmem:v29+s23+$0x0] =	vst.idx.add.s32.msk @p3 vm6, v18;
	_, v62, vm14 =	vpop (xrf1)  }
0x566: {  	v18 =	vpsel p2, v20, v0;
	[tilespmem:v28+s23+$0x0] =	vst.idx.add.s32.msk @p3 vm7, v19;
	_, v19, vm7 =	vpop (xrf1)  }
0x567: {  	[tilespmem:v21+s23+$0x0] =	vst.idx.add.s32.msk @p2 vm8, v18;
	v18 =	vpsel p2, v22, v0;
	_, v63, vm15 =	vpop (xrf1)  }
0x568: {  	[tilespmem:v16+s23+$0x0] =	vst.idx.add.s32.msk @p2 vm9, v18;
	_, v21, vm8 =	vpop (xrf1)  }
0x569: {  	[tilespmem:v14+s23+$0x0] =	vst.idx.add.s32.msk @p2 vm4, v23;
	v14 =	vpsel p2, v25, v0  }
0x56a: {  	[tilespmem:v15+s23+$0x0] =	vst.idx.add.s32.msk @p2 vm5, v14  }
0x56b: {  	[tilespmem:v10+s23+$0x0] =	vst.idx.add.s32.msk vm14, v62  }
0x56c: {  	[tilespmem:v11+s23+$0x0] =	vst.idx.add.s32.msk vm7, v19  }
0x56d: {  	[tilespmem:v12+s23+$0x0] =	vst.idx.add.s32.msk vm15, v63  }
0x56e: {  	[tilespmem:v13+s23+$0x0] =	vst.idx.add.s32.msk vm8, v21  }
.LBB2_66:
0x56f: {  	p0 =	sle.s32 s7, s25  }
.Ltmp53:
0x570: {  	_ = 	snop;
	(pc) =	sbr.rel @!p0 .LBB2_67-.Ltmp53, $3  }
0x571: {  	_ =	sdelay $0x1  }
0x572: {  	s3 =	simm.s32 $0xFFFFFFFF  }
0x573: {  	s8 =	ssub.s32 s0, s7;
	s3 =	simm.s32 @!p1 $0x0  }
0x574: {  	s1 =	sshll.u32 s25, $0x6;
	s2 =	sshll.u32 s8, $0x6  }
0x575: {  	s1 =	ssub.s32 s1, s2  }
0x576: {  	s31 =	sadd.s32 s3, s4;
	s5 =	sshra.s32 s1, $0x2  }
0x577: {  	s1 =	ssub.s32 s31, s8;
	s2 =	sadd.s32 $0x1C510, s5  }
.LBB2_94:
0x578: {  	v10 =	vld [tilespmem:s2+$0x0];
	_ =	sdelay $0x4  }
0x579: {  	v10 =	vshrl.u32 v10, $0x14  }
0x57a: {  	(xrf1) =	vunique.msk.u32 $0xffff, v10;
	_ =	sdelay $0xd  }
0x57b: {  	s1 =	sadd.s32 $0x1, s1;
	_, v11, vm4 =	vpop (xrf1)  }
0x57c: {  	p0 =	slt.s32 s1, s25  }
.Ltmp54:
0x57d: {  	_ = 	snop;
	(pc) =	sbr.rel @p0 .LBB2_94-.Ltmp54, $2  }
0x57e: {  	_ =	sdelay $0x2  }
0x57f: {  	s2 =	sadd.s32 $0x10, s2;
	[tilespmem:v10+s23+$0x0] =	vst.idx.add.s32.msk vm4, v11  }
.LBB2_67:
0x580: {  	s1 =	simm.s32 $0x1E9F0  }
0x581: {  	v10 =	vld [tilespmem:s1+$0x0]  }
0x582: {  	v11 =	vld [tilespmem:s1+$0xFFFFFFF0];
	_ =	sdelay $0x1  }
0x583: {  	v12 =	vld [tilespmem:s1+$0xFFFFFFE0];
	_ =	sdelay $0x1  }
0x584: {  	(xrf0) =	vadd.scan.msk.s32 $0xffff, v10;
	v10 =	vld [tilespmem:s1+$0xFFFFFFD0]  }
0x585: {  	(xrf0) =	vadd.scan.msk.s32 $0xffff, v11;
	v11 =	vld [tilespmem:s1+$0xFFFFFFC0];
	_ =	sdelay $0x1  }
0x586: {  	(xrf0) =	vadd.scan.msk.s32 $0xffff, v12;
	_ =	sdelay $0x1  }
0x587: {  	(xrf0) =	vadd.scan.msk.s32 $0xffff, v10  }
0x588: {  	(xrf0) =	vadd.scan.msk.s32 $0xffff, v11  }
0x589: {  	v12, _, _ =	vpop (xrf0)  }
0x58a: {  	(v2sf) =	vpush v12, $0xF;
	v12, _, _ =	vpop (xrf0)  }
0x58b: {  	(v2sf) =	vpush v12, $0xF;
	v12, _, _ =	vpop (xrf0)  }
0x58c: {  	(v2sf) =	vpush v12, $0xF  }
0x58d: {  	v10, _, _ =	vpop (xrf0)  }
0x58e: {  	v11 =	vld [tilespmem:s1+$0xFFFFFFA0];
	(v2sf) =	vpush v10, $0xF;
	v10, _, _ =	vpop (xrf0)  }
0x58f: {  	(v2sf) =	vpush v10, $0xF;
	v10 =	vld [tilespmem:s1+$0xFFFFFFB0];
	_ =	sdelay $0x3  }
0x590: {  	(xrf0) =	vadd.scan.msk.s32 $0xffff, v11  }
0x591: {  	v12 =	vld [tilespmem:s1+$0xFFFFFF90];
	(xrf0) =	vadd.scan.msk.s32 $0xffff, v10;
	_ =	sdelay $0x4  }
0x592: {  	v10, _, _ =	vpop (xrf0);
	(xrf0) =	vadd.scan.msk.s32 $0xffff, v12;
	s22 =	spop (v2sf)  }
0x593: {  	s18 =	simm.s32 $0x1E970;
	s26 =	spop (v2sf);
	(v2sf) =	vpush v10, $0xF;
	v12, _, _ =	vpop (xrf0)  }
0x594: {  	v13 =	vld [tilespmem:s18+$0x0];
	s11 =	spop (v2sf);
	(v2sf) =	vpush v12, $0xF  }
0x595: {  	s2 =	simm.s32 $0x0;
	v14 =	vld [tilespmem:s18+$0xFFFFFFF0]  }
0x596: {  	s6 =	simm.s32 $0x3F;
	s24 =	simm.s32 $0x8;
	s9 =	simm.s32 $0x3E;
	v11 =	vld [tilespmem:s18+$0xFFFFFFE0]  }
0x597: {  	p0 =	por $0x1, $0x1;
	s5 =	simm.s32 $0x0;
	s19 =	simm.s32 $0x39  }
0x598: {  	s17 =	simm.s32 $0x38;
	s29 =	simm.s32 $0x3C;
	s21 =	simm.s32 $0x3B;
	v10, _, _ =	vpop (xrf0)  }
0x599: {  	s30 =	simm.s32 $0x3D;
	s15 =	simm.s32 $0x37;
	(xrf0) =	vadd.scan.msk.s32 $0xffff, v13;
	s20 =	sadd.s32 $0x0, s22;
	(v2sf) =	vpush v10, $0xF  }
0x59a: {  	(xrf0) =	vadd.scan.msk.s32 $0xffff, v14;
	p1 =	sgt.s32 s20, $0x31;
	s1 =	sadd.s32 s26, s20;
	p6 =	slt.s32 s20, $0x32  }
0x59b: {  	(xrf0) =	vadd.scan.msk.s32 $0xffff, v11;
	s26 =	simm.s32 $0x3A;
	p0 =	por !p0, !p1;
	p2 =	sgt.s32 s1, $0x31  }
0x59c: {  	s16 =	sadd.s32 s11, s1;
	p5 =	slt.s32 s1, $0x32;
	p4 =	por !p0, !p0  }
0x59d: {  	p2 =	por !p6, !p2;
	p3 =	sgt.s32 s16, $0x31;
	s5 =	smov.u32 @p4 s6  }
0x59e: {  	v10 =	vld [tilespmem:s18+$0xFFFFFFD0];
	p1 =	por !p2, !p2;
	p6 =	por !p5, !p3;
	p3 =	slt.s32 s16, $0x32  }
0x59f: {  	v11 =	vld [tilespmem:s18+$0xFFFFFFC0];
	v12, _, _ =	vpop (xrf0);
	s2 =	smov.u32 @p4 s2;
	s31 =	spop (v2sf);
	s5 =	smov.u32 @p1 s9  }
0x5a0: {  	(v2sf) =	vpush v12, $0xF;
	v12, _, _ =	vpop (xrf0);
	p2 =	por !p6, !p6;
	s28 =	sadd.s32 s31, s16;
	s6 =	spop (v2sf)  }
.LBB2_68:
0x5a1: {  	v13 =	vld [tilespmem:s18+$0xFFFFFFA0];
	(v2sf) =	vpush v12, $0xF;
	v12, _, _ =	vpop (xrf0);
	p4 =	sgt.s32 s28, $0x31;
	p0 =	slt.s32 s28, $0x32;
	s9 =	sadd.s32 s6, s28  }
0x5a2: {  	s2 =	smov.u32 @p1 s20;
	v14 =	vld [tilespmem:s18+$0xFFFFFFB0];
	(v2sf) =	vpush v12, $0xF;
	p1 =	por !p3, !p4;
	s6 =	spop (v2sf)  }
0x5a3: {  	s2 =	smov.u32 @p2 s1;
	p3 =	sgt.s32 s9, $0x31;
	(xrf0) =	vadd.scan.msk.s32 $0xffff, v10;
	s1 =	spop (v2sf)  }
0x5a4: {  	s5 =	smov.u32 @p2 s30;
	p1 =	por !p1, !p1;
	p0 =	por !p0, !p3;
	(xrf0) =	vadd.scan.msk.s32 $0xffff, v11  }
0x5a5: {  	p2 =	slt.s32 s9, $0x32;
	p0 =	por !p0, !p0;
	s1 =	sadd.s32 s1, s9  }
0x5a6: {  	s5 =	smov.u32 @p1 s29;
	s2 =	smov.u32 @p1 s16;
	s11 =	sadd.s32 s6, s1;
	(xrf0) =	vadd.scan.msk.s32 $0xffff, v13  }
0x5a7: {  	s2 =	smov.u32 @p0 s28;
	p1 =	sgt.s32 s1, $0x31;
	p3 =	sgt.s32 s11, $0x31;
	v10 =	vld [tilespmem:s18+$0xFFFFFF90];
	(xrf0) =	vadd.scan.msk.s32 $0xffff, v14  }
0x5a8: {  	p1 =	por !p2, !p1;
	p2 =	slt.s32 s1, $0x32;
	s6 =	spop (v2sf)  }
0x5a9: {  	p1 =	por !p1, !p1;
	p2 =	por !p2, !p3;
	v11, _, _ =	vpop (xrf0);
	s6 =	sadd.s32 s6, s11  }
0x5aa: {  	s5 =	smov.u32 @p0 s21;
	s2 =	smov.u32 @p1 s9;
	(v2sf) =	vpush v11, $0xF;
	v11, _, _ =	vpop (xrf0);
	p0 =	sgt.s32 s6, $0x31  }
0x5ab: {  	s5 =	smov.u32 @p1 s26;
	p1 =	por !p2, !p2;
	p2 =	slt.s32 s11, $0x32;
	(v2sf) =	vpush v11, $0xF  }
0x5ac: {  	s5 =	smov.u32 @p1 s19;
	s2 =	smov.u32 @p1 s1;
	p0 =	por !p2, !p0;
	v11, _, _ =	vpop (xrf0);
	(xrf0) =	vadd.scan.msk.s32 $0xffff, v10  }
0x5ad: {  	s24 =	sadd.s32 $0x8, s24;
	s18 =	sadd.s32 $0xFFFFFF80, s18;
	p0 =	por !p0, !p0;
	v10, _, _ =	vpop (xrf0);
	(v2sf) =	vpush v11, $0xF  }
0x5ae: {  	p4 =	slt.u32 s24, $0x38;
	s5 =	smov.u32 @p0 s17;
	s2 =	smov.u32 @p0 s11;
	v11 =	vld [tilespmem:s18+$0x0];
	(v2sf) =	vpush v10, $0xF  }
0x5af: {  	s9 =	sadd.s32 $0xFFFFFFFF, s15;
	v10 =	vld [tilespmem:s18+$0xFFFFFFF0];
	s1 =	spop (v2sf)  }
0x5b0: {  	p0 =	slt.s32 s6, $0x32;
	v12 =	vld [tilespmem:s18+$0xFFFFFFE0];
	s20 =	sadd.s32 s6, s1;
	s1 =	spop (v2sf)  }
0x5b1: {  	p1 =	sgt.s32 s20, $0x31;
	s1 =	sadd.s32 s1, s20;
	s11 =	spop (v2sf)  }
0x5b2: {  	p0 =	por !p0, !p1;
	p1 =	slt.s32 s20, $0x32;
	p3 =	sgt.s32 s1, $0x31;
	v13, _, _ =	vpop (xrf0)  }
0x5b3: {  	s16 =	sadd.s32 s11, s1;
	(xrf0) =	vadd.scan.msk.s32 $0xffff, v11;
	p2 =	por !p0, !p0;
	p0 =	por !p1, !p3;
	(v2sf) =	vpush v13, $0xF  }
0x5b4: {  	p3 =	slt.s32 s1, $0x32;
	p5 =	sgt.s32 s16, $0x31;
	(xrf0) =	vadd.scan.msk.s32 $0xffff, v10;
	s5 =	smov.u32 @p2 s15  }
0x5b5: {  	p1 =	por !p0, !p0;
	p0 =	por !p3, !p5;
	p3 =	slt.s32 s16, $0x32;
	(xrf0) =	vadd.scan.msk.s32 $0xffff, v12  }
.Ltmp55:
0x5b6: {  	s2 =	smov.u32 @p2 s6;
	s5 =	smov.u32 @p1 s9;
	(pc) =	sbr.rel @p4 .LBB2_68-.Ltmp55, $4  }
0x5b7: {  	s19 =	sadd.s32 $0xFFFFFFFA, s15;
	s17 =	sadd.s32 $0xFFFFFFF9, s15  }
0x5b8: {  	s29 =	sadd.s32 $0xFFFFFFFD, s15;
	s21 =	sadd.s32 $0xFFFFFFFC, s15;
	s26 =	sadd.s32 $0xFFFFFFFB, s15;
	v10 =	vld [tilespmem:s18+$0xFFFFFFD0]  }
0x5b9: {  	s30 =	sadd.s32 $0xFFFFFFFE, s15;
	s15 =	sadd.s32 $0xFFFFFFF8, s15;
	v11 =	vld [tilespmem:s18+$0xFFFFFFC0];
	v12, _, _ =	vpop (xrf0);
	s6 =	spop (v2sf)  }
0x5ba: {  	p2 =	por !p0, !p0;
	(v2sf) =	vpush v12, $0xF;
	v12, _, _ =	vpop (xrf0);
	s28 =	sadd.s32 s6, s16;
	s6 =	spop (v2sf)  }
0x5bb: {  	_ = 	snop  }
0x5bc: {  	v13 =	vld [tilespmem:s18+$0xFFFFFFA0]  }
0x5bd: {  	v14 =	vld [tilespmem:s18+$0xFFFFFFB0];
	(xrf0) =	vadd.scan.msk.s32 $0xffff, v10  }
0x5be: {  	(v2sf) =	vpush v12, $0xF;
	v53, _, _ =	vpop (xrf0)  }
0x5bf: {  	(v2sf) =	vpush v53, $0xF  }
0x5c0: {  	(xrf0) =	vadd.scan.msk.s32 $0xffff, v11  }
0x5c1: {  	p0 =	sgt.s32 s28, $0x31;
	(xrf0) =	vadd.scan.msk.s32 $0xffff, v13  }
0x5c2: {  	v54 =	vld [tilespmem:s18+$0xFFFFFF90];
	s18 =	sadd.s32 s6, s28;
	p4 =	slt.s32 s28, $0x32;
	p0 =	por !p3, !p0;
	(xrf0) =	vadd.scan.msk.s32 $0xffff, v14  }
0x5c3: {  	s9 =	spop (v2sf);
	p5 =	sgt.s32 s18, $0x31;
	s10 =	simm.s32 @!p0 $0x0;
	v55, _, _ =	vpop (xrf0)  }
0x5c4: {  	p3 =	slt.s32 s18, $0x32;
	s11 =	spop (v2sf);
	s10 =	simm.s32 @p0 $0x1;
	(v2sf) =	vpush v55, $0xF  }
0x5c5: {  	p0 =	por !p4, !p5;
	s24 =	sadd.s32 s11, s18;
	[smem:$0x7B6] =	sst s10  }
0x5c6: {  	s10 =	simm.s32 @!p0 $0x0;
	s31 =	sadd.s32 s9, s24;
	p4 =	sgt.s32 s24, $0x31;
	v56, _, _ =	vpop (xrf0)  }
0x5c7: {  	p5 =	slt.s32 s24, $0x32;
	s10 =	simm.s32 @p0 $0x1;
	p6 =	sgt.s32 s31, $0x31;
	(v2sf) =	vpush v56, $0xF;
	v57, _, _ =	vpop (xrf0)  }
0x5c8: {  	p0 =	por !p3, !p4;
	p4 =	slt.s32 s31, $0x32;
	s12 =	spop (v2sf);
	v58, _, _ =	vpop (xrf0);
	(v2sf) =	vpush v57, $0xF  }
0x5c9: {  	[smem:$0x7B7] =	sst s10;
	s9 =	simm.s32 @!p0 $0x0;
	s6 =	sadd.s32 s12, s31;
	(v2sf) =	vpush v58, $0xF  }
0x5ca: {  	p5 =	por !p5, !p6;
	s9 =	simm.s32 @p0 $0x1;
	p6 =	sgt.s32 s6, $0x31  }
0x5cb: {  	s5 =	smov.u32 @p2 s30;
	[smem:$0x7B8] =	sst s9;
	p4 =	por !p4, !p6  }
0x5cc: {  	p3 =	slt.s32 s6, $0x32;
	s10 =	simm.s32 @!p4 $0x0;
	s13 =	spop (v2sf)  }
0x5cd: {  	s10 =	simm.s32 @p4 $0x1;
	s12 =	sadd.s32 s6, s13;
	s14 =	spop (v2sf)  }
0x5ce: {  	(xrf0) =	vadd.scan.msk.s32 $0xffff, v54;
	p0 =	sgt.s32 s12, $0x31;
	s11 =	sadd.s32 s14, s12;
	s22 =	spop (v2sf)  }
0x5cf: {  	p6 =	por !p3, !p0;
	p3 =	slt.s32 s12, $0x32;
	p4 =	sgt.s32 s11, $0x31  }
0x5d0: {  	[smem:$0x7B9] =	sst s10;
	s9 =	sadd.s32 s22, s11;
	p0 =	por !p3, !p4  }
0x5d1: {  	p3 =	slt.s32 s11, $0x32;
	p4 =	sgt.s32 s9, $0x31;
	s10 =	simm.s32 @!p0 $0x0  }
0x5d2: {  	s30 =	sld [smem:$0x7B6];
	s10 =	simm.s32 @p0 $0x1;
	p0 =	por !p3, !p4  }
0x5d3: {  	[smem:$0x7BA] =	sst s10;
	s10 =	simm.s32 @!p0 $0x0;
	s13 =	spop (v2sf)  }
0x5d4: {  	v59, _, _ =	vpop (xrf0);
	s10 =	simm.s32 @p0 $0x1;
	s13 =	sadd.s32 s13, s9  }
0x5d5: {  	(v2sf) =	vpush v59, $0xF;
	p3 =	slt.s32 s9, $0x32;
	[smem:$0x7BB] =	sst s10;
	p4 =	sgt.s32 s13, $0x31  }
0x5d6: {  	s14 =	spop (v2sf);
	p0 =	por !p3, !p4;
	p4 =	seq.s32 s30, $0x1  }
0x5d7: {  	s30 =	sadd.s32 s14, s13;
	s14 =	spop (v2sf);
	s10 =	simm.s32 @!p0 $0x0  }
0x5d8: {  	p4 =	por !p4, !p4;
	s22 =	spop (v2sf);
	s10 =	simm.s32 @p0 $0x1  }
0x5d9: {  	s5 =	smov.u32 @p4 s29;
	s29 =	sadd.s32 s22, s30;
	s22 =	sld [smem:$0x7B7]  }
0x5da: {  	[smem:$0x7BC] =	sst s10;
	s10 =	simm.s32 @!p4 $0x0  }
0x5db: {  	p3 =	sgt.s32 s30, $0x31;
	p0 =	slt.s32 s13, $0x32;
	s10 =	simm.s32 @p4 $0x1  }
0x5dc: {  	p0 =	por !p0, !p3;
	s14 =	sadd.s32 s14, s29;
	[smem:$0x7C1] =	sst s10  }
0x5dd: {  	s10 =	simm.s32 @!p0 $0x0;
	p3 =	seq.s32 s22, $0x1;
	s22 =	sld [smem:$0x7B8]  }
0x5de: {  	s10 =	simm.s32 @p0 $0x1;
	p4 =	por !p3, !p3;
	p0 =	slt.s32 s30, $0x32  }
0x5df: {  	p3 =	sgt.s32 s29, $0x31;
	[smem:$0x7BD] =	sst s10;
	s10 =	simm.s32 @!p4 $0x0  }
0x5e0: {  	p0 =	por !p0, !p3;
	s5 =	smov.u32 @p4 s21;
	s10 =	simm.s32 @p4 $0x1  }
0x5e1: {  	p3 =	sgt.s32 s14, $0x31;
	[smem:$0x7C2] =	sst s10;
	s10 =	simm.s32 @!p0 $0x0  }
0x5e2: {  	s21 =	sld [smem:$0x7BA];
	p4 =	seq.s32 s22, $0x1;
	s10 =	simm.s32 @p0 $0x1  }
0x5e3: {  	p0 =	por !p4, !p4;
	p4 =	por !p5, !p5;
	p5 =	slt.s32 s29, $0x32  }
0x5e4: {  	[smem:$0x7BE] =	sst s10;
	s5 =	smov.u32 @p0 s26;
	s26 =	spop (v2sf)  }
0x5e5: {  	s10 =	simm.s32 @!p0 $0x0;
	s22 =	sadd.s32 s26, s14;
	s26 =	sld [smem:$0x7B9]  }
0x5e6: {  	s10 =	simm.s32 @p0 $0x1;
	s5 =	smov.u32 @p4 s19;
	s19 =	sld [smem:$0x7BD]  }
0x5e7: {  	p0 =	por !p5, !p3;
	[smem:$0x7C3] =	sst s10;
	s10 =	simm.s32 @!p4 $0x0  }
0x5e8: {  	p3 =	sgt.s32 s22, $0x31;
	s22 =	sld [smem:$0x7BB];
	s10 =	simm.s32 @p4 $0x1  }
0x5e9: {  	[smem:$0x7C4] =	sst s10;
	s10 =	simm.s32 @!p0 $0x0  }
0x5ea: {  	p5 =	seq.s32 s26, $0x1;
	s26 =	sld [smem:$0x7BC];
	s10 =	simm.s32 @p0 $0x1  }
0x5eb: {  	p4 =	por !p5, !p5;
	p5 =	slt.s32 s14, $0x32;
	[smem:$0x7BF] =	sst s10  }
0x5ec: {  	s10 =	simm.s32 @!p4 $0x0;
	p0 =	por !p5, !p3;
	s5 =	smov.u32 @p4 s17  }
0x5ed: {  	s10 =	simm.s32 @p4 $0x1;
	p4 =	seq.s32 s21, $0x1;
	s21 =	sld [smem:$0x7BE]  }
0x5ee: {  	s17 =	sadd.s32 $0xFFFFFFFF, s15;
	p5 =	seq.s32 s22, $0x1;
	s22 =	sld [smem:$0x7BF]  }
0x5ef: {  	p3 =	seq.s32 s19, $0x1;
	[smem:$0x7C5] =	sst s10;
	s10 =	simm.s32 @!p0 $0x0  }
0x5f0: {  	s10 =	simm.s32 @p0 $0x1;
	p0 =	por !p6, !p6;
	p6 =	seq.s32 s26, $0x1  }
0x5f1: {  	[smem:$0x7C0] =	sst s10;
	s10 =	simm.s32 @!p0 $0x0;
	s5 =	smov.u32 @p0 s15  }
0x5f2: {  	p6 =	por !p6, !p6;
	s10 =	simm.s32 @p0 $0x1;
	s26 =	sld [smem:$0x7C0]  }
0x5f3: {  	p0 =	por !p4, !p4;
	p4 =	seq.s32 s21, $0x1;
	[smem:$0x7C6] =	sst s10  }
0x5f4: {  	s10 =	simm.s32 @!p0 $0x0;
	s5 =	smov.u32 @p0 s17;
	s17 =	sadd.s32 $0xFFFFFFFE, s15  }
0x5f5: {  	p4 =	por !p4, !p4;
	s10 =	simm.s32 @p0 $0x1;
	p0 =	por !p5, !p5  }
0x5f6: {  	p5 =	por !p3, !p3;
	p3 =	seq.s32 s22, $0x1;
	[smem:$0x7C7] =	sst s10  }
0x5f7: {  	s10 =	simm.s32 @!p0 $0x0;
	s5 =	smov.u32 @p0 s17;
	s17 =	sadd.s32 $0xFFFFFFFD, s15  }
0x5f8: {  	p3 =	por !p3, !p3;
	s5 =	smov.u32 @p6 s17;
	s17 =	sadd.s32 $0xFFFFFFFC, s15  }
0x5f9: {  	s10 =	simm.s32 @p0 $0x1;
	s5 =	smov.u32 @p5 s17;
	s17 =	sadd.s32 $0xFFFFFFFB, s15  }
0x5fa: {  	p0 =	seq.s32 s26, $0x1;
	s5 =	smov.u32 @p4 s17;
	s17 =	sadd.s32 $0xFFFFFFFA, s15  }
0x5fb: {  	p0 =	por !p0, !p0;
	s15 =	sadd.s32 $0xFFFFFFF9, s15;
	s5 =	smov.u32 @p3 s17  }
0x5fc: {  	s17 =	sld [smem:$0x7C1];
	s5 =	smov.u32 @p0 s15  }
0x5fd: {  	s19 =	sld [smem:$0x7C2];
	s5 =	sshll.u32 s5, $0x4  }
0x5fe: {  	s2 =	smov.u32 @p1 s20;
	s20 =	sld [smem:$0x7C3];
	v60 =	vld [tilespmem:s5+$0x1E600]  }
0x5ff: {  	s2 =	smov.u32 @p2 s1;
	s21 =	sld [smem:$0x7C4];
	p1 =	seq.s32 s17, $0x1  }
0x600: {  	s2 =	smov.u32 @p1 s16;
	p1 =	seq.s32 s19, $0x1  }
0x601: {  	s22 =	sld [smem:$0x7C5];
	s2 =	smov.u32 @p1 s28;
	p1 =	seq.s32 s20, $0x1  }
0x602: {  	s26 =	sld [smem:$0x7C7];
	s2 =	smov.u32 @p1 s18;
	p1 =	seq.s32 s21, $0x1  }
0x603: {  	s2 =	smov.u32 @p1 s24;
	s24 =	sld [smem:$0x7C6];
	v61 =	vperm.xlane v60, v8  }
0x604: {  	[smem:$0x7C8] =	sst s10  }
0x605: {  	s28 =	sld [smem:$0x7C8];
	p1 =	seq.s32 s22, $0x1;
	(xrf0) =	vadd.scan.msk.s32 $0xffff, v61  }
0x606: {  	s2 =	smov.u32 @p1 s31;
	p1 =	seq.s32 s24, $0x1  }
0x607: {  	s2 =	smov.u32 @p1 s6;
	p1 =	seq.s32 s26, $0x1  }
0x608: {  	s2 =	smov.u32 @p1 s12;
	p1 =	seq.s32 s28, $0x1  }
0x609: {  	s2 =	smov.u32 @p1 s11  }
0x60a: {  	s2 =	smov.u32 @p6 s9  }
0x60b: {  	s2 =	smov.u32 @p5 s13;
	v11, _, _ =	vpop (xrf0)  }
0x60c: {  	s2 =	smov.u32 @p4 s30;
	v8 =	vperm.xlane v11, v8  }
0x60d: {  	s2 =	smov.u32 @p3 s29  }
0x60e: {  	s2 =	smov.u32 @p0 s14;
	v11 =	vsub.s32 v8, v60  }
0x60f: {  	v8 =	vadd.s32 s2, v8;
	v11 =	vadd.s32 s2, v11  }
0x610: {  	vm5 =	vgt.s32 v8, $0x31;
	vm4 =	vlt.s32 v11, $0x32  }
0x611: {  	vm4 =	vmand vm5, vm4  }
0x612: {  	v62 =	vxor.u32 $0x80000000, v11;
	v8 =	vnsel vm4, $0x80000000, v9  }
0x613: {  	v63 =	vxor.u32 $0x80000000, v60;
	(xrf0) =	vmax.scan.msk.u32 $0xffff, v8;
	v8 =	vnsel vm4, $0x80000000, v62  }
0x614: {  	(xrf0) =	vmax.scan.msk.u32 $0xffff, v8;
	v8 =	vnsel vm4, $0x80000000, v63  }
0x615: {  	(xrf0) =	vmax.scan.msk.u32 $0xffff, v8;
	_ =	sdelay $0x3  }
0x616: {  	v8, _, _ =	vpop (xrf0)  }
0x617: {  	(v2sf) =	vpush v8, $0xF;
	v8, _, _ =	vpop (xrf0)  }
0x618: {  	(v2sf) =	vpush v8, $0xF;
	v8, _, _ =	vpop (xrf0)  }
0x619: {  	(v2sf) =	vpush v8, $0xF;
	_ =	sdelay $0xc  }
0x61a: {  	s30 =	spop (v2sf)  }
0x61b: {  	s17 =	spop (v2sf)  }
0x61c: {  	s31 =	spop (v2sf)  }
0x61d: {  	p0 =	slt.u32 s31, $0x80000201  }
.Ltmp56:
0x61e: {  	_ = 	snop;
	(pc) =	sbr.rel @!p0 .LBB2_70-.Ltmp56, $4  }
0x61f: {  	s1 =	sadd.s32 s30, s5  }
0x620: {  	s9 =	sadd.s32 $0x80000000, s1  }
0x621: {  	s5 =	sshll.u32 s9, $0x14  }
0x622: {  	s2 =	sadd.s32 $0x100000, s5  }
0x623: {  	p0 =	slt.s32 s25, $0x0  }
.Ltmp57:
0x624: {  	_ = 	snop;
	(pc) =	sbr.rel @p0 .LBB2_102-.Ltmp57, $2  }
0x625: {  	_ =	sdelay $0x2  }
0x626: {  	s1 =	simm.s32 $0x0;
	s6 =	simm.s32 $0x0  }
0x627: {  	p0 =	sne.s32 s0, $0x1  }
.Ltmp58:
0x628: {  	_ = 	snop;
	(pc) =	sbr.rel @!p0 .LBB2_97-.Ltmp58, $3  }
0x629: {  	_ =	sdelay $0x1  }
0x62a: {  	s11 =	simm.s32 $0x1C500  }
0x62b: {  	v8 =	vmov s9;
	s6 =	simm.s32 $0x0;
	s0 =	sadd.s32 $0xFFFFFFFF, s0;
	p1 =	por $0x0, $0x0;
	v9 =	vld [tilespmem:s11+$0x0]  }
0x62c: {  	_ =	sdelay $0x3  }
0x62d: {  	v10 =	vshrl.u32 v9, $0x14  }
0x62e: {  	vm4 =	veq.s32 v10, v8  }
0x62f: {  	v10 =	vsel vm4, $0x1, v2  }
0x630: {  	(xrf0) =	vadd.scan.msk.s32 $0xffff, v10;
	_ =	sdelay $0x3  }
0x631: {  	p0 =	sne.s32 s0, $0x1  }
.Ltmp59:
0x632: {  	_ = 	snop;
	(pc) =	sbr.rel @!p0 .LBB2_99-.Ltmp59, $4  }
0x633: {  	v10, _, _ =	vpop (xrf0)  }
0x634: {  	(v2sf) =	vpush v10, $0xF  }
0x635: {  	s9 =	simm.s32 $0x1C510;
	[tilespmem:s6+$0x1EA00] =	vst.msk vm4, v9  }
0x636: {  	s11 =	sadd.s32 $0xFFFFFFFF, s0;
	p1 =	por $0x1, $0x1;
	s0 =	simm.s32 $0x0;
	v9 =	vld [tilespmem:s9+$0x0]  }
.LBB2_100:
0x637: {  	p0 =	sne.s32 s11, $0x1;
	_ =	sdelay $0x3  }
0x638: {  	v10 =	vshrl.u32 v9, $0x14  }
0x639: {  	vm4 =	veq.s32 v10, v8  }
0x63a: {  	v10 =	vsel vm4, $0x1, v2  }
0x63b: {  	(xrf0) =	vadd.scan.msk.s32 $0xffff, v10;
	_ =	sdelay $0x4  }
.Ltmp60:
0x63c: {  	s12 =	spop (v2sf);
	(pc) =	sbr.rel @p0 .LBB2_100-.Ltmp60, $4  }
0x63d: {  	v10, _, _ =	vpop (xrf0);
	s0 =	sadd.s32 s0, s12  }
0x63e: {  	[tilespmem:s0+$0x1EA00] =	vst.msk vm4, v9;
	(v2sf) =	vpush v10, $0xF  }
0x63f: {  	s9 =	sadd.s32 $0x10, s9  }
0x640: {  	s11 =	sadd.s32 $0xFFFFFFFF, s11;
	v9 =	vld [tilespmem:s9+$0x0]  }
.LBB2_101:
0x641: {  	_ =	sdelay $0x3  }
0x642: {  	v10 =	vshrl.u32 v9, $0x14  }
0x643: {  	vm4 =	veq.s32 v10, v8  }
0x644: {  	v8 =	vsel vm4, $0x1, v2  }
0x645: {  	(xrf0) =	vadd.scan.msk.s32 $0xffff, v8;
	_ =	sdelay $0x5  }
0x646: {  	v8, _, _ =	vpop (xrf0)  }
0x647: {  	(v2sf) =	vpush v8, $0xF;
	_ =	sdelay $0xc  }
0x648: {  	s9 =	spop @p1 (v2sf)  }
0x649: {  	s0 =	sadd.s32 @p1 s0, s9  }
0x64a: {  	s6 =	smov.u32 @p1 s0;
	s31 =	spop (v2sf)  }
0x64b: {  	[tilespmem:s6+$0x1EA00] =	vst.msk vm4, v9;
	s6 =	sadd.s32 s6, s31  }
.LBB2_102:
0x64c: {  	s0 =	sand.u32 $0xF, s6  }
0x64d: {  	s9 =	sshra.s32 s6, $0x1F;
	p0 =	slt.s32 s6, $0x1;
	p1 =	sne.s32 s0, $0x0  }
0x64e: {  	s28 =	sshrl.u32 s9, $0x1C;
	p0 =	por !p0, !p1  }
0x64f: {  	s9 =	simm.s32 $0x1;
	s0 =	sadd.s32 s28, s6;
	p0 =	por !p0, !p0  }
0x650: {  	s0 =	sshra.s32 s0, $0x4;
	s9 =	simm.s32 @!p0 $0x0  }
0x651: {  	s15 =	ssub.s32 s0, s9  }
0x652: {  	s0 =	sadd.s32 $0x1, s15  }
0x653: {  	s29 =	sshrl.u32 s0, $0x1F  }
0x654: {  	s9 =	sadd.s32 s29, s0  }
0x655: {  	s16 =	sand.u32 $0xFFFFFFFE, s9  }
.Ltmp61:
0x656: {  	s0 =	ssub.s32 s0, s16;
	(pc) =	sbr.rel .LBB2_103-.Ltmp61, $4  }
0x657: {  	s30 =	sshll.u32 s15, $0x6;
	s11 =	sshll.u32 s0, $0x6  }
0x658: {  	s9 =	ssub.s32 s30, s11  }
0x659: {  	s31 =	sxor.u32 $0x80000000, s17;
	s9 =	sshra.s32 s9, $0x2  }
0x65a: {  	[tilespmem:s6+$0x1EA00] =	vst v6;
	s17 =	ssub.s32 $0x32, s31;
	s18 =	ssub.s32 s15, s0;
	s19 =	sadd.s32 $0x1EA10, s9  }
.LBB2_107:
0x65b: {  	(xrf0) =	vadd.scan.msk.s32 $0xffff, v9;
	_ =	sdelay $0x5  }
0x65c: {  	v8, _, _ =	vpop (xrf0)  }
0x65d: {  	(v2sf) =	vpush v8, $0xF;
	_ =	sdelay $0xb  }
0x65e: {  	s1 =	sadd.s32 $0x1, s1  }
0x65f: {  	p1 =	seq.s32 s1, $0x14  }
.Ltmp62:
0x660: {  	_ = 	snop;
	(pc) =	sbr.rel @p1 .LBB2_77-.Ltmp62, $4  }
0x661: {  	s0 =	spop (v2sf)  }
0x662: {  	p0 =	slt.s32 s0, s17;
	s0 =	smov.u32 s20  }
0x663: {  	s0 =	smov.u32 @p0 s5  }
0x664: {  	s2 =	smov.u32 @p0 s20;
	s5 =	smov.u32 s0  }
.LBB2_103:
0x665: {  	s0 =	sadd.s32 s5, s2  }
0x666: {  	s6 =	sadd.s32 $0x1, s0;
	p0 =	slt.u32 s0, $0x7FFFFFFF;
	s0 =	simm.s32 $0x1  }
0x667: {  	s0 =	simm.s32 @!p0 $0x0;
	s9 =	sshra.s32 s6, $0x1F  }
0x668: {  	s30 =	sand.u32 $0x1, s6;
	s0 =	sadd.s32 s0, s9  }
0x669: {  	p1 =	seq.s32 s30, $0x1;
	p6 =	sne.s32 s0, $0x1  }
0x66a: {  	s31 =	sshrl.u32 s6, $0x1F;
	p0 =	por !p6, !p1  }
0x66b: {  	s0 =	sadd.s32 s31, s6;
	s6 =	simm.s32 $0x1;
	p0 =	por !p0, !p0  }
0x66c: {  	s6 =	simm.s32 @!p0 $0x0;
	p0 =	slt.s32 s16, $0x1  }
.Ltmp63:
0x66d: {  	_ = 	snop;
	(pc) =	sbr.rel @p0 .LBB2_104-.Ltmp63, $4  }
0x66e: {  	_ = 	snop  }
0x66f: {  	s0 =	sshra.s32 s0, $0x1  }
0x670: {  	s20 =	ssub.s32 s0, s6  }
0x671: {  	v9 =	vimm.s32 $0x0;
	v8 =	vmov s20  }
0x672: {  	p1 =	sgt.s32 s16, $0x2  }
.Ltmp64:
0x673: {  	_ = 	snop;
	(pc) =	sbr.rel @!p1 .LBB2_109-.Ltmp64, $4  }
0x674: {  	_ = 	snop  }
0x675: {  	s0 =	simm.s32 $0x1EA10  }
0x676: {  	v11 =	vld [tilespmem:s0+$0xFFFFFFF0]  }
0x677: {  	p0 =	por $0x0, $0x0;
	v10 =	vld [tilespmem:s0+$0x0]  }
0x678: {  	p1 =	sgt.s32 s16, $0x4  }
.Ltmp65:
0x679: {  	_ = 	snop;
	(pc) =	sbr.rel @!p1 .LBB2_112-.Ltmp65, $4  }
0x67a: {  	_ = 	snop  }
0x67b: {  	s0 =	simm.s32 $0x1EA30;
	vm4 =	vge.s32 v11, v8  }
0x67c: {  	v11 =	vld [tilespmem:s0+$0xFFFFFFF0];
	v12 =	vsel vm4, $0x1, v2;
	vm4 =	vge.s32 v10, v8  }
0x67d: {  	s6 =	simm.s32 $0x4;
	p0 =	por $0x1, $0x1;
	v10 =	vld [tilespmem:s0+$0x0];
	v12 =	vadd.s32 v12, v9;
	v13 =	vsel vm4, $0x1, v2  }
.LBB2_111:
0x67e: {  	s6 =	sadd.s32 $0x2, s6  }
0x67f: {  	v12 =	vadd.s32 v13, v12;
	p1 =	slt.s32 s6, s16  }
.Ltmp66:
0x680: {  	(pc) =	sbr.rel @p1 .LBB2_111-.Ltmp66, $4  }
0x681: {  	_ = 	snop  }
0x682: {  	s0 =	sadd.s32 $0x20, s0;
	vm4 =	vge.s32 v11, v8  }
0x683: {  	v11 =	vld [tilespmem:s0+$0xFFFFFFF0];
	v13 =	vsel vm4, $0x1, v2;
	vm4 =	vge.s32 v10, v8  }
0x684: {  	v10 =	vld [tilespmem:s0+$0x0];
	v12 =	vadd.s32 v13, v12;
	v13 =	vsel vm4, $0x1, v2  }
.LBB2_112:
0x685: {  	_ =	sdelay $0x2  }
0x686: {  	v12 =	vadd.s32 @p0 v13, v12;
	vm4 =	vge.s32 v11, v8  }
0x687: {  	v9 =	vpsel p0, v12, v9;
	v11 =	vsel vm4, $0x1, v2;
	vm4 =	vge.s32 v10, v8  }
0x688: {  	v9 =	vadd.s32 v11, v9;
	v10 =	vsel vm4, $0x1, v2  }
0x689: {  	v9 =	vadd.s32 v10, v9  }
.LBB2_104:
0x68a: {  	p0 =	sgt.s32 s16, s15  }
.Ltmp67:
0x68b: {  	_ = 	snop;
	(pc) =	sbr.rel @p0 .LBB2_107-.Ltmp67, $1  }
0x68c: {  	_ =	sdelay $0x3  }
0x68d: {  	s0 =	smov.u32 s19;
	s6 =	smov.u32 s18  }
.LBB2_106:
0x68e: {  	v10 =	vld [tilespmem:s0+$0x0]  }
0x68f: {  	s6 =	sadd.s32 $0x1, s6  }
0x690: {  	p0 =	slt.s32 s6, s15  }
.Ltmp68:
0x691: {  	_ = 	snop;
	(pc) =	sbr.rel @p0 .LBB2_106-.Ltmp68, $4  }
0x692: {  	_ = 	snop  }
0x693: {  	vm4 =	vge.s32 v10, v8  }
0x694: {  	v10 =	vsel vm4, $0x1, v2  }
0x695: {  	s0 =	sadd.s32 $0x10, s0;
	v9 =	vadd.s32 v10, v9  }
.Ltmp69:
0x696: {  	_ = 	snop;
	(pc) =	sbr.rel .LBB2_107-.Ltmp69, $1  }
0x697: {  	_ =	sdelay $0x3  }
.LBB2_109:
.Ltmp70:
0x698: {  	(pc) =	sbr.rel .LBB2_112-.Ltmp70, $2  }
0x699: {  	_ =	sdelay $0x2  }
0x69a: {  	_ = 	snop  }
.LBB2_70:
0x69b: {  	s1 =	sshrl.u32 s0, $0x1D  }
0x69c: {  	s1 =	sadd.s32 s1, s0  }
0x69d: {  	s1 =	sand.u32 $0xFFFFFFF8, s1  }
.Ltmp71:
0x69e: {  	s30 =	ssub.s32 s0, s1;
	(pc) =	sbr.rel .LBB2_71-.Ltmp71, $4  }
0x69f: {  	s6 =	sshll.u32 s25, $0x6;
	s9 =	sshll.u32 s30, $0x6  }
0x6a0: {  	s6 =	ssub.s32 s6, s9  }
0x6a1: {  	s31 =	sadd.s32 s3, s4;
	s17 =	simm.s32 $0x0;
	s6 =	sshra.s32 s6, $0x2  }
0x6a2: {  	s0 =	smov.u32 s5;
	s15 =	ssub.s32 s31, s30;
	s16 =	sadd.s32 $0x1C510, s6  }
.LBB2_76:
0x6a3: {  	(xrf0) =	vadd.scan.msk.s32 $0xffff, v9;
	_ =	sdelay $0x5  }
0x6a4: {  	v8, _, _ =	vpop (xrf0)  }
0x6a5: {  	(v2sf) =	vpush v8, $0xF;
	_ =	sdelay $0xe  }
0x6a6: {  	s6 =	spop (v2sf)  }
0x6a7: {  	s17 =	sadd.s32 $0x1, s17;
	p0 =	sgt.s32 s6, $0x31  }
0x6a8: {  	s0 =	smov.u32 @p0 s5;
	s5 =	smov.u32 @p0 s2;
	p0 =	sne.s32 s17, $0x14  }
.Ltmp72:
0x6a9: {  	_ = 	snop;
	(pc) =	sbr.rel @!p0 .LBB2_77-.Ltmp72, $2  }
0x6aa: {  	_ =	sdelay $0x2  }
0x6ab: {  	s2 =	smov.u32 s5  }
.LBB2_71:
0x6ac: {  	s5 =	sadd.s32 s0, s2  }
0x6ad: {  	s6 =	sadd.s32 $0x1, s5;
	p0 =	slt.u32 s5, $0x7FFFFFFF;
	s5 =	simm.s32 $0x1  }
0x6ae: {  	s5 =	simm.s32 @!p0 $0x0;
	s9 =	sshra.s32 s6, $0x1F  }
0x6af: {  	s30 =	sand.u32 $0x1, s6;
	s5 =	sadd.s32 s5, s9  }
0x6b0: {  	p1 =	seq.s32 s30, $0x1;
	p6 =	sne.s32 s5, $0x1  }
0x6b1: {  	s31 =	sshrl.u32 s6, $0x1F;
	p0 =	por !p6, !p1  }
0x6b2: {  	s5 =	sadd.s32 s31, s6;
	s6 =	simm.s32 $0x1;
	p0 =	por !p0, !p0  }
0x6b3: {  	s6 =	simm.s32 @!p0 $0x0;
	p0 =	slt.s32 s1, $0x1  }
.Ltmp73:
0x6b4: {  	_ = 	snop;
	(pc) =	sbr.rel @p0 .LBB2_72-.Ltmp73, $4  }
0x6b5: {  	_ = 	snop  }
0x6b6: {  	s5 =	sshra.s32 s5, $0x1  }
0x6b7: {  	s5 =	ssub.s32 s5, s6  }
0x6b8: {  	v8 =	vmov s5  }
0x6b9: {  	s9 =	simm.s32 $0x1C540  }
0x6ba: {  	v10 =	vld [tilespmem:s9+$0xFFFFFFC0]  }
0x6bb: {  	v11 =	vld [tilespmem:s9+$0xFFFFFFD0]  }
0x6bc: {  	p0 =	sgt.s32 s1, $0x8;
	v16 =	vld [tilespmem:s9+$0xFFFFFFE0]  }
.Ltmp74:
0x6bd: {  	v12 =	vld [tilespmem:s9+$0xFFFFFFF0];
	(pc) =	sbr.rel @!p0 .LBB2_115-.Ltmp74, $4  }
0x6be: {  	v9 =	vld [tilespmem:s9+$0x0]  }
0x6bf: {  	vm4 =	vge.s32 v10, v8;
	v10 =	vld [tilespmem:s9+$0x10]  }
0x6c0: {  	v13 =	vimm.s32 $0x0;
	v14 =	vsel vm4, $0x1, v2;
	vm4 =	vge.s32 v11, v8;
	v11 =	vld [tilespmem:s9+$0x20]  }
0x6c1: {  	s6 =	simm.s32 $0x8;
	v14 =	vadd.s32 v14, v13;
	v15 =	vsel vm4, $0x1, v2;
	vm4 =	vge.s32 v16, v8;
	v13 =	vld [tilespmem:s9+$0x30];
	s9 =	simm.s32 $0x1C5C0  }
.LBB2_114:
0x6c2: {  	v16 =	vld [tilespmem:s9+$0xFFFFFFC0];
	s6 =	sadd.s32 $0x8, s6;
	v14 =	vadd.s32 v15, v14;
	v15 =	vsel vm4, $0x1, v2;
	vm4 =	vge.s32 v12, v8  }
0x6c3: {  	v17 =	vld [tilespmem:s9+$0xFFFFFFD0];
	p0 =	slt.s32 s6, s1;
	v12 =	vadd.s32 v15, v14;
	v14 =	vsel vm4, $0x1, v2;
	vm4 =	vge.s32 v9, v8  }
0x6c4: {  	v18 =	vld [tilespmem:s9+$0xFFFFFFE0];
	v9 =	vadd.s32 v14, v12;
	v14 =	vsel vm4, $0x1, v2;
	vm4 =	vge.s32 v10, v8  }
.Ltmp75:
0x6c5: {  	v12 =	vld [tilespmem:s9+$0xFFFFFFF0];
	v10 =	vadd.s32 v14, v9;
	v14 =	vsel vm4, $0x1, v2;
	vm4 =	vge.s32 v11, v8;
	(pc) =	sbr.rel @p0 .LBB2_114-.Ltmp75, $4  }
0x6c6: {  	v9 =	vld [tilespmem:s9+$0x0];
	v11 =	vadd.s32 v14, v10;
	v14 =	vsel vm4, $0x1, v2;
	vm4 =	vge.s32 v13, v8  }
0x6c7: {  	vm5 =	vge.s32 v16, v8;
	v10 =	vld [tilespmem:s9+$0x10];
	v13 =	vadd.s32 v14, v11;
	v14 =	vsel vm4, $0x1, v2  }
0x6c8: {  	v15 =	vsel vm5, $0x1, v2;
	vm4 =	vge.s32 v17, v8;
	v11 =	vld [tilespmem:s9+$0x20];
	v13 =	vadd.s32 v14, v13  }
0x6c9: {  	v14 =	vadd.s32 v15, v13;
	v15 =	vsel vm4, $0x1, v2;
	vm4 =	vge.s32 v18, v8;
	v13 =	vld [tilespmem:s9+$0x30];
	s9 =	sadd.s32 $0x80, s9  }
.LBB2_115:
0x6ca: {  	v14 =	vadd.s32 v15, v14;
	v60 =	vsel vm4, $0x1, v2;
	vm4 =	vge.s32 v12, v8  }
0x6cb: {  	v61 =	vadd.s32 v60, v14;
	v62 =	vsel vm4, $0x1, v2;
	vm4 =	vge.s32 v9, v8  }
.Ltmp76:
0x6cc: {  	v9 =	vadd.s32 v62, v61;
	v63 =	vsel vm4, $0x1, v2;
	vm4 =	vge.s32 v10, v8;
	(pc) =	sbr.rel .LBB2_73-.Ltmp76, $4  }
0x6cd: {  	v9 =	vadd.s32 v63, v9;
	v10 =	vsel vm4, $0x1, v2;
	vm4 =	vge.s32 v11, v8  }
0x6ce: {  	v9 =	vadd.s32 v10, v9;
	v10 =	vsel vm4, $0x1, v2;
	vm4 =	vge.s32 v13, v8  }
0x6cf: {  	v9 =	vadd.s32 v10, v9;
	v10 =	vsel vm4, $0x1, v2  }
0x6d0: {  	v9 =	vadd.s32 v10, v9  }
.LBB2_72:
0x6d1: {  	v9 =	vimm.s32 $0x0  }
.LBB2_73:
0x6d2: {  	p0 =	sgt.s32 s1, s25  }
.Ltmp77:
0x6d3: {  	_ = 	snop;
	(pc) =	sbr.rel @p0 .LBB2_76-.Ltmp77, $1  }
0x6d4: {  	_ =	sdelay $0x3  }
0x6d5: {  	s6 =	smov.u32 s16;
	s9 =	smov.u32 s15  }
.LBB2_75:
0x6d6: {  	v10 =	vld [tilespmem:s6+$0x0]  }
0x6d7: {  	s9 =	sadd.s32 $0x1, s9  }
0x6d8: {  	p0 =	slt.s32 s9, s25  }
.Ltmp78:
0x6d9: {  	_ = 	snop;
	(pc) =	sbr.rel @p0 .LBB2_75-.Ltmp78, $4  }
0x6da: {  	_ = 	snop  }
0x6db: {  	vm4 =	vge.s32 v10, v8  }
0x6dc: {  	v10 =	vsel vm4, $0x1, v2  }
0x6dd: {  	s6 =	sadd.s32 $0x10, s6;
	v9 =	vadd.s32 v10, v9  }
.Ltmp79:
0x6de: {  	_ = 	snop;
	(pc) =	sbr.rel .LBB2_76-.Ltmp79, $1  }
0x6df: {  	_ =	sdelay $0x3  }
.LBB2_77:
0x6e0: {  	s31 =	sld [smem:$0x7CA];
	_ =	sdelay $0x2  }
0x6e1: {  	p0 =	seq.s32 s31, $0x1  }
.Ltmp80:
0x6e2: {  	_ = 	snop;
	(pc) =	sbr.rel @p0 .LBB2_78-.Ltmp80, $2  }
0x6e3: {  	_ =	sdelay $0x2  }
0x6e4: {  	v8 =	vmov s0  }
0x6e5: {  	s1 =	simm.s32 $0x1C520  }
0x6e6: {  	s0 =	simm.s32 $0x1D5A0;
	v12 =	vld [tilespmem:s1+$0xFFFFFFE0]  }
0x6e7: {  	v14 =	vld [tilespmem:s0+$0xFFFFFFE0]  }
0x6e8: {  	p0 =	sgt.s32 s7, $0x4;
	v11 =	vld [tilespmem:s1+$0xFFFFFFF0]  }
.Ltmp81:
0x6e9: {  	v15 =	vld [tilespmem:s0+$0xFFFFFFF0];
	(pc) =	sbr.rel @!p0 .LBB2_118-.Ltmp81, $4  }
0x6ea: {  	v10 =	vld [tilespmem:s1+$0x0]  }
0x6eb: {  	v13 =	vld [tilespmem:s0+$0x0]  }
0x6ec: {  	v9 =	vld [tilespmem:s1+$0x10];
	v17 =	vmul.f32 v14, v12  }
0x6ed: {  	v16 =	vimm.f32 $0.0e+00;
	s6 =	sld [smem:$0x7E2];
	s2 =	simm.s32 $0x1C560;
	v18 =	vimm.f32 $0.0e+00;
	s1 =	simm.s32 $0x4;
	vm4 =	vgt.s32 v8, v12;
	v14 =	vld [tilespmem:s0+$0x10]  }
.LBB2_117:
0x6ee: {  	v19 =	vsel vm4, $0x0, v12;
	v12 =	vld [tilespmem:s2+$0xFFFFFFE0];
	v17 =	vsel vm4, $0x0, v17;
	v15 =	vmul.f32 v15, v11;
	s0 =	sadd.s32 $0x40, s0  }
0x6ef: {  	s1 =	sadd.s32 $0x4, s1;
	vm4 =	vgt.s32 v8, v11;
	v20 =	vld [tilespmem:s0+$0xFFFFFFE0];
	v16 =	vadd.f32 v19, v16;
	v17 =	vadd.f32 v17, v18  }
0x6f0: {  	p0 =	slt.s32 s1, s7;
	v18 =	vsel vm4, $0x0, v11;
	v11 =	vld [tilespmem:s2+$0xFFFFFFF0];
	v19 =	vsel vm4, $0x0, v15;
	v13 =	vmul.f32 v13, v10  }
.Ltmp82:
0x6f1: {  	vm4 =	vgt.s32 v8, v10;
	v15 =	vld [tilespmem:s0+$0xFFFFFFF0];
	v16 =	vadd.f32 v18, v16;
	v17 =	vadd.f32 v19, v17;
	(pc) =	sbr.rel @p0 .LBB2_117-.Ltmp82, $4  }
0x6f2: {  	v18 =	vsel vm4, $0x0, v10;
	v10 =	vld [tilespmem:s2+$0x0];
	v19 =	vsel vm4, $0x0, v13;
	v14 =	vmul.f32 v14, v9  }
0x6f3: {  	vm4 =	vgt.s32 v8, v9;
	v13 =	vld [tilespmem:s0+$0x0];
	v16 =	vadd.f32 v18, v16;
	v18 =	vadd.f32 v19, v17  }
0x6f4: {  	v19 =	vsel vm4, $0x0, v9;
	v17 =	vmul.f32 v20, v12;
	v9 =	vld [tilespmem:s2+$0x10];
	v20 =	vsel vm4, $0x0, v14  }
0x6f5: {  	vm4 =	vgt.s32 v8, v12;
	s2 =	sadd.s32 $0x40, s2;
	v14 =	vld [tilespmem:s0+$0x10];
	v16 =	vadd.f32 v19, v16;
	v18 =	vadd.f32 v20, v18  }
.LBB2_118:
0x6f6: {  	v12 =	vsel vm4, $0x0, v12;
	v17 =	vsel vm4, $0x0, v17;
	v15 =	vmul.f32 v15, v11  }
0x6f7: {  	vm4 =	vgt.s32 v8, v11;
	v12 =	vadd.f32 v12, v16;
	v61 =	vadd.f32 v17, v18  }
0x6f8: {  	v11 =	vsel vm4, $0x0, v11;
	v15 =	vsel vm4, $0x0, v15;
	v13 =	vmul.f32 v13, v10  }
.Ltmp83:
0x6f9: {  	vm4 =	vgt.s32 v8, v10;
	v11 =	vadd.f32 v11, v12;
	v62 =	vadd.f32 v15, v61;
	(pc) =	sbr.rel .LBB2_79-.Ltmp83, $4  }
0x6fa: {  	v10 =	vsel vm4, $0x0, v10;
	v13 =	vsel vm4, $0x0, v13;
	v14 =	vmul.f32 v14, v9  }
0x6fb: {  	vm4 =	vgt.s32 v8, v9;
	v10 =	vadd.f32 v10, v11;
	v11 =	vadd.f32 v13, v62  }
0x6fc: {  	v9 =	vsel vm4, $0x0, v9;
	v63 =	vsel vm4, $0x0, v14  }
0x6fd: {  	v9 =	vadd.f32 v9, v10;
	v10 =	vadd.f32 v63, v11  }
.LBB2_78:
0x6fe: {  	v9 =	vimm.f32 $0.0e+00;
	v10 =	vimm.f32 $0.0e+00;
	s6 =	sld [smem:$0x7E2]  }
.LBB2_79:
0x6ff: {  	p0 =	sgt.s32 s7, s25  }
.Ltmp84:
0x700: {  	_ = 	snop;
	(pc) =	sbr.rel @p0 .LBB2_82-.Ltmp84, $1  }
0x701: {  	_ =	sdelay $0x3  }
0x702: {  	s0 =	sshll.u32 s25, $0x6;
	s1 =	sshll.u32 s8, $0x6  }
0x703: {  	s0 =	ssub.s32 s0, s1  }
0x704: {  	s31 =	sadd.s32 s3, s4;
	s2 =	sshra.s32 s0, $0x2  }
0x705: {  	s0 =	ssub.s32 s31, s8;
	s1 =	sadd.s32 $0x1C510, s2;
	s2 =	sadd.s32 $0x1D590, s2  }
.LBB2_81:
0x706: {  	v11 =	vld [tilespmem:s1+$0x0]  }
0x707: {  	v12 =	vld [tilespmem:s2+$0x0];
	_ =	sdelay $0x1  }
0x708: {  	s0 =	sadd.s32 $0x1, s0  }
0x709: {  	p0 =	slt.s32 s0, s25  }
.Ltmp85:
0x70a: {  	_ = 	snop;
	(pc) =	sbr.rel @p0 .LBB2_81-.Ltmp85, $4  }
0x70b: {  	v12 =	vmul.f32 v12, v11  }
0x70c: {  	vm4 =	vgt.s32 v8, v11  }
0x70d: {  	v11 =	vsel vm4, $0x0, v11;
	v12 =	vsel vm4, $0x0, v12  }
0x70e: {  	s1 =	sadd.s32 $0x10, s1;
	s2 =	sadd.s32 $0x10, s2;
	v9 =	vadd.f32 v11, v9;
	v10 =	vadd.f32 v12, v10  }
.Ltmp86:
0x70f: {  	_ = 	snop;
	(pc) =	sbr.rel .LBB2_82-.Ltmp86, $1  }
0x710: {  	_ =	sdelay $0x3  }
.LBB2_9:
.Ltmp87:
0x711: {  	(pc) =	sbr.rel .LBB2_39-.Ltmp87, $2  }
0x712: {  	_ =	sdelay $0x2  }
0x713: {  	_ = 	snop  }
.LBB2_32:
.Ltmp88:
0x714: {  	(pc) =	sbr.rel .LBB2_92-.Ltmp88, $2  }
0x715: {  	_ =	sdelay $0x2  }
0x716: {  	_ = 	snop  }
.LBB2_34:
.Ltmp89:
0x717: {  	(pc) =	sbr.rel .LBB2_39-.Ltmp89, $2  }
0x718: {  	_ =	sdelay $0x2  }
0x719: {  	v25 =	vmovc v8;
	v23 =	vmov v9;
	v8 =	vmov v18;
	v9 =	vmov v17  }
.LBB2_87:
.Ltmp90:
0x71a: {  	(pc) =	sbr.rel .LBB2_92-.Ltmp90, $2  }
0x71b: {  	_ =	sdelay $0x2  }
0x71c: {  	v27 =	vmovc v10;
	v25 =	vmov v11;
	v10 =	vmov v20;
	v11 =	vmov v19  }
.LBB2_36:
.Ltmp91:
0x71d: {  	(pc) =	sbr.rel .LBB2_39-.Ltmp91, $3  }
0x71e: {  	_ =	sdelay $0x1  }
0x71f: {  	v22 =	vmovc v8;
	v24 =	vmovc v9;
	v26 =	vmov v12;
	v27 =	vmov v13;
	v25 =	vmov v18  }
0x720: {  	v8 =	vmovc v23;
	v23 =	vmovc v17;
	v9 =	vmov v21;
	v12 =	vmov v20;
	v13 =	vmov v19  }
.LBB2_89:
.Ltmp92:
0x721: {  	(pc) =	sbr.rel .LBB2_92-.Ltmp92, $3  }
0x722: {  	_ =	sdelay $0x1  }
0x723: {  	v24 =	vmovc v10;
	v26 =	vmovc v11;
	v28 =	vmov v14;
	v29 =	vmov v15;
	v27 =	vmov v20  }
0x724: {  	v10 =	vmovc v25;
	v25 =	vmovc v19;
	v11 =	vmov v23;
	v14 =	vmov v22;
	v15 =	vmov v21  }
.LBB2_44:
.Ltmp93:
0x725: {  	(pc) =	sbr.rel .LBB2_48-.Ltmp93, $2  }
0x726: {  	_ =	sdelay $0x2  }
0x727: {  	s0 =	simm.s32 $0x0  }
.LBB2_97:
.Ltmp94:
0x728: {  	(pc) =	sbr.rel .LBB2_101-.Ltmp94, $2  }
0x729: {  	_ =	sdelay $0x2  }
0x72a: {  	s0 =	simm.s32 $0x0  }
.LBB2_46:
.Ltmp95:
0x72b: {  	(pc) =	sbr.rel .LBB2_48-.Ltmp95, $2  }
0x72c: {  	_ =	sdelay $0x2  }
0x72d: {  	s0 =	simm.s32 $0x0  }
.LBB2_99:
.Ltmp96:
0x72e: {  	(pc) =	sbr.rel .LBB2_101-.Ltmp96, $2  }
0x72f: {  	_ =	sdelay $0x2  }
0x730: {  	s0 =	simm.s32 $0x0  }
.LBB2_85:
0x731: {  	_ =	sfence.sel $0x180000  }
0x732: {  	[bflag:$0x0] =	sbarrier.arrive $0xFFFF  }
0x733: {  	_ =	strace $0x9000004A  }
0x734: {  	s0 =	stileid.u32;
	[bflag:$0x2] =	sbarrier.arrive $0xFFFF  }
0x735: {  	p0 =	sne.s32 s0, $0x0;
	s0 =	rddreg [dreg:$0x8]  }
0x736: {  	s0 =	sadd.s32 @!p0 $0x100000, s0  }
0x737: {  	[sflag:s0] =	ssyncadd.tile.s32 @!p0 $0x1;
	_ =	shalt  }
.Lfunc_end2:
_tile_overlayer_lowered:
.L_overlay_start_2:
0x738: {  	(tag) =	ssettag $0x2  }
0x739: {  	s0 =	rddreg [dreg:$0x0];
	s2 =	stileid.u32  }
0x73a: {  	s1 =	rddreg [dreg:$0x1];
	p0 =	sne.s32 s2, $0x0  }
0x73b: {  	s3 =	rddreg [dreg:$0x2];
	[bflag:$0x3] =	sbarrier.arrive $0xFFFF;
	s2 =	simm.s32 @!p0 $0x1C02  }
0x73c: {  	[timem:s3], [sflag:s2] =	dma.local @!p0 [hbm:s0], s1  }
0x73d: {  	s0 =	simm.s32 @!p0 $0x2  }
0x73e: {  	_ =	swait.ge @!p0 [sflag:s0], s1  }
0x73f: {  	s1 =	ssub.s32 @!p0 $0x0, s1;
	[sflag:s0] =	ssyncset.done @!p0 $0x0  }
0x740: {  	[sflag:s0] =	ssyncadd.s32 @!p0 s1  }
0x741: {  	[bflag:$0x3] =	sbarrier.arrive $0xFFFF  }
0x742: {  	_ =	shalt  }

// kernel: sparse-core-data-format-call.cloned.1.call-start
scs
called_computation_lowered:
.L_overlay_start_0:
0x0: {  	s2 =	sld [smem:$0x3FD9]  }
0x1: {  	s3 =	sld [smem:$0x3FFE];
	_ =	sdelay $0x1  }
0x2: {  	s1 =	srdreg.scid  }
0x3: {  	s0 =	sand.u32 $0x1, s1  }
0x4: {  	s18 =	sshll.u32 s0, $0xA;
	s2 =	sadd.s32 s3, s2  }
0x5: {  	s2 =	sadd.s32 s2, s18  }
0x6: {  	[smem:$0x3FBD] =	sst s2  }
0x7: {  	_ = 	snop  }
0x8: {  	s2 =	sld [smem:$0x3FC9];
	(tm) =	ssettm $0x1  }
0x9: {  	s19 =	sld [smem:$0x3FFB];
	_ =	sdelay $0x3  }
0xa: {  	_ =	strace s19  }
0xb: {  	s3 =	sld [smem:$0x3FFC];
	_ =	sdelay $0x3  }
0xc: {  	_ =	strace s3  }
0xd: {  	s3 =	sld [smem:$0x3FFD];
	_ =	sdelay $0x3  }
0xe: {  	_ =	strace s3  }
0xf: {  	_ =	strace $0x8FFFFFFF  }
0x10: {  	s20 =	sld [smem:$0x3FDB];
	_ =	sdelay $0x1  }
0x11: {  	s4 =	simm.s32 $_scs_section_size  }
0x12: {  	s5 =	simm.s32 $_size__tile_overlayer_lowered;
	s6 =	simm.s32 $_tile_overlayer_lowered  }
0x13: {  	s23 =	simm.s32 $0x1BFF;
	s22 =	sshll.u32 s6, $0x1;
	s3 =	sadd.s32 s4, s20  }
0x14: {  	s7 =	simm.s32 $0x0;
	s21 =	sshll.u32 s5, $0x1;
	s5 =	sadd.s32 s22, s3  }
0x15: {  	[timem:s7], [sflag:s23] =	dma.local [hbm:s5], s21  }
0x16: {  	_ =	swait.ge [sflag:s23], s21  }
0x17: {  	s4 =	ssub.s32 $0x0, s21;
	[sflag:s23] =	ssyncset.done $0x0  }
0x18: {  	[sflag:s23] =	ssyncadd.s32 s4;
	_ =	sdelay $0x1  }
0x19: {  	s24 =	simm.s32 $0x1B8B  }
0x1a: {  	_ =	swait.ge [sflag:s24], $0x1  }
0x1b: {  	[sflag:s24] =	ssyncset.done $0x0  }
0x1c: {  	s26 =	simm.s32 $0x1B8E;
	s25 =	sld [smem:$0x3FFE];
	[sflag:s24] =	ssyncadd.s32 $0xFFFFFFFF  }
0x1d: {  	s27 =	simm.s32 $execute0_lowered;
	[smem:$0x3FD2] =	sst s26  }
0x1e: {  	s5 =	sshll.u32 s27, $0x1;
	_ =	strace $0x80000046;
	[dreg:$0x1] =	wrdreg $0xFFFFFFFF  }
0x1f: {  	s28 =	simm.s32 $_size_execute0_lowered;
	s3 =	sadd.s32 s3, s5;
	[dreg:$0x0] =	wrdreg $0x0  }
0x20: {  	s5 =	sshll.u32 s28, $0x1;
	[dreg:$0x2] =	wrdreg s3  }
0x21: {  	[dreg:$0x3] =	wrdreg s5  }
0x22: {  	[dreg:$0x4] =	wrdreg $0xC0  }
0x23: {  	_ =	task [dreg:s7], $0x5FFFF  }
0x24: {  	[dreg:$0x1] =	wrdreg $0xFFFFFFFF  }
0x25: {  	[dreg:$0x0] =	wrdreg $0x60  }
0x26: {  	[dreg:$0x2] =	wrdreg s2  }
0x27: {  	[dreg:$0x3] =	wrdreg s25  }
0x28: {  	[dreg:$0x4] =	wrdreg $0x9  }
0x29: {  	_ =	task.clear_ibuf [dreg:s7], $0x5FFFF;
	_ =	strace $0x90000046  }
0x2a: {  	s29 =	simm.s32 $0x9;
	_ =	strace $0x80000048  }
0x2b: {  	_ =	swait.ge [sflag:s29], $0x1  }
0x2c: {  	[sflag:s29] =	ssyncadd.s32 $0xFFFFFFFF  }
0x2d: {  	_ =	strace $0x90000048  }
0x2e: {  	_ =	sfence  }
0x2f: {  	s30 =	sld [smem:$0x0];
	_ =	sdelay $0x2  }
0x30: {  	s31 =	sshll.u32 s1, $0xD;
	s1 =	sshrl.u32 s1, $0x2  }
0x31: {  	s3 =	sand.u32 $0x4000, s31;
	s1 =	sadd.s32 s1, s30  }
0x32: {  	s0 =	sor.u32 s3, s0;
	s1 =	sshll.u32 s1, $0x11  }
0x33: {  	s0 =	sor.u32 s1, s0  }
0x34: {  	s0 =	sadd.s32 $0x8F2B, s0  }
0x35: {  	[sflag:s0] =	ssyncadd.remote.s32 $0x1  }
0x36: {  	_ =	sfence.sel $0xFFFF  }
0x37: {  	[dreg:$0x0] =	wrdreg $0xFFFFFFFF;
	(pc) =	sbr.abs _section_cstart, $3  }
0x38: {  	[dreg:$0x1] =	wrdreg $0xFFFFFFFF  }
0x39: {  	_ =	task.clear_ibuf [dreg:s7], $0x2FFFF;
	_ =	strace $0x9FFFFFFF  }
0x3a: {  	(tm) =	ssettm $0x7FFFFFFF  }
0x3b: {  	_ =	shalt  }
tec
execute0_lowered:
.L_overlay_start_1:
0x0: {  	(tag) =	ssettag $0x1  }
0x1: {  	s0 =	stileid.u32;
	s1 =	srdreg.scid  }
0x2: {  	s4 =	rddreg [dreg:$0x1];
	s7 =	simm.s32 $0x1;
	s31 =	simm.s32 $0x2  }
0x3: {  	s16 =	simm.s32 $0x0;
	s2 =	sshll.u32 s0, $0x4;
	s1 =	sshll.u32 s1, $0x8  }
0x4: {  	s9 =	simm.s32 $0x1000;
	s14 =	simm.s32 $0x0;
	s1 =	sor.u32 s2, s1  }
0x5: {  	s15 =	simm.s32 $0x0;
	s10 =	simm.s32 $0x0;
	s3 =	sand.u32 $0x180, s1  }
0x6: {  	s13 =	simm.s32 $0x0;
	s2 =	rddreg [dreg:$0x0];
	s5 =	ssub.s32 $0x200, s3  }
0x7: {  	s4 =	sadd.s32 $0x1200, s4;
	s1 =	rddreg [dreg:$0x2];
	s6 =	sand.u32 $0x180, s5  }
.Ltmp0:
0x8: {  	_ =	strace $0x80000047;
	p0 =	sne.s32 s6, $0x0;
	(pc) =	sbr.rel .LBB1_1-.Ltmp0, $4  }
0x9: {  	s11 =	smov.u32 s3;
	s8 =	sshrl.u32 s5, $0x9;
	s7 =	simm.s32 @!p0 $0x0  }
0xa: {  	s5 =	sand.u32 $0x7, s0;
	s6 =	simm.s32 $0x1;
	s7 =	sadd.s32 s7, s8  }
0xb: {  	s12 =	smov.u32 s5;
	[sflag:s6] =	ssyncpa.u1 $0x0;
	s7 =	sshll.u32 s7, $0x5  }
0xc: {  	p0 =	por $0x0, $0x0;
	[sflag:s31] =	ssyncpa.u1 $0x0;
	s8 =	sor.u32 $0x1, s7  }
.LBB1_4:
0xd: {  	v5 =	vld [tilespmem:s19+$0xFFFFFFD0]  }
0xe: {  	[tilespmem:s20+$0x2040 ss:$0x81] =	vst.msk $0xffff, v1;
	v58 =	vld [tilespmem:s19+$0xFFFFFFE0]  }
0xf: {  	[tilespmem:s20+$0x2850 ss:$0x81] =	vst.msk $0xffff, v2;
	v59 =	vld [tilespmem:s19+$0xFFFFFFF0]  }
0x10: {  	s21 =	sshra.s32 s21, $0x2;
	[tilespmem:s20+$0x3060 ss:$0x81] =	vst.msk $0xffff, v3;
	v60 =	vld [tilespmem:s19+$0x0]  }
0x11: {  	[tilespmem:s20+$0x0 ss:$0x81] =	vst.msk $0xffff, v0;
	v61 =	vld [tilespmem:s19+$0x10];
	s18 =	sadd.s32 s21, s18  }
0x12: {  	s25 =	sshll.u32 s16, $0x9;
	v62 =	vld [tilespmem:s19+$0x20];
	[tilespmem:s18+$0x3870 ss:$0x81] =	vst.msk $0xffff, v4  }
0x13: {  	s26 =	sshll.u32 s14, $0x3;
	s27 =	sshll.u32 s16, $0x7;
	v63 =	vld [tilespmem:s19+$0xFFFFFFC0];
	s30 =	sand.u32 $0x78, s14;
	[tilespmem:s18+$0x810 ss:$0x81] =	vst.msk $0xffff, v5  }
0x14: {  	s15 =	sshll.u32 s15, $0x12;
	s20 =	sand.u32 $0x1FF000, s25;
	s21 =	sand.u32 $0x1FFC00, s26;
	[tilespmem:s18+$0x1020 ss:$0x81] =	vst.msk $0xffff, v58  }
0x15: {  	s29 =	sand.u32 $0x200, s27;
	s16 =	sand.u32 $0x180, s27;
	s28 =	sadd.s32 s21, s20;
	[tilespmem:s18+$0x1830 ss:$0x81] =	vst.msk $0xffff, v59  }
0x16: {  	s31 =	sand.u32 $0x7, s14;
	s16 =	sor.u32 s30, s16;
	s19 =	sor.u32 s29, s28;
	[tilespmem:s18+$0x2040 ss:$0x81] =	vst.msk $0xffff, v60  }
0x17: {  	s15 =	sadd.s32 s4, s15;
	s16 =	sshrl.u32 s16, $0x3;
	s19 =	sshrl.u32 s19, $0x3;
	[tilespmem:s18+$0x2850 ss:$0x81] =	vst.msk $0xffff, v61  }
0x18: {  	s14 =	sshll.u32 s31, $0x12;
	s15 =	sadd.s32 s16, s15;
	[tilespmem:s18+$0x3060 ss:$0x81] =	vst.msk $0xffff, v62;
	s19 =	sand.u32 $0x3FFC0, s19  }
0x19: {  	s14 =	sor.u32 $0x400, s14;
	[tilespmem:s18+$0x0 ss:$0x81] =	vst.msk $0xffff, v63;
	s15 =	sadd.s32 s19, s15  }
0x1a: {  	[hbm4b:s15+s14] =	stream.strided.scatter [tilespmem:s17], [sflag:$0x2], $0x4000, s9, s14, $0x20;
	[tilespmem:$0x10100] =	vst v63  }
.LBB1_5:
0x1b: {  	s17 =	sadd.s32 $0x80, s10  }
0x1c: {  	s14 =	sadd.s32 $0x200, s11;
	s18 =	smov.u32 s11;
	p2 =	sgt.s32 s17, $0xFFF  }
0x1d: {  	s18 =	smov.u32 @p2 s14  }
0x1e: {  	s20 =	smov.u32 s12;
	s14 =	sadd.s32 $0x8, s12;
	p3 =	sgt.s32 s18, $0x1FF  }
0x1f: {  	s20 =	smov.u32 @p3 s14  }
0x20: {  	s17 =	simm.s32 @p2 $0x0;
	p2 =	sgt.s32 s20, $0x7  }
0x21: {  	p1 =	slt.u32 s13, $0x2;
	s20 =	smov.u32 @p2 s5;
	p2 =	sne.s32 s13, s8  }
.Ltmp1:
0x22: {  	s19 =	simm.s32 @!p1 $0x2;
	(pc) =	sbr.rel @!p2 .LBB1_6-.Ltmp1, $4  }
0x23: {  	s16 =	smov.u32 s10;
	s15 =	smov.u32 s12;
	_ =	swait.ge @!p1 [sflag:s19], $0x4000  }
0x24: {  	p0 =	por !p0, !p0;
	[sflag:s19] =	ssyncset.done @!p1 $0x0;
	s10 =	smov.u32 s17  }
0x25: {  	s18 =	smov.u32 @p3 s3;
	s14 =	smov.u32 s11;
	[sflag:s19] =	ssyncadd.s32 @!p1 $0xFFFFC000  }
0x26: {  	s11 =	smov.u32 s18;
	s13 =	sadd.s32 $0x1, s13;
	s12 =	smov.u32 s20  }
.LBB1_1:
0x27: {  	p1 =	sge.u32 s13, s7;
	s31 =	sadd.s32 $0xFFFFFFFF, s13  }
0x28: {  	s17 =	sxor.u32 @!p1 $0xFFFFFFFF, s13;
	s18 =	sand.u32 @!p1 $0x78, s10;
	s19 =	sshll.u32 @!p1 s11, $0xC  }
0x29: {  	s20 =	sshll.u32 @!p1 s11, $0x7;
	s21 =	sshll.u32 @!p1 s10, $0x3;
	s17 =	sshll.u32 @!p1 s17, $0xE  }
0x2a: {  	s19 =	sand.u32 @!p1 $0x1F8000, s19;
	s20 =	sand.u32 @!p1 $0x380, s20;
	s17 =	sand.u32 @!p1 $0x4000, s17  }
0x2b: {  	s19 =	sadd.s32 @!p1 s19, s21;
	s21 =	sand.u32 @!p1 $0xC00, s21;
	s18 =	sor.u32 @!p1 s20, s18  }
0x2c: {  	s20 =	sshll.u32 @!p1 s12, $0x12;
	s18 =	sor.u32 @!p1 s21, s18;
	s19 =	sshrl.u32 @!p1 s19, $0x3  }
0x2d: {  	s20 =	sadd.s32 @!p1 s2, s20;
	s21 =	sand.u32 @!p1 $0x7, s10;
	s19 =	sand.u32 @!p1 $0x3FE00, s19  }
0x2e: {  	s18 =	sshrl.u32 @!p1 s18, $0x3;
	s19 =	sadd.s32 @!p1 s19, s20;
	s20 =	sshll.u32 @!p1 s21, $0x12  }
0x2f: {  	s18 =	sadd.s32 @!p1 s18, s19;
	s19 =	sor.u32 @!p1 $0x400, s20;
	s20 =	simm.s32 @!p1 $0x8000  }
0x30: {  	[tilespmem:s17], [sflag:$0x1] =	stream.strided.gather @!p1 [hbm4b:s18+s19], $0x4000, s20, s19, $0x38;
	[tilespmem:$0x10100] =	vst v63  }
0x31: {  	p1 =	sge.u32 s31, s7  }
.Ltmp2:
0x32: {  	_ = 	snop;
	(pc) =	sbr.rel @p1 .LBB1_5-.Ltmp2, $1  }
0x33: {  	_ =	sdelay $0x3  }
0x34: {  	s17 =	simm.s32 $0x1  }
0x35: {  	_ =	swait.ge [sflag:s6], $0x4000;
	s17 =	simm.s32 @!p0 $0x0  }
0x36: {  	[sflag:s6] =	ssyncset.done $0x0;
	s18 =	sshll.u32 s17, $0xE  }
0x37: {  	[sflag:s6] =	ssyncadd.s32 $0xFFFFC000;
	s19 =	sor.u32 $0x40, s18  }
0x38: {  	s17 =	smul.u32 $0x10200, s17;
	v0 =	vld [tilespmem:s19+$0x30]  }
0x39: {  	v3 =	vld [tilespmem:s19+$0xFFFFFFD0]  }
0x3a: {  	s17 =	sshrl.u32 s17, $0x2;
	v4 =	vld [tilespmem:s19+$0xFFFFFFE0]  }
0x3b: {  	v5 =	vld [tilespmem:s19+$0xFFFFFFF0];
	s18 =	sor.u32 $0x8000, s17  }
0x3c: {  	s31 =	sand.u32 $0x1, s13;
	v1 =	vld [tilespmem:s19+$0x0];
	s20 =	sadd.s32 $0x0, s18  }
0x3d: {  	v2 =	vld [tilespmem:s19+$0x10];
	s17 =	smul.u32 $0x10200, s31;
	[tilespmem:s20+$0x3870 ss:$0x81] =	vst.msk $0xffff, v0  }
0x3e: {  	[tilespmem:s20+$0x810 ss:$0x81] =	vst.msk $0xffff, v3;
	v3 =	vld [tilespmem:s19+$0x20]  }
0x3f: {  	s17 =	sshrl.u32 s17, $0x2;
	v0 =	vld [tilespmem:s19+$0xFFFFFFC0];
	[tilespmem:s20+$0x1020 ss:$0x81] =	vst.msk $0xffff, v4;
	s19 =	sadd.s32 $0x80, s19  }
0x40: {  	s21 =	simm.s32 $0x4;
	s22 =	simm.s32 $0x8;
	s17 =	sor.u32 $0x8000, s17;
	[tilespmem:s20+$0x1830 ss:$0x81] =	vst.msk $0xffff, v5;
	v4 =	vld [tilespmem:s19+$0x30]  }
.LBB1_3:
0x41: {  	p1 =	sne.s32 s22, $0x1FC;
	v5 =	vld [tilespmem:s19+$0xFFFFFFD0];
	[tilespmem:s20+$0x2040 ss:$0x81] =	vst.msk $0xffff, v1  }
0x42: {  	v6 =	vld [tilespmem:s19+$0xFFFFFFE0];
	[tilespmem:s20+$0x2850 ss:$0x81] =	vst.msk $0xffff, v2  }
0x43: {  	s23 =	sshra.s32 s21, $0x2;
	s21 =	smov.u32 s22;
	v7 =	vld [tilespmem:s19+$0xFFFFFFF0];
	[tilespmem:s20+$0x3060 ss:$0x81] =	vst.msk $0xffff, v3  }
.Ltmp3:
0x44: {  	v1 =	vld [tilespmem:s19+$0x0];
	[tilespmem:s20+$0x0 ss:$0x81] =	vst.msk $0xffff, v0;
	s20 =	sadd.s32 s23, s18;
	(pc) =	sbr.rel @p1 .LBB1_3-.Ltmp3, $4  }
0x45: {  	v2 =	vld [tilespmem:s19+$0x10];
	[tilespmem:s20+$0x3870 ss:$0x81] =	vst.msk $0xffff, v4  }
0x46: {  	[tilespmem:s20+$0x810 ss:$0x81] =	vst.msk $0xffff, v5;
	v3 =	vld [tilespmem:s19+$0x20]  }
0x47: {  	v0 =	vld [tilespmem:s19+$0xFFFFFFC0];
	[tilespmem:s20+$0x1020 ss:$0x81] =	vst.msk $0xffff, v6;
	s19 =	sadd.s32 $0x80, s19  }
0x48: {  	s22 =	sadd.s32 $0x4, s22;
	v4 =	vld [tilespmem:s19+$0x30];
	[tilespmem:s20+$0x1830 ss:$0x81] =	vst.msk $0xffff, v7  }
.Ltmp4:
0x49: {  	_ = 	snop;
	(pc) =	sbr.rel .LBB1_4-.Ltmp4, $1  }
0x4a: {  	_ =	sdelay $0x3  }
.LBB1_6:
0x4b: {  	_ =	sfence.sel $0x180000  }
0x4c: {  	s2 =	simm.s32 $0x1;
	[bflag:$0x0] =	sbarrier.arrive $0xFFFF  }
0x4d: {  	s31 =	simm.s32 $0x2;
	[sflag:s2] =	ssyncpa.u1 $0x1  }
0x4e: {  	[sflag:s31] =	ssyncpa.u1 $0x1  }
0x4f: {  	p0 =	sne.s32 s0, $0x0;
	_ =	strace $0x90000047  }
0x50: {  	s0 =	sadd.s32 @!p0 $0x100000, s1;
	[bflag:$0x2] =	sbarrier.arrive $0xFFFF  }
0x51: {  	[sflag:s0] =	ssyncadd.tile.s32 @!p0 $0x1;
	_ =	shalt  }
.Lfunc_end1:
_tile_overlayer_lowered:
.L_overlay_start_2:
0x52: {  	(tag) =	ssettag $0x2  }
0x53: {  	s0 =	rddreg [dreg:$0x0];
	s2 =	stileid.u32  }
0x54: {  	s1 =	rddreg [dreg:$0x1];
	p0 =	sne.s32 s2, $0x0  }
0x55: {  	s3 =	rddreg [dreg:$0x2];
	[bflag:$0x3] =	sbarrier.arrive $0xFFFF;
	s2 =	simm.s32 @!p0 $0x1C01  }
0x56: {  	[timem:s3], [sflag:s2] =	dma.local @!p0 [hbm:s0], s1  }
0x57: {  	s0 =	simm.s32 @!p0 $0x1  }
0x58: {  	_ =	swait.ge @!p0 [sflag:s0], s1  }
0x59: {  	s1 =	ssub.s32 @!p0 $0x0, s1;
	[sflag:s0] =	ssyncset.done @!p0 $0x0  }
0x5a: {  	[sflag:s0] =	ssyncadd.s32 @!p0 s1  }
0x5b: {  	[bflag:$0x3] =	sbarrier.arrive $0xFFFF  }
0x5c: {  	_ =	shalt  }

</sc_bundles>
